<compile_context>
chip_gen: v7x
topology: tpu7x:2x2x1
jax: 0.10.2.dev20260603
libtpu: 0.0.44.dev20260713+nightly
codegen_flags: <defaults>
</compile_context>

<pallas_src>
import functools

import jax
import jax.numpy as jnp
from jax import lax
from jax.experimental import pallas as pl
from jax.experimental.pallas import tpu as pltpu
from jax.experimental.pallas import tpu_sc as plsc

N = 10000
NPAD = 10240
E = 160000
EPAD = 163840
NUM_RANGES = 4
RROWS = NPAD // NUM_RANGES
F32 = jnp.float32
I32 = jnp.int32

_MESH = plsc.VectorSubcoreMesh(core_axis_name="c", subcore_axis_name="s")
_SC_PARAMS = pltpu.CompilerParams(needs_layout_passes=False)


def _iota16():
    return lax.iota(I32, 16)


def _deg_body(dst_hbm, ew_hbm, deg_hbm, dacc, dloc, ewloc):
    c = lax.axis_index("c")
    s = lax.axis_index("s")
    w = c * 16 + s
    z16 = jnp.zeros((16,), F32)

    def _zb(i, _):
        dacc[pl.ds(i * 16, 16)] = z16
        return 0
    lax.fori_loop(0, NPAD // 16, _zb, 0)

    base = w * 5120
    pltpu.sync_copy(dst_hbm.at[pl.ds(base, 5120)], dloc)
    pltpu.sync_copy(ew_hbm.at[pl.ds(base, 5120)], ewloc)

    def _eb(i, _):
        idx = dloc[pl.ds(i * 16, 16)]
        plsc.addupdate_scatter(dacc, [idx], ewloc[pl.ds(i * 16, 16)])
        return 0
    lax.fori_loop(0, 320, _eb, 0)
    pltpu.sync_copy(dacc, deg_hbm.at[pl.ds(w * NPAD, NPAD)])


_deg_kernel = pl.kernel(
    _deg_body,
    out_type=jax.ShapeDtypeStruct((32 * NPAD,), F32),
    mesh=_MESH,
    scratch_types=[
        pltpu.VMEM((NPAD,), F32),
        pltpu.VMEM((5120,), I32),
        pltpu.VMEM((5120,), F32),
    ],
    compiler_params=_SC_PARAMS,
)


def _dinv_body(deg_ref, out_ref):
    d = deg_ref[pl.ds(0, NPAD // 128), :]
    for k in range(1, 32):
        d = d + deg_ref[pl.ds(k * (NPAD // 128), NPAD // 128), :]
    out_ref[...] = lax.rsqrt(jnp.maximum(d, 1e-6))


def _dinv_tc(deg_parts):
    return pl.pallas_call(
        _dinv_body,
        out_shape=jax.ShapeDtypeStruct((NPAD // 128, 128), F32),
    )(deg_parts.reshape(32 * (NPAD // 128), 128)).reshape(NPAD)


def _norm_body(src_hbm, dst_hbm, ew_hbm, dinv_hbm, norm_hbm,
               dfull, sloc, dloc, ewloc, nout):
    c = lax.axis_index("c")
    s = lax.axis_index("s")
    w = c * 16 + s

    pltpu.sync_copy(dinv_hbm, dfull)
    base = w * 5120
    pltpu.sync_copy(src_hbm.at[pl.ds(base, 5120)], sloc)
    pltpu.sync_copy(dst_hbm.at[pl.ds(base, 5120)], dloc)
    pltpu.sync_copy(ew_hbm.at[pl.ds(base, 5120)], ewloc)

    def _nb(i, _):
        s16 = sloc[pl.ds(i * 16, 16)]
        d16 = dloc[pl.ds(i * 16, 16)]
        dv_s = plsc.load_gather(dfull, [s16])
        dv_d = plsc.load_gather(dfull, [d16])
        nout[pl.ds(i * 16, 16)] = ewloc[pl.ds(i * 16, 16)] * dv_s * dv_d
        return 0
    lax.fori_loop(0, 320, _nb, 0)
    pltpu.sync_copy(nout, norm_hbm.at[pl.ds(base, 5120)])


_norm_kernel = pl.kernel(
    _norm_body,
    out_type=jax.ShapeDtypeStruct((EPAD,), F32),
    mesh=_MESH,
    scratch_types=[
        pltpu.VMEM((NPAD,), F32),
        pltpu.VMEM((5120,), I32),
        pltpu.VMEM((5120,), I32),
        pltpu.VMEM((5120,), F32),
        pltpu.VMEM((5120,), F32),
    ],
    compiler_params=_SC_PARAMS,
)


def _spmm_body(W, BT, src_hbm, dst_hbm, norm_hbm, x_hbm, out_hbm,
               acc, sbuf, dbuf, nbuf, csrc, coff, cnrm, rbuf):
    c = lax.axis_index("c")
    s = lax.axis_index("s")
    w = c * 16 + s
    z16 = jnp.zeros((16,), F32)
    z16i = jnp.zeros((16,), I32)
    wlanes = W // 16

    def _pass(p, _):
        rbase = p * 5120 + w * 160

        def _zb(i, _):
            acc[pl.ds(i * 16, 16)] = z16
            return 0
        lax.fori_loop(0, 160 * wlanes, _zb, 0)

        def _batch(b, _):
            bbase = b * BT
            pltpu.sync_copy(src_hbm.at[pl.ds(bbase, BT)], sbuf)
            pltpu.sync_copy(dst_hbm.at[pl.ds(bbase, BT)], dbuf)
            pltpu.sync_copy(norm_hbm.at[pl.ds(bbase, BT)], nbuf)

            def _cb(i, off):
                d16 = dbuf[pl.ds(i * 16, 16)]
                m = (d16 >= rbase) & (d16 < rbase + 160)
                plsc.store_compressed(csrc.at[pl.ds(off, 16)],
                                      sbuf[pl.ds(i * 16, 16)], mask=m)
                plsc.store_compressed(coff.at[pl.ds(off, 16)], d16 - rbase,
                                      mask=m)
                plsc.store_compressed(cnrm.at[pl.ds(off, 16)],
                                      nbuf[pl.ds(i * 16, 16)], mask=m)
                return off + jnp.sum(m.astype(I32))
            cnt = lax.fori_loop(0, BT // 16, _cb, jnp.int32(0))

            csrc[pl.ds(cnt, 16)] = z16i
            coff[pl.ds(cnt, 16)] = z16i
            cnrm[pl.ds(cnt, 16)] = z16
            nch = (cnt + 15) // 16

            def _gb(ch, _):
                i16 = csrc[pl.ds(ch * 16, 16)]
                pltpu.sync_copy(x_hbm.at[i16], rbuf)
                n16 = cnrm[pl.ds(ch * 16, 16)]
                o16 = coff[pl.ds(ch * 16, 16)]
                for r in range(16):
                    n = n16[r]
                    o = o16[r] * W

                    def _jb(j, _):
                        q = o + j * 16
                        acc[pl.ds(q, 16)] = (acc[pl.ds(q, 16)]
                                             + n * rbuf[r, pl.ds(j * 16, 16)])
                        return 0
                    lax.fori_loop(0, wlanes, _jb, 0)
                return 0
            lax.fori_loop(0, nch, _gb, 0)
            return 0
        lax.fori_loop(0, EPAD // BT, _batch, 0)

        pltpu.sync_copy(acc, out_hbm.at[pl.ds(rbase * W, 160 * W)])
        return 0
    lax.fori_loop(0, 2, _pass, 0)


def _make_spmm(W, BT):
    return pl.kernel(
        functools.partial(_spmm_body, W, BT),
        out_type=jax.ShapeDtypeStruct((NPAD * W,), F32),
        mesh=_MESH,
        scratch_types=[
            pltpu.VMEM((160 * W,), F32),
            pltpu.VMEM((BT,), I32),
            pltpu.VMEM((BT,), I32),
            pltpu.VMEM((BT,), F32),
            pltpu.VMEM((BT + 128,), I32),
            pltpu.VMEM((BT + 128,), I32),
            pltpu.VMEM((BT + 128,), F32),
            pltpu.VMEM((16, W), F32),
        ],
        compiler_params=_SC_PARAMS,
    )


_spmm640 = _make_spmm(640, 2560)
_spmm512 = _make_spmm(512, 5120)


def _gcn_mm_body(t_ref, w1_ref, w2_ref, b2_ref, out_ref):
    h = jnp.dot(t_ref[...], w1_ref[...], preferred_element_type=F32)
    h = jnp.maximum(h, 0.0)
    out_ref[...] = (jnp.dot(h, w2_ref[...], preferred_element_type=F32)
                    + b2_ref[...])


def _gcn_mm(t_aug, w1_aug, w2, b2):
    return pl.pallas_call(
        _gcn_mm_body,
        grid=(NPAD // 256,),
        in_specs=[
            pl.BlockSpec((256, 640), lambda i: (i, 0)),
            pl.BlockSpec((640, 4096), lambda i: (0, 0)),
            pl.BlockSpec((4096, 512), lambda i: (0, 0)),
            pl.BlockSpec((1, 512), lambda i: (0, 0)),
        ],
        out_specs=pl.BlockSpec((256, 512), lambda i: (i, 0)),
        out_shape=jax.ShapeDtypeStruct((NPAD, 512), F32),
    )(t_aug, w1_aug, w2, b2)


def _score_body(img_ref, wi1_ref, bi1_ref, wi2_ref, bi2_ref, emb_ref,
                out_ref, feats_scr):
    @pl.when(pl.program_id(0) == 0)
    def _():
        f = jnp.dot(img_ref[...], wi1_ref[...], preferred_element_type=F32)
        f = jnp.maximum(f + bi1_ref[...], 0.0)
        feats_scr[...] = (jnp.dot(f, wi2_ref[...], preferred_element_type=F32)
                          + bi2_ref[...])

    out_ref[...] = lax.dot_general(
        feats_scr[...], emb_ref[...],
        dimension_numbers=(((1,), (1,)), ((), ())),
        preferred_element_type=F32)


def _score_mm(img, wi1, bi1, wi2, bi2, emb_pairs):
    return pl.pallas_call(
        _score_body,
        grid=(9216 // 256,),
        in_specs=[
            pl.BlockSpec((1024, 512), lambda i: (0, 0)),
            pl.BlockSpec((512, 768), lambda i: (0, 0)),
            pl.BlockSpec((1, 768), lambda i: (0, 0)),
            pl.BlockSpec((768, 512), lambda i: (0, 0)),
            pl.BlockSpec((1, 512), lambda i: (0, 0)),
            pl.BlockSpec((256, 512), lambda i: (i, 0)),
        ],
        out_specs=pl.BlockSpec((1024, 256), lambda i: (0, i)),
        out_shape=jax.ShapeDtypeStruct((1024, 9216), F32),
        scratch_shapes=[pltpu.VMEM((1024, 512), F32)],
    )(img, wi1, bi1, wi2, bi2, emb_pairs)


def kernel(x, edge_index, edge_weight, img, W1, b1, W2, b2,
           Wi1, bi1, Wi2, bi2):
    src = edge_index[0].astype(I32)
    dst = edge_index[1].astype(I32)
    ew = edge_weight.astype(F32)
    pad = EPAD - E
    src = jnp.pad(src, (0, pad))
    dst = jnp.pad(dst, (0, pad))
    ew = jnp.pad(ew, (0, pad))

    deg_parts = _deg_kernel(dst, ew)
    dinv = _dinv_tc(deg_parts)
    norm = _norm_kernel(src, dst, ew, dinv)

    n = x.shape[0]
    x_aug = jnp.concatenate(
        [x, jnp.ones((n, 1), F32), jnp.zeros((n, 39), F32)], axis=1)
    t_aug = _spmm640(src, dst, norm, x_aug).reshape(NPAD, 640)

    w1_aug = jnp.concatenate(
        [W1, b1[None, :], jnp.zeros((39, 4096), F32)], axis=0)
    g = _gcn_mm(t_aug, w1_aug, W2, b2[None, :])

    emb = _spmm512(src, dst, norm, g).reshape(NPAD, 512)
    emb_pairs = emb[1000:10216]
    score = _score_mm(img, Wi1, bi1[None, :], Wi2, bi2[None, :], emb_pairs)
    return score[:, :9000]

# --- scband reference (transcript-rebuilt; emitter-appended) ---
"""Pipeline reference for scband-graph-full-88072599372490 (READ-ONLY COPY).

The authoritative reference and input builder live on the scoring server;
editing this copy changes nothing except your own understanding.
"""

import jax, jax.numpy as jnp
import numpy as np

N = 10000          # total graph nodes = num_attrs + num_objs + num_pairs
E = 160000         # weighted edges (pair<->attr, pair<->obj, attr<->obj, self loops)
D_IN = 600         # word-embedding init dim
HID = 4096         # GCN hidden dim (gr_emb 'd4096,d')
EMB = 512          # output embedding dim (args.emb_dim)
FEAT = 512         # image feature dim (dset.feat_dim)
MLP_HID = 768      # image embedder hidden (args.fc_emb)
B = 1024           # image batch
NUM_ATTRS = 300
NUM_OBJS = 700
NUM_PAIRS = 9000


def setup_inputs(seed: int = 0) -> dict:
    key = jax.random.key(seed)
    ks = jax.random.split(key, 12)
    x = jax.random.normal(ks[0], (N, D_IN), dtype=jnp.float32)
    edge_index = jax.random.randint(ks[1], (2, E), 0, N, dtype=jnp.int64)
    edge_weight = jax.random.uniform(ks[2], (E,), dtype=jnp.float32)
    img = jax.random.normal(ks[3], (B, FEAT), dtype=jnp.float32)
    # GCN layer weights
    W1 = jax.random.normal(ks[4], (D_IN, HID), dtype=jnp.float32) * (1.0 / np.sqrt(D_IN))
    b1 = jnp.zeros((HID,), dtype=jnp.float32)
    W2 = jax.random.normal(ks[5], (HID, EMB), dtype=jnp.float32) * (1.0 / np.sqrt(HID))
    b2 = jnp.zeros((EMB,), dtype=jnp.float32)
    # image embedder MLP weights (nlayers=2)
    Wi1 = jax.random.normal(ks[6], (FEAT, MLP_HID), dtype=jnp.float32) * (1.0 / np.sqrt(FEAT))
    bi1 = jnp.zeros((MLP_HID,), dtype=jnp.float32)
    Wi2 = jax.random.normal(ks[7], (MLP_HID, EMB), dtype=jnp.float32) * (1.0 / np.sqrt(MLP_HID))
    bi2 = jnp.zeros((EMB,), dtype=jnp.float32)
    return {"x": x, "edge_index": edge_index, "edge_weight": edge_weight, "img": img,
            "W1": W1, "b1": b1, "W2": W2, "b2": b2,
            "Wi1": Wi1, "bi1": bi1, "Wi2": Wi2, "bi2": bi2}


def reference(x, edge_index, edge_weight, img, W1, b1, W2, b2, Wi1, bi1, Wi2, bi2):
    # Faithful core of GraphFull.val_forward_dotpr:
    #   current_embeddings = self.gcn(self.embeddings)  (2-layer GCN over weighted adj)
    #   pair_embeds = current_embeddings[num_attrs+num_objs:]
    #   img_feats = self.image_embedder(img)
    #   score = img_feats @ pair_embeds.T
    src = edge_index[0]
    dst = edge_index[1]
    # symmetric degree normalization of the weighted adjacency (GCN)
    deg = jax.ops.segment_sum(edge_weight, dst, num_segments=N)
    deg = jnp.maximum(deg, 1e-6)
    dinv = jax.lax.rsqrt(deg)
    norm = edge_weight * dinv[src] * dinv[dst]

    def propagate(h):
        msg = h[src] * norm[:, None]
        return jax.ops.segment_sum(msg, dst, num_segments=N)

    h1 = jax.nn.relu(propagate(x @ W1 + b1))
    current_embeddings = propagate(h1 @ W2 + b2)
    pair_embeds = current_embeddings[NUM_ATTRS + NUM_OBJS:]  # [NUM_PAIRS, EMB]
    img_feats = jax.nn.relu(img @ Wi1 + bi1) @ Wi2 + bi2      # [B, EMB]
    score = img_feats @ pair_embeds.T                          # [B, NUM_PAIRS]
    return score

if __name__ == "__main__":
    import jax
    _d = setup_inputs()
    print(jax.jit(kernel)(*tuple(_d.values())))

</pallas_src>

<mosaic_0001>
#map = affine_map<(d0, d1) -> (0)>
module attributes {stable_mosaic.version = 14 : i64} {
  func.func @_deg_body(%arg0: i32, %arg1: i32, %arg2: memref<163840xi32, #tpu.memory_space<hbm>>, %arg3: memref<163840xf32, #tpu.memory_space<hbm>>, %arg4: memref<327680xf32, #tpu.memory_space<hbm>>, %arg5: memref<10240xf32, #tpu.memory_space<vmem>>, %arg6: memref<5120xi32, #tpu.memory_space<vmem>>, %arg7: memref<5120xf32, #tpu.memory_space<vmem>>) attributes {dimension_semantics = [#tpu.dimension_semantics<core_parallel>, #tpu.dimension_semantics<subcore_parallel>], iteration_bounds = array<i64: 2, 16>, scalar_prefetch = 0 : i64, scratch_operands = 3 : i64, tpu.core_type = #tpu.core_type<sc_vector_subcore>, window_params = [{transform_indices = #map}, {transform_indices = #map}, {transform_indices = #map}]} {
    %mul3A = arith.constant 16 : i32
    %mul3A_0 = arith.muli %arg0, %mul3A : i32
    %add3A = arith.addi %mul3A_0, %arg1 : i32
    %broadcast_in_dim3A = arith.constant 0.000000e+00 : f32
    %broadcast_in_dim3A_1 = vector.broadcast %broadcast_in_dim3A : f32 to vector<16xf32>
    %scan3A = arith.constant 0 : i32
    %scan3A_2 = arith.constant 0 : i32
    %scan3A_3 = arith.constant 640 : i32
    %scan3A_4 = arith.addi %scan3A_2, %scan3A_3 : i32
    %scan3A_5 = arith.constant 1 : i32
    %scan3A_6 = scf.for %scan3A_19 = %scan3A_2 to %scan3A_4 step %scan3A_5 iter_args(%scan3A_20 = %scan3A) -> (i32)  : i32 {
      %mul3A_21 = arith.constant 16 : i32
      %mul3A_22 = arith.muli %scan3A_19, %mul3A_21 : i32
      %swap3A = arith.index_cast %mul3A_22 : i32 to index
      %swap3A_23 = tpu.vector_load %arg5[%swap3A] {strides = array<i32>} : memref<10240xf32, #tpu.memory_space<vmem>>, vector<16xf32>,
      tpu.vector_store %arg5[%swap3A], %broadcast_in_dim3A_1 {strides = array<i32>} : memref<10240xf32, #tpu.memory_space<vmem>>, vector<16xf32>,
      %scan3A_24 = arith.constant 0 : i32
      scf.yield %scan3A_24 : i32
    }
    %scan3A_7 = arith.constant 640 : i32
    %mul3A_8 = arith.constant 5120 : i32
    %mul3A_9 = arith.muli %add3A, %mul3A_8 : i32
    "tpu.region"() ({
      %run_scoped3A = tpu.sem_alloc : memref<!tpu.dma_semaphore, #tpu.memory_space<semaphore_mem>>
      %dma_start3A = tpu.memref_slice %arg2[%mul3A_9] : memref<163840xi32, #tpu.memory_space<hbm>> -> memref<5120xi32, #tpu.memory_space<hbm>>
      %dma_start3A_19 = tpu.memref_slice %arg2[%mul3A_9] : memref<163840xi32, #tpu.memory_space<hbm>> -> memref<5120xi32, #tpu.memory_space<hbm>>
      tpu.enqueue_dma source(%dma_start3A_19 : memref<5120xi32, #tpu.memory_space<hbm>>) target(%arg6 : memref<5120xi32, #tpu.memory_space<vmem>>) target_semaphore(%run_scoped3A : memref<!tpu.dma_semaphore, #tpu.memory_space<semaphore_mem>>)
      %dma_wait3A = tpu.memref_slice %arg2[%mul3A_9] : memref<163840xi32, #tpu.memory_space<hbm>> -> memref<5120xi32, #tpu.memory_space<hbm>>
      %dma_wait3A_20 = tpu.memref_slice %arg2[%mul3A_9] : memref<163840xi32, #tpu.memory_space<hbm>> -> memref<5120xi32, #tpu.memory_space<hbm>>
      tpu.wait_dma2 semaphore(%run_scoped3A : memref<!tpu.dma_semaphore, #tpu.memory_space<semaphore_mem>>) src(%dma_wait3A_20 : memref<5120xi32, #tpu.memory_space<hbm>>) dst(%arg6 : memref<5120xi32, #tpu.memory_space<vmem>>)
      tpu.yield
    }) : () -> ()
    "tpu.region"() ({
      %run_scoped3A = tpu.sem_alloc : memref<!tpu.dma_semaphore, #tpu.memory_space<semaphore_mem>>
      %dma_start3A = tpu.memref_slice %arg3[%mul3A_9] : memref<163840xf32, #tpu.memory_space<hbm>> -> memref<5120xf32, #tpu.memory_space<hbm>>
      %dma_start3A_19 = tpu.memref_slice %arg3[%mul3A_9] : memref<163840xf32, #tpu.memory_space<hbm>> -> memref<5120xf32, #tpu.memory_space<hbm>>
      tpu.enqueue_dma source(%dma_start3A_19 : memref<5120xf32, #tpu.memory_space<hbm>>) target(%arg7 : memref<5120xf32, #tpu.memory_space<vmem>>) target_semaphore(%run_scoped3A : memref<!tpu.dma_semaphore, #tpu.memory_space<semaphore_mem>>)
      %dma_wait3A = tpu.memref_slice %arg3[%mul3A_9] : memref<163840xf32, #tpu.memory_space<hbm>> -> memref<5120xf32, #tpu.memory_space<hbm>>
      %dma_wait3A_20 = tpu.memref_slice %arg3[%mul3A_9] : memref<163840xf32, #tpu.memory_space<hbm>> -> memref<5120xf32, #tpu.memory_space<hbm>>
      tpu.wait_dma2 semaphore(%run_scoped3A : memref<!tpu.dma_semaphore, #tpu.memory_space<semaphore_mem>>) src(%dma_wait3A_20 : memref<5120xf32, #tpu.memory_space<hbm>>) dst(%arg7 : memref<5120xf32, #tpu.memory_space<vmem>>)
      tpu.yield
    }) : () -> ()
    %scan3A_10 = arith.constant 0 : i32
    %scan3A_11 = arith.constant 0 : i32
    %scan3A_12 = arith.constant 320 : i32
    %scan3A_13 = arith.addi %scan3A_11, %scan3A_12 : i32
    %scan3A_14 = arith.constant 1 : i32
    %scan3A_15 = scf.for %scan3A_19 = %scan3A_11 to %scan3A_13 step %scan3A_14 iter_args(%scan3A_20 = %scan3A_10) -> (i32)  : i32 {
      %mul3A_21 = arith.constant 16 : i32
      %mul3A_22 = arith.muli %scan3A_19, %mul3A_21 : i32
      %get3A = arith.index_cast %mul3A_22 : i32 to index
      %get3A_23 = tpu.vector_load %arg6[%get3A] {strides = array<i32>} : memref<5120xi32, #tpu.memory_space<vmem>>, vector<16xi32>,
      %mul3A_24 = arith.constant 16 : i32
      %mul3A_25 = arith.muli %scan3A_19, %mul3A_24 : i32
      %get3A_26 = arith.index_cast %mul3A_25 : i32 to index
      %get3A_27 = tpu.vector_load %arg7[%get3A_26] {strides = array<i32>} : memref<5120xf32, #tpu.memory_space<vmem>>, vector<16xf32>,
      tpu.vector_store_idx %arg5[%get3A_23], %get3A_27 {add = true} : memref<10240xf32, #tpu.memory_space<vmem>>[vector<16xi32>], vector<16xf32>,
      %scan3A_28 = arith.constant 0 : i32
      scf.yield %scan3A_28 : i32
    }
    %scan3A_16 = arith.constant 320 : i32
    %mul3A_17 = arith.constant 10240 : i32
    %mul3A_18 = arith.muli %add3A, %mul3A_17 : i32
    "tpu.region"() ({
      %run_scoped3A = tpu.sem_alloc : memref<!tpu.dma_semaphore, #tpu.memory_space<semaphore_mem>>
      %dma_start3A = tpu.memref_slice %arg4[%mul3A_18] : memref<327680xf32, #tpu.memory_space<hbm>> -> memref<10240xf32, #tpu.memory_space<hbm>>
      %dma_start3A_19 = tpu.memref_slice %arg4[%mul3A_18] : memref<327680xf32, #tpu.memory_space<hbm>> -> memref<10240xf32, #tpu.memory_space<hbm>>
      tpu.enqueue_dma source(%arg5 : memref<10240xf32, #tpu.memory_space<vmem>>) target(%dma_start3A_19 : memref<10240xf32, #tpu.memory_space<hbm>>) target_semaphore(%run_scoped3A : memref<!tpu.dma_semaphore, #tpu.memory_space<semaphore_mem>>)
      %dma_wait3A = tpu.memref_slice %arg4[%mul3A_18] : memref<327680xf32, #tpu.memory_space<hbm>> -> memref<10240xf32, #tpu.memory_space<hbm>>
      %dma_wait3A_20 = tpu.memref_slice %arg4[%mul3A_18] : memref<327680xf32, #tpu.memory_space<hbm>> -> memref<10240xf32, #tpu.memory_space<hbm>>
      tpu.wait_dma2 semaphore(%run_scoped3A : memref<!tpu.dma_semaphore, #tpu.memory_space<semaphore_mem>>) src(%arg5 : memref<10240xf32, #tpu.memory_space<vmem>>) dst(%dma_wait3A_20 : memref<10240xf32, #tpu.memory_space<hbm>>)
      tpu.yield
    }) : () -> ()
    return
  }
}

#map = affine_map<(d0, d1) -> (0)>
#map1 = affine_map<(d0, d1) -> (0, 0)>
module attributes {stable_mosaic.version = 14 : i64} {
  func.func @_spmm_body(%arg0: i32, %arg1: i32, %arg2: memref<163840xi32, #tpu.memory_space<hbm>>, %arg3: memref<163840xi32, #tpu.memory_space<hbm>>, %arg4: memref<163840xf32, #tpu.memory_space<hbm>>, %arg5: memref<10000x640xf32, #tpu.memory_space<hbm>>, %arg6: memref<6553600xf32, #tpu.memory_space<hbm>>, %arg7: memref<102400xf32, #tpu.memory_space<vmem>>, %arg8: memref<2560xi32, #tpu.memory_space<vmem>>, %arg9: memref<2560xi32, #tpu.memory_space<vmem>>, %arg10: memref<2560xf32, #tpu.memory_space<vmem>>, %arg11: memref<2688xi32, #tpu.memory_space<vmem>>, %arg12: memref<2688xi32, #tpu.memory_space<vmem>>, %arg13: memref<2688xf32, #tpu.memory_space<vmem>>, %arg14: memref<16x640xf32, #tpu.memory_space<vmem>>) attributes {dimension_semantics = [#tpu.dimension_semantics<core_parallel>, #tpu.dimension_semantics<subcore_parallel>], iteration_bounds = array<i64: 2, 16>, scalar_prefetch = 0 : i64, scratch_operands = 8 : i64, tpu.core_type = #tpu.core_type<sc_vector_subcore>, window_params = [{transform_indices = #map}, {transform_indices = #map}, {transform_indices = #map}, {transform_indices = #map1}, {transform_indices = #map}]} {
    %mul3A = arith.constant 16 : i32
    %mul3A_0 = arith.muli %arg0, %mul3A : i32
    %add3A = arith.addi %mul3A_0, %arg1 : i32
    %broadcast_in_dim3A = arith.constant 0.000000e+00 : f32
    %broadcast_in_dim3A_1 = vector.broadcast %broadcast_in_dim3A : f32 to vector<16xf32>
    %broadcast_in_dim3A_2 = arith.constant 0 : i32
    %broadcast_in_dim3A_3 = vector.broadcast %broadcast_in_dim3A_2 : i32 to vector<16xi32>
    %scan3A = arith.constant 0 : i32
    %scan3A_4 = arith.constant 0 : i32
    %scan3A_5 = arith.constant 2 : i32
    %scan3A_6 = arith.addi %scan3A_4, %scan3A_5 : i32
    %scan3A_7 = arith.constant 1 : i32
    %scan3A_8 = scf.for %scan3A_10 = %scan3A_4 to %scan3A_6 step %scan3A_7 iter_args(%scan3A_11 = %scan3A) -> (i32)  : i32 {
      %mul3A_12 = arith.constant 5120 : i32
      %mul3A_13 = arith.muli %scan3A_10, %mul3A_12 : i32
      %mul3A_14 = arith.constant 160 : i32
      %mul3A_15 = arith.muli %add3A, %mul3A_14 : i32
      %add3A_16 = arith.addi %mul3A_13, %mul3A_15 : i32
      %scan3A_17 = arith.constant 0 : i32
      %scan3A_18 = arith.constant 0 : i32
      %scan3A_19 = arith.constant 6400 : i32
      %scan3A_20 = arith.addi %scan3A_18, %scan3A_19 : i32
      %scan3A_21 = arith.constant 1 : i32
      %scan3A_22 = scf.for %scan3A_34 = %scan3A_18 to %scan3A_20 step %scan3A_21 iter_args(%scan3A_35 = %scan3A_17) -> (i32)  : i32 {
        %mul3A_36 = arith.constant 16 : i32
        %mul3A_37 = arith.muli %scan3A_34, %mul3A_36 : i32
        %swap3A = arith.index_cast %mul3A_37 : i32 to index
        %swap3A_38 = tpu.vector_load %arg7[%swap3A] {strides = array<i32>} : memref<102400xf32, #tpu.memory_space<vmem>>, vector<16xf32>,
        tpu.vector_store %arg7[%swap3A], %broadcast_in_dim3A_1 {strides = array<i32>} : memref<102400xf32, #tpu.memory_space<vmem>>, vector<16xf32>,
        %scan3A_39 = arith.constant 0 : i32
        scf.yield %scan3A_39 : i32
      }
      %scan3A_23 = arith.constant 6400 : i32
      %scan3A_24 = arith.constant 0 : i32
      %scan3A_25 = arith.constant 0 : i32
      %scan3A_26 = arith.constant 64 : i32
      %scan3A_27 = arith.addi %scan3A_25, %scan3A_26 : i32
      %scan3A_28 = arith.constant 1 : i32
      %scan3A_29 = scf.for %scan3A_34 = %scan3A_25 to %scan3A_27 step %scan3A_28 iter_args(%scan3A_35 = %scan3A_24) -> (i32)  : i32 {
        %mul3A_36 = arith.constant 2560 : i32
        %mul3A_37 = arith.muli %scan3A_34, %mul3A_36 : i32
        "tpu.region"() ({
          %run_scoped3A = tpu.sem_alloc : memref<!tpu.dma_semaphore, #tpu.memory_space<semaphore_mem>>
          %dma_start3A = tpu.memref_slice %arg2[%mul3A_37] : memref<163840xi32, #tpu.memory_space<hbm>> -> memref<2560xi32, #tpu.memory_space<hbm>>
          %dma_start3A_80 = tpu.memref_slice %arg2[%mul3A_37] : memref<163840xi32, #tpu.memory_space<hbm>> -> memref<2560xi32, #tpu.memory_space<hbm>>
          tpu.enqueue_dma source(%dma_start3A_80 : memref<2560xi32, #tpu.memory_space<hbm>>) target(%arg8 : memref<2560xi32, #tpu.memory_space<vmem>>) target_semaphore(%run_scoped3A : memref<!tpu.dma_semaphore, #tpu.memory_space<semaphore_mem>>)
          %dma_wait3A = tpu.memref_slice %arg2[%mul3A_37] : memref<163840xi32, #tpu.memory_space<hbm>> -> memref<2560xi32, #tpu.memory_space<hbm>>
          %dma_wait3A_81 = tpu.memref_slice %arg2[%mul3A_37] : memref<163840xi32, #tpu.memory_space<hbm>> -> memref<2560xi32, #tpu.memory_space<hbm>>
          tpu.wait_dma2 semaphore(%run_scoped3A : memref<!tpu.dma_semaphore, #tpu.memory_space<semaphore_mem>>) src(%dma_wait3A_81 : memref<2560xi32, #tpu.memory_space<hbm>>) dst(%arg8 : memref<2560xi32, #tpu.memory_space<vmem>>)
          tpu.yield
        }) : () -> ()
        "tpu.region"() ({
          %run_scoped3A = tpu.sem_alloc : memref<!tpu.dma_semaphore, #tpu.memory_space<semaphore_mem>>
          %dma_start3A = tpu.memref_slice %arg3[%mul3A_37] : memref<163840xi32, #tpu.memory_space<hbm>> -> memref<2560xi32, #tpu.memory_space<hbm>>
          %dma_start3A_80 = tpu.memref_slice %arg3[%mul3A_37] : memref<163840xi32, #tpu.memory_space<hbm>> -> memref<2560xi32, #tpu.memory_space<hbm>>
          tpu.enqueue_dma source(%dma_start3A_80 : memref<2560xi32, #tpu.memory_space<hbm>>) target(%arg9 : memref<2560xi32, #tpu.memory_space<vmem>>) target_semaphore(%run_scoped3A : memref<!tpu.dma_semaphore, #tpu.memory_space<semaphore_mem>>)
          %dma_wait3A = tpu.memref_slice %arg3[%mul3A_37] : memref<163840xi32, #tpu.memory_space<hbm>> -> memref<2560xi32, #tpu.memory_space<hbm>>
          %dma_wait3A_81 = tpu.memref_slice %arg3[%mul3A_37] : memref<163840xi32, #tpu.memory_space<hbm>> -> memref<2560xi32, #tpu.memory_space<hbm>>
          tpu.wait_dma2 semaphore(%run_scoped3A : memref<!tpu.dma_semaphore, #tpu.memory_space<semaphore_mem>>) src(%dma_wait3A_81 : memref<2560xi32, #tpu.memory_space<hbm>>) dst(%arg9 : memref<2560xi32, #tpu.memory_space<vmem>>)
          tpu.yield
        }) : () -> ()
        "tpu.region"() ({
          %run_scoped3A = tpu.sem_alloc : memref<!tpu.dma_semaphore, #tpu.memory_space<semaphore_mem>>
          %dma_start3A = tpu.memref_slice %arg4[%mul3A_37] : memref<163840xf32, #tpu.memory_space<hbm>> -> memref<2560xf32, #tpu.memory_space<hbm>>
          %dma_start3A_80 = tpu.memref_slice %arg4[%mul3A_37] : memref<163840xf32, #tpu.memory_space<hbm>> -> memref<2560xf32, #tpu.memory_space<hbm>>
          tpu.enqueue_dma source(%dma_start3A_80 : memref<2560xf32, #tpu.memory_space<hbm>>) target(%arg10 : memref<2560xf32, #tpu.memory_space<vmem>>) target_semaphore(%run_scoped3A : memref<!tpu.dma_semaphore, #tpu.memory_space<semaphore_mem>>)
          %dma_wait3A = tpu.memref_slice %arg4[%mul3A_37] : memref<163840xf32, #tpu.memory_space<hbm>> -> memref<2560xf32, #tpu.memory_space<hbm>>
          %dma_wait3A_81 = tpu.memref_slice %arg4[%mul3A_37] : memref<163840xf32, #tpu.memory_space<hbm>> -> memref<2560xf32, #tpu.memory_space<hbm>>
          tpu.wait_dma2 semaphore(%run_scoped3A : memref<!tpu.dma_semaphore, #tpu.memory_space<semaphore_mem>>) src(%dma_wait3A_81 : memref<2560xf32, #tpu.memory_space<hbm>>) dst(%arg10 : memref<2560xf32, #tpu.memory_space<vmem>>)
          tpu.yield
        }) : () -> ()
        %scan3A_38 = arith.constant 0 : i32
        %scan3A_39 = arith.constant 0 : i32
        %scan3A_40 = arith.constant 160 : i32
        %scan3A_41 = arith.addi %scan3A_39, %scan3A_40 : i32
        %scan3A_42 = arith.constant 1 : i32
        %scan3A_43 = scf.for %scan3A_80 = %scan3A_39 to %scan3A_41 step %scan3A_42 iter_args(%scan3A_81 = %scan3A_38) -> (i32)  : i32 {
          %mul3A_82 = arith.constant 16 : i32
          %mul3A_83 = arith.muli %scan3A_80, %mul3A_82 : i32
          %get3A = arith.index_cast %mul3A_83 : i32 to index
          %get3A_84 = tpu.vector_load %arg9[%get3A] {strides = array<i32>} : memref<2560xi32, #tpu.memory_space<vmem>>, vector<16xi32>,
          %ge3A = vector.broadcast %add3A_16 : i32 to vector<16xi32>
          %ge3A_85 = arith.cmpi sge, %get3A_84, %ge3A : vector<16xi32>
          %add3A_86 = arith.constant 160 : i32
          %add3A_87 = arith.addi %add3A_16, %add3A_86 : i32
          %lt3A = vector.broadcast %add3A_87 : i32 to vector<16xi32>
          %lt3A_88 = arith.cmpi slt, %get3A_84, %lt3A : vector<16xi32>
          %and3A_89 = arith.andi %ge3A_85, %lt3A_88 : vector<16xi1>
          %mul3A_90 = arith.constant 16 : i32
          %mul3A_91 = arith.muli %scan3A_80, %mul3A_90 : i32
          %get3A_92 = arith.index_cast %mul3A_91 : i32 to index
          %get3A_93 = tpu.vector_load %arg8[%get3A_92] {strides = array<i32>} : memref<2560xi32, #tpu.memory_space<vmem>>, vector<16xi32>,
          %swap3A_94 = arith.index_cast %scan3A_81 : i32 to index
          %swap3A_95 = tpu.vector_load %arg11[%swap3A_94] masked %and3A_89 {strides = array<i32>} : memref<2688xi32, #tpu.memory_space<vmem>>, vector<16xi32>, vector<16xi1>
          tpu.vector_store %arg11[%swap3A_94], %get3A_93 masked %and3A_89 {strides = array<i32>} : memref<2688xi32, #tpu.memory_space<vmem>>, vector<16xi32>, vector<16xi1>
          %sub3A_96 = vector.broadcast %add3A_16 : i32 to vector<16xi32>
          %sub3A_97 = arith.subi %get3A_84, %sub3A_96 : vector<16xi32>
          %swap3A_98 = arith.index_cast %scan3A_81 : i32 to index
          %swap3A_99 = tpu.vector_load %arg12[%swap3A_98] masked %and3A_89 {strides = array<i32>} : memref<2688xi32, #tpu.memory_space<vmem>>, vector<16xi32>, vector<16xi1>
          tpu.vector_store %arg12[%swap3A_98], %sub3A_97 masked %and3A_89 {strides = array<i32>} : memref<2688xi32, #tpu.memory_space<vmem>>, vector<16xi32>, vector<16xi1>
          %mul3A_100 = arith.constant 16 : i32
          %mul3A_101 = arith.muli %scan3A_80, %mul3A_100 : i32
          %get3A_102 = arith.index_cast %mul3A_101 : i32 to index
          %get3A_103 = tpu.vector_load %arg10[%get3A_102] {strides = array<i32>} : memref<2560xf32, #tpu.memory_space<vmem>>, vector<16xf32>,
          %swap3A_104 = arith.index_cast %scan3A_81 : i32 to index
          %swap3A_105 = tpu.vector_load %arg13[%swap3A_104] masked %and3A_89 {strides = array<i32>} : memref<2688xf32, #tpu.memory_space<vmem>>, vector<16xf32>, vector<16xi1>
          tpu.vector_store %arg13[%swap3A_104], %get3A_103 masked %and3A_89 {strides = array<i32>} : memref<2688xf32, #tpu.memory_space<vmem>>, vector<16xf32>, vector<16xi1>
          %convert_element_type3A = arith.extui %and3A_89 : vector<16xi1> to vector<16xi32>
          %reduce_sum3A = arith.constant true
          %reduce_sum3A_106 = vector.broadcast %reduce_sum3A : i1 to vector<16xi1>
          %reduce_sum3A_107 = tpu.scan <sum>, %convert_element_type3A masked %reduce_sum3A_106 : vector<16xi32>, vector<16xi1> -> vector<16xi32>
          %reduce_sum3A_108 = vector.extract %reduce_sum3A_107[15] : i32 from vector<16xi32>
          %add3A_109 = arith.addi %scan3A_81, %reduce_sum3A_108 : i32
          scf.yield %add3A_109 : i32
        }
        %scan3A_44 = arith.constant 160 : i32
        %swap3A = arith.index_cast %scan3A_43 : i32 to index
        %swap3A_45 = tpu.vector_load %arg11[%swap3A] {strides = array<i32>} : memref<2688xi32, #tpu.memory_space<vmem>>, vector<16xi32>,
        tpu.vector_store %arg11[%swap3A], %broadcast_in_dim3A_3 {strides = array<i32>} : memref<2688xi32, #tpu.memory_space<vmem>>, vector<16xi32>,
        %swap3A_46 = arith.index_cast %scan3A_43 : i32 to index
        %swap3A_47 = tpu.vector_load %arg12[%swap3A_46] {strides = array<i32>} : memref<2688xi32, #tpu.memory_space<vmem>>, vector<16xi32>,
        tpu.vector_store %arg12[%swap3A_46], %broadcast_in_dim3A_3 {strides = array<i32>} : memref<2688xi32, #tpu.memory_space<vmem>>, vector<16xi32>,
        %swap3A_48 = arith.index_cast %scan3A_43 : i32 to index
        %swap3A_49 = tpu.vector_load %arg13[%swap3A_48] {strides = array<i32>} : memref<2688xf32, #tpu.memory_space<vmem>>, vector<16xf32>,
        tpu.vector_store %arg13[%swap3A_48], %broadcast_in_dim3A_1 {strides = array<i32>} : memref<2688xf32, #tpu.memory_space<vmem>>, vector<16xf32>,
        %add3A_50 = arith.constant 15 : i32
        %add3A_51 = arith.addi %scan3A_43, %add3A_50 : i32
        %jit3A = arith.constant 16 : i32
        %div3A = arith.divsi %add3A_51, %jit3A : i32
        %sign3A = arith.constant 0 : i32
        %sign3A_52 = arith.cmpi sgt, %add3A_51, %sign3A : i32
        %sign3A_53 = arith.extui %sign3A_52 : i1 to i32
        %sign3A_54 = arith.constant 0 : i32
        %sign3A_55 = arith.cmpi slt, %add3A_51, %sign3A_54 : i32
        %sign3A_56 = arith.extui %sign3A_55 : i1 to i32
        %sign3A_57 = arith.subi %sign3A_53, %sign3A_56 : i32
        %sign3A_58 = arith.constant 0 : i32
        %sign3A_59 = arith.cmpi sgt, %jit3A, %sign3A_58 : i32
        %sign3A_60 = arith.extui %sign3A_59 : i1 to i32
        %sign3A_61 = arith.constant 0 : i32
        %sign3A_62 = arith.cmpi slt, %jit3A, %sign3A_61 : i32
        %sign3A_63 = arith.extui %sign3A_62 : i1 to i32
        %sign3A_64 = arith.subi %sign3A_60, %sign3A_63 : i32
        %ne3A = arith.cmpi ne, %sign3A_57, %sign3A_64 : i32
        %rem3A = arith.remsi %add3A_51, %jit3A : i32
        %ne3A_65 = arith.constant 0 : i32
        %ne3A_66 = arith.cmpi ne, %rem3A, %ne3A_65 : i32
        %and3A = arith.andi %ne3A, %ne3A_66 : i1
        %sub3A = arith.constant 1 : i32
        %sub3A_67 = arith.subi %div3A, %sub3A : i32
        %select_n3A = arith.select %and3A, %sub3A_67, %div3A : i32
        %while3A = arith.constant 0 : i32
        %while3A_68 = arith.constant 0 : i32
        %while3A_69 = arith.subi %select_n3A, %while3A : i32
        %while3A_70 = arith.addi %while3A, %while3A_69 : i32
        %while3A_71 = arith.constant 1 : i32
        %while3A_72 = arith.divsi %while3A_69, %while3A_71 : i32
        %while3A_73 = arith.muli %while3A_72, %while3A_71 : i32
        %while3A_74 = arith.addi %while3A, %while3A_73 : i32
        %while3A_75 = arith.constant 1 : i32
        %while3A_76 = scf.for %while3A_80 = %while3A to %while3A_74 step %while3A_75 iter_args(%while3A_81 = %while3A_68) -> (i32)  : i32 {
          %mul3A_82 = arith.constant 16 : i32
          %mul3A_83 = arith.muli %while3A_80, %mul3A_82 : i32
          %get3A = arith.index_cast %mul3A_83 : i32 to index
          %get3A_84 = tpu.vector_load %arg11[%get3A] {strides = array<i32>} : memref<2688xi32, #tpu.memory_space<vmem>>, vector<16xi32>,
          "tpu.region"() ({
            %run_scoped3A = tpu.sem_alloc : memref<!tpu.dma_semaphore, #tpu.memory_space<semaphore_mem>>
            %dma_start3A = arith.constant 0 : i32
            %dma_start3A_300 = arith.constant 0 : i32
            %dma_start3A_301 = tpu.memref_slice %arg5[%dma_start3A, %dma_start3A_300] : memref<10000x640xf32, #tpu.memory_space<hbm>> -> memref<10000x640xf32, #tpu.memory_space<hbm>>
            tpu.enqueue_indirect_dma source(%dma_start3A_301 : memref<10000x640xf32, #tpu.memory_space<hbm>>) target(%arg14 : memref<16x640xf32, #tpu.memory_space<vmem>>) offsets(%get3A_84 : vector<16xi32>) semaphore(%run_scoped3A : memref<!tpu.dma_semaphore, #tpu.memory_space<semaphore_mem>>)
            %dma_wait3A = arith.constant 0 : i32
            %dma_wait3A_302 = arith.constant 0 : i32
            %dma_wait3A_303 = tpu.memref_slice %arg5[%dma_wait3A, %dma_wait3A_302] : memref<10000x640xf32, #tpu.memory_space<hbm>> -> memref<10000x640xf32, #tpu.memory_space<hbm>>
            tpu.wait_indirect_dma semaphore(%run_scoped3A : memref<!tpu.dma_semaphore, #tpu.memory_space<semaphore_mem>>) src(%dma_wait3A_303 : memref<10000x640xf32, #tpu.memory_space<hbm>>) dst(%arg14 : memref<16x640xf32, #tpu.memory_space<vmem>>)
            tpu.yield
          }) : () -> ()
          %mul3A_85 = arith.constant 16 : i32
          %mul3A_86 = arith.muli %while3A_80, %mul3A_85 : i32
          %get3A_87 = arith.index_cast %mul3A_86 : i32 to index
          %get3A_88 = tpu.vector_load %arg13[%get3A_87] {strides = array<i32>} : memref<2688xf32, #tpu.memory_space<vmem>>, vector<16xf32>,
          %mul3A_89 = arith.constant 16 : i32
          %mul3A_90 = arith.muli %while3A_80, %mul3A_89 : i32
          %get3A_91 = arith.index_cast %mul3A_90 : i32 to index
          %get3A_92 = tpu.vector_load %arg12[%get3A_91] {strides = array<i32>} : memref<2688xi32, #tpu.memory_space<vmem>>, vector<16xi32>,
          %slice3A = vector.extract_strided_slice %get3A_88 {offsets = [0], sizes = [1], strides = [1]} : vector<16xf32> to vector<1xf32>
          %squeeze3A = vector.extract %slice3A[0] : f32 from vector<1xf32>
          %slice3A_93 = vector.extract_strided_slice %get3A_92 {offsets = [0], sizes = [1], strides = [1]} : vector<16xi32> to vector<1xi32>
          %squeeze3A_94 = vector.extract %slice3A_93[0] : i32 from vector<1xi32>
          %mul3A_95 = arith.constant 640 : i32
          %mul3A_96 = arith.muli %squeeze3A_94, %mul3A_95 : i32
          %scan3A_97 = arith.constant 0 : i32
          %scan3A_98 = arith.constant 0 : i32
          %scan3A_99 = arith.constant 40 : i32
          %scan3A_100 = arith.addi %scan3A_98, %scan3A_99 : i32
          %scan3A_101 = arith.constant 1 : i32
          %scan3A_102 = scf.for %scan3A_300 = %scan3A_98 to %scan3A_100 step %scan3A_101 iter_args(%scan3A_301 = %scan3A_97) -> (i32)  : i32 {
            %mul3A_302 = arith.constant 16 : i32
            %mul3A_303 = arith.muli %scan3A_300, %mul3A_302 : i32
            %add3A_304 = arith.addi %mul3A_96, %mul3A_303 : i32
            %get3A_305 = arith.index_cast %add3A_304 : i32 to index
            %get3A_306 = tpu.vector_load %arg7[%get3A_305] {strides = array<i32>} : memref<102400xf32, #tpu.memory_space<vmem>>, vector<16xf32>,
            %mul3A_307 = arith.constant 16 : i32
            %mul3A_308 = arith.muli %scan3A_300, %mul3A_307 : i32
            %get3A_309 = arith.constant 0 : i32
            %get3A_310 = arith.index_cast %get3A_309 : i32 to index
            %get3A_311 = arith.index_cast %mul3A_308 : i32 to index
            %get3A_312 = tpu.vector_load %arg14[%get3A_310, %get3A_311] {strides = array<i32>} : memref<16x640xf32, #tpu.memory_space<vmem>>, vector<16xf32>,
            %mul3A_313 = vector.broadcast %squeeze3A : f32 to vector<16xf32>
            %mul3A_314 = arith.mulf %mul3A_313, %get3A_312 : vector<16xf32>
            %add3A_315 = arith.addf %get3A_306, %mul3A_314 : vector<16xf32>
            %swap3A_316 = arith.index_cast %add3A_304 : i32 to index
            %swap3A_317 = tpu.vector_load %arg7[%swap3A_316] {strides = array<i32>} : memref<102400xf32, #tpu.memory_space<vmem>>, vector<16xf32>,
            tpu.vector_store %arg7[%swap3A_316], %add3A_315 {strides = array<i32>} : memref<102400xf32, #tpu.memory_space<vmem>>, vector<16xf32>,
            %scan3A_318 = arith.constant 0 : i32
            scf.yield %scan3A_318 : i32
          }
          %scan3A_103 = arith.constant 40 : i32
          %slice3A_104 = vector.extract_strided_slice %get3A_88 {offsets = [1], sizes = [1], strides = [1]} : vector<16xf32> to vector<1xf32>
          %squeeze3A_105 = vector.extract %slice3A_104[0] : f32 from vector<1xf32>
          %slice3A_106 = vector.extract_strided_slice %get3A_92 {offsets = [1], sizes = [1], strides = [1]} : vector<16xi32> to vector<1xi32>
          %squeeze3A_107 = vector.extract %slice3A_106[0] : i32 from vector<1xi32>
          %mul3A_108 = arith.constant 640 : i32
          %mul3A_109 = arith.muli %squeeze3A_107, %mul3A_108 : i32
          %scan3A_110 = arith.constant 0 : i32
          %scan3A_111 = arith.constant 0 : i32
          %scan3A_112 = arith.constant 40 : i32
          %scan3A_113 = arith.addi %scan3A_111, %scan3A_112 : i32
          %scan3A_114 = arith.constant 1 : i32
          %scan3A_115 = scf.for %scan3A_300 = %scan3A_111 to %scan3A_113 step %scan3A_114 iter_args(%scan3A_301 = %scan3A_110) -> (i32)  : i32 {
            %mul3A_302 = arith.constant 16 : i32
            %mul3A_303 = arith.muli %scan3A_300, %mul3A_302 : i32
            %add3A_304 = arith.addi %mul3A_109, %mul3A_303 : i32
            %get3A_305 = arith.index_cast %add3A_304 : i32 to index
            %get3A_306 = tpu.vector_load %arg7[%get3A_305] {strides = array<i32>} : memref<102400xf32, #tpu.memory_space<vmem>>, vector<16xf32>,
            %mul3A_307 = arith.constant 16 : i32
            %mul3A_308 = arith.muli %scan3A_300, %mul3A_307 : i32
            %get3A_309 = arith.constant 1 : i32
            %get3A_310 = arith.index_cast %get3A_309 : i32 to index
            %get3A_311 = arith.index_cast %mul3A_308 : i32 to index
            %get3A_312 = tpu.vector_load %arg14[%get3A_310, %get3A_311] {strides = array<i32>} : memref<16x640xf32, #tpu.memory_space<vmem>>, vector<16xf32>,
            %mul3A_313 = vector.broadcast %squeeze3A_105 : f32 to vector<16xf32>
            %mul3A_314 = arith.mulf %mul3A_313, %get3A_312 : vector<16xf32>
            %add3A_315 = arith.addf %get3A_306, %mul3A_314 : vector<16xf32>
            %swap3A_316 = arith.index_cast %add3A_304 : i32 to index
            %swap3A_317 = tpu.vector_load %arg7[%swap3A_316] {strides = array<i32>} : memref<102400xf32, #tpu.memory_space<vmem>>, vector<16xf32>,
            tpu.vector_store %arg7[%swap3A_316], %add3A_315 {strides = array<i32>} : memref<102400xf32, #tpu.memory_space<vmem>>, vector<16xf32>,
            %scan3A_318 = arith.constant 0 : i32
            scf.yield %scan3A_318 : i32
          }
          %scan3A_116 = arith.constant 40 : i32
          %slice3A_117 = vector.extract_strided_slice %get3A_88 {offsets = [2], sizes = [1], strides = [1]} : vector<16xf32> to vector<1xf32>
          %squeeze3A_118 = vector.extract %slice3A_117[0] : f32 from vector<1xf32>
          %slice3A_119 = vector.extract_strided_slice %get3A_92 {offsets = [2], sizes = [1], strides = [1]} : vector<16xi32> to vector<1xi32>
          %squeeze3A_120 = vector.extract %slice3A_119[0] : i32 from vector<1xi32>
          %mul3A_121 = arith.constant 640 : i32
          %mul3A_122 = arith.muli %squeeze3A_120, %mul3A_121 : i32
          %scan3A_123 = arith.constant 0 : i32
          %scan3A_124 = arith.constant 0 : i32
          %scan3A_125 = arith.constant 40 : i32
          %scan3A_126 = arith.addi %scan3A_124, %scan3A_125 : i32
          %scan3A_127 = arith.constant 1 : i32
          %scan3A_128 = scf.for %scan3A_300 = %scan3A_124 to %scan3A_126 step %scan3A_127 iter_args(%scan3A_301 = %scan3A_123) -> (i32)  : i32 {
            %mul3A_302 = arith.constant 16 : i32
            %mul3A_303 = arith.muli %scan3A_300, %mul3A_302 : i32
            %add3A_304 = arith.addi %mul3A_122, %mul3A_303 : i32
            %get3A_305 = arith.index_cast %add3A_304 : i32 to index
            %get3A_306 = tpu.vector_load %arg7[%get3A_305] {strides = array<i32>} : memref<102400xf32, #tpu.memory_space<vmem>>, vector<16xf32>,
            %mul3A_307 = arith.constant 16 : i32
            %mul3A_308 = arith.muli %scan3A_300, %mul3A_307 : i32
            %get3A_309 = arith.constant 2 : i32
            %get3A_310 = arith.index_cast %get3A_309 : i32 to index
            %get3A_311 = arith.index_cast %mul3A_308 : i32 to index
            %get3A_312 = tpu.vector_load %arg14[%get3A_310, %get3A_311] {strides = array<i32>} : memref<16x640xf32, #tpu.memory_space<vmem>>, vector<16xf32>,
            %mul3A_313 = vector.broadcast %squeeze3A_118 : f32 to vector<16xf32>
            %mul3A_314 = arith.mulf %mul3A_313, %get3A_312 : vector<16xf32>
            %add3A_315 = arith.addf %get3A_306, %mul3A_314 : vector<16xf32>
            %swap3A_316 = arith.index_cast %add3A_304 : i32 to index
            %swap3A_317 = tpu.vector_load %arg7[%swap3A_316] {strides = array<i32>} : memref<102400xf32, #tpu.memory_space<vmem>>, vector<16xf32>,
            tpu.vector_store %arg7[%swap3A_316], %add3A_315 {strides = array<i32>} : memref<102400xf32, #tpu.memory_space<vmem>>, vector<16xf32>,
            %scan3A_318 = arith.constant 0 : i32
            scf.yield %scan3A_318 : i32
          }
          %scan3A_129 = arith.constant 40 : i32
          %slice3A_130 = vector.extract_strided_slice %get3A_88 {offsets = [3], sizes = [1], strides = [1]} : vector<16xf32> to vector<1xf32>
          %squeeze3A_131 = vector.extract %slice3A_130[0] : f32 from vector<1xf32>
          %slice3A_132 = vector.extract_strided_slice %get3A_92 {offsets = [3], sizes = [1], strides = [1]} : vector<16xi32> to vector<1xi32>
          %squeeze3A_133 = vector.extract %slice3A_132[0] : i32 from vector<1xi32>
          %mul3A_134 = arith.constant 640 : i32
          %mul3A_135 = arith.muli %squeeze3A_133, %mul3A_134 : i32
          %scan3A_136 = arith.constant 0 : i32
          %scan3A_137 = arith.constant 0 : i32
          %scan3A_138 = arith.constant 40 : i32
          %scan3A_139 = arith.addi %scan3A_137, %scan3A_138 : i32
          %scan3A_140 = arith.constant 1 : i32
          %scan3A_141 = scf.for %scan3A_300 = %scan3A_137 to %scan3A_139 step %scan3A_140 iter_args(%scan3A_301 = %scan3A_136) -> (i32)  : i32 {
            %mul3A_302 = arith.constant 16 : i32
            %mul3A_303 = arith.muli %scan3A_300, %mul3A_302 : i32
            %add3A_304 = arith.addi %mul3A_135, %mul3A_303 : i32
            %get3A_305 = arith.index_cast %add3A_304 : i32 to index
            %get3A_306 = tpu.vector_load %arg7[%get3A_305] {strides = array<i32>} : memref<102400xf32, #tpu.memory_space<vmem>>, vector<16xf32>,
            %mul3A_307 = arith.constant 16 : i32
            %mul3A_308 = arith.muli %scan3A_300, %mul3A_307 : i32
            %get3A_309 = arith.constant 3 : i32
            %get3A_310 = arith.index_cast %get3A_309 : i32 to index
            %get3A_311 = arith.index_cast %mul3A_308 : i32 to index
            %get3A_312 = tpu.vector_load %arg14[%get3A_310, %get3A_311] {strides = array<i32>} : memref<16x640xf32, #tpu.memory_space<vmem>>, vector<16xf32>,
            %mul3A_313 = vector.broadcast %squeeze3A_131 : f32 to vector<16xf32>
            %mul3A_314 = arith.mulf %mul3A_313, %get3A_312 : vector<16xf32>
            %add3A_315 = arith.addf %get3A_306, %mul3A_314 : vector<16xf32>
            %swap3A_316 = arith.index_cast %add3A_304 : i32 to index
            %swap3A_317 = tpu.vector_load %arg7[%swap3A_316] {strides = array<i32>} : memref<102400xf32, #tpu.memory_space<vmem>>, vector<16xf32>,
            tpu.vector_store %arg7[%swap3A_316], %add3A_315 {strides = array<i32>} : memref<102400xf32, #tpu.memory_space<vmem>>, vector<16xf32>,
            %scan3A_318 = arith.constant 0 : i32
            scf.yield %scan3A_318 : i32
          }
          %scan3A_142 = arith.constant 40 : i32
          %slice3A_143 = vector.extract_strided_slice %get3A_88 {offsets = [4], sizes = [1], strides = [1]} : vector<16xf32> to vector<1xf32>
          %squeeze3A_144 = vector.extract %slice3A_143[0] : f32 from vector<1xf32>
          %slice3A_145 = vector.extract_strided_slice %get3A_92 {offsets = [4], sizes = [1], strides = [1]} : vector<16xi32> to vector<1xi32>
          %squeeze3A_146 = vector.extract %slice3A_145[0] : i32 from vector<1xi32>
          %mul3A_147 = arith.constant 640 : i32
          %mul3A_148 = arith.muli %squeeze3A_146, %mul3A_147 : i32
          %scan3A_149 = arith.constant 0 : i32
          %scan3A_150 = arith.constant 0 : i32
          %scan3A_151 = arith.constant 40 : i32
          %scan3A_152 = arith.addi %scan3A_150, %scan3A_151 : i32
          %scan3A_153 = arith.constant 1 : i32
          %scan3A_154 = scf.for %scan3A_300 = %scan3A_150 to %scan3A_152 step %scan3A_153 iter_args(%scan3A_301 = %scan3A_149) -> (i32)  : i32 {
            %mul3A_302 = arith.constant 16 : i32
            %mul3A_303 = arith.muli %scan3A_300, %mul3A_302 : i32
            %add3A_304 = arith.addi %mul3A_148, %mul3A_303 : i32
            %get3A_305 = arith.index_cast %add3A_304 : i32 to index
            %get3A_306 = tpu.vector_load %arg7[%get3A_305] {strides = array<i32>} : memref<102400xf32, #tpu.memory_space<vmem>>, vector<16xf32>,
            %mul3A_307 = arith.constant 16 : i32
            %mul3A_308 = arith.muli %scan3A_300, %mul3A_307 : i32
            %get3A_309 = arith.constant 4 : i32
            %get3A_310 = arith.index_cast %get3A_309 : i32 to index
            %get3A_311 = arith.index_cast %mul3A_308 : i32 to index
            %get3A_312 = tpu.vector_load %arg14[%get3A_310, %get3A_311] {strides = array<i32>} : memref<16x640xf32, #tpu.memory_space<vmem>>, vector<16xf32>,
            %mul3A_313 = vector.broadcast %squeeze3A_144 : f32 to vector<16xf32>
            %mul3A_314 = arith.mulf %mul3A_313, %get3A_312 : vector<16xf32>
            %add3A_315 = arith.addf %get3A_306, %mul3A_314 : vector<16xf32>
            %swap3A_316 = arith.index_cast %add3A_304 : i32 to index
            %swap3A_317 = tpu.vector_load %arg7[%swap3A_316] {strides = array<i32>} : memref<102400xf32, #tpu.memory_space<vmem>>, vector<16xf32>,
            tpu.vector_store %arg7[%swap3A_316], %add3A_315 {strides = array<i32>} : memref<102400xf32, #tpu.memory_space<vmem>>, vector<16xf32>,
            %scan3A_318 = arith.constant 0 : i32
            scf.yield %scan3A_318 : i32
          }
          %scan3A_155 = arith.constant 40 : i32
          %slice3A_156 = vector.extract_strided_slice %get3A_88 {offsets = [5], sizes = [1], strides = [1]} : vector<16xf32> to vector<1xf32>
          %squeeze3A_157 = vector.extract %slice3A_156[0] : f32 from vector<1xf32>
          %slice3A_158 = vector.extract_strided_slice %get3A_92 {offsets = [5], sizes = [1], strides = [1]} : vector<16xi32> to vector<1xi32>
          %squeeze3A_159 = vector.extract %slice3A_158[0] : i32 from vector<1xi32>
          %mul3A_160 = arith.constant 640 : i32
          %mul3A_161 = arith.muli %squeeze3A_159, %mul3A_160 : i32
          %scan3A_162 = arith.constant 0 : i32
          %scan3A_163 = arith.constant 0 : i32
          %scan3A_164 = arith.constant 40 : i32
          %scan3A_165 = arith.addi %scan3A_163, %scan3A_164 : i32
          %scan3A_166 = arith.constant 1 : i32
          %scan3A_167 = scf.for %scan3A_300 = %scan3A_163 to %scan3A_165 step %scan3A_166 iter_args(%scan3A_301 = %scan3A_162) -> (i32)  : i32 {
            %mul3A_302 = arith.constant 16 : i32
            %mul3A_303 = arith.muli %scan3A_300, %mul3A_302 : i32
            %add3A_304 = arith.addi %mul3A_161, %mul3A_303 : i32
            %get3A_305 = arith.index_cast %add3A_304 : i32 to index
            %get3A_306 = tpu.vector_load %arg7[%get3A_305] {strides = array<i32>} : memref<102400xf32, #tpu.memory_space<vmem>>, vector<16xf32>,
            %mul3A_307 = arith.constant 16 : i32
            %mul3A_308 = arith.muli %scan3A_300, %mul3A_307 : i32
            %get3A_309 = arith.constant 5 : i32
            %get3A_310 = arith.index_cast %get3A_309 : i32 to index
            %get3A_311 = arith.index_cast %mul3A_308 : i32 to index
            %get3A_312 = tpu.vector_load %arg14[%get3A_310, %get3A_311] {strides = array<i32>} : memref<16x640xf32, #tpu.memory_space<vmem>>, vector<16xf32>,
            %mul3A_313 = vector.broadcast %squeeze3A_157 : f32 to vector<16xf32>
            %mul3A_314 = arith.mulf %mul3A_313, %get3A_312 : vector<16xf32>
            %add3A_315 = arith.addf %get3A_306, %mul3A_314 : vector<16xf32>
            %swap3A_316 = arith.index_cast %add3A_304 : i32 to index
            %swap3A_317 = tpu.vector_load %arg7[%swap3A_316] {strides = array<i32>} : memref<102400xf32, #tpu.memory_space<vmem>>, vector<16xf32>,
            tpu.vector_store %arg7[%swap3A_316], %add3A_315 {strides = array<i32>} : memref<102400xf32, #tpu.memory_space<vmem>>, vector<16xf32>,
            %scan3A_318 = arith.constant 0 : i32
            scf.yield %scan3A_318 : i32
          }
          %scan3A_168 = arith.constant 40 : i32
          %slice3A_169 = vector.extract_strided_slice %get3A_88 {offsets = [6], sizes = [1], strides = [1]} : vector<16xf32> to vector<1xf32>
          %squeeze3A_170 = vector.extract %slice3A_169[0] : f32 from vector<1xf32>
          %slice3A_171 = vector.extract_strided_slice %get3A_92 {offsets = [6], sizes = [1], strides = [1]} : vector<16xi32> to vector<1xi32>
          %squeeze3A_172 = vector.extract %slice3A_171[0] : i32 from vector<1xi32>
          %mul3A_173 = arith.constant 640 : i32
          %mul3A_174 = arith.muli %squeeze3A_172, %mul3A_173 : i32
          %scan3A_175 = arith.constant 0 : i32
          %scan3A_176 = arith.constant 0 : i32
          %scan3A_177 = arith.constant 40 : i32
          %scan3A_178 = arith.addi %scan3A_176, %scan3A_177 : i32
          %scan3A_179 = arith.constant 1 : i32
          %scan3A_180 = scf.for %scan3A_300 = %scan3A_176 to %scan3A_178 step %scan3A_179 iter_args(%scan3A_301 = %scan3A_175) -> (i32)  : i32 {
            %mul3A_302 = arith.constant 16 : i32
            %mul3A_303 = arith.muli %scan3A_300, %mul3A_302 : i32
            %add3A_304 = arith.addi %mul3A_174, %mul3A_303 : i32
            %get3A_305 = arith.index_cast %add3A_304 : i32 to index
            %get3A_306 = tpu.vector_load %arg7[%get3A_305] {strides = array<i32>} : memref<102400xf32, #tpu.memory_space<vmem>>, vector<16xf32>,
            %mul3A_307 = arith.constant 16 : i32
            %mul3A_308 = arith.muli %scan3A_300, %mul3A_307 : i32
            %get3A_309 = arith.constant 6 : i32
            %get3A_310 = arith.index_cast %get3A_309 : i32 to index
            %get3A_311 = arith.index_cast %mul3A_308 : i32 to index
            %get3A_312 = tpu.vector_load %arg14[%get3A_310, %get3A_311] {strides = array<i32>} : memref<16x640xf32, #tpu.memory_space<vmem>>, vector<16xf32>,
            %mul3A_313 = vector.broadcast %squeeze3A_170 : f32 to vector<16xf32>
            %mul3A_314 = arith.mulf %mul3A_313, %get3A_312 : vector<16xf32>
            %add3A_315 = arith.addf %get3A_306, %mul3A_314 : vector<16xf32>
            %swap3A_316 = arith.index_cast %add3A_304 : i32 to index
            %swap3A_317 = tpu.vector_load %arg7[%swap3A_316] {strides = array<i32>} : memref<102400xf32, #tpu.memory_space<vmem>>, vector<16xf32>,
            tpu.vector_store %arg7[%swap3A_316], %add3A_315 {strides = array<i32>} : memref<102400xf32, #tpu.memory_space<vmem>>, vector<16xf32>,
            %scan3A_318 = arith.constant 0 : i32
            scf.yield %scan3A_318 : i32
          }
          %scan3A_181 = arith.constant 40 : i32
          %slice3A_182 = vector.extract_strided_slice %get3A_88 {offsets = [7], sizes = [1], strides = [1]} : vector<16xf32> to vector<1xf32>
          %squeeze3A_183 = vector.extract %slice3A_182[0] : f32 from vector<1xf32>
          %slice3A_184 = vector.extract_strided_slice %get3A_92 {offsets = [7], sizes = [1], strides = [1]} : vector<16xi32> to vector<1xi32>
          %squeeze3A_185 = vector.extract %slice3A_184[0] : i32 from vector<1xi32>
          %mul3A_186 = arith.constant 640 : i32
          %mul3A_187 = arith.muli %squeeze3A_185, %mul3A_186 : i32
          %scan3A_188 = arith.constant 0 : i32
          %scan3A_189 = arith.constant 0 : i32
          %scan3A_190 = arith.constant 40 : i32
          %scan3A_191 = arith.addi %scan3A_189, %scan3A_190 : i32
          %scan3A_192 = arith.constant 1 : i32
          %scan3A_193 = scf.for %scan3A_300 = %scan3A_189 to %scan3A_191 step %scan3A_192 iter_args(%scan3A_301 = %scan3A_188) -> (i32)  : i32 {
            %mul3A_302 = arith.constant 16 : i32
            %mul3A_303 = arith.muli %scan3A_300, %mul3A_302 : i32
            %add3A_304 = arith.addi %mul3A_187, %mul3A_303 : i32
            %get3A_305 = arith.index_cast %add3A_304 : i32 to index
            %get3A_306 = tpu.vector_load %arg7[%get3A_305] {strides = array<i32>} : memref<102400xf32, #tpu.memory_space<vmem>>, vector<16xf32>,
            %mul3A_307 = arith.constant 16 : i32
            %mul3A_308 = arith.muli %scan3A_300, %mul3A_307 : i32
            %get3A_309 = arith.constant 7 : i32
            %get3A_310 = arith.index_cast %get3A_309 : i32 to index
            %get3A_311 = arith.index_cast %mul3A_308 : i32 to index
            %get3A_312 = tpu.vector_load %arg14[%get3A_310, %get3A_311] {strides = array<i32>} : memref<16x640xf32, #tpu.memory_space<vmem>>, vector<16xf32>,
            %mul3A_313 = vector.broadcast %squeeze3A_183 : f32 to vector<16xf32>
            %mul3A_314 = arith.mulf %mul3A_313, %get3A_312 : vector<16xf32>
            %add3A_315 = arith.addf %get3A_306, %mul3A_314 : vector<16xf32>
            %swap3A_316 = arith.index_cast %add3A_304 : i32 to index
            %swap3A_317 = tpu.vector_load %arg7[%swap3A_316] {strides = array<i32>} : memref<102400xf32, #tpu.memory_space<vmem>>, vector<16xf32>,
            tpu.vector_store %arg7[%swap3A_316], %add3A_315 {strides = array<i32>} : memref<102400xf32, #tpu.memory_space<vmem>>, vector<16xf32>,
            %scan3A_318 = arith.constant 0 : i32
            scf.yield %scan3A_318 : i32
          }
          %scan3A_194 = arith.constant 40 : i32
          %slice3A_195 = vector.extract_strided_slice %get3A_88 {offsets = [8], sizes = [1], strides = [1]} : vector<16xf32> to vector<1xf32>
          %squeeze3A_196 = vector.extract %slice3A_195[0] : f32 from vector<1xf32>
          %slice3A_197 = vector.extract_strided_slice %get3A_92 {offsets = [8], sizes = [1], strides = [1]} : vector<16xi32> to vector<1xi32>
          %squeeze3A_198 = vector.extract %slice3A_197[0] : i32 from vector<1xi32>
          %mul3A_199 = arith.constant 640 : i32
          %mul3A_200 = arith.muli %squeeze3A_198, %mul3A_199 : i32
          %scan3A_201 = arith.constant 0 : i32
          %scan3A_202 = arith.constant 0 : i32
          %scan3A_203 = arith.constant 40 : i32
          %scan3A_204 = arith.addi %scan3A_202, %scan3A_203 : i32
          %scan3A_205 = arith.constant 1 : i32
          %scan3A_206 = scf.for %scan3A_300 = %scan3A_202 to %scan3A_204 step %scan3A_205 iter_args(%scan3A_301 = %scan3A_201) -> (i32)  : i32 {
            %mul3A_302 = arith.constant 16 : i32
            %mul3A_303 = arith.muli %scan3A_300, %mul3A_302 : i32
            %add3A_304 = arith.addi %mul3A_200, %mul3A_303 : i32
            %get3A_305 = arith.index_cast %add3A_304 : i32 to index
            %get3A_306 = tpu.vector_load %arg7[%get3A_305] {strides = array<i32>} : memref<102400xf32, #tpu.memory_space<vmem>>, vector<16xf32>,
            %mul3A_307 = arith.constant 16 : i32
            %mul3A_308 = arith.muli %scan3A_300, %mul3A_307 : i32
            %get3A_309 = arith.constant 8 : i32
            %get3A_310 = arith.index_cast %get3A_309 : i32 to index
            %get3A_311 = arith.index_cast %mul3A_308 : i32 to index
            %get3A_312 = tpu.vector_load %arg14[%get3A_310, %get3A_311] {strides = array<i32>} : memref<16x640xf32, #tpu.memory_space<vmem>>, vector<16xf32>,
            %mul3A_313 = vector.broadcast %squeeze3A_196 : f32 to vector<16xf32>
            %mul3A_314 = arith.mulf %mul3A_313, %get3A_312 : vector<16xf32>
            %add3A_315 = arith.addf %get3A_306, %mul3A_314 : vector<16xf32>
            %swap3A_316 = arith.index_cast %add3A_304 : i32 to index
            %swap3A_317 = tpu.vector_load %arg7[%swap3A_316] {strides = array<i32>} : memref<102400xf32, #tpu.memory_space<vmem>>, vector<16xf32>,
            tpu.vector_store %arg7[%swap3A_316], %add3A_315 {strides = array<i32>} : memref<102400xf32, #tpu.memory_space<vmem>>, vector<16xf32>,
            %scan3A_318 = arith.constant 0 : i32
            scf.yield %scan3A_318 : i32
          }
          %scan3A_207 = arith.constant 40 : i32
          %slice3A_208 = vector.extract_strided_slice %get3A_88 {offsets = [9], sizes = [1], strides = [1]} : vector<16xf32> to vector<1xf32>
          %squeeze3A_209 = vector.extract %slice3A_208[0] : f32 from vector<1xf32>
          %slice3A_210 = vector.extract_strided_slice %get3A_92 {offsets = [9], sizes = [1], strides = [1]} : vector<16xi32> to vector<1xi32>
          %squeeze3A_211 = vector.extract %slice3A_210[0] : i32 from vector<1xi32>
          %mul3A_212 = arith.constant 640 : i32
          %mul3A_213 = arith.muli %squeeze3A_211, %mul3A_212 : i32
          %scan3A_214 = arith.constant 0 : i32
          %scan3A_215 = arith.constant 0 : i32
          %scan3A_216 = arith.constant 40 : i32
          %scan3A_217 = arith.addi %scan3A_215, %scan3A_216 : i32
          %scan3A_218 = arith.constant 1 : i32
          %scan3A_219 = scf.for %scan3A_300 = %scan3A_215 to %scan3A_217 step %scan3A_218 iter_args(%scan3A_301 = %scan3A_214) -> (i32)  : i32 {
            %mul3A_302 = arith.constant 16 : i32
            %mul3A_303 = arith.muli %scan3A_300, %mul3A_302 : i32
            %add3A_304 = arith.addi %mul3A_213, %mul3A_303 : i32
            %get3A_305 = arith.index_cast %add3A_304 : i32 to index
            %get3A_306 = tpu.vector_load %arg7[%get3A_305] {strides = array<i32>} : memref<102400xf32, #tpu.memory_space<vmem>>, vector<16xf32>,
            %mul3A_307 = arith.constant 16 : i32
            %mul3A_308 = arith.muli %scan3A_300, %mul3A_307 : i32
            %get3A_309 = arith.constant 9 : i32
            %get3A_310 = arith.index_cast %get3A_309 : i32 to index
            %get3A_311 = arith.index_cast %mul3A_308 : i32 to index
            %get3A_312 = tpu.vector_load %arg14[%get3A_310, %get3A_311] {strides = array<i32>} : memref<16x640xf32, #tpu.memory_space<vmem>>, vector<16xf32>,
            %mul3A_313 = vector.broadcast %squeeze3A_209 : f32 to vector<16xf32>
            %mul3A_314 = arith.mulf %mul3A_313, %get3A_312 : vector<16xf32>
            %add3A_315 = arith.addf %get3A_306, %mul3A_314 : vector<16xf32>
            %swap3A_316 = arith.index_cast %add3A_304 : i32 to index
            %swap3A_317 = tpu.vector_load %arg7[%swap3A_316] {strides = array<i32>} : memref<102400xf32, #tpu.memory_space<vmem>>, vector<16xf32>,
            tpu.vector_store %arg7[%swap3A_316], %add3A_315 {strides = array<i32>} : memref<102400xf32, #tpu.memory_space<vmem>>, vector<16xf32>,
            %scan3A_318 = arith.constant 0 : i32
            scf.yield %scan3A_318 : i32
          }
          %scan3A_220 = arith.constant 40 : i32
          %slice3A_221 = vector.extract_strided_slice %get3A_88 {offsets = [10], sizes = [1], strides = [1]} : vector<16xf32> to vector<1xf32>
          %squeeze3A_222 = vector.extract %slice3A_221[0] : f32 from vector<1xf32>
          %slice3A_223 = vector.extract_strided_slice %get3A_92 {offsets = [10], sizes = [1], strides = [1]} : vector<16xi32> to vector<1xi32>
          %squeeze3A_224 = vector.extract %slice3A_223[0] : i32 from vector<1xi32>
          %mul3A_225 = arith.constant 640 : i32
          %mul3A_226 = arith.muli %squeeze3A_224, %mul3A_225 : i32
          %scan3A_227 = arith.constant 0 : i32
          %scan3A_228 = arith.constant 0 : i32
          %scan3A_229 = arith.constant 40 : i32
          %scan3A_230 = arith.addi %scan3A_228, %scan3A_229 : i32
          %scan3A_231 = arith.constant 1 : i32
          %scan3A_232 = scf.for %scan3A_300 = %scan3A_228 to %scan3A_230 step %scan3A_231 iter_args(%scan3A_301 = %scan3A_227) -> (i32)  : i32 {
            %mul3A_302 = arith.constant 16 : i32
            %mul3A_303 = arith.muli %scan3A_300, %mul3A_302 : i32
            %add3A_304 = arith.addi %mul3A_226, %mul3A_303 : i32
            %get3A_305 = arith.index_cast %add3A_304 : i32 to index
            %get3A_306 = tpu.vector_load %arg7[%get3A_305] {strides = array<i32>} : memref<102400xf32, #tpu.memory_space<vmem>>, vector<16xf32>,
            %mul3A_307 = arith.constant 16 : i32
            %mul3A_308 = arith.muli %scan3A_300, %mul3A_307 : i32
            %get3A_309 = arith.constant 10 : i32
            %get3A_310 = arith.index_cast %get3A_309 : i32 to index
            %get3A_311 = arith.index_cast %mul3A_308 : i32 to index
            %get3A_312 = tpu.vector_load %arg14[%get3A_310, %get3A_311] {strides = array<i32>} : memref<16x640xf32, #tpu.memory_space<vmem>>, vector<16xf32>,
            %mul3A_313 = vector.broadcast %squeeze3A_222 : f32 to vector<16xf32>
            %mul3A_314 = arith.mulf %mul3A_313, %get3A_312 : vector<16xf32>
            %add3A_315 = arith.addf %get3A_306, %mul3A_314 : vector<16xf32>
            %swap3A_316 = arith.index_cast %add3A_304 : i32 to index
            %swap3A_317 = tpu.vector_load %arg7[%swap3A_316] {strides = array<i32>} : memref<102400xf32, #tpu.memory_space<vmem>>, vector<16xf32>,
            tpu.vector_store %arg7[%swap3A_316], %add3A_315 {strides = array<i32>} : memref<102400xf32, #tpu.memory_space<vmem>>, vector<16xf32>,
            %scan3A_318 = arith.constant 0 : i32
            scf.yield %scan3A_318 : i32
          }
          %scan3A_233 = arith.constant 40 : i32
          %slice3A_234 = vector.extract_strided_slice %get3A_88 {offsets = [11], sizes = [1], strides = [1]} : vector<16xf32> to vector<1xf32>
          %squeeze3A_235 = vector.extract %slice3A_234[0] : f32 from vector<1xf32>
          %slice3A_236 = vector.extract_strided_slice %get3A_92 {offsets = [11], sizes = [1], strides = [1]} : vector<16xi32> to vector<1xi32>
          %squeeze3A_237 = vector.extract %slice3A_236[0] : i32 from vector<1xi32>
          %mul3A_238 = arith.constant 640 : i32
          %mul3A_239 = arith.muli %squeeze3A_237, %mul3A_238 : i32
          %scan3A_240 = arith.constant 0 : i32
          %scan3A_241 = arith.constant 0 : i32
          %scan3A_242 = arith.constant 40 : i32
          %scan3A_243 = arith.addi %scan3A_241, %scan3A_242 : i32
          %scan3A_244 = arith.constant 1 : i32
          %scan3A_245 = scf.for %scan3A_300 = %scan3A_241 to %scan3A_243 step %scan3A_244 iter_args(%scan3A_301 = %scan3A_240) -> (i32)  : i32 {
            %mul3A_302 = arith.constant 16 : i32
            %mul3A_303 = arith.muli %scan3A_300, %mul3A_302 : i32
            %add3A_304 = arith.addi %mul3A_239, %mul3A_303 : i32
            %get3A_305 = arith.index_cast %add3A_304 : i32 to index
            %get3A_306 = tpu.vector_load %arg7[%get3A_305] {strides = array<i32>} : memref<102400xf32, #tpu.memory_space<vmem>>, vector<16xf32>,
            %mul3A_307 = arith.constant 16 : i32
            %mul3A_308 = arith.muli %scan3A_300, %mul3A_307 : i32
            %get3A_309 = arith.constant 11 : i32
            %get3A_310 = arith.index_cast %get3A_309 : i32 to index
            %get3A_311 = arith.index_cast %mul3A_308 : i32 to index
            %get3A_312 = tpu.vector_load %arg14[%get3A_310, %get3A_311] {strides = array<i32>} : memref<16x640xf32, #tpu.memory_space<vmem>>, vector<16xf32>,
            %mul3A_313 = vector.broadcast %squeeze3A_235 : f32 to vector<16xf32>
            %mul3A_314 = arith.mulf %mul3A_313, %get3A_312 : vector<16xf32>
            %add3A_315 = arith.addf %get3A_306, %mul3A_314 : vector<16xf32>
            %swap3A_316 = arith.index_cast %add3A_304 : i32 to index
            %swap3A_317 = tpu.vector_load %arg7[%swap3A_316] {strides = array<i32>} : memref<102400xf32, #tpu.memory_space<vmem>>, vector<16xf32>,
            tpu.vector_store %arg7[%swap3A_316], %add3A_315 {strides = array<i32>} : memref<102400xf32, #tpu.memory_space<vmem>>, vector<16xf32>,
            %scan3A_318 = arith.constant 0 : i32
            scf.yield %scan3A_318 : i32
          }
          %scan3A_246 = arith.constant 40 : i32
          %slice3A_247 = vector.extract_strided_slice %get3A_88 {offsets = [12], sizes = [1], strides = [1]} : vector<16xf32> to vector<1xf32>
          %squeeze3A_248 = vector.extract %slice3A_247[0] : f32 from vector<1xf32>
          %slice3A_249 = vector.extract_strided_slice %get3A_92 {offsets = [12], sizes = [1], strides = [1]} : vector<16xi32> to vector<1xi32>
          %squeeze3A_250 = vector.extract %slice3A_249[0] : i32 from vector<1xi32>
          %mul3A_251 = arith.constant 640 : i32
          %mul3A_252 = arith.muli %squeeze3A_250, %mul3A_251 : i32
          %scan3A_253 = arith.constant 0 : i32
          %scan3A_254 = arith.constant 0 : i32
          %scan3A_255 = arith.constant 40 : i32
          %scan3A_256 = arith.addi %scan3A_254, %scan3A_255 : i32
          %scan3A_257 = arith.constant 1 : i32
          %scan3A_258 = scf.for %scan3A_300 = %scan3A_254 to %scan3A_256 step %scan3A_257 iter_args(%scan3A_301 = %scan3A_253) -> (i32)  : i32 {
            %mul3A_302 = arith.constant 16 : i32
            %mul3A_303 = arith.muli %scan3A_300, %mul3A_302 : i32
            %add3A_304 = arith.addi %mul3A_252, %mul3A_303 : i32
            %get3A_305 = arith.index_cast %add3A_304 : i32 to index
            %get3A_306 = tpu.vector_load %arg7[%get3A_305] {strides = array<i32>} : memref<102400xf32, #tpu.memory_space<vmem>>, vector<16xf32>,
            %mul3A_307 = arith.constant 16 : i32
            %mul3A_308 = arith.muli %scan3A_300, %mul3A_307 : i32
            %get3A_309 = arith.constant 12 : i32
            %get3A_310 = arith.index_cast %get3A_309 : i32 to index
            %get3A_311 = arith.index_cast %mul3A_308 : i32 to index
            %get3A_312 = tpu.vector_load %arg14[%get3A_310, %get3A_311] {strides = array<i32>} : memref<16x640xf32, #tpu.memory_space<vmem>>, vector<16xf32>,
            %mul3A_313 = vector.broadcast %squeeze3A_248 : f32 to vector<16xf32>
            %mul3A_314 = arith.mulf %mul3A_313, %get3A_312 : vector<16xf32>
            %add3A_315 = arith.addf %get3A_306, %mul3A_314 : vector<16xf32>
            %swap3A_316 = arith.index_cast %add3A_304 : i32 to index
            %swap3A_317 = tpu.vector_load %arg7[%swap3A_316] {strides = array<i32>} : memref<102400xf32, #tpu.memory_space<vmem>>, vector<16xf32>,
            tpu.vector_store %arg7[%swap3A_316], %add3A_315 {strides = array<i32>} : memref<102400xf32, #tpu.memory_space<vmem>>, vector<16xf32>,
            %scan3A_318 = arith.constant 0 : i32
            scf.yield %scan3A_318 : i32
          }
          %scan3A_259 = arith.constant 40 : i32
          %slice3A_260 = vector.extract_strided_slice %get3A_88 {offsets = [13], sizes = [1], strides = [1]} : vector<16xf32> to vector<1xf32>
          %squeeze3A_261 = vector.extract %slice3A_260[0] : f32 from vector<1xf32>
          %slice3A_262 = vector.extract_strided_slice %get3A_92 {offsets = [13], sizes = [1], strides = [1]} : vector<16xi32> to vector<1xi32>
          %squeeze3A_263 = vector.extract %slice3A_262[0] : i32 from vector<1xi32>
          %mul3A_264 = arith.constant 640 : i32
          %mul3A_265 = arith.muli %squeeze3A_263, %mul3A_264 : i32
          %scan3A_266 = arith.constant 0 : i32
          %scan3A_267 = arith.constant 0 : i32
          %scan3A_268 = arith.constant 40 : i32
          %scan3A_269 = arith.addi %scan3A_267, %scan3A_268 : i32
          %scan3A_270 = arith.constant 1 : i32
          %scan3A_271 = scf.for %scan3A_300 = %scan3A_267 to %scan3A_269 step %scan3A_270 iter_args(%scan3A_301 = %scan3A_266) -> (i32)  : i32 {
            %mul3A_302 = arith.constant 16 : i32
            %mul3A_303 = arith.muli %scan3A_300, %mul3A_302 : i32
            %add3A_304 = arith.addi %mul3A_265, %mul3A_303 : i32
            %get3A_305 = arith.index_cast %add3A_304 : i32 to index
            %get3A_306 = tpu.vector_load %arg7[%get3A_305] {strides = array<i32>} : memref<102400xf32, #tpu.memory_space<vmem>>, vector<16xf32>,
            %mul3A_307 = arith.constant 16 : i32
            %mul3A_308 = arith.muli %scan3A_300, %mul3A_307 : i32
            %get3A_309 = arith.constant 13 : i32
            %get3A_310 = arith.index_cast %get3A_309 : i32 to index
            %get3A_311 = arith.index_cast %mul3A_308 : i32 to index
            %get3A_312 = tpu.vector_load %arg14[%get3A_310, %get3A_311] {strides = array<i32>} : memref<16x640xf32, #tpu.memory_space<vmem>>, vector<16xf32>,
            %mul3A_313 = vector.broadcast %squeeze3A_261 : f32 to vector<16xf32>
            %mul3A_314 = arith.mulf %mul3A_313, %get3A_312 : vector<16xf32>
            %add3A_315 = arith.addf %get3A_306, %mul3A_314 : vector<16xf32>
            %swap3A_316 = arith.index_cast %add3A_304 : i32 to index
            %swap3A_317 = tpu.vector_load %arg7[%swap3A_316] {strides = array<i32>} : memref<102400xf32, #tpu.memory_space<vmem>>, vector<16xf32>,
            tpu.vector_store %arg7[%swap3A_316], %add3A_315 {strides = array<i32>} : memref<102400xf32, #tpu.memory_space<vmem>>, vector<16xf32>,
            %scan3A_318 = arith.constant 0 : i32
            scf.yield %scan3A_318 : i32
          }
          %scan3A_272 = arith.constant 40 : i32
          %slice3A_273 = vector.extract_strided_slice %get3A_88 {offsets = [14], sizes = [1], strides = [1]} : vector<16xf32> to vector<1xf32>
          %squeeze3A_274 = vector.extract %slice3A_273[0] : f32 from vector<1xf32>
          %slice3A_275 = vector.extract_strided_slice %get3A_92 {offsets = [14], sizes = [1], strides = [1]} : vector<16xi32> to vector<1xi32>
          %squeeze3A_276 = vector.extract %slice3A_275[0] : i32 from vector<1xi32>
          %mul3A_277 = arith.constant 640 : i32
          %mul3A_278 = arith.muli %squeeze3A_276, %mul3A_277 : i32
          %scan3A_279 = arith.constant 0 : i32
          %scan3A_280 = arith.constant 0 : i32
          %scan3A_281 = arith.constant 40 : i32
          %scan3A_282 = arith.addi %scan3A_280, %scan3A_281 : i32
          %scan3A_283 = arith.constant 1 : i32
          %scan3A_284 = scf.for %scan3A_300 = %scan3A_280 to %scan3A_282 step %scan3A_283 iter_args(%scan3A_301 = %scan3A_279) -> (i32)  : i32 {
            %mul3A_302 = arith.constant 16 : i32
            %mul3A_303 = arith.muli %scan3A_300, %mul3A_302 : i32
            %add3A_304 = arith.addi %mul3A_278, %mul3A_303 : i32
            %get3A_305 = arith.index_cast %add3A_304 : i32 to index
            %get3A_306 = tpu.vector_load %arg7[%get3A_305] {strides = array<i32>} : memref<102400xf32, #tpu.memory_space<vmem>>, vector<16xf32>,
            %mul3A_307 = arith.constant 16 : i32
            %mul3A_308 = arith.muli %scan3A_300, %mul3A_307 : i32
            %get3A_309 = arith.constant 14 : i32
            %get3A_310 = arith.index_cast %get3A_309 : i32 to index
            %get3A_311 = arith.index_cast %mul3A_308 : i32 to index
            %get3A_312 = tpu.vector_load %arg14[%get3A_310, %get3A_311] {strides = array<i32>} : memref<16x640xf32, #tpu.memory_space<vmem>>, vector<16xf32>,
            %mul3A_313 = vector.broadcast %squeeze3A_274 : f32 to vector<16xf32>
            %mul3A_314 = arith.mulf %mul3A_313, %get3A_312 : vector<16xf32>
            %add3A_315 = arith.addf %get3A_306, %mul3A_314 : vector<16xf32>
            %swap3A_316 = arith.index_cast %add3A_304 : i32 to index
            %swap3A_317 = tpu.vector_load %arg7[%swap3A_316] {strides = array<i32>} : memref<102400xf32, #tpu.memory_space<vmem>>, vector<16xf32>,
            tpu.vector_store %arg7[%swap3A_316], %add3A_315 {strides = array<i32>} : memref<102400xf32, #tpu.memory_space<vmem>>, vector<16xf32>,
            %scan3A_318 = arith.constant 0 : i32
            scf.yield %scan3A_318 : i32
          }
          %scan3A_285 = arith.constant 40 : i32
          %slice3A_286 = vector.extract_strided_slice %get3A_88 {offsets = [15], sizes = [1], strides = [1]} : vector<16xf32> to vector<1xf32>
          %squeeze3A_287 = vector.extract %slice3A_286[0] : f32 from vector<1xf32>
          %slice3A_288 = vector.extract_strided_slice %get3A_92 {offsets = [15], sizes = [1], strides = [1]} : vector<16xi32> to vector<1xi32>
          %squeeze3A_289 = vector.extract %slice3A_288[0] : i32 from vector<1xi32>
          %mul3A_290 = arith.constant 640 : i32
          %mul3A_291 = arith.muli %squeeze3A_289, %mul3A_290 : i32
          %scan3A_292 = arith.constant 0 : i32
          %scan3A_293 = arith.constant 0 : i32
          %scan3A_294 = arith.constant 40 : i32
          %scan3A_295 = arith.addi %scan3A_293, %scan3A_294 : i32
          %scan3A_296 = arith.constant 1 : i32
          %scan3A_297 = scf.for %scan3A_300 = %scan3A_293 to %scan3A_295 step %scan3A_296 iter_args(%scan3A_301 = %scan3A_292) -> (i32)  : i32 {
            %mul3A_302 = arith.constant 16 : i32
            %mul3A_303 = arith.muli %scan3A_300, %mul3A_302 : i32
            %add3A_304 = arith.addi %mul3A_291, %mul3A_303 : i32
            %get3A_305 = arith.index_cast %add3A_304 : i32 to index
            %get3A_306 = tpu.vector_load %arg7[%get3A_305] {strides = array<i32>} : memref<102400xf32, #tpu.memory_space<vmem>>, vector<16xf32>,
            %mul3A_307 = arith.constant 16 : i32
            %mul3A_308 = arith.muli %scan3A_300, %mul3A_307 : i32
            %get3A_309 = arith.constant 15 : i32
            %get3A_310 = arith.index_cast %get3A_309 : i32 to index
            %get3A_311 = arith.index_cast %mul3A_308 : i32 to index
            %get3A_312 = tpu.vector_load %arg14[%get3A_310, %get3A_311] {strides = array<i32>} : memref<16x640xf32, #tpu.memory_space<vmem>>, vector<16xf32>,
            %mul3A_313 = vector.broadcast %squeeze3A_287 : f32 to vector<16xf32>
            %mul3A_314 = arith.mulf %mul3A_313, %get3A_312 : vector<16xf32>
            %add3A_315 = arith.addf %get3A_306, %mul3A_314 : vector<16xf32>
            %swap3A_316 = arith.index_cast %add3A_304 : i32 to index
            %swap3A_317 = tpu.vector_load %arg7[%swap3A_316] {strides = array<i32>} : memref<102400xf32, #tpu.memory_space<vmem>>, vector<16xf32>,
            tpu.vector_store %arg7[%swap3A_316], %add3A_315 {strides = array<i32>} : memref<102400xf32, #tpu.memory_space<vmem>>, vector<16xf32>,
            %scan3A_318 = arith.constant 0 : i32
            scf.yield %scan3A_318 : i32
          }
          %scan3A_298 = arith.constant 40 : i32
          %while3A_299 = arith.constant 0 : i32
          scf.yield %while3A_299 : i32
        }
        %while3A_77 = arith.constant 1 : i32
        %while3A_78 = scf.for %while3A_80 = %while3A_74 to %while3A_70 step %while3A_77 iter_args(%while3A_81 = %while3A_76) -> (i32)  : i32 {
          %mul3A_82 = arith.constant 16 : i32
          %mul3A_83 = arith.muli %while3A_80, %mul3A_82 : i32
          %get3A = arith.index_cast %mul3A_83 : i32 to index
          %get3A_84 = tpu.vector_load %arg11[%get3A] {strides = array<i32>} : memref<2688xi32, #tpu.memory_space<vmem>>, vector<16xi32>,
          "tpu.region"() ({
            %run_scoped3A = tpu.sem_alloc : memref<!tpu.dma_semaphore, #tpu.memory_space<semaphore_mem>>
            %dma_start3A = arith.constant 0 : i32
            %dma_start3A_300 = arith.constant 0 : i32
            %dma_start3A_301 = tpu.memref_slice %arg5[%dma_start3A, %dma_start3A_300] : memref<10000x640xf32, #tpu.memory_space<hbm>> -> memref<10000x640xf32, #tpu.memory_space<hbm>>
            tpu.enqueue_indirect_dma source(%dma_start3A_301 : memref<10000x640xf32, #tpu.memory_space<hbm>>) target(%arg14 : memref<16x640xf32, #tpu.memory_space<vmem>>) offsets(%get3A_84 : vector<16xi32>) semaphore(%run_scoped3A : memref<!tpu.dma_semaphore, #tpu.memory_space<semaphore_mem>>)
            %dma_wait3A = arith.constant 0 : i32
            %dma_wait3A_302 = arith.constant 0 : i32
            %dma_wait3A_303 = tpu.memref_slice %arg5[%dma_wait3A, %dma_wait3A_302] : memref<10000x640xf32, #tpu.memory_space<hbm>> -> memref<10000x640xf32, #tpu.memory_space<hbm>>
            tpu.wait_indirect_dma semaphore(%run_scoped3A : memref<!tpu.dma_semaphore, #tpu.memory_space<semaphore_mem>>) src(%dma_wait3A_303 : memref<10000x640xf32, #tpu.memory_space<hbm>>) dst(%arg14 : memref<16x640xf32, #tpu.memory_space<vmem>>)
            tpu.yield
          }) : () -> ()
          %mul3A_85 = arith.constant 16 : i32
          %mul3A_86 = arith.muli %while3A_80, %mul3A_85 : i32
          %get3A_87 = arith.index_cast %mul3A_86 : i32 to index
          %get3A_88 = tpu.vector_load %arg13[%get3A_87] {strides = array<i32>} : memref<2688xf32, #tpu.memory_space<vmem>>, vector<16xf32>,
          %mul3A_89 = arith.constant 16 : i32
          %mul3A_90 = arith.muli %while3A_80, %mul3A_89 : i32
          %get3A_91 = arith.index_cast %mul3A_90 : i32 to index
          %get3A_92 = tpu.vector_load %arg12[%get3A_91] {strides = array<i32>} : memref<2688xi32, #tpu.memory_space<vmem>>, vector<16xi32>,
          %slice3A = vector.extract_strided_slice %get3A_88 {offsets = [0], sizes = [1], strides = [1]} : vector<16xf32> to vector<1xf32>
          %squeeze3A = vector.extract %slice3A[0] : f32 from vector<1xf32>
          %slice3A_93 = vector.extract_strided_slice %get3A_92 {offsets = [0], sizes = [1], strides = [1]} : vector<16xi32> to vector<1xi32>
          %squeeze3A_94 = vector.extract %slice3A_93[0] : i32 from vector<1xi32>
          %mul3A_95 = arith.constant 640 : i32
          %mul3A_96 = arith.muli %squeeze3A_94, %mul3A_95 : i32
          %scan3A_97 = arith.constant 0 : i32
          %scan3A_98 = arith.constant 0 : i32
          %scan3A_99 = arith.constant 40 : i32
          %scan3A_100 = arith.addi %scan3A_98, %scan3A_99 : i32
          %scan3A_101 = arith.constant 1 : i32
          %scan3A_102 = scf.for %scan3A_300 = %scan3A_98 to %scan3A_100 step %scan3A_101 iter_args(%scan3A_301 = %scan3A_97) -> (i32)  : i32 {
            %mul3A_302 = arith.constant 16 : i32
            %mul3A_303 = arith.muli %scan3A_300, %mul3A_302 : i32
            %add3A_304 = arith.addi %mul3A_96, %mul3A_303 : i32
            %get3A_305 = arith.index_cast %add3A_304 : i32 to index
            %get3A_306 = tpu.vector_load %arg7[%get3A_305] {strides = array<i32>} : memref<102400xf32, #tpu.memory_space<vmem>>, vector<16xf32>,
            %mul3A_307 = arith.constant 16 : i32
            %mul3A_308 = arith.muli %scan3A_300, %mul3A_307 : i32
            %get3A_309 = arith.constant 0 : i32
            %get3A_310 = arith.index_cast %get3A_309 : i32 to index
            %get3A_311 = arith.index_cast %mul3A_308 : i32 to index
            %get3A_312 = tpu.vector_load %arg14[%get3A_310, %get3A_311] {strides = array<i32>} : memref<16x640xf32, #tpu.memory_space<vmem>>, vector<16xf32>,
            %mul3A_313 = vector.broadcast %squeeze3A : f32 to vector<16xf32>
            %mul3A_314 = arith.mulf %mul3A_313, %get3A_312 : vector<16xf32>
            %add3A_315 = arith.addf %get3A_306, %mul3A_314 : vector<16xf32>
            %swap3A_316 = arith.index_cast %add3A_304 : i32 to index
            %swap3A_317 = tpu.vector_load %arg7[%swap3A_316] {strides = array<i32>} : memref<102400xf32, #tpu.memory_space<vmem>>, vector<16xf32>,
            tpu.vector_store %arg7[%swap3A_316], %add3A_315 {strides = array<i32>} : memref<102400xf32, #tpu.memory_space<vmem>>, vector<16xf32>,
            %scan3A_318 = arith.constant 0 : i32
            scf.yield %scan3A_318 : i32
          }
          %scan3A_103 = arith.constant 40 : i32
          %slice3A_104 = vector.extract_strided_slice %get3A_88 {offsets = [1], sizes = [1], strides = [1]} : vector<16xf32> to vector<1xf32>
          %squeeze3A_105 = vector.extract %slice3A_104[0] : f32 from vector<1xf32>
          %slice3A_106 = vector.extract_strided_slice %get3A_92 {offsets = [1], sizes = [1], strides = [1]} : vector<16xi32> to vector<1xi32>
          %squeeze3A_107 = vector.extract %slice3A_106[0] : i32 from vector<1xi32>
          %mul3A_108 = arith.constant 640 : i32
          %mul3A_109 = arith.muli %squeeze3A_107, %mul3A_108 : i32
          %scan3A_110 = arith.constant 0 : i32
          %scan3A_111 = arith.constant 0 : i32
          %scan3A_112 = arith.constant 40 : i32
          %scan3A_113 = arith.addi %scan3A_111, %scan3A_112 : i32
          %scan3A_114 = arith.constant 1 : i32
          %scan3A_115 = scf.for %scan3A_300 = %scan3A_111 to %scan3A_113 step %scan3A_114 iter_args(%scan3A_301 = %scan3A_110) -> (i32)  : i32 {
            %mul3A_302 = arith.constant 16 : i32
            %mul3A_303 = arith.muli %scan3A_300, %mul3A_302 : i32
            %add3A_304 = arith.addi %mul3A_109, %mul3A_303 : i32
            %get3A_305 = arith.index_cast %add3A_304 : i32 to index
            %get3A_306 = tpu.vector_load %arg7[%get3A_305] {strides = array<i32>} : memref<102400xf32, #tpu.memory_space<vmem>>, vector<16xf32>,
            %mul3A_307 = arith.constant 16 : i32
            %mul3A_308 = arith.muli %scan3A_300, %mul3A_307 : i32
            %get3A_309 = arith.constant 1 : i32
            %get3A_310 = arith.index_cast %get3A_309 : i32 to index
            %get3A_311 = arith.index_cast %mul3A_308 : i32 to index
            %get3A_312 = tpu.vector_load %arg14[%get3A_310, %get3A_311] {strides = array<i32>} : memref<16x640xf32, #tpu.memory_space<vmem>>, vector<16xf32>,
            %mul3A_313 = vector.broadcast %squeeze3A_105 : f32 to vector<16xf32>
            %mul3A_314 = arith.mulf %mul3A_313, %get3A_312 : vector<16xf32>
            %add3A_315 = arith.addf %get3A_306, %mul3A_314 : vector<16xf32>
            %swap3A_316 = arith.index_cast %add3A_304 : i32 to index
            %swap3A_317 = tpu.vector_load %arg7[%swap3A_316] {strides = array<i32>} : memref<102400xf32, #tpu.memory_space<vmem>>, vector<16xf32>,
            tpu.vector_store %arg7[%swap3A_316], %add3A_315 {strides = array<i32>} : memref<102400xf32, #tpu.memory_space<vmem>>, vector<16xf32>,
            %scan3A_318 = arith.constant 0 : i32
            scf.yield %scan3A_318 : i32
          }
          %scan3A_116 = arith.constant 40 : i32
          %slice3A_117 = vector.extract_strided_slice %get3A_88 {offsets = [2], sizes = [1], strides = [1]} : vector<16xf32> to vector<1xf32>
          %squeeze3A_118 = vector.extract %slice3A_117[0] : f32 from vector<1xf32>
          %slice3A_119 = vector.extract_strided_slice %get3A_92 {offsets = [2], sizes = [1], strides = [1]} : vector<16xi32> to vector<1xi32>
          %squeeze3A_120 = vector.extract %slice3A_119[0] : i32 from vector<1xi32>
          %mul3A_121 = arith.constant 640 : i32
          %mul3A_122 = arith.muli %squeeze3A_120, %mul3A_121 : i32
          %scan3A_123 = arith.constant 0 : i32
          %scan3A_124 = arith.constant 0 : i32
          %scan3A_125 = arith.constant 40 : i32
          %scan3A_126 = arith.addi %scan3A_124, %scan3A_125 : i32
          %scan3A_127 = arith.constant 1 : i32
          %scan3A_128 = scf.for %scan3A_300 = %scan3A_124 to %scan3A_126 step %scan3A_127 iter_args(%scan3A_301 = %scan3A_123) -> (i32)  : i32 {
            %mul3A_302 = arith.constant 16 : i32
            %mul3A_303 = arith.muli %scan3A_300, %mul3A_302 : i32
            %add3A_304 = arith.addi %mul3A_122, %mul3A_303 : i32
            %get3A_305 = arith.index_cast %add3A_304 : i32 to index
            %get3A_306 = tpu.vector_load %arg7[%get3A_305] {strides = array<i32>} : memref<102400xf32, #tpu.memory_space<vmem>>, vector<16xf32>,
            %mul3A_307 = arith.constant 16 : i32
            %mul3A_308 = arith.muli %scan3A_300, %mul3A_307 : i32
            %get3A_309 = arith.constant 2 : i32
            %get3A_310 = arith.index_cast %get3A_309 : i32 to index
            %get3A_311 = arith.index_cast %mul3A_308 : i32 to index
            %get3A_312 = tpu.vector_load %arg14[%get3A_310, %get3A_311] {strides = array<i32>} : memref<16x640xf32, #tpu.memory_space<vmem>>, vector<16xf32>,
            %mul3A_313 = vector.broadcast %squeeze3A_118 : f32 to vector<16xf32>
            %mul3A_314 = arith.mulf %mul3A_313, %get3A_312 : vector<16xf32>
            %add3A_315 = arith.addf %get3A_306, %mul3A_314 : vector<16xf32>
            %swap3A_316 = arith.index_cast %add3A_304 : i32 to index
            %swap3A_317 = tpu.vector_load %arg7[%swap3A_316] {strides = array<i32>} : memref<102400xf32, #tpu.memory_space<vmem>>, vector<16xf32>,
            tpu.vector_store %arg7[%swap3A_316], %add3A_315 {strides = array<i32>} : memref<102400xf32, #tpu.memory_space<vmem>>, vector<16xf32>,
            %scan3A_318 = arith.constant 0 : i32
            scf.yield %scan3A_318 : i32
          }
          %scan3A_129 = arith.constant 40 : i32
          %slice3A_130 = vector.extract_strided_slice %get3A_88 {offsets = [3], sizes = [1], strides = [1]} : vector<16xf32> to vector<1xf32>
          %squeeze3A_131 = vector.extract %slice3A_130[0] : f32 from vector<1xf32>
          %slice3A_132 = vector.extract_strided_slice %get3A_92 {offsets = [3], sizes = [1], strides = [1]} : vector<16xi32> to vector<1xi32>
          %squeeze3A_133 = vector.extract %slice3A_132[0] : i32 from vector<1xi32>
          %mul3A_134 = arith.constant 640 : i32
          %mul3A_135 = arith.muli %squeeze3A_133, %mul3A_134 : i32
          %scan3A_136 = arith.constant 0 : i32
          %scan3A_137 = arith.constant 0 : i32
          %scan3A_138 = arith.constant 40 : i32
          %scan3A_139 = arith.addi %scan3A_137, %scan3A_138 : i32
          %scan3A_140 = arith.constant 1 : i32
          %scan3A_141 = scf.for %scan3A_300 = %scan3A_137 to %scan3A_139 step %scan3A_140 iter_args(%scan3A_301 = %scan3A_136) -> (i32)  : i32 {
            %mul3A_302 = arith.constant 16 : i32
            %mul3A_303 = arith.muli %scan3A_300, %mul3A_302 : i32
            %add3A_304 = arith.addi %mul3A_135, %mul3A_303 : i32
            %get3A_305 = arith.index_cast %add3A_304 : i32 to index
            %get3A_306 = tpu.vector_load %arg7[%get3A_305] {strides = array<i32>} : memref<102400xf32, #tpu.memory_space<vmem>>, vector<16xf32>,
            %mul3A_307 = arith.constant 16 : i32
            %mul3A_308 = arith.muli %scan3A_300, %mul3A_307 : i32
            %get3A_309 = arith.constant 3 : i32
            %get3A_310 = arith.index_cast %get3A_309 : i32 to index
            %get3A_311 = arith.index_cast %mul3A_308 : i32 to index
            %get3A_312 = tpu.vector_load %arg14[%get3A_310, %get3A_311] {strides = array<i32>} : memref<16x640xf32, #tpu.memory_space<vmem>>, vector<16xf32>,
            %mul3A_313 = vector.broadcast %squeeze3A_131 : f32 to vector<16xf32>
            %mul3A_314 = arith.mulf %mul3A_313, %get3A_312 : vector<16xf32>
            %add3A_315 = arith.addf %get3A_306, %mul3A_314 : vector<16xf32>
            %swap3A_316 = arith.index_cast %add3A_304 : i32 to index
            %swap3A_317 = tpu.vector_load %arg7[%swap3A_316] {strides = array<i32>} : memref<102400xf32, #tpu.memory_space<vmem>>, vector<16xf32>,
            tpu.vector_store %arg7[%swap3A_316], %add3A_315 {strides = array<i32>} : memref<102400xf32, #tpu.memory_space<vmem>>, vector<16xf32>,
            %scan3A_318 = arith.constant 0 : i32
            scf.yield %scan3A_318 : i32
          }
          %scan3A_142 = arith.constant 40 : i32
          %slice3A_143 = vector.extract_strided_slice %get3A_88 {offsets = [4], sizes = [1], strides = [1]} : vector<16xf32> to vector<1xf32>
          %squeeze3A_144 = vector.extract %slice3A_143[0] : f32 from vector<1xf32>
          %slice3A_145 = vector.extract_strided_slice %get3A_92 {offsets = [4], sizes = [1], strides = [1]} : vector<16xi32> to vector<1xi32>
          %squeeze3A_146 = vector.extract %slice3A_145[0] : i32 from vector<1xi32>
          %mul3A_147 = arith.constant 640 : i32
          %mul3A_148 = arith.muli %squeeze3A_146, %mul3A_147 : i32
          %scan3A_149 = arith.constant 0 : i32
          %scan3A_150 = arith.constant 0 : i32
          %scan3A_151 = arith.constant 40 : i32
          %scan3A_152 = arith.addi %scan3A_150, %scan3A_151 : i32
          %scan3A_153 = arith.constant 1 : i32
          %scan3A_154 = scf.for %scan3A_300 = %scan3A_150 to %scan3A_152 step %scan3A_153 iter_args(%scan3A_301 = %scan3A_149) -> (i32)  : i32 {
            %mul3A_302 = arith.constant 16 : i32
            %mul3A_303 = arith.muli %scan3A_300, %mul3A_302 : i32
            %add3A_304 = arith.addi %mul3A_148, %mul3A_303 : i32
            %get3A_305 = arith.index_cast %add3A_304 : i32 to index
            %get3A_306 = tpu.vector_load %arg7[%get3A_305] {strides = array<i32>} : memref<102400xf32, #tpu.memory_space<vmem>>, vector<16xf32>,
            %mul3A_307 = arith.constant 16 : i32
            %mul3A_308 = arith.muli %scan3A_300, %mul3A_307 : i32
            %get3A_309 = arith.constant 4 : i32
            %get3A_310 = arith.index_cast %get3A_309 : i32 to index
            %get3A_311 = arith.index_cast %mul3A_308 : i32 to index
            %get3A_312 = tpu.vector_load %arg14[%get3A_310, %get3A_311] {strides = array<i32>} : memref<16x640xf32, #tpu.memory_space<vmem>>, vector<16xf32>,
            %mul3A_313 = vector.broadcast %squeeze3A_144 : f32 to vector<16xf32>
            %mul3A_314 = arith.mulf %mul3A_313, %get3A_312 : vector<16xf32>
            %add3A_315 = arith.addf %get3A_306, %mul3A_314 : vector<16xf32>
            %swap3A_316 = arith.index_cast %add3A_304 : i32 to index
            %swap3A_317 = tpu.vector_load %arg7[%swap3A_316] {strides = array<i32>} : memref<102400xf32, #tpu.memory_space<vmem>>, vector<16xf32>,
            tpu.vector_store %arg7[%swap3A_316], %add3A_315 {strides = array<i32>} : memref<102400xf32, #tpu.memory_space<vmem>>, vector<16xf32>,
            %scan3A_318 = arith.constant 0 : i32
            scf.yield %scan3A_318 : i32
          }
          %scan3A_155 = arith.constant 40 : i32
          %slice3A_156 = vector.extract_strided_slice %get3A_88 {offsets = [5], sizes = [1], strides = [1]} : vector<16xf32> to vector<1xf32>
          %squeeze3A_157 = vector.extract %slice3A_156[0] : f32 from vector<1xf32>
          %slice3A_158 = vector.extract_strided_slice %get3A_92 {offsets = [5], sizes = [1], strides = [1]} : vector<16xi32> to vector<1xi32>
          %squeeze3A_159 = vector.extract %slice3A_158[0] : i32 from vector<1xi32>
          %mul3A_160 = arith.constant 640 : i32
          %mul3A_161 = arith.muli %squeeze3A_159, %mul3A_160 : i32
          %scan3A_162 = arith.constant 0 : i32
          %scan3A_163 = arith.constant 0 : i32
          %scan3A_164 = arith.constant 40 : i32
          %scan3A_165 = arith.addi %scan3A_163, %scan3A_164 : i32
          %scan3A_166 = arith.constant 1 : i32
          %scan3A_167 = scf.for %scan3A_300 = %scan3A_163 to %scan3A_165 step %scan3A_166 iter_args(%scan3A_301 = %scan3A_162) -> (i32)  : i32 {
            %mul3A_302 = arith.constant 16 : i32
            %mul3A_303 = arith.muli %scan3A_300, %mul3A_302 : i32
            %add3A_304 = arith.addi %mul3A_161, %mul3A_303 : i32
            %get3A_305 = arith.index_cast %add3A_304 : i32 to index
            %get3A_306 = tpu.vector_load %arg7[%get3A_305] {strides = array<i32>} : memref<102400xf32, #tpu.memory_space<vmem>>, vector<16xf32>,
            %mul3A_307 = arith.constant 16 : i32
            %mul3A_308 = arith.muli %scan3A_300, %mul3A_307 : i32
            %get3A_309 = arith.constant 5 : i32
            %get3A_310 = arith.index_cast %get3A_309 : i32 to index
            %get3A_311 = arith.index_cast %mul3A_308 : i32 to index
            %get3A_312 = tpu.vector_load %arg14[%get3A_310, %get3A_311] {strides = array<i32>} : memref<16x640xf32, #tpu.memory_space<vmem>>, vector<16xf32>,
            %mul3A_313 = vector.broadcast %squeeze3A_157 : f32 to vector<16xf32>
            %mul3A_314 = arith.mulf %mul3A_313, %get3A_312 : vector<16xf32>
            %add3A_315 = arith.addf %get3A_306, %mul3A_314 : vector<16xf32>
            %swap3A_316 = arith.index_cast %add3A_304 : i32 to index
            %swap3A_317 = tpu.vector_load %arg7[%swap3A_316] {strides = array<i32>} : memref<102400xf32, #tpu.memory_space<vmem>>, vector<16xf32>,
            tpu.vector_store %arg7[%swap3A_316], %add3A_315 {strides = array<i32>} : memref<102400xf32, #tpu.memory_space<vmem>>, vector<16xf32>,
            %scan3A_318 = arith.constant 0 : i32
            scf.yield %scan3A_318 : i32
          }
          %scan3A_168 = arith.constant 40 : i32
          %slice3A_169 = vector.extract_strided_slice %get3A_88 {offsets = [6], sizes = [1], strides = [1]} : vector<16xf32> to vector<1xf32>
          %squeeze3A_170 = vector.extract %slice3A_169[0] : f32 from vector<1xf32>
          %slice3A_171 = vector.extract_strided_slice %get3A_92 {offsets = [6], sizes = [1], strides = [1]} : vector<16xi32> to vector<1xi32>
          %squeeze3A_172 = vector.extract %slice3A_171[0] : i32 from vector<1xi32>
          %mul3A_173 = arith.constant 640 : i32
          %mul3A_174 = arith.muli %squeeze3A_172, %mul3A_173 : i32
          %scan3A_175 = arith.constant 0 : i32
          %scan3A_176 = arith.constant 0 : i32
          %scan3A_177 = arith.constant 40 : i32
          %scan3A_178 = arith.addi %scan3A_176, %scan3A_177 : i32
          %scan3A_179 = arith.constant 1 : i32
          %scan3A_180 = scf.for %scan3A_300 = %scan3A_176 to %scan3A_178 step %scan3A_179 iter_args(%scan3A_301 = %scan3A_175) -> (i32)  : i32 {
            %mul3A_302 = arith.constant 16 : i32
            %mul3A_303 = arith.muli %scan3A_300, %mul3A_302 : i32
            %add3A_304 = arith.addi %mul3A_174, %mul3A_303 : i32
            %get3A_305 = arith.index_cast %add3A_304 : i32 to index
            %get3A_306 = tpu.vector_load %arg7[%get3A_305] {strides = array<i32>} : memref<102400xf32, #tpu.memory_space<vmem>>, vector<16xf32>,
            %mul3A_307 = arith.constant 16 : i32
            %mul3A_308 = arith.muli %scan3A_300, %mul3A_307 : i32
            %get3A_309 = arith.constant 6 : i32
            %get3A_310 = arith.index_cast %get3A_309 : i32 to index
            %get3A_311 = arith.index_cast %mul3A_308 : i32 to index
            %get3A_312 = tpu.vector_load %arg14[%get3A_310, %get3A_311] {strides = array<i32>} : memref<16x640xf32, #tpu.memory_space<vmem>>, vector<16xf32>,
            %mul3A_313 = vector.broadcast %squeeze3A_170 : f32 to vector<16xf32>
            %mul3A_314 = arith.mulf %mul3A_313, %get3A_312 : vector<16xf32>
            %add3A_315 = arith.addf %get3A_306, %mul3A_314 : vector<16xf32>
            %swap3A_316 = arith.index_cast %add3A_304 : i32 to index
            %swap3A_317 = tpu.vector_load %arg7[%swap3A_316] {strides = array<i32>} : memref<102400xf32, #tpu.memory_space<vmem>>, vector<16xf32>,
            tpu.vector_store %arg7[%swap3A_316], %add3A_315 {strides = array<i32>} : memref<102400xf32, #tpu.memory_space<vmem>>, vector<16xf32>,
            %scan3A_318 = arith.constant 0 : i32
            scf.yield %scan3A_318 : i32
          }
          %scan3A_181 = arith.constant 40 : i32
          %slice3A_182 = vector.extract_strided_slice %get3A_88 {offsets = [7], sizes = [1], strides = [1]} : vector<16xf32> to vector<1xf32>
          %squeeze3A_183 = vector.extract %slice3A_182[0] : f32 from vector<1xf32>
          %slice3A_184 = vector.extract_strided_slice %get3A_92 {offsets = [7], sizes = [1], strides = [1]} : vector<16xi32> to vector<1xi32>
          %squeeze3A_185 = vector.extract %slice3A_184[0] : i32 from vector<1xi32>
          %mul3A_186 = arith.constant 640 : i32
          %mul3A_187 = arith.muli %squeeze3A_185, %mul3A_186 : i32
          %scan3A_188 = arith.constant 0 : i32
          %scan3A_189 = arith.constant 0 : i32
          %scan3A_190 = arith.constant 40 : i32
          %scan3A_191 = arith.addi %scan3A_189, %scan3A_190 : i32
          %scan3A_192 = arith.constant 1 : i32
          %scan3A_193 = scf.for %scan3A_300 = %scan3A_189 to %scan3A_191 step %scan3A_192 iter_args(%scan3A_301 = %scan3A_188) -> (i32)  : i32 {
            %mul3A_302 = arith.constant 16 : i32
            %mul3A_303 = arith.muli %scan3A_300, %mul3A_302 : i32
            %add3A_304 = arith.addi %mul3A_187, %mul3A_303 : i32
            %get3A_305 = arith.index_cast %add3A_304 : i32 to index
            %get3A_306 = tpu.vector_load %arg7[%get3A_305] {strides = array<i32>} : memref<102400xf32, #tpu.memory_space<vmem>>, vector<16xf32>,
            %mul3A_307 = arith.constant 16 : i32
            %mul3A_308 = arith.muli %scan3A_300, %mul3A_307 : i32
            %get3A_309 = arith.constant 7 : i32
            %get3A_310 = arith.index_cast %get3A_309 : i32 to index
            %get3A_311 = arith.index_cast %mul3A_308 : i32 to index
            %get3A_312 = tpu.vector_load %arg14[%get3A_310, %get3A_311] {strides = array<i32>} : memref<16x640xf32, #tpu.memory_space<vmem>>, vector<16xf32>,
            %mul3A_313 = vector.broadcast %squeeze3A_183 : f32 to vector<16xf32>
            %mul3A_314 = arith.mulf %mul3A_313, %get3A_312 : vector<16xf32>
            %add3A_315 = arith.addf %get3A_306, %mul3A_314 : vector<16xf32>
            %swap3A_316 = arith.index_cast %add3A_304 : i32 to index
            %swap3A_317 = tpu.vector_load %arg7[%swap3A_316] {strides = array<i32>} : memref<102400xf32, #tpu.memory_space<vmem>>, vector<16xf32>,
            tpu.vector_store %arg7[%swap3A_316], %add3A_315 {strides = array<i32>} : memref<102400xf32, #tpu.memory_space<vmem>>, vector<16xf32>,
            %scan3A_318 = arith.constant 0 : i32
            scf.yield %scan3A_318 : i32
          }
          %scan3A_194 = arith.constant 40 : i32
          %slice3A_195 = vector.extract_strided_slice %get3A_88 {offsets = [8], sizes = [1], strides = [1]} : vector<16xf32> to vector<1xf32>
          %squeeze3A_196 = vector.extract %slice3A_195[0] : f32 from vector<1xf32>
          %slice3A_197 = vector.extract_strided_slice %get3A_92 {offsets = [8], sizes = [1], strides = [1]} : vector<16xi32> to vector<1xi32>
          %squeeze3A_198 = vector.extract %slice3A_197[0] : i32 from vector<1xi32>
          %mul3A_199 = arith.constant 640 : i32
          %mul3A_200 = arith.muli %squeeze3A_198, %mul3A_199 : i32
          %scan3A_201 = arith.constant 0 : i32
          %scan3A_202 = arith.constant 0 : i32
          %scan3A_203 = arith.constant 40 : i32
          %scan3A_204 = arith.addi %scan3A_202, %scan3A_203 : i32
          %scan3A_205 = arith.constant 1 : i32
          %scan3A_206 = scf.for %scan3A_300 = %scan3A_202 to %scan3A_204 step %scan3A_205 iter_args(%scan3A_301 = %scan3A_201) -> (i32)  : i32 {
            %mul3A_302 = arith.constant 16 : i32
            %mul3A_303 = arith.muli %scan3A_300, %mul3A_302 : i32
            %add3A_304 = arith.addi %mul3A_200, %mul3A_303 : i32
            %get3A_305 = arith.index_cast %add3A_304 : i32 to index
            %get3A_306 = tpu.vector_load %arg7[%get3A_305] {strides = array<i32>} : memref<102400xf32, #tpu.memory_space<vmem>>, vector<16xf32>,
            %mul3A_307 = arith.constant 16 : i32
            %mul3A_308 = arith.muli %scan3A_300, %mul3A_307 : i32
            %get3A_309 = arith.constant 8 : i32
            %get3A_310 = arith.index_cast %get3A_309 : i32 to index
            %get3A_311 = arith.index_cast %mul3A_308 : i32 to index
            %get3A_312 = tpu.vector_load %arg14[%get3A_310, %get3A_311] {strides = array<i32>} : memref<16x640xf32, #tpu.memory_space<vmem>>, vector<16xf32>,
            %mul3A_313 = vector.broadcast %squeeze3A_196 : f32 to vector<16xf32>
            %mul3A_314 = arith.mulf %mul3A_313, %get3A_312 : vector<16xf32>
            %add3A_315 = arith.addf %get3A_306, %mul3A_314 : vector<16xf32>
            %swap3A_316 = arith.index_cast %add3A_304 : i32 to index
            %swap3A_317 = tpu.vector_load %arg7[%swap3A_316] {strides = array<i32>} : memref<102400xf32, #tpu.memory_space<vmem>>, vector<16xf32>,
            tpu.vector_store %arg7[%swap3A_316], %add3A_315 {strides = array<i32>} : memref<102400xf32, #tpu.memory_space<vmem>>, vector<16xf32>,
            %scan3A_318 = arith.constant 0 : i32
            scf.yield %scan3A_318 : i32
          }
          %scan3A_207 = arith.constant 40 : i32
          %slice3A_208 = vector.extract_strided_slice %get3A_88 {offsets = [9], sizes = [1], strides = [1]} : vector<16xf32> to vector<1xf32>
          %squeeze3A_209 = vector.extract %slice3A_208[0] : f32 from vector<1xf32>
          %slice3A_210 = vector.extract_strided_slice %get3A_92 {offsets = [9], sizes = [1], strides = [1]} : vector<16xi32> to vector<1xi32>
          %squeeze3A_211 = vector.extract %slice3A_210[0] : i32 from vector<1xi32>
          %mul3A_212 = arith.constant 640 : i32
          %mul3A_213 = arith.muli %squeeze3A_211, %mul3A_212 : i32
          %scan3A_214 = arith.constant 0 : i32
          %scan3A_215 = arith.constant 0 : i32
          %scan3A_216 = arith.constant 40 : i32
          %scan3A_217 = arith.addi %scan3A_215, %scan3A_216 : i32
          %scan3A_218 = arith.constant 1 : i32
          %scan3A_219 = scf.for %scan3A_300 = %scan3A_215 to %scan3A_217 step %scan3A_218 iter_args(%scan3A_301 = %scan3A_214) -> (i32)  : i32 {
            %mul3A_302 = arith.constant 16 : i32
            %mul3A_303 = arith.muli %scan3A_300, %mul3A_302 : i32
            %add3A_304 = arith.addi %mul3A_213, %mul3A_303 : i32
            %get3A_305 = arith.index_cast %add3A_304 : i32 to index
            %get3A_306 = tpu.vector_load %arg7[%get3A_305] {strides = array<i32>} : memref<102400xf32, #tpu.memory_space<vmem>>, vector<16xf32>,
            %mul3A_307 = arith.constant 16 : i32
            %mul3A_308 = arith.muli %scan3A_300, %mul3A_307 : i32
            %get3A_309 = arith.constant 9 : i32
            %get3A_310 = arith.index_cast %get3A_309 : i32 to index
            %get3A_311 = arith.index_cast %mul3A_308 : i32 to index
            %get3A_312 = tpu.vector_load %arg14[%get3A_310, %get3A_311] {strides = array<i32>} : memref<16x640xf32, #tpu.memory_space<vmem>>, vector<16xf32>,
            %mul3A_313 = vector.broadcast %squeeze3A_209 : f32 to vector<16xf32>
            %mul3A_314 = arith.mulf %mul3A_313, %get3A_312 : vector<16xf32>
            %add3A_315 = arith.addf %get3A_306, %mul3A_314 : vector<16xf32>
            %swap3A_316 = arith.index_cast %add3A_304 : i32 to index
            %swap3A_317 = tpu.vector_load %arg7[%swap3A_316] {strides = array<i32>} : memref<102400xf32, #tpu.memory_space<vmem>>, vector<16xf32>,
            tpu.vector_store %arg7[%swap3A_316], %add3A_315 {strides = array<i32>} : memref<102400xf32, #tpu.memory_space<vmem>>, vector<16xf32>,
            %scan3A_318 = arith.constant 0 : i32
            scf.yield %scan3A_318 : i32
          }
          %scan3A_220 = arith.constant 40 : i32
          %slice3A_221 = vector.extract_strided_slice %get3A_88 {offsets = [10], sizes = [1], strides = [1]} : vector<16xf32> to vector<1xf32>
          %squeeze3A_222 = vector.extract %slice3A_221[0] : f32 from vector<1xf32>
          %slice3A_223 = vector.extract_strided_slice %get3A_92 {offsets = [10], sizes = [1], strides = [1]} : vector<16xi32> to vector<1xi32>
          %squeeze3A_224 = vector.extract %slice3A_223[0] : i32 from vector<1xi32>
          %mul3A_225 = arith.constant 640 : i32
          %mul3A_226 = arith.muli %squeeze3A_224, %mul3A_225 : i32
          %scan3A_227 = arith.constant 0 : i32
          %scan3A_228 = arith.constant 0 : i32
          %scan3A_229 = arith.constant 40 : i32
          %scan3A_230 = arith.addi %scan3A_228, %scan3A_229 : i32
          %scan3A_231 = arith.constant 1 : i32
          %scan3A_232 = scf.for %scan3A_300 = %scan3A_228 to %scan3A_230 step %scan3A_231 iter_args(%scan3A_301 = %scan3A_227) -> (i32)  : i32 {
            %mul3A_302 = arith.constant 16 : i32
            %mul3A_303 = arith.muli %scan3A_300, %mul3A_302 : i32
            %add3A_304 = arith.addi %mul3A_226, %mul3A_303 : i32
            %get3A_305 = arith.index_cast %add3A_304 : i32 to index
            %get3A_306 = tpu.vector_load %arg7[%get3A_305] {strides = array<i32>} : memref<102400xf32, #tpu.memory_space<vmem>>, vector<16xf32>,
            %mul3A_307 = arith.constant 16 : i32
            %mul3A_308 = arith.muli %scan3A_300, %mul3A_307 : i32
            %get3A_309 = arith.constant 10 : i32
            %get3A_310 = arith.index_cast %get3A_309 : i32 to index
            %get3A_311 = arith.index_cast %mul3A_308 : i32 to index
            %get3A_312 = tpu.vector_load %arg14[%get3A_310, %get3A_311] {strides = array<i32>} : memref<16x640xf32, #tpu.memory_space<vmem>>, vector<16xf32>,
            %mul3A_313 = vector.broadcast %squeeze3A_222 : f32 to vector<16xf32>
            %mul3A_314 = arith.mulf %mul3A_313, %get3A_312 : vector<16xf32>
            %add3A_315 = arith.addf %get3A_306, %mul3A_314 : vector<16xf32>
            %swap3A_316 = arith.index_cast %add3A_304 : i32 to index
            %swap3A_317 = tpu.vector_load %arg7[%swap3A_316] {strides = array<i32>} : memref<102400xf32, #tpu.memory_space<vmem>>, vector<16xf32>,
            tpu.vector_store %arg7[%swap3A_316], %add3A_315 {strides = array<i32>} : memref<102400xf32, #tpu.memory_space<vmem>>, vector<16xf32>,
            %scan3A_318 = arith.constant 0 : i32
            scf.yield %scan3A_318 : i32
          }
          %scan3A_233 = arith.constant 40 : i32
          %slice3A_234 = vector.extract_strided_slice %get3A_88 {offsets = [11], sizes = [1], strides = [1]} : vector<16xf32> to vector<1xf32>
          %squeeze3A_235 = vector.extract %slice3A_234[0] : f32 from vector<1xf32>
          %slice3A_236 = vector.extract_strided_slice %get3A_92 {offsets = [11], sizes = [1], strides = [1]} : vector<16xi32> to vector<1xi32>
          %squeeze3A_237 = vector.extract %slice3A_236[0] : i32 from vector<1xi32>
          %mul3A_238 = arith.constant 640 : i32
          %mul3A_239 = arith.muli %squeeze3A_237, %mul3A_238 : i32
          %scan3A_240 = arith.constant 0 : i32
          %scan3A_241 = arith.constant 0 : i32
          %scan3A_242 = arith.constant 40 : i32
          %scan3A_243 = arith.addi %scan3A_241, %scan3A_242 : i32
          %scan3A_244 = arith.constant 1 : i32
          %scan3A_245 = scf.for %scan3A_300 = %scan3A_241 to %scan3A_243 step %scan3A_244 iter_args(%scan3A_301 = %scan3A_240) -> (i32)  : i32 {
            %mul3A_302 = arith.constant 16 : i32
            %mul3A_303 = arith.muli %scan3A_300, %mul3A_302 : i32
            %add3A_304 = arith.addi %mul3A_239, %mul3A_303 : i32
            %get3A_305 = arith.index_cast %add3A_304 : i32 to index
            %get3A_306 = tpu.vector_load %arg7[%get3A_305] {strides = array<i32>} : memref<102400xf32, #tpu.memory_space<vmem>>, vector<16xf32>,
            %mul3A_307 = arith.constant 16 : i32
            %mul3A_308 = arith.muli %scan3A_300, %mul3A_307 : i32
            %get3A_309 = arith.constant 11 : i32
            %get3A_310 = arith.index_cast %get3A_309 : i32 to index
            %get3A_311 = arith.index_cast %mul3A_308 : i32 to index
            %get3A_312 = tpu.vector_load %arg14[%get3A_310, %get3A_311] {strides = array<i32>} : memref<16x640xf32, #tpu.memory_space<vmem>>, vector<16xf32>,
            %mul3A_313 = vector.broadcast %squeeze3A_235 : f32 to vector<16xf32>
            %mul3A_314 = arith.mulf %mul3A_313, %get3A_312 : vector<16xf32>
            %add3A_315 = arith.addf %get3A_306, %mul3A_314 : vector<16xf32>
            %swap3A_316 = arith.index_cast %add3A_304 : i32 to index
            %swap3A_317 = tpu.vector_load %arg7[%swap3A_316] {strides = array<i32>} : memref<102400xf32, #tpu.memory_space<vmem>>, vector<16xf32>,
            tpu.vector_store %arg7[%swap3A_316], %add3A_315 {strides = array<i32>} : memref<102400xf32, #tpu.memory_space<vmem>>, vector<16xf32>,
            %scan3A_318 = arith.constant 0 : i32
            scf.yield %scan3A_318 : i32
          }
          %scan3A_246 = arith.constant 40 : i32
          %slice3A_247 = vector.extract_strided_slice %get3A_88 {offsets = [12], sizes = [1], strides = [1]} : vector<16xf32> to vector<1xf32>
          %squeeze3A_248 = vector.extract %slice3A_247[0] : f32 from vector<1xf32>
          %slice3A_249 = vector.extract_strided_slice %get3A_92 {offsets = [12], sizes = [1], strides = [1]} : vector<16xi32> to vector<1xi32>
          %squeeze3A_250 = vector.extract %slice3A_249[0] : i32 from vector<1xi32>
          %mul3A_251 = arith.constant 640 : i32
          %mul3A_252 = arith.muli %squeeze3A_250, %mul3A_251 : i32
          %scan3A_253 = arith.constant 0 : i32
          %scan3A_254 = arith.constant 0 : i32
          %scan3A_255 = arith.constant 40 : i32
          %scan3A_256 = arith.addi %scan3A_254, %scan3A_255 : i32
          %scan3A_257 = arith.constant 1 : i32
          %scan3A_258 = scf.for %scan3A_300 = %scan3A_254 to %scan3A_256 step %scan3A_257 iter_args(%scan3A_301 = %scan3A_253) -> (i32)  : i32 {
            %mul3A_302 = arith.constant 16 : i32
            %mul3A_303 = arith.muli %scan3A_300, %mul3A_302 : i32
            %add3A_304 = arith.addi %mul3A_252, %mul3A_303 : i32
            %get3A_305 = arith.index_cast %add3A_304 : i32 to index
            %get3A_306 = tpu.vector_load %arg7[%get3A_305] {strides = array<i32>} : memref<102400xf32, #tpu.memory_space<vmem>>, vector<16xf32>,
            %mul3A_307 = arith.constant 16 : i32
            %mul3A_308 = arith.muli %scan3A_300, %mul3A_307 : i32
            %get3A_309 = arith.constant 12 : i32
            %get3A_310 = arith.index_cast %get3A_309 : i32 to index
            %get3A_311 = arith.index_cast %mul3A_308 : i32 to index
            %get3A_312 = tpu.vector_load %arg14[%get3A_310, %get3A_311] {strides = array<i32>} : memref<16x640xf32, #tpu.memory_space<vmem>>, vector<16xf32>,
            %mul3A_313 = vector.broadcast %squeeze3A_248 : f32 to vector<16xf32>
            %mul3A_314 = arith.mulf %mul3A_313, %get3A_312 : vector<16xf32>
            %add3A_315 = arith.addf %get3A_306, %mul3A_314 : vector<16xf32>
            %swap3A_316 = arith.index_cast %add3A_304 : i32 to index
            %swap3A_317 = tpu.vector_load %arg7[%swap3A_316] {strides = array<i32>} : memref<102400xf32, #tpu.memory_space<vmem>>, vector<16xf32>,
            tpu.vector_store %arg7[%swap3A_316], %add3A_315 {strides = array<i32>} : memref<102400xf32, #tpu.memory_space<vmem>>, vector<16xf32>,
            %scan3A_318 = arith.constant 0 : i32
            scf.yield %scan3A_318 : i32
          }
          %scan3A_259 = arith.constant 40 : i32
          %slice3A_260 = vector.extract_strided_slice %get3A_88 {offsets = [13], sizes = [1], strides = [1]} : vector<16xf32> to vector<1xf32>
          %squeeze3A_261 = vector.extract %slice3A_260[0] : f32 from vector<1xf32>
          %slice3A_262 = vector.extract_strided_slice %get3A_92 {offsets = [13], sizes = [1], strides = [1]} : vector<16xi32> to vector<1xi32>
          %squeeze3A_263 = vector.extract %slice3A_262[0] : i32 from vector<1xi32>
          %mul3A_264 = arith.constant 640 : i32
          %mul3A_265 = arith.muli %squeeze3A_263, %mul3A_264 : i32
          %scan3A_266 = arith.constant 0 : i32
          %scan3A_267 = arith.constant 0 : i32
          %scan3A_268 = arith.constant 40 : i32
          %scan3A_269 = arith.addi %scan3A_267, %scan3A_268 : i32
          %scan3A_270 = arith.constant 1 : i32
          %scan3A_271 = scf.for %scan3A_300 = %scan3A_267 to %scan3A_269 step %scan3A_270 iter_args(%scan3A_301 = %scan3A_266) -> (i32)  : i32 {
            %mul3A_302 = arith.constant 16 : i32
            %mul3A_303 = arith.muli %scan3A_300, %mul3A_302 : i32
            %add3A_304 = arith.addi %mul3A_265, %mul3A_303 : i32
            %get3A_305 = arith.index_cast %add3A_304 : i32 to index
            %get3A_306 = tpu.vector_load %arg7[%get3A_305] {strides = array<i32>} : memref<102400xf32, #tpu.memory_space<vmem>>, vector<16xf32>,
            %mul3A_307 = arith.constant 16 : i32
            %mul3A_308 = arith.muli %scan3A_300, %mul3A_307 : i32
            %get3A_309 = arith.constant 13 : i32
            %get3A_310 = arith.index_cast %get3A_309 : i32 to index
            %get3A_311 = arith.index_cast %mul3A_308 : i32 to index
            %get3A_312 = tpu.vector_load %arg14[%get3A_310, %get3A_311] {strides = array<i32>} : memref<16x640xf32, #tpu.memory_space<vmem>>, vector<16xf32>,
            %mul3A_313 = vector.broadcast %squeeze3A_261 : f32 to vector<16xf32>
            %mul3A_314 = arith.mulf %mul3A_313, %get3A_312 : vector<16xf32>
            %add3A_315 = arith.addf %get3A_306, %mul3A_314 : vector<16xf32>
            %swap3A_316 = arith.index_cast %add3A_304 : i32 to index
            %swap3A_317 = tpu.vector_load %arg7[%swap3A_316] {strides = array<i32>} : memref<102400xf32, #tpu.memory_space<vmem>>, vector<16xf32>,
            tpu.vector_store %arg7[%swap3A_316], %add3A_315 {strides = array<i32>} : memref<102400xf32, #tpu.memory_space<vmem>>, vector<16xf32>,
            %scan3A_318 = arith.constant 0 : i32
            scf.yield %scan3A_318 : i32
          }
          %scan3A_272 = arith.constant 40 : i32
          %slice3A_273 = vector.extract_strided_slice %get3A_88 {offsets = [14], sizes = [1], strides = [1]} : vector<16xf32> to vector<1xf32>
          %squeeze3A_274 = vector.extract %slice3A_273[0] : f32 from vector<1xf32>
          %slice3A_275 = vector.extract_strided_slice %get3A_92 {offsets = [14], sizes = [1], strides = [1]} : vector<16xi32> to vector<1xi32>
          %squeeze3A_276 = vector.extract %slice3A_275[0] : i32 from vector<1xi32>
          %mul3A_277 = arith.constant 640 : i32
          %mul3A_278 = arith.muli %squeeze3A_276, %mul3A_277 : i32
          %scan3A_279 = arith.constant 0 : i32
          %scan3A_280 = arith.constant 0 : i32
          %scan3A_281 = arith.constant 40 : i32
          %scan3A_282 = arith.addi %scan3A_280, %scan3A_281 : i32
          %scan3A_283 = arith.constant 1 : i32
          %scan3A_284 = scf.for %scan3A_300 = %scan3A_280 to %scan3A_282 step %scan3A_283 iter_args(%scan3A_301 = %scan3A_279) -> (i32)  : i32 {
            %mul3A_302 = arith.constant 16 : i32
            %mul3A_303 = arith.muli %scan3A_300, %mul3A_302 : i32
            %add3A_304 = arith.addi %mul3A_278, %mul3A_303 : i32
            %get3A_305 = arith.index_cast %add3A_304 : i32 to index
            %get3A_306 = tpu.vector_load %arg7[%get3A_305] {strides = array<i32>} : memref<102400xf32, #tpu.memory_space<vmem>>, vector<16xf32>,
            %mul3A_307 = arith.constant 16 : i32
            %mul3A_308 = arith.muli %scan3A_300, %mul3A_307 : i32
            %get3A_309 = arith.constant 14 : i32
            %get3A_310 = arith.index_cast %get3A_309 : i32 to index
            %get3A_311 = arith.index_cast %mul3A_308 : i32 to index
            %get3A_312 = tpu.vector_load %arg14[%get3A_310, %get3A_311] {strides = array<i32>} : memref<16x640xf32, #tpu.memory_space<vmem>>, vector<16xf32>,
            %mul3A_313 = vector.broadcast %squeeze3A_274 : f32 to vector<16xf32>
            %mul3A_314 = arith.mulf %mul3A_313, %get3A_312 : vector<16xf32>
            %add3A_315 = arith.addf %get3A_306, %mul3A_314 : vector<16xf32>
            %swap3A_316 = arith.index_cast %add3A_304 : i32 to index
            %swap3A_317 = tpu.vector_load %arg7[%swap3A_316] {strides = array<i32>} : memref<102400xf32, #tpu.memory_space<vmem>>, vector<16xf32>,
            tpu.vector_store %arg7[%swap3A_316], %add3A_315 {strides = array<i32>} : memref<102400xf32, #tpu.memory_space<vmem>>, vector<16xf32>,
            %scan3A_318 = arith.constant 0 : i32
            scf.yield %scan3A_318 : i32
          }
          %scan3A_285 = arith.constant 40 : i32
          %slice3A_286 = vector.extract_strided_slice %get3A_88 {offsets = [15], sizes = [1], strides = [1]} : vector<16xf32> to vector<1xf32>
          %squeeze3A_287 = vector.extract %slice3A_286[0] : f32 from vector<1xf32>
          %slice3A_288 = vector.extract_strided_slice %get3A_92 {offsets = [15], sizes = [1], strides = [1]} : vector<16xi32> to vector<1xi32>
          %squeeze3A_289 = vector.extract %slice3A_288[0] : i32 from vector<1xi32>
          %mul3A_290 = arith.constant 640 : i32
          %mul3A_291 = arith.muli %squeeze3A_289, %mul3A_290 : i32
          %scan3A_292 = arith.constant 0 : i32
          %scan3A_293 = arith.constant 0 : i32
          %scan3A_294 = arith.constant 40 : i32
          %scan3A_295 = arith.addi %scan3A_293, %scan3A_294 : i32
          %scan3A_296 = arith.constant 1 : i32
          %scan3A_297 = scf.for %scan3A_300 = %scan3A_293 to %scan3A_295 step %scan3A_296 iter_args(%scan3A_301 = %scan3A_292) -> (i32)  : i32 {
            %mul3A_302 = arith.constant 16 : i32
            %mul3A_303 = arith.muli %scan3A_300, %mul3A_302 : i32
            %add3A_304 = arith.addi %mul3A_291, %mul3A_303 : i32
            %get3A_305 = arith.index_cast %add3A_304 : i32 to index
            %get3A_306 = tpu.vector_load %arg7[%get3A_305] {strides = array<i32>} : memref<102400xf32, #tpu.memory_space<vmem>>, vector<16xf32>,
            %mul3A_307 = arith.constant 16 : i32
            %mul3A_308 = arith.muli %scan3A_300, %mul3A_307 : i32
            %get3A_309 = arith.constant 15 : i32
            %get3A_310 = arith.index_cast %get3A_309 : i32 to index
            %get3A_311 = arith.index_cast %mul3A_308 : i32 to index
            %get3A_312 = tpu.vector_load %arg14[%get3A_310, %get3A_311] {strides = array<i32>} : memref<16x640xf32, #tpu.memory_space<vmem>>, vector<16xf32>,
            %mul3A_313 = vector.broadcast %squeeze3A_287 : f32 to vector<16xf32>
            %mul3A_314 = arith.mulf %mul3A_313, %get3A_312 : vector<16xf32>
            %add3A_315 = arith.addf %get3A_306, %mul3A_314 : vector<16xf32>
            %swap3A_316 = arith.index_cast %add3A_304 : i32 to index
            %swap3A_317 = tpu.vector_load %arg7[%swap3A_316] {strides = array<i32>} : memref<102400xf32, #tpu.memory_space<vmem>>, vector<16xf32>,
            tpu.vector_store %arg7[%swap3A_316], %add3A_315 {strides = array<i32>} : memref<102400xf32, #tpu.memory_space<vmem>>, vector<16xf32>,
            %scan3A_318 = arith.constant 0 : i32
            scf.yield %scan3A_318 : i32
          }
          %scan3A_298 = arith.constant 40 : i32
          %while3A_299 = arith.constant 0 : i32
          scf.yield %while3A_299 : i32
        }
        %scan3A_79 = arith.constant 0 : i32
        scf.yield %scan3A_79 : i32
      }
      %scan3A_30 = arith.constant 64 : i32
      %mul3A_31 = arith.constant 640 : i32
      %mul3A_32 = arith.muli %add3A_16, %mul3A_31 : i32
      "tpu.region"() ({
        %run_scoped3A = tpu.sem_alloc : memref<!tpu.dma_semaphore, #tpu.memory_space<semaphore_mem>>
        %dma_start3A = tpu.memref_slice %arg6[%mul3A_32] : memref<6553600xf32, #tpu.memory_space<hbm>> -> memref<102400xf32, #tpu.memory_space<hbm>>
        %dma_start3A_34 = tpu.memref_slice %arg6[%mul3A_32] : memref<6553600xf32, #tpu.memory_space<hbm>> -> memref<102400xf32, #tpu.memory_space<hbm>>
        tpu.enqueue_dma source(%arg7 : memref<102400xf32, #tpu.memory_space<vmem>>) target(%dma_start3A_34 : memref<102400xf32, #tpu.memory_space<hbm>>) target_semaphore(%run_scoped3A : memref<!tpu.dma_semaphore, #tpu.memory_space<semaphore_mem>>)
        %dma_wait3A = tpu.memref_slice %arg6[%mul3A_32] : memref<6553600xf32, #tpu.memory_space<hbm>> -> memref<102400xf32, #tpu.memory_space<hbm>>
        %dma_wait3A_35 = tpu.memref_slice %arg6[%mul3A_32] : memref<6553600xf32, #tpu.memory_space<hbm>> -> memref<102400xf32, #tpu.memory_space<hbm>>
        tpu.wait_dma2 semaphore(%run_scoped3A : memref<!tpu.dma_semaphore, #tpu.memory_space<semaphore_mem>>) src(%arg7 : memref<102400xf32, #tpu.memory_space<vmem>>) dst(%dma_wait3A_35 : memref<102400xf32, #tpu.memory_space<hbm>>)
        tpu.yield
      }) : () -> ()
      %scan3A_33 = arith.constant 0 : i32
      scf.yield %scan3A_33 : i32
    }
    %scan3A_9 = arith.constant 2 : i32
    return
  }
}

#map = affine_map<(d0, d1) -> (0)>
module attributes {stable_mosaic.version = 14 : i64} {
  func.func @_norm_body(%arg0: i32, %arg1: i32, %arg2: memref<163840xi32, #tpu.memory_space<hbm>>, %arg3: memref<163840xi32, #tpu.memory_space<hbm>>, %arg4: memref<163840xf32, #tpu.memory_space<hbm>>, %arg5: memref<10240xf32, #tpu.memory_space<hbm>>, %arg6: memref<163840xf32, #tpu.memory_space<hbm>>, %arg7: memref<10240xf32, #tpu.memory_space<vmem>>, %arg8: memref<5120xi32, #tpu.memory_space<vmem>>, %arg9: memref<5120xi32, #tpu.memory_space<vmem>>, %arg10: memref<5120xf32, #tpu.memory_space<vmem>>, %arg11: memref<5120xf32, #tpu.memory_space<vmem>>) attributes {dimension_semantics = [#tpu.dimension_semantics<core_parallel>, #tpu.dimension_semantics<subcore_parallel>], iteration_bounds = array<i64: 2, 16>, scalar_prefetch = 0 : i64, scratch_operands = 5 : i64, tpu.core_type = #tpu.core_type<sc_vector_subcore>, window_params = [{transform_indices = #map}, {transform_indices = #map}, {transform_indices = #map}, {transform_indices = #map}, {transform_indices = #map}]} {
    %mul3A = arith.constant 16 : i32
    %mul3A_0 = arith.muli %arg0, %mul3A : i32
    %add3A = arith.addi %mul3A_0, %arg1 : i32
    "tpu.region"() ({
      %run_scoped3A = tpu.sem_alloc : memref<!tpu.dma_semaphore, #tpu.memory_space<semaphore_mem>>
      tpu.enqueue_dma source(%arg5 : memref<10240xf32, #tpu.memory_space<hbm>>) target(%arg7 : memref<10240xf32, #tpu.memory_space<vmem>>) target_semaphore(%run_scoped3A : memref<!tpu.dma_semaphore, #tpu.memory_space<semaphore_mem>>)
      tpu.wait_dma2 semaphore(%run_scoped3A : memref<!tpu.dma_semaphore, #tpu.memory_space<semaphore_mem>>) src(%arg5 : memref<10240xf32, #tpu.memory_space<hbm>>) dst(%arg7 : memref<10240xf32, #tpu.memory_space<vmem>>)
      tpu.yield
    }) : () -> ()
    %mul3A_1 = arith.constant 5120 : i32
    %mul3A_2 = arith.muli %add3A, %mul3A_1 : i32
    "tpu.region"() ({
      %run_scoped3A = tpu.sem_alloc : memref<!tpu.dma_semaphore, #tpu.memory_space<semaphore_mem>>
      %dma_start3A = tpu.memref_slice %arg2[%mul3A_2] : memref<163840xi32, #tpu.memory_space<hbm>> -> memref<5120xi32, #tpu.memory_space<hbm>>
      %dma_start3A_9 = tpu.memref_slice %arg2[%mul3A_2] : memref<163840xi32, #tpu.memory_space<hbm>> -> memref<5120xi32, #tpu.memory_space<hbm>>
      tpu.enqueue_dma source(%dma_start3A_9 : memref<5120xi32, #tpu.memory_space<hbm>>) target(%arg8 : memref<5120xi32, #tpu.memory_space<vmem>>) target_semaphore(%run_scoped3A : memref<!tpu.dma_semaphore, #tpu.memory_space<semaphore_mem>>)
      %dma_wait3A = tpu.memref_slice %arg2[%mul3A_2] : memref<163840xi32, #tpu.memory_space<hbm>> -> memref<5120xi32, #tpu.memory_space<hbm>>
      %dma_wait3A_10 = tpu.memref_slice %arg2[%mul3A_2] : memref<163840xi32, #tpu.memory_space<hbm>> -> memref<5120xi32, #tpu.memory_space<hbm>>
      tpu.wait_dma2 semaphore(%run_scoped3A : memref<!tpu.dma_semaphore, #tpu.memory_space<semaphore_mem>>) src(%dma_wait3A_10 : memref<5120xi32, #tpu.memory_space<hbm>>) dst(%arg8 : memref<5120xi32, #tpu.memory_space<vmem>>)
      tpu.yield
    }) : () -> ()
    "tpu.region"() ({
      %run_scoped3A = tpu.sem_alloc : memref<!tpu.dma_semaphore, #tpu.memory_space<semaphore_mem>>
      %dma_start3A = tpu.memref_slice %arg3[%mul3A_2] : memref<163840xi32, #tpu.memory_space<hbm>> -> memref<5120xi32, #tpu.memory_space<hbm>>
      %dma_start3A_9 = tpu.memref_slice %arg3[%mul3A_2] : memref<163840xi32, #tpu.memory_space<hbm>> -> memref<5120xi32, #tpu.memory_space<hbm>>
      tpu.enqueue_dma source(%dma_start3A_9 : memref<5120xi32, #tpu.memory_space<hbm>>) target(%arg9 : memref<5120xi32, #tpu.memory_space<vmem>>) target_semaphore(%run_scoped3A : memref<!tpu.dma_semaphore, #tpu.memory_space<semaphore_mem>>)
      %dma_wait3A = tpu.memref_slice %arg3[%mul3A_2] : memref<163840xi32, #tpu.memory_space<hbm>> -> memref<5120xi32, #tpu.memory_space<hbm>>
      %dma_wait3A_10 = tpu.memref_slice %arg3[%mul3A_2] : memref<163840xi32, #tpu.memory_space<hbm>> -> memref<5120xi32, #tpu.memory_space<hbm>>
      tpu.wait_dma2 semaphore(%run_scoped3A : memref<!tpu.dma_semaphore, #tpu.memory_space<semaphore_mem>>) src(%dma_wait3A_10 : memref<5120xi32, #tpu.memory_space<hbm>>) dst(%arg9 : memref<5120xi32, #tpu.memory_space<vmem>>)
      tpu.yield
    }) : () -> ()
    "tpu.region"() ({
      %run_scoped3A = tpu.sem_alloc : memref<!tpu.dma_semaphore, #tpu.memory_space<semaphore_mem>>
      %dma_start3A = tpu.memref_slice %arg4[%mul3A_2] : memref<163840xf32, #tpu.memory_space<hbm>> -> memref<5120xf32, #tpu.memory_space<hbm>>
      %dma_start3A_9 = tpu.memref_slice %arg4[%mul3A_2] : memref<163840xf32, #tpu.memory_space<hbm>> -> memref<5120xf32, #tpu.memory_space<hbm>>
      tpu.enqueue_dma source(%dma_start3A_9 : memref<5120xf32, #tpu.memory_space<hbm>>) target(%arg10 : memref<5120xf32, #tpu.memory_space<vmem>>) target_semaphore(%run_scoped3A : memref<!tpu.dma_semaphore, #tpu.memory_space<semaphore_mem>>)
      %dma_wait3A = tpu.memref_slice %arg4[%mul3A_2] : memref<163840xf32, #tpu.memory_space<hbm>> -> memref<5120xf32, #tpu.memory_space<hbm>>
      %dma_wait3A_10 = tpu.memref_slice %arg4[%mul3A_2] : memref<163840xf32, #tpu.memory_space<hbm>> -> memref<5120xf32, #tpu.memory_space<hbm>>
      tpu.wait_dma2 semaphore(%run_scoped3A : memref<!tpu.dma_semaphore, #tpu.memory_space<semaphore_mem>>) src(%dma_wait3A_10 : memref<5120xf32, #tpu.memory_space<hbm>>) dst(%arg10 : memref<5120xf32, #tpu.memory_space<vmem>>)
      tpu.yield
    }) : () -> ()
    %scan3A = arith.constant 0 : i32
    %scan3A_3 = arith.constant 0 : i32
    %scan3A_4 = arith.constant 320 : i32
    %scan3A_5 = arith.addi %scan3A_3, %scan3A_4 : i32
    %scan3A_6 = arith.constant 1 : i32
    %scan3A_7 = scf.for %scan3A_9 = %scan3A_3 to %scan3A_5 step %scan3A_6 iter_args(%scan3A_10 = %scan3A) -> (i32)  : i32 {
      %mul3A_11 = arith.constant 16 : i32
      %mul3A_12 = arith.muli %scan3A_9, %mul3A_11 : i32
      %get3A = arith.index_cast %mul3A_12 : i32 to index
      %get3A_13 = tpu.vector_load %arg8[%get3A] {strides = array<i32>} : memref<5120xi32, #tpu.memory_space<vmem>>, vector<16xi32>,
      %mul3A_14 = arith.constant 16 : i32
      %mul3A_15 = arith.muli %scan3A_9, %mul3A_14 : i32
      %get3A_16 = arith.index_cast %mul3A_15 : i32 to index
      %get3A_17 = tpu.vector_load %arg9[%get3A_16] {strides = array<i32>} : memref<5120xi32, #tpu.memory_space<vmem>>, vector<16xi32>,
      %gather3A = tpu.vector_load_idx %arg7[%get3A_13] : memref<10240xf32, #tpu.memory_space<vmem>>[vector<16xi32>], vector<16xf32>,
      %gather3A_18 = tpu.vector_load_idx %arg7[%get3A_17] : memref<10240xf32, #tpu.memory_space<vmem>>[vector<16xi32>], vector<16xf32>,
      %mul3A_19 = arith.constant 16 : i32
      %mul3A_20 = arith.muli %scan3A_9, %mul3A_19 : i32
      %get3A_21 = arith.index_cast %mul3A_20 : i32 to index
      %get3A_22 = tpu.vector_load %arg10[%get3A_21] {strides = array<i32>} : memref<5120xf32, #tpu.memory_space<vmem>>, vector<16xf32>,
      %mul3A_23 = arith.mulf %get3A_22, %gather3A : vector<16xf32>
      %mul3A_24 = arith.mulf %mul3A_23, %gather3A_18 : vector<16xf32>
      %mul3A_25 = arith.constant 16 : i32
      %mul3A_26 = arith.muli %scan3A_9, %mul3A_25 : i32
      %swap3A = arith.index_cast %mul3A_26 : i32 to index
      %swap3A_27 = tpu.vector_load %arg11[%swap3A] {strides = array<i32>} : memref<5120xf32, #tpu.memory_space<vmem>>, vector<16xf32>,
      tpu.vector_store %arg11[%swap3A], %mul3A_24 {strides = array<i32>} : memref<5120xf32, #tpu.memory_space<vmem>>, vector<16xf32>,
      %scan3A_28 = arith.constant 0 : i32
      scf.yield %scan3A_28 : i32
    }
    %scan3A_8 = arith.constant 320 : i32
    "tpu.region"() ({
      %run_scoped3A = tpu.sem_alloc : memref<!tpu.dma_semaphore, #tpu.memory_space<semaphore_mem>>
      %dma_start3A = tpu.memref_slice %arg6[%mul3A_2] : memref<163840xf32, #tpu.memory_space<hbm>> -> memref<5120xf32, #tpu.memory_space<hbm>>
      %dma_start3A_9 = tpu.memref_slice %arg6[%mul3A_2] : memref<163840xf32, #tpu.memory_space<hbm>> -> memref<5120xf32, #tpu.memory_space<hbm>>
      tpu.enqueue_dma source(%arg11 : memref<5120xf32, #tpu.memory_space<vmem>>) target(%dma_start3A_9 : memref<5120xf32, #tpu.memory_space<hbm>>) target_semaphore(%run_scoped3A : memref<!tpu.dma_semaphore, #tpu.memory_space<semaphore_mem>>)
      %dma_wait3A = tpu.memref_slice %arg6[%mul3A_2] : memref<163840xf32, #tpu.memory_space<hbm>> -> memref<5120xf32, #tpu.memory_space<hbm>>
      %dma_wait3A_10 = tpu.memref_slice %arg6[%mul3A_2] : memref<163840xf32, #tpu.memory_space<hbm>> -> memref<5120xf32, #tpu.memory_space<hbm>>
      tpu.wait_dma2 semaphore(%run_scoped3A : memref<!tpu.dma_semaphore, #tpu.memory_space<semaphore_mem>>) src(%arg11 : memref<5120xf32, #tpu.memory_space<vmem>>) dst(%dma_wait3A_10 : memref<5120xf32, #tpu.memory_space<hbm>>)
      tpu.yield
    }) : () -> ()
    return
  }
}

#map = affine_map<(d0, d1) -> (0)>
#map1 = affine_map<(d0, d1) -> (0, 0)>
module attributes {stable_mosaic.version = 14 : i64} {
  func.func @_spmm_body(%arg0: i32, %arg1: i32, %arg2: memref<163840xi32, #tpu.memory_space<hbm>>, %arg3: memref<163840xi32, #tpu.memory_space<hbm>>, %arg4: memref<163840xf32, #tpu.memory_space<hbm>>, %arg5: memref<10240x512xf32, #tpu.memory_space<hbm>>, %arg6: memref<5242880xf32, #tpu.memory_space<hbm>>, %arg7: memref<81920xf32, #tpu.memory_space<vmem>>, %arg8: memref<5120xi32, #tpu.memory_space<vmem>>, %arg9: memref<5120xi32, #tpu.memory_space<vmem>>, %arg10: memref<5120xf32, #tpu.memory_space<vmem>>, %arg11: memref<5248xi32, #tpu.memory_space<vmem>>, %arg12: memref<5248xi32, #tpu.memory_space<vmem>>, %arg13: memref<5248xf32, #tpu.memory_space<vmem>>, %arg14: memref<16x512xf32, #tpu.memory_space<vmem>>) attributes {dimension_semantics = [#tpu.dimension_semantics<core_parallel>, #tpu.dimension_semantics<subcore_parallel>], iteration_bounds = array<i64: 2, 16>, scalar_prefetch = 0 : i64, scratch_operands = 8 : i64, tpu.core_type = #tpu.core_type<sc_vector_subcore>, window_params = [{transform_indices = #map}, {transform_indices = #map}, {transform_indices = #map}, {transform_indices = #map1}, {transform_indices = #map}]} {
    %mul3A = arith.constant 16 : i32
    %mul3A_0 = arith.muli %arg0, %mul3A : i32
    %add3A = arith.addi %mul3A_0, %arg1 : i32
    %broadcast_in_dim3A = arith.constant 0.000000e+00 : f32
    %broadcast_in_dim3A_1 = vector.broadcast %broadcast_in_dim3A : f32 to vector<16xf32>
    %broadcast_in_dim3A_2 = arith.constant 0 : i32
    %broadcast_in_dim3A_3 = vector.broadcast %broadcast_in_dim3A_2 : i32 to vector<16xi32>
    %scan3A = arith.constant 0 : i32
    %scan3A_4 = arith.constant 0 : i32
    %scan3A_5 = arith.constant 2 : i32
    %scan3A_6 = arith.addi %scan3A_4, %scan3A_5 : i32
    %scan3A_7 = arith.constant 1 : i32
    %scan3A_8 = scf.for %scan3A_10 = %scan3A_4 to %scan3A_6 step %scan3A_7 iter_args(%scan3A_11 = %scan3A) -> (i32)  : i32 {
      %mul3A_12 = arith.constant 5120 : i32
      %mul3A_13 = arith.muli %scan3A_10, %mul3A_12 : i32
      %mul3A_14 = arith.constant 160 : i32
      %mul3A_15 = arith.muli %add3A, %mul3A_14 : i32
      %add3A_16 = arith.addi %mul3A_13, %mul3A_15 : i32
      %scan3A_17 = arith.constant 0 : i32
      %scan3A_18 = arith.constant 0 : i32
      %scan3A_19 = arith.constant 5120 : i32
      %scan3A_20 = arith.addi %scan3A_18, %scan3A_19 : i32
      %scan3A_21 = arith.constant 1 : i32
      %scan3A_22 = scf.for %scan3A_34 = %scan3A_18 to %scan3A_20 step %scan3A_21 iter_args(%scan3A_35 = %scan3A_17) -> (i32)  : i32 {
        %mul3A_36 = arith.constant 16 : i32
        %mul3A_37 = arith.muli %scan3A_34, %mul3A_36 : i32
        %swap3A = arith.index_cast %mul3A_37 : i32 to index
        %swap3A_38 = tpu.vector_load %arg7[%swap3A] {strides = array<i32>} : memref<81920xf32, #tpu.memory_space<vmem>>, vector<16xf32>,
        tpu.vector_store %arg7[%swap3A], %broadcast_in_dim3A_1 {strides = array<i32>} : memref<81920xf32, #tpu.memory_space<vmem>>, vector<16xf32>,
        %scan3A_39 = arith.constant 0 : i32
        scf.yield %scan3A_39 : i32
      }
      %scan3A_23 = arith.constant 5120 : i32
      %scan3A_24 = arith.constant 0 : i32
      %scan3A_25 = arith.constant 0 : i32
      %scan3A_26 = arith.constant 32 : i32
      %scan3A_27 = arith.addi %scan3A_25, %scan3A_26 : i32
      %scan3A_28 = arith.constant 1 : i32
      %scan3A_29 = scf.for %scan3A_34 = %scan3A_25 to %scan3A_27 step %scan3A_28 iter_args(%scan3A_35 = %scan3A_24) -> (i32)  : i32 {
        %mul3A_36 = arith.constant 5120 : i32
        %mul3A_37 = arith.muli %scan3A_34, %mul3A_36 : i32
        "tpu.region"() ({
          %run_scoped3A = tpu.sem_alloc : memref<!tpu.dma_semaphore, #tpu.memory_space<semaphore_mem>>
          %dma_start3A = tpu.memref_slice %arg2[%mul3A_37] : memref<163840xi32, #tpu.memory_space<hbm>> -> memref<5120xi32, #tpu.memory_space<hbm>>
          %dma_start3A_80 = tpu.memref_slice %arg2[%mul3A_37] : memref<163840xi32, #tpu.memory_space<hbm>> -> memref<5120xi32, #tpu.memory_space<hbm>>
          tpu.enqueue_dma source(%dma_start3A_80 : memref<5120xi32, #tpu.memory_space<hbm>>) target(%arg8 : memref<5120xi32, #tpu.memory_space<vmem>>) target_semaphore(%run_scoped3A : memref<!tpu.dma_semaphore, #tpu.memory_space<semaphore_mem>>)
          %dma_wait3A = tpu.memref_slice %arg2[%mul3A_37] : memref<163840xi32, #tpu.memory_space<hbm>> -> memref<5120xi32, #tpu.memory_space<hbm>>
          %dma_wait3A_81 = tpu.memref_slice %arg2[%mul3A_37] : memref<163840xi32, #tpu.memory_space<hbm>> -> memref<5120xi32, #tpu.memory_space<hbm>>
          tpu.wait_dma2 semaphore(%run_scoped3A : memref<!tpu.dma_semaphore, #tpu.memory_space<semaphore_mem>>) src(%dma_wait3A_81 : memref<5120xi32, #tpu.memory_space<hbm>>) dst(%arg8 : memref<5120xi32, #tpu.memory_space<vmem>>)
          tpu.yield
        }) : () -> ()
        "tpu.region"() ({
          %run_scoped3A = tpu.sem_alloc : memref<!tpu.dma_semaphore, #tpu.memory_space<semaphore_mem>>
          %dma_start3A = tpu.memref_slice %arg3[%mul3A_37] : memref<163840xi32, #tpu.memory_space<hbm>> -> memref<5120xi32, #tpu.memory_space<hbm>>
          %dma_start3A_80 = tpu.memref_slice %arg3[%mul3A_37] : memref<163840xi32, #tpu.memory_space<hbm>> -> memref<5120xi32, #tpu.memory_space<hbm>>
          tpu.enqueue_dma source(%dma_start3A_80 : memref<5120xi32, #tpu.memory_space<hbm>>) target(%arg9 : memref<5120xi32, #tpu.memory_space<vmem>>) target_semaphore(%run_scoped3A : memref<!tpu.dma_semaphore, #tpu.memory_space<semaphore_mem>>)
          %dma_wait3A = tpu.memref_slice %arg3[%mul3A_37] : memref<163840xi32, #tpu.memory_space<hbm>> -> memref<5120xi32, #tpu.memory_space<hbm>>
          %dma_wait3A_81 = tpu.memref_slice %arg3[%mul3A_37] : memref<163840xi32, #tpu.memory_space<hbm>> -> memref<5120xi32, #tpu.memory_space<hbm>>
          tpu.wait_dma2 semaphore(%run_scoped3A : memref<!tpu.dma_semaphore, #tpu.memory_space<semaphore_mem>>) src(%dma_wait3A_81 : memref<5120xi32, #tpu.memory_space<hbm>>) dst(%arg9 : memref<5120xi32, #tpu.memory_space<vmem>>)
          tpu.yield
        }) : () -> ()
        "tpu.region"() ({
          %run_scoped3A = tpu.sem_alloc : memref<!tpu.dma_semaphore, #tpu.memory_space<semaphore_mem>>
          %dma_start3A = tpu.memref_slice %arg4[%mul3A_37] : memref<163840xf32, #tpu.memory_space<hbm>> -> memref<5120xf32, #tpu.memory_space<hbm>>
          %dma_start3A_80 = tpu.memref_slice %arg4[%mul3A_37] : memref<163840xf32, #tpu.memory_space<hbm>> -> memref<5120xf32, #tpu.memory_space<hbm>>
          tpu.enqueue_dma source(%dma_start3A_80 : memref<5120xf32, #tpu.memory_space<hbm>>) target(%arg10 : memref<5120xf32, #tpu.memory_space<vmem>>) target_semaphore(%run_scoped3A : memref<!tpu.dma_semaphore, #tpu.memory_space<semaphore_mem>>)
          %dma_wait3A = tpu.memref_slice %arg4[%mul3A_37] : memref<163840xf32, #tpu.memory_space<hbm>> -> memref<5120xf32, #tpu.memory_space<hbm>>
          %dma_wait3A_81 = tpu.memref_slice %arg4[%mul3A_37] : memref<163840xf32, #tpu.memory_space<hbm>> -> memref<5120xf32, #tpu.memory_space<hbm>>
          tpu.wait_dma2 semaphore(%run_scoped3A : memref<!tpu.dma_semaphore, #tpu.memory_space<semaphore_mem>>) src(%dma_wait3A_81 : memref<5120xf32, #tpu.memory_space<hbm>>) dst(%arg10 : memref<5120xf32, #tpu.memory_space<vmem>>)
          tpu.yield
        }) : () -> ()
        %scan3A_38 = arith.constant 0 : i32
        %scan3A_39 = arith.constant 0 : i32
        %scan3A_40 = arith.constant 320 : i32
        %scan3A_41 = arith.addi %scan3A_39, %scan3A_40 : i32
        %scan3A_42 = arith.constant 1 : i32
        %scan3A_43 = scf.for %scan3A_80 = %scan3A_39 to %scan3A_41 step %scan3A_42 iter_args(%scan3A_81 = %scan3A_38) -> (i32)  : i32 {
          %mul3A_82 = arith.constant 16 : i32
          %mul3A_83 = arith.muli %scan3A_80, %mul3A_82 : i32
          %get3A = arith.index_cast %mul3A_83 : i32 to index
          %get3A_84 = tpu.vector_load %arg9[%get3A] {strides = array<i32>} : memref<5120xi32, #tpu.memory_space<vmem>>, vector<16xi32>,
          %ge3A = vector.broadcast %add3A_16 : i32 to vector<16xi32>
          %ge3A_85 = arith.cmpi sge, %get3A_84, %ge3A : vector<16xi32>
          %add3A_86 = arith.constant 160 : i32
          %add3A_87 = arith.addi %add3A_16, %add3A_86 : i32
          %lt3A = vector.broadcast %add3A_87 : i32 to vector<16xi32>
          %lt3A_88 = arith.cmpi slt, %get3A_84, %lt3A : vector<16xi32>
          %and3A_89 = arith.andi %ge3A_85, %lt3A_88 : vector<16xi1>
          %mul3A_90 = arith.constant 16 : i32
          %mul3A_91 = arith.muli %scan3A_80, %mul3A_90 : i32
          %get3A_92 = arith.index_cast %mul3A_91 : i32 to index
          %get3A_93 = tpu.vector_load %arg8[%get3A_92] {strides = array<i32>} : memref<5120xi32, #tpu.memory_space<vmem>>, vector<16xi32>,
          %swap3A_94 = arith.index_cast %scan3A_81 : i32 to index
          %swap3A_95 = tpu.vector_load %arg11[%swap3A_94] masked %and3A_89 {strides = array<i32>} : memref<5248xi32, #tpu.memory_space<vmem>>, vector<16xi32>, vector<16xi1>
          tpu.vector_store %arg11[%swap3A_94], %get3A_93 masked %and3A_89 {strides = array<i32>} : memref<5248xi32, #tpu.memory_space<vmem>>, vector<16xi32>, vector<16xi1>
          %sub3A_96 = vector.broadcast %add3A_16 : i32 to vector<16xi32>
          %sub3A_97 = arith.subi %get3A_84, %sub3A_96 : vector<16xi32>
          %swap3A_98 = arith.index_cast %scan3A_81 : i32 to index
          %swap3A_99 = tpu.vector_load %arg12[%swap3A_98] masked %and3A_89 {strides = array<i32>} : memref<5248xi32, #tpu.memory_space<vmem>>, vector<16xi32>, vector<16xi1>
          tpu.vector_store %arg12[%swap3A_98], %sub3A_97 masked %and3A_89 {strides = array<i32>} : memref<5248xi32, #tpu.memory_space<vmem>>, vector<16xi32>, vector<16xi1>
          %mul3A_100 = arith.constant 16 : i32
          %mul3A_101 = arith.muli %scan3A_80, %mul3A_100 : i32
          %get3A_102 = arith.index_cast %mul3A_101 : i32 to index
          %get3A_103 = tpu.vector_load %arg10[%get3A_102] {strides = array<i32>} : memref<5120xf32, #tpu.memory_space<vmem>>, vector<16xf32>,
          %swap3A_104 = arith.index_cast %scan3A_81 : i32 to index
          %swap3A_105 = tpu.vector_load %arg13[%swap3A_104] masked %and3A_89 {strides = array<i32>} : memref<5248xf32, #tpu.memory_space<vmem>>, vector<16xf32>, vector<16xi1>
          tpu.vector_store %arg13[%swap3A_104], %get3A_103 masked %and3A_89 {strides = array<i32>} : memref<5248xf32, #tpu.memory_space<vmem>>, vector<16xf32>, vector<16xi1>
          %convert_element_type3A = arith.extui %and3A_89 : vector<16xi1> to vector<16xi32>
          %reduce_sum3A = arith.constant true
          %reduce_sum3A_106 = vector.broadcast %reduce_sum3A : i1 to vector<16xi1>
          %reduce_sum3A_107 = tpu.scan <sum>, %convert_element_type3A masked %reduce_sum3A_106 : vector<16xi32>, vector<16xi1> -> vector<16xi32>
          %reduce_sum3A_108 = vector.extract %reduce_sum3A_107[15] : i32 from vector<16xi32>
          %add3A_109 = arith.addi %scan3A_81, %reduce_sum3A_108 : i32
          scf.yield %add3A_109 : i32
        }
        %scan3A_44 = arith.constant 320 : i32
        %swap3A = arith.index_cast %scan3A_43 : i32 to index
        %swap3A_45 = tpu.vector_load %arg11[%swap3A] {strides = array<i32>} : memref<5248xi32, #tpu.memory_space<vmem>>, vector<16xi32>,
        tpu.vector_store %arg11[%swap3A], %broadcast_in_dim3A_3 {strides = array<i32>} : memref<5248xi32, #tpu.memory_space<vmem>>, vector<16xi32>,
        %swap3A_46 = arith.index_cast %scan3A_43 : i32 to index
        %swap3A_47 = tpu.vector_load %arg12[%swap3A_46] {strides = array<i32>} : memref<5248xi32, #tpu.memory_space<vmem>>, vector<16xi32>,
        tpu.vector_store %arg12[%swap3A_46], %broadcast_in_dim3A_3 {strides = array<i32>} : memref<5248xi32, #tpu.memory_space<vmem>>, vector<16xi32>,
        %swap3A_48 = arith.index_cast %scan3A_43 : i32 to index
        %swap3A_49 = tpu.vector_load %arg13[%swap3A_48] {strides = array<i32>} : memref<5248xf32, #tpu.memory_space<vmem>>, vector<16xf32>,
        tpu.vector_store %arg13[%swap3A_48], %broadcast_in_dim3A_1 {strides = array<i32>} : memref<5248xf32, #tpu.memory_space<vmem>>, vector<16xf32>,
        %add3A_50 = arith.constant 15 : i32
        %add3A_51 = arith.addi %scan3A_43, %add3A_50 : i32
        %jit3A = arith.constant 16 : i32
        %div3A = arith.divsi %add3A_51, %jit3A : i32
        %sign3A = arith.constant 0 : i32
        %sign3A_52 = arith.cmpi sgt, %add3A_51, %sign3A : i32
        %sign3A_53 = arith.extui %sign3A_52 : i1 to i32
        %sign3A_54 = arith.constant 0 : i32
        %sign3A_55 = arith.cmpi slt, %add3A_51, %sign3A_54 : i32
        %sign3A_56 = arith.extui %sign3A_55 : i1 to i32
        %sign3A_57 = arith.subi %sign3A_53, %sign3A_56 : i32
        %sign3A_58 = arith.constant 0 : i32
        %sign3A_59 = arith.cmpi sgt, %jit3A, %sign3A_58 : i32
        %sign3A_60 = arith.extui %sign3A_59 : i1 to i32
        %sign3A_61 = arith.constant 0 : i32
        %sign3A_62 = arith.cmpi slt, %jit3A, %sign3A_61 : i32
        %sign3A_63 = arith.extui %sign3A_62 : i1 to i32
        %sign3A_64 = arith.subi %sign3A_60, %sign3A_63 : i32
        %ne3A = arith.cmpi ne, %sign3A_57, %sign3A_64 : i32
        %rem3A = arith.remsi %add3A_51, %jit3A : i32
        %ne3A_65 = arith.constant 0 : i32
        %ne3A_66 = arith.cmpi ne, %rem3A, %ne3A_65 : i32
        %and3A = arith.andi %ne3A, %ne3A_66 : i1
        %sub3A = arith.constant 1 : i32
        %sub3A_67 = arith.subi %div3A, %sub3A : i32
        %select_n3A = arith.select %and3A, %sub3A_67, %div3A : i32
        %while3A = arith.constant 0 : i32
        %while3A_68 = arith.constant 0 : i32
        %while3A_69 = arith.subi %select_n3A, %while3A : i32
        %while3A_70 = arith.addi %while3A, %while3A_69 : i32
        %while3A_71 = arith.constant 1 : i32
        %while3A_72 = arith.divsi %while3A_69, %while3A_71 : i32
        %while3A_73 = arith.muli %while3A_72, %while3A_71 : i32
        %while3A_74 = arith.addi %while3A, %while3A_73 : i32
        %while3A_75 = arith.constant 1 : i32
        %while3A_76 = scf.for %while3A_80 = %while3A to %while3A_74 step %while3A_75 iter_args(%while3A_81 = %while3A_68) -> (i32)  : i32 {
          %mul3A_82 = arith.constant 16 : i32
          %mul3A_83 = arith.muli %while3A_80, %mul3A_82 : i32
          %get3A = arith.index_cast %mul3A_83 : i32 to index
          %get3A_84 = tpu.vector_load %arg11[%get3A] {strides = array<i32>} : memref<5248xi32, #tpu.memory_space<vmem>>, vector<16xi32>,
          "tpu.region"() ({
            %run_scoped3A = tpu.sem_alloc : memref<!tpu.dma_semaphore, #tpu.memory_space<semaphore_mem>>
            %dma_start3A = arith.constant 0 : i32
            %dma_start3A_300 = arith.constant 0 : i32
            %dma_start3A_301 = tpu.memref_slice %arg5[%dma_start3A, %dma_start3A_300] : memref<10240x512xf32, #tpu.memory_space<hbm>> -> memref<10240x512xf32, #tpu.memory_space<hbm>>
            tpu.enqueue_indirect_dma source(%dma_start3A_301 : memref<10240x512xf32, #tpu.memory_space<hbm>>) target(%arg14 : memref<16x512xf32, #tpu.memory_space<vmem>>) offsets(%get3A_84 : vector<16xi32>) semaphore(%run_scoped3A : memref<!tpu.dma_semaphore, #tpu.memory_space<semaphore_mem>>)
            %dma_wait3A = arith.constant 0 : i32
            %dma_wait3A_302 = arith.constant 0 : i32
            %dma_wait3A_303 = tpu.memref_slice %arg5[%dma_wait3A, %dma_wait3A_302] : memref<10240x512xf32, #tpu.memory_space<hbm>> -> memref<10240x512xf32, #tpu.memory_space<hbm>>
            tpu.wait_indirect_dma semaphore(%run_scoped3A : memref<!tpu.dma_semaphore, #tpu.memory_space<semaphore_mem>>) src(%dma_wait3A_303 : memref<10240x512xf32, #tpu.memory_space<hbm>>) dst(%arg14 : memref<16x512xf32, #tpu.memory_space<vmem>>)
            tpu.yield
          }) : () -> ()
          %mul3A_85 = arith.constant 16 : i32
          %mul3A_86 = arith.muli %while3A_80, %mul3A_85 : i32
          %get3A_87 = arith.index_cast %mul3A_86 : i32 to index
          %get3A_88 = tpu.vector_load %arg13[%get3A_87] {strides = array<i32>} : memref<5248xf32, #tpu.memory_space<vmem>>, vector<16xf32>,
          %mul3A_89 = arith.constant 16 : i32
          %mul3A_90 = arith.muli %while3A_80, %mul3A_89 : i32
          %get3A_91 = arith.index_cast %mul3A_90 : i32 to index
          %get3A_92 = tpu.vector_load %arg12[%get3A_91] {strides = array<i32>} : memref<5248xi32, #tpu.memory_space<vmem>>, vector<16xi32>,
          %slice3A = vector.extract_strided_slice %get3A_88 {offsets = [0], sizes = [1], strides = [1]} : vector<16xf32> to vector<1xf32>
          %squeeze3A = vector.extract %slice3A[0] : f32 from vector<1xf32>
          %slice3A_93 = vector.extract_strided_slice %get3A_92 {offsets = [0], sizes = [1], strides = [1]} : vector<16xi32> to vector<1xi32>
          %squeeze3A_94 = vector.extract %slice3A_93[0] : i32 from vector<1xi32>
          %mul3A_95 = arith.constant 512 : i32
          %mul3A_96 = arith.muli %squeeze3A_94, %mul3A_95 : i32
          %scan3A_97 = arith.constant 0 : i32
          %scan3A_98 = arith.constant 0 : i32
          %scan3A_99 = arith.constant 32 : i32
          %scan3A_100 = arith.addi %scan3A_98, %scan3A_99 : i32
          %scan3A_101 = arith.constant 1 : i32
          %scan3A_102 = scf.for %scan3A_300 = %scan3A_98 to %scan3A_100 step %scan3A_101 iter_args(%scan3A_301 = %scan3A_97) -> (i32)  : i32 {
            %mul3A_302 = arith.constant 16 : i32
            %mul3A_303 = arith.muli %scan3A_300, %mul3A_302 : i32
            %add3A_304 = arith.addi %mul3A_96, %mul3A_303 : i32
            %get3A_305 = arith.index_cast %add3A_304 : i32 to index
            %get3A_306 = tpu.vector_load %arg7[%get3A_305] {strides = array<i32>} : memref<81920xf32, #tpu.memory_space<vmem>>, vector<16xf32>,
            %mul3A_307 = arith.constant 16 : i32
            %mul3A_308 = arith.muli %scan3A_300, %mul3A_307 : i32
            %get3A_309 = arith.constant 0 : i32
            %get3A_310 = arith.index_cast %get3A_309 : i32 to index
            %get3A_311 = arith.index_cast %mul3A_308 : i32 to index
            %get3A_312 = tpu.vector_load %arg14[%get3A_310, %get3A_311] {strides = array<i32>} : memref<16x512xf32, #tpu.memory_space<vmem>>, vector<16xf32>,
            %mul3A_313 = vector.broadcast %squeeze3A : f32 to vector<16xf32>
            %mul3A_314 = arith.mulf %mul3A_313, %get3A_312 : vector<16xf32>
            %add3A_315 = arith.addf %get3A_306, %mul3A_314 : vector<16xf32>
            %swap3A_316 = arith.index_cast %add3A_304 : i32 to index
            %swap3A_317 = tpu.vector_load %arg7[%swap3A_316] {strides = array<i32>} : memref<81920xf32, #tpu.memory_space<vmem>>, vector<16xf32>,
            tpu.vector_store %arg7[%swap3A_316], %add3A_315 {strides = array<i32>} : memref<81920xf32, #tpu.memory_space<vmem>>, vector<16xf32>,
            %scan3A_318 = arith.constant 0 : i32
            scf.yield %scan3A_318 : i32
          }
          %scan3A_103 = arith.constant 32 : i32
          %slice3A_104 = vector.extract_strided_slice %get3A_88 {offsets = [1], sizes = [1], strides = [1]} : vector<16xf32> to vector<1xf32>
          %squeeze3A_105 = vector.extract %slice3A_104[0] : f32 from vector<1xf32>
          %slice3A_106 = vector.extract_strided_slice %get3A_92 {offsets = [1], sizes = [1], strides = [1]} : vector<16xi32> to vector<1xi32>
          %squeeze3A_107 = vector.extract %slice3A_106[0] : i32 from vector<1xi32>
          %mul3A_108 = arith.constant 512 : i32
          %mul3A_109 = arith.muli %squeeze3A_107, %mul3A_108 : i32
          %scan3A_110 = arith.constant 0 : i32
          %scan3A_111 = arith.constant 0 : i32
          %scan3A_112 = arith.constant 32 : i32
          %scan3A_113 = arith.addi %scan3A_111, %scan3A_112 : i32
          %scan3A_114 = arith.constant 1 : i32
          %scan3A_115 = scf.for %scan3A_300 = %scan3A_111 to %scan3A_113 step %scan3A_114 iter_args(%scan3A_301 = %scan3A_110) -> (i32)  : i32 {
            %mul3A_302 = arith.constant 16 : i32
            %mul3A_303 = arith.muli %scan3A_300, %mul3A_302 : i32
            %add3A_304 = arith.addi %mul3A_109, %mul3A_303 : i32
            %get3A_305 = arith.index_cast %add3A_304 : i32 to index
            %get3A_306 = tpu.vector_load %arg7[%get3A_305] {strides = array<i32>} : memref<81920xf32, #tpu.memory_space<vmem>>, vector<16xf32>,
            %mul3A_307 = arith.constant 16 : i32
            %mul3A_308 = arith.muli %scan3A_300, %mul3A_307 : i32
            %get3A_309 = arith.constant 1 : i32
            %get3A_310 = arith.index_cast %get3A_309 : i32 to index
            %get3A_311 = arith.index_cast %mul3A_308 : i32 to index
            %get3A_312 = tpu.vector_load %arg14[%get3A_310, %get3A_311] {strides = array<i32>} : memref<16x512xf32, #tpu.memory_space<vmem>>, vector<16xf32>,
            %mul3A_313 = vector.broadcast %squeeze3A_105 : f32 to vector<16xf32>
            %mul3A_314 = arith.mulf %mul3A_313, %get3A_312 : vector<16xf32>
            %add3A_315 = arith.addf %get3A_306, %mul3A_314 : vector<16xf32>
            %swap3A_316 = arith.index_cast %add3A_304 : i32 to index
            %swap3A_317 = tpu.vector_load %arg7[%swap3A_316] {strides = array<i32>} : memref<81920xf32, #tpu.memory_space<vmem>>, vector<16xf32>,
            tpu.vector_store %arg7[%swap3A_316], %add3A_315 {strides = array<i32>} : memref<81920xf32, #tpu.memory_space<vmem>>, vector<16xf32>,
            %scan3A_318 = arith.constant 0 : i32
            scf.yield %scan3A_318 : i32
          }
          %scan3A_116 = arith.constant 32 : i32
          %slice3A_117 = vector.extract_strided_slice %get3A_88 {offsets = [2], sizes = [1], strides = [1]} : vector<16xf32> to vector<1xf32>
          %squeeze3A_118 = vector.extract %slice3A_117[0] : f32 from vector<1xf32>
          %slice3A_119 = vector.extract_strided_slice %get3A_92 {offsets = [2], sizes = [1], strides = [1]} : vector<16xi32> to vector<1xi32>
          %squeeze3A_120 = vector.extract %slice3A_119[0] : i32 from vector<1xi32>
          %mul3A_121 = arith.constant 512 : i32
          %mul3A_122 = arith.muli %squeeze3A_120, %mul3A_121 : i32
          %scan3A_123 = arith.constant 0 : i32
          %scan3A_124 = arith.constant 0 : i32
          %scan3A_125 = arith.constant 32 : i32
          %scan3A_126 = arith.addi %scan3A_124, %scan3A_125 : i32
          %scan3A_127 = arith.constant 1 : i32
          %scan3A_128 = scf.for %scan3A_300 = %scan3A_124 to %scan3A_126 step %scan3A_127 iter_args(%scan3A_301 = %scan3A_123) -> (i32)  : i32 {
            %mul3A_302 = arith.constant 16 : i32
            %mul3A_303 = arith.muli %scan3A_300, %mul3A_302 : i32
            %add3A_304 = arith.addi %mul3A_122, %mul3A_303 : i32
            %get3A_305 = arith.index_cast %add3A_304 : i32 to index
            %get3A_306 = tpu.vector_load %arg7[%get3A_305] {strides = array<i32>} : memref<81920xf32, #tpu.memory_space<vmem>>, vector<16xf32>,
            %mul3A_307 = arith.constant 16 : i32
            %mul3A_308 = arith.muli %scan3A_300, %mul3A_307 : i32
            %get3A_309 = arith.constant 2 : i32
            %get3A_310 = arith.index_cast %get3A_309 : i32 to index
            %get3A_311 = arith.index_cast %mul3A_308 : i32 to index
            %get3A_312 = tpu.vector_load %arg14[%get3A_310, %get3A_311] {strides = array<i32>} : memref<16x512xf32, #tpu.memory_space<vmem>>, vector<16xf32>,
            %mul3A_313 = vector.broadcast %squeeze3A_118 : f32 to vector<16xf32>
            %mul3A_314 = arith.mulf %mul3A_313, %get3A_312 : vector<16xf32>
            %add3A_315 = arith.addf %get3A_306, %mul3A_314 : vector<16xf32>
            %swap3A_316 = arith.index_cast %add3A_304 : i32 to index
            %swap3A_317 = tpu.vector_load %arg7[%swap3A_316] {strides = array<i32>} : memref<81920xf32, #tpu.memory_space<vmem>>, vector<16xf32>,
            tpu.vector_store %arg7[%swap3A_316], %add3A_315 {strides = array<i32>} : memref<81920xf32, #tpu.memory_space<vmem>>, vector<16xf32>,
            %scan3A_318 = arith.constant 0 : i32
            scf.yield %scan3A_318 : i32
          }
          %scan3A_129 = arith.constant 32 : i32
          %slice3A_130 = vector.extract_strided_slice %get3A_88 {offsets = [3], sizes = [1], strides = [1]} : vector<16xf32> to vector<1xf32>
          %squeeze3A_131 = vector.extract %slice3A_130[0] : f32 from vector<1xf32>
          %slice3A_132 = vector.extract_strided_slice %get3A_92 {offsets = [3], sizes = [1], strides = [1]} : vector<16xi32> to vector<1xi32>
          %squeeze3A_133 = vector.extract %slice3A_132[0] : i32 from vector<1xi32>
          %mul3A_134 = arith.constant 512 : i32
          %mul3A_135 = arith.muli %squeeze3A_133, %mul3A_134 : i32
          %scan3A_136 = arith.constant 0 : i32
          %scan3A_137 = arith.constant 0 : i32
          %scan3A_138 = arith.constant 32 : i32
          %scan3A_139 = arith.addi %scan3A_137, %scan3A_138 : i32
          %scan3A_140 = arith.constant 1 : i32
          %scan3A_141 = scf.for %scan3A_300 = %scan3A_137 to %scan3A_139 step %scan3A_140 iter_args(%scan3A_301 = %scan3A_136) -> (i32)  : i32 {
            %mul3A_302 = arith.constant 16 : i32
            %mul3A_303 = arith.muli %scan3A_300, %mul3A_302 : i32
            %add3A_304 = arith.addi %mul3A_135, %mul3A_303 : i32
            %get3A_305 = arith.index_cast %add3A_304 : i32 to index
            %get3A_306 = tpu.vector_load %arg7[%get3A_305] {strides = array<i32>} : memref<81920xf32, #tpu.memory_space<vmem>>, vector<16xf32>,
            %mul3A_307 = arith.constant 16 : i32
            %mul3A_308 = arith.muli %scan3A_300, %mul3A_307 : i32
            %get3A_309 = arith.constant 3 : i32
            %get3A_310 = arith.index_cast %get3A_309 : i32 to index
            %get3A_311 = arith.index_cast %mul3A_308 : i32 to index
            %get3A_312 = tpu.vector_load %arg14[%get3A_310, %get3A_311] {strides = array<i32>} : memref<16x512xf32, #tpu.memory_space<vmem>>, vector<16xf32>,
            %mul3A_313 = vector.broadcast %squeeze3A_131 : f32 to vector<16xf32>
            %mul3A_314 = arith.mulf %mul3A_313, %get3A_312 : vector<16xf32>
            %add3A_315 = arith.addf %get3A_306, %mul3A_314 : vector<16xf32>
            %swap3A_316 = arith.index_cast %add3A_304 : i32 to index
            %swap3A_317 = tpu.vector_load %arg7[%swap3A_316] {strides = array<i32>} : memref<81920xf32, #tpu.memory_space<vmem>>, vector<16xf32>,
            tpu.vector_store %arg7[%swap3A_316], %add3A_315 {strides = array<i32>} : memref<81920xf32, #tpu.memory_space<vmem>>, vector<16xf32>,
            %scan3A_318 = arith.constant 0 : i32
            scf.yield %scan3A_318 : i32
          }
          %scan3A_142 = arith.constant 32 : i32
          %slice3A_143 = vector.extract_strided_slice %get3A_88 {offsets = [4], sizes = [1], strides = [1]} : vector<16xf32> to vector<1xf32>
          %squeeze3A_144 = vector.extract %slice3A_143[0] : f32 from vector<1xf32>
          %slice3A_145 = vector.extract_strided_slice %get3A_92 {offsets = [4], sizes = [1], strides = [1]} : vector<16xi32> to vector<1xi32>
          %squeeze3A_146 = vector.extract %slice3A_145[0] : i32 from vector<1xi32>
          %mul3A_147 = arith.constant 512 : i32
          %mul3A_148 = arith.muli %squeeze3A_146, %mul3A_147 : i32
          %scan3A_149 = arith.constant 0 : i32
          %scan3A_150 = arith.constant 0 : i32
          %scan3A_151 = arith.constant 32 : i32
          %scan3A_152 = arith.addi %scan3A_150, %scan3A_151 : i32
          %scan3A_153 = arith.constant 1 : i32
          %scan3A_154 = scf.for %scan3A_300 = %scan3A_150 to %scan3A_152 step %scan3A_153 iter_args(%scan3A_301 = %scan3A_149) -> (i32)  : i32 {
            %mul3A_302 = arith.constant 16 : i32
            %mul3A_303 = arith.muli %scan3A_300, %mul3A_302 : i32
            %add3A_304 = arith.addi %mul3A_148, %mul3A_303 : i32
            %get3A_305 = arith.index_cast %add3A_304 : i32 to index
            %get3A_306 = tpu.vector_load %arg7[%get3A_305] {strides = array<i32>} : memref<81920xf32, #tpu.memory_space<vmem>>, vector<16xf32>,
            %mul3A_307 = arith.constant 16 : i32
            %mul3A_308 = arith.muli %scan3A_300, %mul3A_307 : i32
            %get3A_309 = arith.constant 4 : i32
            %get3A_310 = arith.index_cast %get3A_309 : i32 to index
            %get3A_311 = arith.index_cast %mul3A_308 : i32 to index
            %get3A_312 = tpu.vector_load %arg14[%get3A_310, %get3A_311] {strides = array<i32>} : memref<16x512xf32, #tpu.memory_space<vmem>>, vector<16xf32>,
            %mul3A_313 = vector.broadcast %squeeze3A_144 : f32 to vector<16xf32>
            %mul3A_314 = arith.mulf %mul3A_313, %get3A_312 : vector<16xf32>
            %add3A_315 = arith.addf %get3A_306, %mul3A_314 : vector<16xf32>
            %swap3A_316 = arith.index_cast %add3A_304 : i32 to index
            %swap3A_317 = tpu.vector_load %arg7[%swap3A_316] {strides = array<i32>} : memref<81920xf32, #tpu.memory_space<vmem>>, vector<16xf32>,
            tpu.vector_store %arg7[%swap3A_316], %add3A_315 {strides = array<i32>} : memref<81920xf32, #tpu.memory_space<vmem>>, vector<16xf32>,
            %scan3A_318 = arith.constant 0 : i32
            scf.yield %scan3A_318 : i32
          }
          %scan3A_155 = arith.constant 32 : i32
          %slice3A_156 = vector.extract_strided_slice %get3A_88 {offsets = [5], sizes = [1], strides = [1]} : vector<16xf32> to vector<1xf32>
          %squeeze3A_157 = vector.extract %slice3A_156[0] : f32 from vector<1xf32>
          %slice3A_158 = vector.extract_strided_slice %get3A_92 {offsets = [5], sizes = [1], strides = [1]} : vector<16xi32> to vector<1xi32>
          %squeeze3A_159 = vector.extract %slice3A_158[0] : i32 from vector<1xi32>
          %mul3A_160 = arith.constant 512 : i32
          %mul3A_161 = arith.muli %squeeze3A_159, %mul3A_160 : i32
          %scan3A_162 = arith.constant 0 : i32
          %scan3A_163 = arith.constant 0 : i32
          %scan3A_164 = arith.constant 32 : i32
          %scan3A_165 = arith.addi %scan3A_163, %scan3A_164 : i32
          %scan3A_166 = arith.constant 1 : i32
          %scan3A_167 = scf.for %scan3A_300 = %scan3A_163 to %scan3A_165 step %scan3A_166 iter_args(%scan3A_301 = %scan3A_162) -> (i32)  : i32 {
            %mul3A_302 = arith.constant 16 : i32
            %mul3A_303 = arith.muli %scan3A_300, %mul3A_302 : i32
            %add3A_304 = arith.addi %mul3A_161, %mul3A_303 : i32
            %get3A_305 = arith.index_cast %add3A_304 : i32 to index
            %get3A_306 = tpu.vector_load %arg7[%get3A_305] {strides = array<i32>} : memref<81920xf32, #tpu.memory_space<vmem>>, vector<16xf32>,
            %mul3A_307 = arith.constant 16 : i32
            %mul3A_308 = arith.muli %scan3A_300, %mul3A_307 : i32
            %get3A_309 = arith.constant 5 : i32
            %get3A_310 = arith.index_cast %get3A_309 : i32 to index
            %get3A_311 = arith.index_cast %mul3A_308 : i32 to index
            %get3A_312 = tpu.vector_load %arg14[%get3A_310, %get3A_311] {strides = array<i32>} : memref<16x512xf32, #tpu.memory_space<vmem>>, vector<16xf32>,
            %mul3A_313 = vector.broadcast %squeeze3A_157 : f32 to vector<16xf32>
            %mul3A_314 = arith.mulf %mul3A_313, %get3A_312 : vector<16xf32>
            %add3A_315 = arith.addf %get3A_306, %mul3A_314 : vector<16xf32>
            %swap3A_316 = arith.index_cast %add3A_304 : i32 to index
            %swap3A_317 = tpu.vector_load %arg7[%swap3A_316] {strides = array<i32>} : memref<81920xf32, #tpu.memory_space<vmem>>, vector<16xf32>,
            tpu.vector_store %arg7[%swap3A_316], %add3A_315 {strides = array<i32>} : memref<81920xf32, #tpu.memory_space<vmem>>, vector<16xf32>,
            %scan3A_318 = arith.constant 0 : i32
            scf.yield %scan3A_318 : i32
          }
          %scan3A_168 = arith.constant 32 : i32
          %slice3A_169 = vector.extract_strided_slice %get3A_88 {offsets = [6], sizes = [1], strides = [1]} : vector<16xf32> to vector<1xf32>
          %squeeze3A_170 = vector.extract %slice3A_169[0] : f32 from vector<1xf32>
          %slice3A_171 = vector.extract_strided_slice %get3A_92 {offsets = [6], sizes = [1], strides = [1]} : vector<16xi32> to vector<1xi32>
          %squeeze3A_172 = vector.extract %slice3A_171[0] : i32 from vector<1xi32>
          %mul3A_173 = arith.constant 512 : i32
          %mul3A_174 = arith.muli %squeeze3A_172, %mul3A_173 : i32
          %scan3A_175 = arith.constant 0 : i32
          %scan3A_176 = arith.constant 0 : i32
          %scan3A_177 = arith.constant 32 : i32
          %scan3A_178 = arith.addi %scan3A_176, %scan3A_177 : i32
          %scan3A_179 = arith.constant 1 : i32
          %scan3A_180 = scf.for %scan3A_300 = %scan3A_176 to %scan3A_178 step %scan3A_179 iter_args(%scan3A_301 = %scan3A_175) -> (i32)  : i32 {
            %mul3A_302 = arith.constant 16 : i32
            %mul3A_303 = arith.muli %scan3A_300, %mul3A_302 : i32
            %add3A_304 = arith.addi %mul3A_174, %mul3A_303 : i32
            %get3A_305 = arith.index_cast %add3A_304 : i32 to index
            %get3A_306 = tpu.vector_load %arg7[%get3A_305] {strides = array<i32>} : memref<81920xf32, #tpu.memory_space<vmem>>, vector<16xf32>,
            %mul3A_307 = arith.constant 16 : i32
            %mul3A_308 = arith.muli %scan3A_300, %mul3A_307 : i32
            %get3A_309 = arith.constant 6 : i32
            %get3A_310 = arith.index_cast %get3A_309 : i32 to index
            %get3A_311 = arith.index_cast %mul3A_308 : i32 to index
            %get3A_312 = tpu.vector_load %arg14[%get3A_310, %get3A_311] {strides = array<i32>} : memref<16x512xf32, #tpu.memory_space<vmem>>, vector<16xf32>,
            %mul3A_313 = vector.broadcast %squeeze3A_170 : f32 to vector<16xf32>
            %mul3A_314 = arith.mulf %mul3A_313, %get3A_312 : vector<16xf32>
            %add3A_315 = arith.addf %get3A_306, %mul3A_314 : vector<16xf32>
            %swap3A_316 = arith.index_cast %add3A_304 : i32 to index
            %swap3A_317 = tpu.vector_load %arg7[%swap3A_316] {strides = array<i32>} : memref<81920xf32, #tpu.memory_space<vmem>>, vector<16xf32>,
            tpu.vector_store %arg7[%swap3A_316], %add3A_315 {strides = array<i32>} : memref<81920xf32, #tpu.memory_space<vmem>>, vector<16xf32>,
            %scan3A_318 = arith.constant 0 : i32
            scf.yield %scan3A_318 : i32
          }
          %scan3A_181 = arith.constant 32 : i32
          %slice3A_182 = vector.extract_strided_slice %get3A_88 {offsets = [7], sizes = [1], strides = [1]} : vector<16xf32> to vector<1xf32>
          %squeeze3A_183 = vector.extract %slice3A_182[0] : f32 from vector<1xf32>
          %slice3A_184 = vector.extract_strided_slice %get3A_92 {offsets = [7], sizes = [1], strides = [1]} : vector<16xi32> to vector<1xi32>
          %squeeze3A_185 = vector.extract %slice3A_184[0] : i32 from vector<1xi32>
          %mul3A_186 = arith.constant 512 : i32
          %mul3A_187 = arith.muli %squeeze3A_185, %mul3A_186 : i32
          %scan3A_188 = arith.constant 0 : i32
          %scan3A_189 = arith.constant 0 : i32
          %scan3A_190 = arith.constant 32 : i32
          %scan3A_191 = arith.addi %scan3A_189, %scan3A_190 : i32
          %scan3A_192 = arith.constant 1 : i32
          %scan3A_193 = scf.for %scan3A_300 = %scan3A_189 to %scan3A_191 step %scan3A_192 iter_args(%scan3A_301 = %scan3A_188) -> (i32)  : i32 {
            %mul3A_302 = arith.constant 16 : i32
            %mul3A_303 = arith.muli %scan3A_300, %mul3A_302 : i32
            %add3A_304 = arith.addi %mul3A_187, %mul3A_303 : i32
            %get3A_305 = arith.index_cast %add3A_304 : i32 to index
            %get3A_306 = tpu.vector_load %arg7[%get3A_305] {strides = array<i32>} : memref<81920xf32, #tpu.memory_space<vmem>>, vector<16xf32>,
            %mul3A_307 = arith.constant 16 : i32
            %mul3A_308 = arith.muli %scan3A_300, %mul3A_307 : i32
            %get3A_309 = arith.constant 7 : i32
            %get3A_310 = arith.index_cast %get3A_309 : i32 to index
            %get3A_311 = arith.index_cast %mul3A_308 : i32 to index
            %get3A_312 = tpu.vector_load %arg14[%get3A_310, %get3A_311] {strides = array<i32>} : memref<16x512xf32, #tpu.memory_space<vmem>>, vector<16xf32>,
            %mul3A_313 = vector.broadcast %squeeze3A_183 : f32 to vector<16xf32>
            %mul3A_314 = arith.mulf %mul3A_313, %get3A_312 : vector<16xf32>
            %add3A_315 = arith.addf %get3A_306, %mul3A_314 : vector<16xf32>
            %swap3A_316 = arith.index_cast %add3A_304 : i32 to index
            %swap3A_317 = tpu.vector_load %arg7[%swap3A_316] {strides = array<i32>} : memref<81920xf32, #tpu.memory_space<vmem>>, vector<16xf32>,
            tpu.vector_store %arg7[%swap3A_316], %add3A_315 {strides = array<i32>} : memref<81920xf32, #tpu.memory_space<vmem>>, vector<16xf32>,
            %scan3A_318 = arith.constant 0 : i32
            scf.yield %scan3A_318 : i32
          }
          %scan3A_194 = arith.constant 32 : i32
          %slice3A_195 = vector.extract_strided_slice %get3A_88 {offsets = [8], sizes = [1], strides = [1]} : vector<16xf32> to vector<1xf32>
          %squeeze3A_196 = vector.extract %slice3A_195[0] : f32 from vector<1xf32>
          %slice3A_197 = vector.extract_strided_slice %get3A_92 {offsets = [8], sizes = [1], strides = [1]} : vector<16xi32> to vector<1xi32>
          %squeeze3A_198 = vector.extract %slice3A_197[0] : i32 from vector<1xi32>
          %mul3A_199 = arith.constant 512 : i32
          %mul3A_200 = arith.muli %squeeze3A_198, %mul3A_199 : i32
          %scan3A_201 = arith.constant 0 : i32
          %scan3A_202 = arith.constant 0 : i32
          %scan3A_203 = arith.constant 32 : i32
          %scan3A_204 = arith.addi %scan3A_202, %scan3A_203 : i32
          %scan3A_205 = arith.constant 1 : i32
          %scan3A_206 = scf.for %scan3A_300 = %scan3A_202 to %scan3A_204 step %scan3A_205 iter_args(%scan3A_301 = %scan3A_201) -> (i32)  : i32 {
            %mul3A_302 = arith.constant 16 : i32
            %mul3A_303 = arith.muli %scan3A_300, %mul3A_302 : i32
            %add3A_304 = arith.addi %mul3A_200, %mul3A_303 : i32
            %get3A_305 = arith.index_cast %add3A_304 : i32 to index
            %get3A_306 = tpu.vector_load %arg7[%get3A_305] {strides = array<i32>} : memref<81920xf32, #tpu.memory_space<vmem>>, vector<16xf32>,
            %mul3A_307 = arith.constant 16 : i32
            %mul3A_308 = arith.muli %scan3A_300, %mul3A_307 : i32
            %get3A_309 = arith.constant 8 : i32
            %get3A_310 = arith.index_cast %get3A_309 : i32 to index
            %get3A_311 = arith.index_cast %mul3A_308 : i32 to index
            %get3A_312 = tpu.vector_load %arg14[%get3A_310, %get3A_311] {strides = array<i32>} : memref<16x512xf32, #tpu.memory_space<vmem>>, vector<16xf32>,
            %mul3A_313 = vector.broadcast %squeeze3A_196 : f32 to vector<16xf32>
            %mul3A_314 = arith.mulf %mul3A_313, %get3A_312 : vector<16xf32>
            %add3A_315 = arith.addf %get3A_306, %mul3A_314 : vector<16xf32>
            %swap3A_316 = arith.index_cast %add3A_304 : i32 to index
            %swap3A_317 = tpu.vector_load %arg7[%swap3A_316] {strides = array<i32>} : memref<81920xf32, #tpu.memory_space<vmem>>, vector<16xf32>,
            tpu.vector_store %arg7[%swap3A_316], %add3A_315 {strides = array<i32>} : memref<81920xf32, #tpu.memory_space<vmem>>, vector<16xf32>,
            %scan3A_318 = arith.constant 0 : i32
            scf.yield %scan3A_318 : i32
          }
          %scan3A_207 = arith.constant 32 : i32
          %slice3A_208 = vector.extract_strided_slice %get3A_88 {offsets = [9], sizes = [1], strides = [1]} : vector<16xf32> to vector<1xf32>
          %squeeze3A_209 = vector.extract %slice3A_208[0] : f32 from vector<1xf32>
          %slice3A_210 = vector.extract_strided_slice %get3A_92 {offsets = [9], sizes = [1], strides = [1]} : vector<16xi32> to vector<1xi32>
          %squeeze3A_211 = vector.extract %slice3A_210[0] : i32 from vector<1xi32>
          %mul3A_212 = arith.constant 512 : i32
          %mul3A_213 = arith.muli %squeeze3A_211, %mul3A_212 : i32
          %scan3A_214 = arith.constant 0 : i32
          %scan3A_215 = arith.constant 0 : i32
          %scan3A_216 = arith.constant 32 : i32
          %scan3A_217 = arith.addi %scan3A_215, %scan3A_216 : i32
          %scan3A_218 = arith.constant 1 : i32
          %scan3A_219 = scf.for %scan3A_300 = %scan3A_215 to %scan3A_217 step %scan3A_218 iter_args(%scan3A_301 = %scan3A_214) -> (i32)  : i32 {
            %mul3A_302 = arith.constant 16 : i32
            %mul3A_303 = arith.muli %scan3A_300, %mul3A_302 : i32
            %add3A_304 = arith.addi %mul3A_213, %mul3A_303 : i32
            %get3A_305 = arith.index_cast %add3A_304 : i32 to index
            %get3A_306 = tpu.vector_load %arg7[%get3A_305] {strides = array<i32>} : memref<81920xf32, #tpu.memory_space<vmem>>, vector<16xf32>,
            %mul3A_307 = arith.constant 16 : i32
            %mul3A_308 = arith.muli %scan3A_300, %mul3A_307 : i32
            %get3A_309 = arith.constant 9 : i32
            %get3A_310 = arith.index_cast %get3A_309 : i32 to index
            %get3A_311 = arith.index_cast %mul3A_308 : i32 to index
            %get3A_312 = tpu.vector_load %arg14[%get3A_310, %get3A_311] {strides = array<i32>} : memref<16x512xf32, #tpu.memory_space<vmem>>, vector<16xf32>,
            %mul3A_313 = vector.broadcast %squeeze3A_209 : f32 to vector<16xf32>
            %mul3A_314 = arith.mulf %mul3A_313, %get3A_312 : vector<16xf32>
            %add3A_315 = arith.addf %get3A_306, %mul3A_314 : vector<16xf32>
            %swap3A_316 = arith.index_cast %add3A_304 : i32 to index
            %swap3A_317 = tpu.vector_load %arg7[%swap3A_316] {strides = array<i32>} : memref<81920xf32, #tpu.memory_space<vmem>>, vector<16xf32>,
            tpu.vector_store %arg7[%swap3A_316], %add3A_315 {strides = array<i32>} : memref<81920xf32, #tpu.memory_space<vmem>>, vector<16xf32>,
            %scan3A_318 = arith.constant 0 : i32
            scf.yield %scan3A_318 : i32
          }
          %scan3A_220 = arith.constant 32 : i32
          %slice3A_221 = vector.extract_strided_slice %get3A_88 {offsets = [10], sizes = [1], strides = [1]} : vector<16xf32> to vector<1xf32>
          %squeeze3A_222 = vector.extract %slice3A_221[0] : f32 from vector<1xf32>
          %slice3A_223 = vector.extract_strided_slice %get3A_92 {offsets = [10], sizes = [1], strides = [1]} : vector<16xi32> to vector<1xi32>
          %squeeze3A_224 = vector.extract %slice3A_223[0] : i32 from vector<1xi32>
          %mul3A_225 = arith.constant 512 : i32
          %mul3A_226 = arith.muli %squeeze3A_224, %mul3A_225 : i32
          %scan3A_227 = arith.constant 0 : i32
          %scan3A_228 = arith.constant 0 : i32
          %scan3A_229 = arith.constant 32 : i32
          %scan3A_230 = arith.addi %scan3A_228, %scan3A_229 : i32
          %scan3A_231 = arith.constant 1 : i32
          %scan3A_232 = scf.for %scan3A_300 = %scan3A_228 to %scan3A_230 step %scan3A_231 iter_args(%scan3A_301 = %scan3A_227) -> (i32)  : i32 {
            %mul3A_302 = arith.constant 16 : i32
            %mul3A_303 = arith.muli %scan3A_300, %mul3A_302 : i32
            %add3A_304 = arith.addi %mul3A_226, %mul3A_303 : i32
            %get3A_305 = arith.index_cast %add3A_304 : i32 to index
            %get3A_306 = tpu.vector_load %arg7[%get3A_305] {strides = array<i32>} : memref<81920xf32, #tpu.memory_space<vmem>>, vector<16xf32>,
            %mul3A_307 = arith.constant 16 : i32
            %mul3A_308 = arith.muli %scan3A_300, %mul3A_307 : i32
            %get3A_309 = arith.constant 10 : i32
            %get3A_310 = arith.index_cast %get3A_309 : i32 to index
            %get3A_311 = arith.index_cast %mul3A_308 : i32 to index
            %get3A_312 = tpu.vector_load %arg14[%get3A_310, %get3A_311] {strides = array<i32>} : memref<16x512xf32, #tpu.memory_space<vmem>>, vector<16xf32>,
            %mul3A_313 = vector.broadcast %squeeze3A_222 : f32 to vector<16xf32>
            %mul3A_314 = arith.mulf %mul3A_313, %get3A_312 : vector<16xf32>
            %add3A_315 = arith.addf %get3A_306, %mul3A_314 : vector<16xf32>
            %swap3A_316 = arith.index_cast %add3A_304 : i32 to index
            %swap3A_317 = tpu.vector_load %arg7[%swap3A_316] {strides = array<i32>} : memref<81920xf32, #tpu.memory_space<vmem>>, vector<16xf32>,
            tpu.vector_store %arg7[%swap3A_316], %add3A_315 {strides = array<i32>} : memref<81920xf32, #tpu.memory_space<vmem>>, vector<16xf32>,
            %scan3A_318 = arith.constant 0 : i32
            scf.yield %scan3A_318 : i32
          }
          %scan3A_233 = arith.constant 32 : i32
          %slice3A_234 = vector.extract_strided_slice %get3A_88 {offsets = [11], sizes = [1], strides = [1]} : vector<16xf32> to vector<1xf32>
          %squeeze3A_235 = vector.extract %slice3A_234[0] : f32 from vector<1xf32>
          %slice3A_236 = vector.extract_strided_slice %get3A_92 {offsets = [11], sizes = [1], strides = [1]} : vector<16xi32> to vector<1xi32>
          %squeeze3A_237 = vector.extract %slice3A_236[0] : i32 from vector<1xi32>
          %mul3A_238 = arith.constant 512 : i32
          %mul3A_239 = arith.muli %squeeze3A_237, %mul3A_238 : i32
          %scan3A_240 = arith.constant 0 : i32
          %scan3A_241 = arith.constant 0 : i32
          %scan3A_242 = arith.constant 32 : i32
          %scan3A_243 = arith.addi %scan3A_241, %scan3A_242 : i32
          %scan3A_244 = arith.constant 1 : i32
          %scan3A_245 = scf.for %scan3A_300 = %scan3A_241 to %scan3A_243 step %scan3A_244 iter_args(%scan3A_301 = %scan3A_240) -> (i32)  : i32 {
            %mul3A_302 = arith.constant 16 : i32
            %mul3A_303 = arith.muli %scan3A_300, %mul3A_302 : i32
            %add3A_304 = arith.addi %mul3A_239, %mul3A_303 : i32
            %get3A_305 = arith.index_cast %add3A_304 : i32 to index
            %get3A_306 = tpu.vector_load %arg7[%get3A_305] {strides = array<i32>} : memref<81920xf32, #tpu.memory_space<vmem>>, vector<16xf32>,
            %mul3A_307 = arith.constant 16 : i32
            %mul3A_308 = arith.muli %scan3A_300, %mul3A_307 : i32
            %get3A_309 = arith.constant 11 : i32
            %get3A_310 = arith.index_cast %get3A_309 : i32 to index
            %get3A_311 = arith.index_cast %mul3A_308 : i32 to index
            %get3A_312 = tpu.vector_load %arg14[%get3A_310, %get3A_311] {strides = array<i32>} : memref<16x512xf32, #tpu.memory_space<vmem>>, vector<16xf32>,
            %mul3A_313 = vector.broadcast %squeeze3A_235 : f32 to vector<16xf32>
            %mul3A_314 = arith.mulf %mul3A_313, %get3A_312 : vector<16xf32>
            %add3A_315 = arith.addf %get3A_306, %mul3A_314 : vector<16xf32>
            %swap3A_316 = arith.index_cast %add3A_304 : i32 to index
            %swap3A_317 = tpu.vector_load %arg7[%swap3A_316] {strides = array<i32>} : memref<81920xf32, #tpu.memory_space<vmem>>, vector<16xf32>,
            tpu.vector_store %arg7[%swap3A_316], %add3A_315 {strides = array<i32>} : memref<81920xf32, #tpu.memory_space<vmem>>, vector<16xf32>,
            %scan3A_318 = arith.constant 0 : i32
            scf.yield %scan3A_318 : i32
          }
          %scan3A_246 = arith.constant 32 : i32
          %slice3A_247 = vector.extract_strided_slice %get3A_88 {offsets = [12], sizes = [1], strides = [1]} : vector<16xf32> to vector<1xf32>
          %squeeze3A_248 = vector.extract %slice3A_247[0] : f32 from vector<1xf32>
          %slice3A_249 = vector.extract_strided_slice %get3A_92 {offsets = [12], sizes = [1], strides = [1]} : vector<16xi32> to vector<1xi32>
          %squeeze3A_250 = vector.extract %slice3A_249[0] : i32 from vector<1xi32>
          %mul3A_251 = arith.constant 512 : i32
          %mul3A_252 = arith.muli %squeeze3A_250, %mul3A_251 : i32
          %scan3A_253 = arith.constant 0 : i32
          %scan3A_254 = arith.constant 0 : i32
          %scan3A_255 = arith.constant 32 : i32
          %scan3A_256 = arith.addi %scan3A_254, %scan3A_255 : i32
          %scan3A_257 = arith.constant 1 : i32
          %scan3A_258 = scf.for %scan3A_300 = %scan3A_254 to %scan3A_256 step %scan3A_257 iter_args(%scan3A_301 = %scan3A_253) -> (i32)  : i32 {
            %mul3A_302 = arith.constant 16 : i32
            %mul3A_303 = arith.muli %scan3A_300, %mul3A_302 : i32
            %add3A_304 = arith.addi %mul3A_252, %mul3A_303 : i32
            %get3A_305 = arith.index_cast %add3A_304 : i32 to index
            %get3A_306 = tpu.vector_load %arg7[%get3A_305] {strides = array<i32>} : memref<81920xf32, #tpu.memory_space<vmem>>, vector<16xf32>,
            %mul3A_307 = arith.constant 16 : i32
            %mul3A_308 = arith.muli %scan3A_300, %mul3A_307 : i32
            %get3A_309 = arith.constant 12 : i32
            %get3A_310 = arith.index_cast %get3A_309 : i32 to index
            %get3A_311 = arith.index_cast %mul3A_308 : i32 to index
            %get3A_312 = tpu.vector_load %arg14[%get3A_310, %get3A_311] {strides = array<i32>} : memref<16x512xf32, #tpu.memory_space<vmem>>, vector<16xf32>,
            %mul3A_313 = vector.broadcast %squeeze3A_248 : f32 to vector<16xf32>
            %mul3A_314 = arith.mulf %mul3A_313, %get3A_312 : vector<16xf32>
            %add3A_315 = arith.addf %get3A_306, %mul3A_314 : vector<16xf32>
            %swap3A_316 = arith.index_cast %add3A_304 : i32 to index
            %swap3A_317 = tpu.vector_load %arg7[%swap3A_316] {strides = array<i32>} : memref<81920xf32, #tpu.memory_space<vmem>>, vector<16xf32>,
            tpu.vector_store %arg7[%swap3A_316], %add3A_315 {strides = array<i32>} : memref<81920xf32, #tpu.memory_space<vmem>>, vector<16xf32>,
            %scan3A_318 = arith.constant 0 : i32
            scf.yield %scan3A_318 : i32
          }
          %scan3A_259 = arith.constant 32 : i32
          %slice3A_260 = vector.extract_strided_slice %get3A_88 {offsets = [13], sizes = [1], strides = [1]} : vector<16xf32> to vector<1xf32>
          %squeeze3A_261 = vector.extract %slice3A_260[0] : f32 from vector<1xf32>
          %slice3A_262 = vector.extract_strided_slice %get3A_92 {offsets = [13], sizes = [1], strides = [1]} : vector<16xi32> to vector<1xi32>
          %squeeze3A_263 = vector.extract %slice3A_262[0] : i32 from vector<1xi32>
          %mul3A_264 = arith.constant 512 : i32
          %mul3A_265 = arith.muli %squeeze3A_263, %mul3A_264 : i32
          %scan3A_266 = arith.constant 0 : i32
          %scan3A_267 = arith.constant 0 : i32
          %scan3A_268 = arith.constant 32 : i32
          %scan3A_269 = arith.addi %scan3A_267, %scan3A_268 : i32
          %scan3A_270 = arith.constant 1 : i32
          %scan3A_271 = scf.for %scan3A_300 = %scan3A_267 to %scan3A_269 step %scan3A_270 iter_args(%scan3A_301 = %scan3A_266) -> (i32)  : i32 {
            %mul3A_302 = arith.constant 16 : i32
            %mul3A_303 = arith.muli %scan3A_300, %mul3A_302 : i32
            %add3A_304 = arith.addi %mul3A_265, %mul3A_303 : i32
            %get3A_305 = arith.index_cast %add3A_304 : i32 to index
            %get3A_306 = tpu.vector_load %arg7[%get3A_305] {strides = array<i32>} : memref<81920xf32, #tpu.memory_space<vmem>>, vector<16xf32>,
            %mul3A_307 = arith.constant 16 : i32
            %mul3A_308 = arith.muli %scan3A_300, %mul3A_307 : i32
            %get3A_309 = arith.constant 13 : i32
            %get3A_310 = arith.index_cast %get3A_309 : i32 to index
            %get3A_311 = arith.index_cast %mul3A_308 : i32 to index
            %get3A_312 = tpu.vector_load %arg14[%get3A_310, %get3A_311] {strides = array<i32>} : memref<16x512xf32, #tpu.memory_space<vmem>>, vector<16xf32>,
            %mul3A_313 = vector.broadcast %squeeze3A_261 : f32 to vector<16xf32>
            %mul3A_314 = arith.mulf %mul3A_313, %get3A_312 : vector<16xf32>
            %add3A_315 = arith.addf %get3A_306, %mul3A_314 : vector<16xf32>
            %swap3A_316 = arith.index_cast %add3A_304 : i32 to index
            %swap3A_317 = tpu.vector_load %arg7[%swap3A_316] {strides = array<i32>} : memref<81920xf32, #tpu.memory_space<vmem>>, vector<16xf32>,
            tpu.vector_store %arg7[%swap3A_316], %add3A_315 {strides = array<i32>} : memref<81920xf32, #tpu.memory_space<vmem>>, vector<16xf32>,
            %scan3A_318 = arith.constant 0 : i32
            scf.yield %scan3A_318 : i32
          }
          %scan3A_272 = arith.constant 32 : i32
          %slice3A_273 = vector.extract_strided_slice %get3A_88 {offsets = [14], sizes = [1], strides = [1]} : vector<16xf32> to vector<1xf32>
          %squeeze3A_274 = vector.extract %slice3A_273[0] : f32 from vector<1xf32>
          %slice3A_275 = vector.extract_strided_slice %get3A_92 {offsets = [14], sizes = [1], strides = [1]} : vector<16xi32> to vector<1xi32>
          %squeeze3A_276 = vector.extract %slice3A_275[0] : i32 from vector<1xi32>
          %mul3A_277 = arith.constant 512 : i32
          %mul3A_278 = arith.muli %squeeze3A_276, %mul3A_277 : i32
          %scan3A_279 = arith.constant 0 : i32
          %scan3A_280 = arith.constant 0 : i32
          %scan3A_281 = arith.constant 32 : i32
          %scan3A_282 = arith.addi %scan3A_280, %scan3A_281 : i32
          %scan3A_283 = arith.constant 1 : i32
          %scan3A_284 = scf.for %scan3A_300 = %scan3A_280 to %scan3A_282 step %scan3A_283 iter_args(%scan3A_301 = %scan3A_279) -> (i32)  : i32 {
            %mul3A_302 = arith.constant 16 : i32
            %mul3A_303 = arith.muli %scan3A_300, %mul3A_302 : i32
            %add3A_304 = arith.addi %mul3A_278, %mul3A_303 : i32
            %get3A_305 = arith.index_cast %add3A_304 : i32 to index
            %get3A_306 = tpu.vector_load %arg7[%get3A_305] {strides = array<i32>} : memref<81920xf32, #tpu.memory_space<vmem>>, vector<16xf32>,
            %mul3A_307 = arith.constant 16 : i32
            %mul3A_308 = arith.muli %scan3A_300, %mul3A_307 : i32
            %get3A_309 = arith.constant 14 : i32
            %get3A_310 = arith.index_cast %get3A_309 : i32 to index
            %get3A_311 = arith.index_cast %mul3A_308 : i32 to index
            %get3A_312 = tpu.vector_load %arg14[%get3A_310, %get3A_311] {strides = array<i32>} : memref<16x512xf32, #tpu.memory_space<vmem>>, vector<16xf32>,
            %mul3A_313 = vector.broadcast %squeeze3A_274 : f32 to vector<16xf32>
            %mul3A_314 = arith.mulf %mul3A_313, %get3A_312 : vector<16xf32>
            %add3A_315 = arith.addf %get3A_306, %mul3A_314 : vector<16xf32>
            %swap3A_316 = arith.index_cast %add3A_304 : i32 to index
            %swap3A_317 = tpu.vector_load %arg7[%swap3A_316] {strides = array<i32>} : memref<81920xf32, #tpu.memory_space<vmem>>, vector<16xf32>,
            tpu.vector_store %arg7[%swap3A_316], %add3A_315 {strides = array<i32>} : memref<81920xf32, #tpu.memory_space<vmem>>, vector<16xf32>,
            %scan3A_318 = arith.constant 0 : i32
            scf.yield %scan3A_318 : i32
          }
          %scan3A_285 = arith.constant 32 : i32
          %slice3A_286 = vector.extract_strided_slice %get3A_88 {offsets = [15], sizes = [1], strides = [1]} : vector<16xf32> to vector<1xf32>
          %squeeze3A_287 = vector.extract %slice3A_286[0] : f32 from vector<1xf32>
          %slice3A_288 = vector.extract_strided_slice %get3A_92 {offsets = [15], sizes = [1], strides = [1]} : vector<16xi32> to vector<1xi32>
          %squeeze3A_289 = vector.extract %slice3A_288[0] : i32 from vector<1xi32>
          %mul3A_290 = arith.constant 512 : i32
          %mul3A_291 = arith.muli %squeeze3A_289, %mul3A_290 : i32
          %scan3A_292 = arith.constant 0 : i32
          %scan3A_293 = arith.constant 0 : i32
          %scan3A_294 = arith.constant 32 : i32
          %scan3A_295 = arith.addi %scan3A_293, %scan3A_294 : i32
          %scan3A_296 = arith.constant 1 : i32
          %scan3A_297 = scf.for %scan3A_300 = %scan3A_293 to %scan3A_295 step %scan3A_296 iter_args(%scan3A_301 = %scan3A_292) -> (i32)  : i32 {
            %mul3A_302 = arith.constant 16 : i32
            %mul3A_303 = arith.muli %scan3A_300, %mul3A_302 : i32
            %add3A_304 = arith.addi %mul3A_291, %mul3A_303 : i32
            %get3A_305 = arith.index_cast %add3A_304 : i32 to index
            %get3A_306 = tpu.vector_load %arg7[%get3A_305] {strides = array<i32>} : memref<81920xf32, #tpu.memory_space<vmem>>, vector<16xf32>,
            %mul3A_307 = arith.constant 16 : i32
            %mul3A_308 = arith.muli %scan3A_300, %mul3A_307 : i32
            %get3A_309 = arith.constant 15 : i32
            %get3A_310 = arith.index_cast %get3A_309 : i32 to index
            %get3A_311 = arith.index_cast %mul3A_308 : i32 to index
            %get3A_312 = tpu.vector_load %arg14[%get3A_310, %get3A_311] {strides = array<i32>} : memref<16x512xf32, #tpu.memory_space<vmem>>, vector<16xf32>,
            %mul3A_313 = vector.broadcast %squeeze3A_287 : f32 to vector<16xf32>
            %mul3A_314 = arith.mulf %mul3A_313, %get3A_312 : vector<16xf32>
            %add3A_315 = arith.addf %get3A_306, %mul3A_314 : vector<16xf32>
            %swap3A_316 = arith.index_cast %add3A_304 : i32 to index
            %swap3A_317 = tpu.vector_load %arg7[%swap3A_316] {strides = array<i32>} : memref<81920xf32, #tpu.memory_space<vmem>>, vector<16xf32>,
            tpu.vector_store %arg7[%swap3A_316], %add3A_315 {strides = array<i32>} : memref<81920xf32, #tpu.memory_space<vmem>>, vector<16xf32>,
            %scan3A_318 = arith.constant 0 : i32
            scf.yield %scan3A_318 : i32
          }
          %scan3A_298 = arith.constant 32 : i32
          %while3A_299 = arith.constant 0 : i32
          scf.yield %while3A_299 : i32
        }
        %while3A_77 = arith.constant 1 : i32
        %while3A_78 = scf.for %while3A_80 = %while3A_74 to %while3A_70 step %while3A_77 iter_args(%while3A_81 = %while3A_76) -> (i32)  : i32 {
          %mul3A_82 = arith.constant 16 : i32
          %mul3A_83 = arith.muli %while3A_80, %mul3A_82 : i32
          %get3A = arith.index_cast %mul3A_83 : i32 to index
          %get3A_84 = tpu.vector_load %arg11[%get3A] {strides = array<i32>} : memref<5248xi32, #tpu.memory_space<vmem>>, vector<16xi32>,
          "tpu.region"() ({
            %run_scoped3A = tpu.sem_alloc : memref<!tpu.dma_semaphore, #tpu.memory_space<semaphore_mem>>
            %dma_start3A = arith.constant 0 : i32
            %dma_start3A_300 = arith.constant 0 : i32
            %dma_start3A_301 = tpu.memref_slice %arg5[%dma_start3A, %dma_start3A_300] : memref<10240x512xf32, #tpu.memory_space<hbm>> -> memref<10240x512xf32, #tpu.memory_space<hbm>>
            tpu.enqueue_indirect_dma source(%dma_start3A_301 : memref<10240x512xf32, #tpu.memory_space<hbm>>) target(%arg14 : memref<16x512xf32, #tpu.memory_space<vmem>>) offsets(%get3A_84 : vector<16xi32>) semaphore(%run_scoped3A : memref<!tpu.dma_semaphore, #tpu.memory_space<semaphore_mem>>)
            %dma_wait3A = arith.constant 0 : i32
            %dma_wait3A_302 = arith.constant 0 : i32
            %dma_wait3A_303 = tpu.memref_slice %arg5[%dma_wait3A, %dma_wait3A_302] : memref<10240x512xf32, #tpu.memory_space<hbm>> -> memref<10240x512xf32, #tpu.memory_space<hbm>>
            tpu.wait_indirect_dma semaphore(%run_scoped3A : memref<!tpu.dma_semaphore, #tpu.memory_space<semaphore_mem>>) src(%dma_wait3A_303 : memref<10240x512xf32, #tpu.memory_space<hbm>>) dst(%arg14 : memref<16x512xf32, #tpu.memory_space<vmem>>)
            tpu.yield
          }) : () -> ()
          %mul3A_85 = arith.constant 16 : i32
          %mul3A_86 = arith.muli %while3A_80, %mul3A_85 : i32
          %get3A_87 = arith.index_cast %mul3A_86 : i32 to index
          %get3A_88 = tpu.vector_load %arg13[%get3A_87] {strides = array<i32>} : memref<5248xf32, #tpu.memory_space<vmem>>, vector<16xf32>,
          %mul3A_89 = arith.constant 16 : i32
          %mul3A_90 = arith.muli %while3A_80, %mul3A_89 : i32
          %get3A_91 = arith.index_cast %mul3A_90 : i32 to index
          %get3A_92 = tpu.vector_load %arg12[%get3A_91] {strides = array<i32>} : memref<5248xi32, #tpu.memory_space<vmem>>, vector<16xi32>,
          %slice3A = vector.extract_strided_slice %get3A_88 {offsets = [0], sizes = [1], strides = [1]} : vector<16xf32> to vector<1xf32>
          %squeeze3A = vector.extract %slice3A[0] : f32 from vector<1xf32>
          %slice3A_93 = vector.extract_strided_slice %get3A_92 {offsets = [0], sizes = [1], strides = [1]} : vector<16xi32> to vector<1xi32>
          %squeeze3A_94 = vector.extract %slice3A_93[0] : i32 from vector<1xi32>
          %mul3A_95 = arith.constant 512 : i32
          %mul3A_96 = arith.muli %squeeze3A_94, %mul3A_95 : i32
          %scan3A_97 = arith.constant 0 : i32
          %scan3A_98 = arith.constant 0 : i32
          %scan3A_99 = arith.constant 32 : i32
          %scan3A_100 = arith.addi %scan3A_98, %scan3A_99 : i32
          %scan3A_101 = arith.constant 1 : i32
          %scan3A_102 = scf.for %scan3A_300 = %scan3A_98 to %scan3A_100 step %scan3A_101 iter_args(%scan3A_301 = %scan3A_97) -> (i32)  : i32 {
            %mul3A_302 = arith.constant 16 : i32
            %mul3A_303 = arith.muli %scan3A_300, %mul3A_302 : i32
            %add3A_304 = arith.addi %mul3A_96, %mul3A_303 : i32
            %get3A_305 = arith.index_cast %add3A_304 : i32 to index
            %get3A_306 = tpu.vector_load %arg7[%get3A_305] {strides = array<i32>} : memref<81920xf32, #tpu.memory_space<vmem>>, vector<16xf32>,
            %mul3A_307 = arith.constant 16 : i32
            %mul3A_308 = arith.muli %scan3A_300, %mul3A_307 : i32
            %get3A_309 = arith.constant 0 : i32
            %get3A_310 = arith.index_cast %get3A_309 : i32 to index
            %get3A_311 = arith.index_cast %mul3A_308 : i32 to index
            %get3A_312 = tpu.vector_load %arg14[%get3A_310, %get3A_311] {strides = array<i32>} : memref<16x512xf32, #tpu.memory_space<vmem>>, vector<16xf32>,
            %mul3A_313 = vector.broadcast %squeeze3A : f32 to vector<16xf32>
            %mul3A_314 = arith.mulf %mul3A_313, %get3A_312 : vector<16xf32>
            %add3A_315 = arith.addf %get3A_306, %mul3A_314 : vector<16xf32>
            %swap3A_316 = arith.index_cast %add3A_304 : i32 to index
            %swap3A_317 = tpu.vector_load %arg7[%swap3A_316] {strides = array<i32>} : memref<81920xf32, #tpu.memory_space<vmem>>, vector<16xf32>,
            tpu.vector_store %arg7[%swap3A_316], %add3A_315 {strides = array<i32>} : memref<81920xf32, #tpu.memory_space<vmem>>, vector<16xf32>,
            %scan3A_318 = arith.constant 0 : i32
            scf.yield %scan3A_318 : i32
          }
          %scan3A_103 = arith.constant 32 : i32
          %slice3A_104 = vector.extract_strided_slice %get3A_88 {offsets = [1], sizes = [1], strides = [1]} : vector<16xf32> to vector<1xf32>
          %squeeze3A_105 = vector.extract %slice3A_104[0] : f32 from vector<1xf32>
          %slice3A_106 = vector.extract_strided_slice %get3A_92 {offsets = [1], sizes = [1], strides = [1]} : vector<16xi32> to vector<1xi32>
          %squeeze3A_107 = vector.extract %slice3A_106[0] : i32 from vector<1xi32>
          %mul3A_108 = arith.constant 512 : i32
          %mul3A_109 = arith.muli %squeeze3A_107, %mul3A_108 : i32
          %scan3A_110 = arith.constant 0 : i32
          %scan3A_111 = arith.constant 0 : i32
          %scan3A_112 = arith.constant 32 : i32
          %scan3A_113 = arith.addi %scan3A_111, %scan3A_112 : i32
          %scan3A_114 = arith.constant 1 : i32
          %scan3A_115 = scf.for %scan3A_300 = %scan3A_111 to %scan3A_113 step %scan3A_114 iter_args(%scan3A_301 = %scan3A_110) -> (i32)  : i32 {
            %mul3A_302 = arith.constant 16 : i32
            %mul3A_303 = arith.muli %scan3A_300, %mul3A_302 : i32
            %add3A_304 = arith.addi %mul3A_109, %mul3A_303 : i32
            %get3A_305 = arith.index_cast %add3A_304 : i32 to index
            %get3A_306 = tpu.vector_load %arg7[%get3A_305] {strides = array<i32>} : memref<81920xf32, #tpu.memory_space<vmem>>, vector<16xf32>,
            %mul3A_307 = arith.constant 16 : i32
            %mul3A_308 = arith.muli %scan3A_300, %mul3A_307 : i32
            %get3A_309 = arith.constant 1 : i32
            %get3A_310 = arith.index_cast %get3A_309 : i32 to index
            %get3A_311 = arith.index_cast %mul3A_308 : i32 to index
            %get3A_312 = tpu.vector_load %arg14[%get3A_310, %get3A_311] {strides = array<i32>} : memref<16x512xf32, #tpu.memory_space<vmem>>, vector<16xf32>,
            %mul3A_313 = vector.broadcast %squeeze3A_105 : f32 to vector<16xf32>
            %mul3A_314 = arith.mulf %mul3A_313, %get3A_312 : vector<16xf32>
            %add3A_315 = arith.addf %get3A_306, %mul3A_314 : vector<16xf32>
            %swap3A_316 = arith.index_cast %add3A_304 : i32 to index
            %swap3A_317 = tpu.vector_load %arg7[%swap3A_316] {strides = array<i32>} : memref<81920xf32, #tpu.memory_space<vmem>>, vector<16xf32>,
            tpu.vector_store %arg7[%swap3A_316], %add3A_315 {strides = array<i32>} : memref<81920xf32, #tpu.memory_space<vmem>>, vector<16xf32>,
            %scan3A_318 = arith.constant 0 : i32
            scf.yield %scan3A_318 : i32
          }
          %scan3A_116 = arith.constant 32 : i32
          %slice3A_117 = vector.extract_strided_slice %get3A_88 {offsets = [2], sizes = [1], strides = [1]} : vector<16xf32> to vector<1xf32>
          %squeeze3A_118 = vector.extract %slice3A_117[0] : f32 from vector<1xf32>
          %slice3A_119 = vector.extract_strided_slice %get3A_92 {offsets = [2], sizes = [1], strides = [1]} : vector<16xi32> to vector<1xi32>
          %squeeze3A_120 = vector.extract %slice3A_119[0] : i32 from vector<1xi32>
          %mul3A_121 = arith.constant 512 : i32
          %mul3A_122 = arith.muli %squeeze3A_120, %mul3A_121 : i32
          %scan3A_123 = arith.constant 0 : i32
          %scan3A_124 = arith.constant 0 : i32
          %scan3A_125 = arith.constant 32 : i32
          %scan3A_126 = arith.addi %scan3A_124, %scan3A_125 : i32
          %scan3A_127 = arith.constant 1 : i32
          %scan3A_128 = scf.for %scan3A_300 = %scan3A_124 to %scan3A_126 step %scan3A_127 iter_args(%scan3A_301 = %scan3A_123) -> (i32)  : i32 {
            %mul3A_302 = arith.constant 16 : i32
            %mul3A_303 = arith.muli %scan3A_300, %mul3A_302 : i32
            %add3A_304 = arith.addi %mul3A_122, %mul3A_303 : i32
            %get3A_305 = arith.index_cast %add3A_304 : i32 to index
            %get3A_306 = tpu.vector_load %arg7[%get3A_305] {strides = array<i32>} : memref<81920xf32, #tpu.memory_space<vmem>>, vector<16xf32>,
            %mul3A_307 = arith.constant 16 : i32
            %mul3A_308 = arith.muli %scan3A_300, %mul3A_307 : i32
            %get3A_309 = arith.constant 2 : i32
            %get3A_310 = arith.index_cast %get3A_309 : i32 to index
            %get3A_311 = arith.index_cast %mul3A_308 : i32 to index
            %get3A_312 = tpu.vector_load %arg14[%get3A_310, %get3A_311] {strides = array<i32>} : memref<16x512xf32, #tpu.memory_space<vmem>>, vector<16xf32>,
            %mul3A_313 = vector.broadcast %squeeze3A_118 : f32 to vector<16xf32>
            %mul3A_314 = arith.mulf %mul3A_313, %get3A_312 : vector<16xf32>
            %add3A_315 = arith.addf %get3A_306, %mul3A_314 : vector<16xf32>
            %swap3A_316 = arith.index_cast %add3A_304 : i32 to index
            %swap3A_317 = tpu.vector_load %arg7[%swap3A_316] {strides = array<i32>} : memref<81920xf32, #tpu.memory_space<vmem>>, vector<16xf32>,
            tpu.vector_store %arg7[%swap3A_316], %add3A_315 {strides = array<i32>} : memref<81920xf32, #tpu.memory_space<vmem>>, vector<16xf32>,
            %scan3A_318 = arith.constant 0 : i32
            scf.yield %scan3A_318 : i32
          }
          %scan3A_129 = arith.constant 32 : i32
          %slice3A_130 = vector.extract_strided_slice %get3A_88 {offsets = [3], sizes = [1], strides = [1]} : vector<16xf32> to vector<1xf32>
          %squeeze3A_131 = vector.extract %slice3A_130[0] : f32 from vector<1xf32>
          %slice3A_132 = vector.extract_strided_slice %get3A_92 {offsets = [3], sizes = [1], strides = [1]} : vector<16xi32> to vector<1xi32>
          %squeeze3A_133 = vector.extract %slice3A_132[0] : i32 from vector<1xi32>
          %mul3A_134 = arith.constant 512 : i32
          %mul3A_135 = arith.muli %squeeze3A_133, %mul3A_134 : i32
          %scan3A_136 = arith.constant 0 : i32
          %scan3A_137 = arith.constant 0 : i32
          %scan3A_138 = arith.constant 32 : i32
          %scan3A_139 = arith.addi %scan3A_137, %scan3A_138 : i32
          %scan3A_140 = arith.constant 1 : i32
          %scan3A_141 = scf.for %scan3A_300 = %scan3A_137 to %scan3A_139 step %scan3A_140 iter_args(%scan3A_301 = %scan3A_136) -> (i32)  : i32 {
            %mul3A_302 = arith.constant 16 : i32
            %mul3A_303 = arith.muli %scan3A_300, %mul3A_302 : i32
            %add3A_304 = arith.addi %mul3A_135, %mul3A_303 : i32
            %get3A_305 = arith.index_cast %add3A_304 : i32 to index
            %get3A_306 = tpu.vector_load %arg7[%get3A_305] {strides = array<i32>} : memref<81920xf32, #tpu.memory_space<vmem>>, vector<16xf32>,
            %mul3A_307 = arith.constant 16 : i32
            %mul3A_308 = arith.muli %scan3A_300, %mul3A_307 : i32
            %get3A_309 = arith.constant 3 : i32
            %get3A_310 = arith.index_cast %get3A_309 : i32 to index
            %get3A_311 = arith.index_cast %mul3A_308 : i32 to index
            %get3A_312 = tpu.vector_load %arg14[%get3A_310, %get3A_311] {strides = array<i32>} : memref<16x512xf32, #tpu.memory_space<vmem>>, vector<16xf32>,
            %mul3A_313 = vector.broadcast %squeeze3A_131 : f32 to vector<16xf32>
            %mul3A_314 = arith.mulf %mul3A_313, %get3A_312 : vector<16xf32>
            %add3A_315 = arith.addf %get3A_306, %mul3A_314 : vector<16xf32>
            %swap3A_316 = arith.index_cast %add3A_304 : i32 to index
            %swap3A_317 = tpu.vector_load %arg7[%swap3A_316] {strides = array<i32>} : memref<81920xf32, #tpu.memory_space<vmem>>, vector<16xf32>,
            tpu.vector_store %arg7[%swap3A_316], %add3A_315 {strides = array<i32>} : memref<81920xf32, #tpu.memory_space<vmem>>, vector<16xf32>,
            %scan3A_318 = arith.constant 0 : i32
            scf.yield %scan3A_318 : i32
          }
          %scan3A_142 = arith.constant 32 : i32
          %slice3A_143 = vector.extract_strided_slice %get3A_88 {offsets = [4], sizes = [1], strides = [1]} : vector<16xf32> to vector<1xf32>
          %squeeze3A_144 = vector.extract %slice3A_143[0] : f32 from vector<1xf32>
          %slice3A_145 = vector.extract_strided_slice %get3A_92 {offsets = [4], sizes = [1], strides = [1]} : vector<16xi32> to vector<1xi32>
          %squeeze3A_146 = vector.extract %slice3A_145[0] : i32 from vector<1xi32>
          %mul3A_147 = arith.constant 512 : i32
          %mul3A_148 = arith.muli %squeeze3A_146, %mul3A_147 : i32
          %scan3A_149 = arith.constant 0 : i32
          %scan3A_150 = arith.constant 0 : i32
          %scan3A_151 = arith.constant 32 : i32
          %scan3A_152 = arith.addi %scan3A_150, %scan3A_151 : i32
          %scan3A_153 = arith.constant 1 : i32
          %scan3A_154 = scf.for %scan3A_300 = %scan3A_150 to %scan3A_152 step %scan3A_153 iter_args(%scan3A_301 = %scan3A_149) -> (i32)  : i32 {
            %mul3A_302 = arith.constant 16 : i32
            %mul3A_303 = arith.muli %scan3A_300, %mul3A_302 : i32
            %add3A_304 = arith.addi %mul3A_148, %mul3A_303 : i32
            %get3A_305 = arith.index_cast %add3A_304 : i32 to index
            %get3A_306 = tpu.vector_load %arg7[%get3A_305] {strides = array<i32>} : memref<81920xf32, #tpu.memory_space<vmem>>, vector<16xf32>,
            %mul3A_307 = arith.constant 16 : i32
            %mul3A_308 = arith.muli %scan3A_300, %mul3A_307 : i32
            %get3A_309 = arith.constant 4 : i32
            %get3A_310 = arith.index_cast %get3A_309 : i32 to index
            %get3A_311 = arith.index_cast %mul3A_308 : i32 to index
            %get3A_312 = tpu.vector_load %arg14[%get3A_310, %get3A_311] {strides = array<i32>} : memref<16x512xf32, #tpu.memory_space<vmem>>, vector<16xf32>,
            %mul3A_313 = vector.broadcast %squeeze3A_144 : f32 to vector<16xf32>
            %mul3A_314 = arith.mulf %mul3A_313, %get3A_312 : vector<16xf32>
            %add3A_315 = arith.addf %get3A_306, %mul3A_314 : vector<16xf32>
            %swap3A_316 = arith.index_cast %add3A_304 : i32 to index
            %swap3A_317 = tpu.vector_load %arg7[%swap3A_316] {strides = array<i32>} : memref<81920xf32, #tpu.memory_space<vmem>>, vector<16xf32>,
            tpu.vector_store %arg7[%swap3A_316], %add3A_315 {strides = array<i32>} : memref<81920xf32, #tpu.memory_space<vmem>>, vector<16xf32>,
            %scan3A_318 = arith.constant 0 : i32
            scf.yield %scan3A_318 : i32
          }
          %scan3A_155 = arith.constant 32 : i32
          %slice3A_156 = vector.extract_strided_slice %get3A_88 {offsets = [5], sizes = [1], strides = [1]} : vector<16xf32> to vector<1xf32>
          %squeeze3A_157 = vector.extract %slice3A_156[0] : f32 from vector<1xf32>
          %slice3A_158 = vector.extract_strided_slice %get3A_92 {offsets = [5], sizes = [1], strides = [1]} : vector<16xi32> to vector<1xi32>
          %squeeze3A_159 = vector.extract %slice3A_158[0] : i32 from vector<1xi32>
          %mul3A_160 = arith.constant 512 : i32
          %mul3A_161 = arith.muli %squeeze3A_159, %mul3A_160 : i32
          %scan3A_162 = arith.constant 0 : i32
          %scan3A_163 = arith.constant 0 : i32
          %scan3A_164 = arith.constant 32 : i32
          %scan3A_165 = arith.addi %scan3A_163, %scan3A_164 : i32
          %scan3A_166 = arith.constant 1 : i32
          %scan3A_167 = scf.for %scan3A_300 = %scan3A_163 to %scan3A_165 step %scan3A_166 iter_args(%scan3A_301 = %scan3A_162) -> (i32)  : i32 {
            %mul3A_302 = arith.constant 16 : i32
            %mul3A_303 = arith.muli %scan3A_300, %mul3A_302 : i32
            %add3A_304 = arith.addi %mul3A_161, %mul3A_303 : i32
            %get3A_305 = arith.index_cast %add3A_304 : i32 to index
            %get3A_306 = tpu.vector_load %arg7[%get3A_305] {strides = array<i32>} : memref<81920xf32, #tpu.memory_space<vmem>>, vector<16xf32>,
            %mul3A_307 = arith.constant 16 : i32
            %mul3A_308 = arith.muli %scan3A_300, %mul3A_307 : i32
            %get3A_309 = arith.constant 5 : i32
            %get3A_310 = arith.index_cast %get3A_309 : i32 to index
            %get3A_311 = arith.index_cast %mul3A_308 : i32 to index
            %get3A_312 = tpu.vector_load %arg14[%get3A_310, %get3A_311] {strides = array<i32>} : memref<16x512xf32, #tpu.memory_space<vmem>>, vector<16xf32>,
            %mul3A_313 = vector.broadcast %squeeze3A_157 : f32 to vector<16xf32>
            %mul3A_314 = arith.mulf %mul3A_313, %get3A_312 : vector<16xf32>
            %add3A_315 = arith.addf %get3A_306, %mul3A_314 : vector<16xf32>
            %swap3A_316 = arith.index_cast %add3A_304 : i32 to index
            %swap3A_317 = tpu.vector_load %arg7[%swap3A_316] {strides = array<i32>} : memref<81920xf32, #tpu.memory_space<vmem>>, vector<16xf32>,
            tpu.vector_store %arg7[%swap3A_316], %add3A_315 {strides = array<i32>} : memref<81920xf32, #tpu.memory_space<vmem>>, vector<16xf32>,
            %scan3A_318 = arith.constant 0 : i32
            scf.yield %scan3A_318 : i32
          }
          %scan3A_168 = arith.constant 32 : i32
          %slice3A_169 = vector.extract_strided_slice %get3A_88 {offsets = [6], sizes = [1], strides = [1]} : vector<16xf32> to vector<1xf32>
          %squeeze3A_170 = vector.extract %slice3A_169[0] : f32 from vector<1xf32>
          %slice3A_171 = vector.extract_strided_slice %get3A_92 {offsets = [6], sizes = [1], strides = [1]} : vector<16xi32> to vector<1xi32>
          %squeeze3A_172 = vector.extract %slice3A_171[0] : i32 from vector<1xi32>
          %mul3A_173 = arith.constant 512 : i32
          %mul3A_174 = arith.muli %squeeze3A_172, %mul3A_173 : i32
          %scan3A_175 = arith.constant 0 : i32
          %scan3A_176 = arith.constant 0 : i32
          %scan3A_177 = arith.constant 32 : i32
          %scan3A_178 = arith.addi %scan3A_176, %scan3A_177 : i32
          %scan3A_179 = arith.constant 1 : i32
          %scan3A_180 = scf.for %scan3A_300 = %scan3A_176 to %scan3A_178 step %scan3A_179 iter_args(%scan3A_301 = %scan3A_175) -> (i32)  : i32 {
            %mul3A_302 = arith.constant 16 : i32
            %mul3A_303 = arith.muli %scan3A_300, %mul3A_302 : i32
            %add3A_304 = arith.addi %mul3A_174, %mul3A_303 : i32
            %get3A_305 = arith.index_cast %add3A_304 : i32 to index
            %get3A_306 = tpu.vector_load %arg7[%get3A_305] {strides = array<i32>} : memref<81920xf32, #tpu.memory_space<vmem>>, vector<16xf32>,
            %mul3A_307 = arith.constant 16 : i32
            %mul3A_308 = arith.muli %scan3A_300, %mul3A_307 : i32
            %get3A_309 = arith.constant 6 : i32
            %get3A_310 = arith.index_cast %get3A_309 : i32 to index
            %get3A_311 = arith.index_cast %mul3A_308 : i32 to index
            %get3A_312 = tpu.vector_load %arg14[%get3A_310, %get3A_311] {strides = array<i32>} : memref<16x512xf32, #tpu.memory_space<vmem>>, vector<16xf32>,
            %mul3A_313 = vector.broadcast %squeeze3A_170 : f32 to vector<16xf32>
            %mul3A_314 = arith.mulf %mul3A_313, %get3A_312 : vector<16xf32>
            %add3A_315 = arith.addf %get3A_306, %mul3A_314 : vector<16xf32>
            %swap3A_316 = arith.index_cast %add3A_304 : i32 to index
            %swap3A_317 = tpu.vector_load %arg7[%swap3A_316] {strides = array<i32>} : memref<81920xf32, #tpu.memory_space<vmem>>, vector<16xf32>,
            tpu.vector_store %arg7[%swap3A_316], %add3A_315 {strides = array<i32>} : memref<81920xf32, #tpu.memory_space<vmem>>, vector<16xf32>,
            %scan3A_318 = arith.constant 0 : i32
            scf.yield %scan3A_318 : i32
          }
          %scan3A_181 = arith.constant 32 : i32
          %slice3A_182 = vector.extract_strided_slice %get3A_88 {offsets = [7], sizes = [1], strides = [1]} : vector<16xf32> to vector<1xf32>
          %squeeze3A_183 = vector.extract %slice3A_182[0] : f32 from vector<1xf32>
          %slice3A_184 = vector.extract_strided_slice %get3A_92 {offsets = [7], sizes = [1], strides = [1]} : vector<16xi32> to vector<1xi32>
          %squeeze3A_185 = vector.extract %slice3A_184[0] : i32 from vector<1xi32>
          %mul3A_186 = arith.constant 512 : i32
          %mul3A_187 = arith.muli %squeeze3A_185, %mul3A_186 : i32
          %scan3A_188 = arith.constant 0 : i32
          %scan3A_189 = arith.constant 0 : i32
          %scan3A_190 = arith.constant 32 : i32
          %scan3A_191 = arith.addi %scan3A_189, %scan3A_190 : i32
          %scan3A_192 = arith.constant 1 : i32
          %scan3A_193 = scf.for %scan3A_300 = %scan3A_189 to %scan3A_191 step %scan3A_192 iter_args(%scan3A_301 = %scan3A_188) -> (i32)  : i32 {
            %mul3A_302 = arith.constant 16 : i32
            %mul3A_303 = arith.muli %scan3A_300, %mul3A_302 : i32
            %add3A_304 = arith.addi %mul3A_187, %mul3A_303 : i32
            %get3A_305 = arith.index_cast %add3A_304 : i32 to index
            %get3A_306 = tpu.vector_load %arg7[%get3A_305] {strides = array<i32>} : memref<81920xf32, #tpu.memory_space<vmem>>, vector<16xf32>,
            %mul3A_307 = arith.constant 16 : i32
            %mul3A_308 = arith.muli %scan3A_300, %mul3A_307 : i32
            %get3A_309 = arith.constant 7 : i32
            %get3A_310 = arith.index_cast %get3A_309 : i32 to index
            %get3A_311 = arith.index_cast %mul3A_308 : i32 to index
            %get3A_312 = tpu.vector_load %arg14[%get3A_310, %get3A_311] {strides = array<i32>} : memref<16x512xf32, #tpu.memory_space<vmem>>, vector<16xf32>,
            %mul3A_313 = vector.broadcast %squeeze3A_183 : f32 to vector<16xf32>
            %mul3A_314 = arith.mulf %mul3A_313, %get3A_312 : vector<16xf32>
            %add3A_315 = arith.addf %get3A_306, %mul3A_314 : vector<16xf32>
            %swap3A_316 = arith.index_cast %add3A_304 : i32 to index
            %swap3A_317 = tpu.vector_load %arg7[%swap3A_316] {strides = array<i32>} : memref<81920xf32, #tpu.memory_space<vmem>>, vector<16xf32>,
            tpu.vector_store %arg7[%swap3A_316], %add3A_315 {strides = array<i32>} : memref<81920xf32, #tpu.memory_space<vmem>>, vector<16xf32>,
            %scan3A_318 = arith.constant 0 : i32
            scf.yield %scan3A_318 : i32
          }
          %scan3A_194 = arith.constant 32 : i32
          %slice3A_195 = vector.extract_strided_slice %get3A_88 {offsets = [8], sizes = [1], strides = [1]} : vector<16xf32> to vector<1xf32>
          %squeeze3A_196 = vector.extract %slice3A_195[0] : f32 from vector<1xf32>
          %slice3A_197 = vector.extract_strided_slice %get3A_92 {offsets = [8], sizes = [1], strides = [1]} : vector<16xi32> to vector<1xi32>
          %squeeze3A_198 = vector.extract %slice3A_197[0] : i32 from vector<1xi32>
          %mul3A_199 = arith.constant 512 : i32
          %mul3A_200 = arith.muli %squeeze3A_198, %mul3A_199 : i32
          %scan3A_201 = arith.constant 0 : i32
          %scan3A_202 = arith.constant 0 : i32
          %scan3A_203 = arith.constant 32 : i32
          %scan3A_204 = arith.addi %scan3A_202, %scan3A_203 : i32
          %scan3A_205 = arith.constant 1 : i32
          %scan3A_206 = scf.for %scan3A_300 = %scan3A_202 to %scan3A_204 step %scan3A_205 iter_args(%scan3A_301 = %scan3A_201) -> (i32)  : i32 {
            %mul3A_302 = arith.constant 16 : i32
            %mul3A_303 = arith.muli %scan3A_300, %mul3A_302 : i32
            %add3A_304 = arith.addi %mul3A_200, %mul3A_303 : i32
            %get3A_305 = arith.index_cast %add3A_304 : i32 to index
            %get3A_306 = tpu.vector_load %arg7[%get3A_305] {strides = array<i32>} : memref<81920xf32, #tpu.memory_space<vmem>>, vector<16xf32>,
            %mul3A_307 = arith.constant 16 : i32
            %mul3A_308 = arith.muli %scan3A_300, %mul3A_307 : i32
            %get3A_309 = arith.constant 8 : i32
            %get3A_310 = arith.index_cast %get3A_309 : i32 to index
            %get3A_311 = arith.index_cast %mul3A_308 : i32 to index
            %get3A_312 = tpu.vector_load %arg14[%get3A_310, %get3A_311] {strides = array<i32>} : memref<16x512xf32, #tpu.memory_space<vmem>>, vector<16xf32>,
            %mul3A_313 = vector.broadcast %squeeze3A_196 : f32 to vector<16xf32>
            %mul3A_314 = arith.mulf %mul3A_313, %get3A_312 : vector<16xf32>
            %add3A_315 = arith.addf %get3A_306, %mul3A_314 : vector<16xf32>
            %swap3A_316 = arith.index_cast %add3A_304 : i32 to index
            %swap3A_317 = tpu.vector_load %arg7[%swap3A_316] {strides = array<i32>} : memref<81920xf32, #tpu.memory_space<vmem>>, vector<16xf32>,
            tpu.vector_store %arg7[%swap3A_316], %add3A_315 {strides = array<i32>} : memref<81920xf32, #tpu.memory_space<vmem>>, vector<16xf32>,
            %scan3A_318 = arith.constant 0 : i32
            scf.yield %scan3A_318 : i32
          }
          %scan3A_207 = arith.constant 32 : i32
          %slice3A_208 = vector.extract_strided_slice %get3A_88 {offsets = [9], sizes = [1], strides = [1]} : vector<16xf32> to vector<1xf32>
          %squeeze3A_209 = vector.extract %slice3A_208[0] : f32 from vector<1xf32>
          %slice3A_210 = vector.extract_strided_slice %get3A_92 {offsets = [9], sizes = [1], strides = [1]} : vector<16xi32> to vector<1xi32>
          %squeeze3A_211 = vector.extract %slice3A_210[0] : i32 from vector<1xi32>
          %mul3A_212 = arith.constant 512 : i32
          %mul3A_213 = arith.muli %squeeze3A_211, %mul3A_212 : i32
          %scan3A_214 = arith.constant 0 : i32
          %scan3A_215 = arith.constant 0 : i32
          %scan3A_216 = arith.constant 32 : i32
          %scan3A_217 = arith.addi %scan3A_215, %scan3A_216 : i32
          %scan3A_218 = arith.constant 1 : i32
          %scan3A_219 = scf.for %scan3A_300 = %scan3A_215 to %scan3A_217 step %scan3A_218 iter_args(%scan3A_301 = %scan3A_214) -> (i32)  : i32 {
            %mul3A_302 = arith.constant 16 : i32
            %mul3A_303 = arith.muli %scan3A_300, %mul3A_302 : i32
            %add3A_304 = arith.addi %mul3A_213, %mul3A_303 : i32
            %get3A_305 = arith.index_cast %add3A_304 : i32 to index
            %get3A_306 = tpu.vector_load %arg7[%get3A_305] {strides = array<i32>} : memref<81920xf32, #tpu.memory_space<vmem>>, vector<16xf32>,
            %mul3A_307 = arith.constant 16 : i32
            %mul3A_308 = arith.muli %scan3A_300, %mul3A_307 : i32
            %get3A_309 = arith.constant 9 : i32
            %get3A_310 = arith.index_cast %get3A_309 : i32 to index
            %get3A_311 = arith.index_cast %mul3A_308 : i32 to index
            %get3A_312 = tpu.vector_load %arg14[%get3A_310, %get3A_311] {strides = array<i32>} : memref<16x512xf32, #tpu.memory_space<vmem>>, vector<16xf32>,
            %mul3A_313 = vector.broadcast %squeeze3A_209 : f32 to vector<16xf32>
            %mul3A_314 = arith.mulf %mul3A_313, %get3A_312 : vector<16xf32>
            %add3A_315 = arith.addf %get3A_306, %mul3A_314 : vector<16xf32>
            %swap3A_316 = arith.index_cast %add3A_304 : i32 to index
            %swap3A_317 = tpu.vector_load %arg7[%swap3A_316] {strides = array<i32>} : memref<81920xf32, #tpu.memory_space<vmem>>, vector<16xf32>,
            tpu.vector_store %arg7[%swap3A_316], %add3A_315 {strides = array<i32>} : memref<81920xf32, #tpu.memory_space<vmem>>, vector<16xf32>,
            %scan3A_318 = arith.constant 0 : i32
            scf.yield %scan3A_318 : i32
          }
          %scan3A_220 = arith.constant 32 : i32
          %slice3A_221 = vector.extract_strided_slice %get3A_88 {offsets = [10], sizes = [1], strides = [1]} : vector<16xf32> to vector<1xf32>
          %squeeze3A_222 = vector.extract %slice3A_221[0] : f32 from vector<1xf32>
          %slice3A_223 = vector.extract_strided_slice %get3A_92 {offsets = [10], sizes = [1], strides = [1]} : vector<16xi32> to vector<1xi32>
          %squeeze3A_224 = vector.extract %slice3A_223[0] : i32 from vector<1xi32>
          %mul3A_225 = arith.constant 512 : i32
          %mul3A_226 = arith.muli %squeeze3A_224, %mul3A_225 : i32
          %scan3A_227 = arith.constant 0 : i32
          %scan3A_228 = arith.constant 0 : i32
          %scan3A_229 = arith.constant 32 : i32
          %scan3A_230 = arith.addi %scan3A_228, %scan3A_229 : i32
          %scan3A_231 = arith.constant 1 : i32
          %scan3A_232 = scf.for %scan3A_300 = %scan3A_228 to %scan3A_230 step %scan3A_231 iter_args(%scan3A_301 = %scan3A_227) -> (i32)  : i32 {
            %mul3A_302 = arith.constant 16 : i32
            %mul3A_303 = arith.muli %scan3A_300, %mul3A_302 : i32
            %add3A_304 = arith.addi %mul3A_226, %mul3A_303 : i32
            %get3A_305 = arith.index_cast %add3A_304 : i32 to index
            %get3A_306 = tpu.vector_load %arg7[%get3A_305] {strides = array<i32>} : memref<81920xf32, #tpu.memory_space<vmem>>, vector<16xf32>,
            %mul3A_307 = arith.constant 16 : i32
            %mul3A_308 = arith.muli %scan3A_300, %mul3A_307 : i32
            %get3A_309 = arith.constant 10 : i32
            %get3A_310 = arith.index_cast %get3A_309 : i32 to index
            %get3A_311 = arith.index_cast %mul3A_308 : i32 to index
            %get3A_312 = tpu.vector_load %arg14[%get3A_310, %get3A_311] {strides = array<i32>} : memref<16x512xf32, #tpu.memory_space<vmem>>, vector<16xf32>,
            %mul3A_313 = vector.broadcast %squeeze3A_222 : f32 to vector<16xf32>
            %mul3A_314 = arith.mulf %mul3A_313, %get3A_312 : vector<16xf32>
            %add3A_315 = arith.addf %get3A_306, %mul3A_314 : vector<16xf32>
            %swap3A_316 = arith.index_cast %add3A_304 : i32 to index
            %swap3A_317 = tpu.vector_load %arg7[%swap3A_316] {strides = array<i32>} : memref<81920xf32, #tpu.memory_space<vmem>>, vector<16xf32>,
            tpu.vector_store %arg7[%swap3A_316], %add3A_315 {strides = array<i32>} : memref<81920xf32, #tpu.memory_space<vmem>>, vector<16xf32>,
            %scan3A_318 = arith.constant 0 : i32
            scf.yield %scan3A_318 : i32
          }
          %scan3A_233 = arith.constant 32 : i32
          %slice3A_234 = vector.extract_strided_slice %get3A_88 {offsets = [11], sizes = [1], strides = [1]} : vector<16xf32> to vector<1xf32>
          %squeeze3A_235 = vector.extract %slice3A_234[0] : f32 from vector<1xf32>
          %slice3A_236 = vector.extract_strided_slice %get3A_92 {offsets = [11], sizes = [1], strides = [1]} : vector<16xi32> to vector<1xi32>
          %squeeze3A_237 = vector.extract %slice3A_236[0] : i32 from vector<1xi32>
          %mul3A_238 = arith.constant 512 : i32
          %mul3A_239 = arith.muli %squeeze3A_237, %mul3A_238 : i32
          %scan3A_240 = arith.constant 0 : i32
          %scan3A_241 = arith.constant 0 : i32
          %scan3A_242 = arith.constant 32 : i32
          %scan3A_243 = arith.addi %scan3A_241, %scan3A_242 : i32
          %scan3A_244 = arith.constant 1 : i32
          %scan3A_245 = scf.for %scan3A_300 = %scan3A_241 to %scan3A_243 step %scan3A_244 iter_args(%scan3A_301 = %scan3A_240) -> (i32)  : i32 {
            %mul3A_302 = arith.constant 16 : i32
            %mul3A_303 = arith.muli %scan3A_300, %mul3A_302 : i32
            %add3A_304 = arith.addi %mul3A_239, %mul3A_303 : i32
            %get3A_305 = arith.index_cast %add3A_304 : i32 to index
            %get3A_306 = tpu.vector_load %arg7[%get3A_305] {strides = array<i32>} : memref<81920xf32, #tpu.memory_space<vmem>>, vector<16xf32>,
            %mul3A_307 = arith.constant 16 : i32
            %mul3A_308 = arith.muli %scan3A_300, %mul3A_307 : i32
            %get3A_309 = arith.constant 11 : i32
            %get3A_310 = arith.index_cast %get3A_309 : i32 to index
            %get3A_311 = arith.index_cast %mul3A_308 : i32 to index
            %get3A_312 = tpu.vector_load %arg14[%get3A_310, %get3A_311] {strides = array<i32>} : memref<16x512xf32, #tpu.memory_space<vmem>>, vector<16xf32>,
            %mul3A_313 = vector.broadcast %squeeze3A_235 : f32 to vector<16xf32>
            %mul3A_314 = arith.mulf %mul3A_313, %get3A_312 : vector<16xf32>
            %add3A_315 = arith.addf %get3A_306, %mul3A_314 : vector<16xf32>
            %swap3A_316 = arith.index_cast %add3A_304 : i32 to index
            %swap3A_317 = tpu.vector_load %arg7[%swap3A_316] {strides = array<i32>} : memref<81920xf32, #tpu.memory_space<vmem>>, vector<16xf32>,
            tpu.vector_store %arg7[%swap3A_316], %add3A_315 {strides = array<i32>} : memref<81920xf32, #tpu.memory_space<vmem>>, vector<16xf32>,
            %scan3A_318 = arith.constant 0 : i32
            scf.yield %scan3A_318 : i32
          }
          %scan3A_246 = arith.constant 32 : i32
          %slice3A_247 = vector.extract_strided_slice %get3A_88 {offsets = [12], sizes = [1], strides = [1]} : vector<16xf32> to vector<1xf32>
          %squeeze3A_248 = vector.extract %slice3A_247[0] : f32 from vector<1xf32>
          %slice3A_249 = vector.extract_strided_slice %get3A_92 {offsets = [12], sizes = [1], strides = [1]} : vector<16xi32> to vector<1xi32>
          %squeeze3A_250 = vector.extract %slice3A_249[0] : i32 from vector<1xi32>
          %mul3A_251 = arith.constant 512 : i32
          %mul3A_252 = arith.muli %squeeze3A_250, %mul3A_251 : i32
          %scan3A_253 = arith.constant 0 : i32
          %scan3A_254 = arith.constant 0 : i32
          %scan3A_255 = arith.constant 32 : i32
          %scan3A_256 = arith.addi %scan3A_254, %scan3A_255 : i32
          %scan3A_257 = arith.constant 1 : i32
          %scan3A_258 = scf.for %scan3A_300 = %scan3A_254 to %scan3A_256 step %scan3A_257 iter_args(%scan3A_301 = %scan3A_253) -> (i32)  : i32 {
            %mul3A_302 = arith.constant 16 : i32
            %mul3A_303 = arith.muli %scan3A_300, %mul3A_302 : i32
            %add3A_304 = arith.addi %mul3A_252, %mul3A_303 : i32
            %get3A_305 = arith.index_cast %add3A_304 : i32 to index
            %get3A_306 = tpu.vector_load %arg7[%get3A_305] {strides = array<i32>} : memref<81920xf32, #tpu.memory_space<vmem>>, vector<16xf32>,
            %mul3A_307 = arith.constant 16 : i32
            %mul3A_308 = arith.muli %scan3A_300, %mul3A_307 : i32
            %get3A_309 = arith.constant 12 : i32
            %get3A_310 = arith.index_cast %get3A_309 : i32 to index
            %get3A_311 = arith.index_cast %mul3A_308 : i32 to index
            %get3A_312 = tpu.vector_load %arg14[%get3A_310, %get3A_311] {strides = array<i32>} : memref<16x512xf32, #tpu.memory_space<vmem>>, vector<16xf32>,
            %mul3A_313 = vector.broadcast %squeeze3A_248 : f32 to vector<16xf32>
            %mul3A_314 = arith.mulf %mul3A_313, %get3A_312 : vector<16xf32>
            %add3A_315 = arith.addf %get3A_306, %mul3A_314 : vector<16xf32>
            %swap3A_316 = arith.index_cast %add3A_304 : i32 to index
            %swap3A_317 = tpu.vector_load %arg7[%swap3A_316] {strides = array<i32>} : memref<81920xf32, #tpu.memory_space<vmem>>, vector<16xf32>,
            tpu.vector_store %arg7[%swap3A_316], %add3A_315 {strides = array<i32>} : memref<81920xf32, #tpu.memory_space<vmem>>, vector<16xf32>,
            %scan3A_318 = arith.constant 0 : i32
            scf.yield %scan3A_318 : i32
          }
          %scan3A_259 = arith.constant 32 : i32
          %slice3A_260 = vector.extract_strided_slice %get3A_88 {offsets = [13], sizes = [1], strides = [1]} : vector<16xf32> to vector<1xf32>
          %squeeze3A_261 = vector.extract %slice3A_260[0] : f32 from vector<1xf32>
          %slice3A_262 = vector.extract_strided_slice %get3A_92 {offsets = [13], sizes = [1], strides = [1]} : vector<16xi32> to vector<1xi32>
          %squeeze3A_263 = vector.extract %slice3A_262[0] : i32 from vector<1xi32>
          %mul3A_264 = arith.constant 512 : i32
          %mul3A_265 = arith.muli %squeeze3A_263, %mul3A_264 : i32
          %scan3A_266 = arith.constant 0 : i32
          %scan3A_267 = arith.constant 0 : i32
          %scan3A_268 = arith.constant 32 : i32
          %scan3A_269 = arith.addi %scan3A_267, %scan3A_268 : i32
          %scan3A_270 = arith.constant 1 : i32
          %scan3A_271 = scf.for %scan3A_300 = %scan3A_267 to %scan3A_269 step %scan3A_270 iter_args(%scan3A_301 = %scan3A_266) -> (i32)  : i32 {
            %mul3A_302 = arith.constant 16 : i32
            %mul3A_303 = arith.muli %scan3A_300, %mul3A_302 : i32
            %add3A_304 = arith.addi %mul3A_265, %mul3A_303 : i32
            %get3A_305 = arith.index_cast %add3A_304 : i32 to index
            %get3A_306 = tpu.vector_load %arg7[%get3A_305] {strides = array<i32>} : memref<81920xf32, #tpu.memory_space<vmem>>, vector<16xf32>,
            %mul3A_307 = arith.constant 16 : i32
            %mul3A_308 = arith.muli %scan3A_300, %mul3A_307 : i32
            %get3A_309 = arith.constant 13 : i32
            %get3A_310 = arith.index_cast %get3A_309 : i32 to index
            %get3A_311 = arith.index_cast %mul3A_308 : i32 to index
            %get3A_312 = tpu.vector_load %arg14[%get3A_310, %get3A_311] {strides = array<i32>} : memref<16x512xf32, #tpu.memory_space<vmem>>, vector<16xf32>,
            %mul3A_313 = vector.broadcast %squeeze3A_261 : f32 to vector<16xf32>
            %mul3A_314 = arith.mulf %mul3A_313, %get3A_312 : vector<16xf32>
            %add3A_315 = arith.addf %get3A_306, %mul3A_314 : vector<16xf32>
            %swap3A_316 = arith.index_cast %add3A_304 : i32 to index
            %swap3A_317 = tpu.vector_load %arg7[%swap3A_316] {strides = array<i32>} : memref<81920xf32, #tpu.memory_space<vmem>>, vector<16xf32>,
            tpu.vector_store %arg7[%swap3A_316], %add3A_315 {strides = array<i32>} : memref<81920xf32, #tpu.memory_space<vmem>>, vector<16xf32>,
            %scan3A_318 = arith.constant 0 : i32
            scf.yield %scan3A_318 : i32
          }
          %scan3A_272 = arith.constant 32 : i32
          %slice3A_273 = vector.extract_strided_slice %get3A_88 {offsets = [14], sizes = [1], strides = [1]} : vector<16xf32> to vector<1xf32>
          %squeeze3A_274 = vector.extract %slice3A_273[0] : f32 from vector<1xf32>
          %slice3A_275 = vector.extract_strided_slice %get3A_92 {offsets = [14], sizes = [1], strides = [1]} : vector<16xi32> to vector<1xi32>
          %squeeze3A_276 = vector.extract %slice3A_275[0] : i32 from vector<1xi32>
          %mul3A_277 = arith.constant 512 : i32
          %mul3A_278 = arith.muli %squeeze3A_276, %mul3A_277 : i32
          %scan3A_279 = arith.constant 0 : i32
          %scan3A_280 = arith.constant 0 : i32
          %scan3A_281 = arith.constant 32 : i32
          %scan3A_282 = arith.addi %scan3A_280, %scan3A_281 : i32
          %scan3A_283 = arith.constant 1 : i32
          %scan3A_284 = scf.for %scan3A_300 = %scan3A_280 to %scan3A_282 step %scan3A_283 iter_args(%scan3A_301 = %scan3A_279) -> (i32)  : i32 {
            %mul3A_302 = arith.constant 16 : i32
            %mul3A_303 = arith.muli %scan3A_300, %mul3A_302 : i32
            %add3A_304 = arith.addi %mul3A_278, %mul3A_303 : i32
            %get3A_305 = arith.index_cast %add3A_304 : i32 to index
            %get3A_306 = tpu.vector_load %arg7[%get3A_305] {strides = array<i32>} : memref<81920xf32, #tpu.memory_space<vmem>>, vector<16xf32>,
            %mul3A_307 = arith.constant 16 : i32
            %mul3A_308 = arith.muli %scan3A_300, %mul3A_307 : i32
            %get3A_309 = arith.constant 14 : i32
            %get3A_310 = arith.index_cast %get3A_309 : i32 to index
            %get3A_311 = arith.index_cast %mul3A_308 : i32 to index
            %get3A_312 = tpu.vector_load %arg14[%get3A_310, %get3A_311] {strides = array<i32>} : memref<16x512xf32, #tpu.memory_space<vmem>>, vector<16xf32>,
            %mul3A_313 = vector.broadcast %squeeze3A_274 : f32 to vector<16xf32>
            %mul3A_314 = arith.mulf %mul3A_313, %get3A_312 : vector<16xf32>
            %add3A_315 = arith.addf %get3A_306, %mul3A_314 : vector<16xf32>
            %swap3A_316 = arith.index_cast %add3A_304 : i32 to index
            %swap3A_317 = tpu.vector_load %arg7[%swap3A_316] {strides = array<i32>} : memref<81920xf32, #tpu.memory_space<vmem>>, vector<16xf32>,
            tpu.vector_store %arg7[%swap3A_316], %add3A_315 {strides = array<i32>} : memref<81920xf32, #tpu.memory_space<vmem>>, vector<16xf32>,
            %scan3A_318 = arith.constant 0 : i32
            scf.yield %scan3A_318 : i32
          }
          %scan3A_285 = arith.constant 32 : i32
          %slice3A_286 = vector.extract_strided_slice %get3A_88 {offsets = [15], sizes = [1], strides = [1]} : vector<16xf32> to vector<1xf32>
          %squeeze3A_287 = vector.extract %slice3A_286[0] : f32 from vector<1xf32>
          %slice3A_288 = vector.extract_strided_slice %get3A_92 {offsets = [15], sizes = [1], strides = [1]} : vector<16xi32> to vector<1xi32>
          %squeeze3A_289 = vector.extract %slice3A_288[0] : i32 from vector<1xi32>
          %mul3A_290 = arith.constant 512 : i32
          %mul3A_291 = arith.muli %squeeze3A_289, %mul3A_290 : i32
          %scan3A_292 = arith.constant 0 : i32
          %scan3A_293 = arith.constant 0 : i32
          %scan3A_294 = arith.constant 32 : i32
          %scan3A_295 = arith.addi %scan3A_293, %scan3A_294 : i32
          %scan3A_296 = arith.constant 1 : i32
          %scan3A_297 = scf.for %scan3A_300 = %scan3A_293 to %scan3A_295 step %scan3A_296 iter_args(%scan3A_301 = %scan3A_292) -> (i32)  : i32 {
            %mul3A_302 = arith.constant 16 : i32
            %mul3A_303 = arith.muli %scan3A_300, %mul3A_302 : i32
            %add3A_304 = arith.addi %mul3A_291, %mul3A_303 : i32
            %get3A_305 = arith.index_cast %add3A_304 : i32 to index
            %get3A_306 = tpu.vector_load %arg7[%get3A_305] {strides = array<i32>} : memref<81920xf32, #tpu.memory_space<vmem>>, vector<16xf32>,
            %mul3A_307 = arith.constant 16 : i32
            %mul3A_308 = arith.muli %scan3A_300, %mul3A_307 : i32
            %get3A_309 = arith.constant 15 : i32
            %get3A_310 = arith.index_cast %get3A_309 : i32 to index
            %get3A_311 = arith.index_cast %mul3A_308 : i32 to index
            %get3A_312 = tpu.vector_load %arg14[%get3A_310, %get3A_311] {strides = array<i32>} : memref<16x512xf32, #tpu.memory_space<vmem>>, vector<16xf32>,
            %mul3A_313 = vector.broadcast %squeeze3A_287 : f32 to vector<16xf32>
            %mul3A_314 = arith.mulf %mul3A_313, %get3A_312 : vector<16xf32>
            %add3A_315 = arith.addf %get3A_306, %mul3A_314 : vector<16xf32>
            %swap3A_316 = arith.index_cast %add3A_304 : i32 to index
            %swap3A_317 = tpu.vector_load %arg7[%swap3A_316] {strides = array<i32>} : memref<81920xf32, #tpu.memory_space<vmem>>, vector<16xf32>,
            tpu.vector_store %arg7[%swap3A_316], %add3A_315 {strides = array<i32>} : memref<81920xf32, #tpu.memory_space<vmem>>, vector<16xf32>,
            %scan3A_318 = arith.constant 0 : i32
            scf.yield %scan3A_318 : i32
          }
          %scan3A_298 = arith.constant 32 : i32
          %while3A_299 = arith.constant 0 : i32
          scf.yield %while3A_299 : i32
        }
        %scan3A_79 = arith.constant 0 : i32
        scf.yield %scan3A_79 : i32
      }
      %scan3A_30 = arith.constant 32 : i32
      %mul3A_31 = arith.constant 512 : i32
      %mul3A_32 = arith.muli %add3A_16, %mul3A_31 : i32
      "tpu.region"() ({
        %run_scoped3A = tpu.sem_alloc : memref<!tpu.dma_semaphore, #tpu.memory_space<semaphore_mem>>
        %dma_start3A = tpu.memref_slice %arg6[%mul3A_32] : memref<5242880xf32, #tpu.memory_space<hbm>> -> memref<81920xf32, #tpu.memory_space<hbm>>
        %dma_start3A_34 = tpu.memref_slice %arg6[%mul3A_32] : memref<5242880xf32, #tpu.memory_space<hbm>> -> memref<81920xf32, #tpu.memory_space<hbm>>
        tpu.enqueue_dma source(%arg7 : memref<81920xf32, #tpu.memory_space<vmem>>) target(%dma_start3A_34 : memref<81920xf32, #tpu.memory_space<hbm>>) target_semaphore(%run_scoped3A : memref<!tpu.dma_semaphore, #tpu.memory_space<semaphore_mem>>)
        %dma_wait3A = tpu.memref_slice %arg6[%mul3A_32] : memref<5242880xf32, #tpu.memory_space<hbm>> -> memref<81920xf32, #tpu.memory_space<hbm>>
        %dma_wait3A_35 = tpu.memref_slice %arg6[%mul3A_32] : memref<5242880xf32, #tpu.memory_space<hbm>> -> memref<81920xf32, #tpu.memory_space<hbm>>
        tpu.wait_dma2 semaphore(%run_scoped3A : memref<!tpu.dma_semaphore, #tpu.memory_space<semaphore_mem>>) src(%arg7 : memref<81920xf32, #tpu.memory_space<vmem>>) dst(%dma_wait3A_35 : memref<81920xf32, #tpu.memory_space<hbm>>)
        tpu.yield
      }) : () -> ()
      %scan3A_33 = arith.constant 0 : i32
      scf.yield %scan3A_33 : i32
    }
    %scan3A_9 = arith.constant 2 : i32
    return
  }
}

module attributes {stable_mosaic.version = 14 : i64} {
  func.func @_dinv_body(%arg0: memref<2560x128xf32, #tpu.memory_space<vmem>>, %arg1: memref<80x128xf32, #tpu.memory_space<vmem>>) attributes {dimension_semantics = [], scalar_prefetch = 0 : i64, scratch_operands = 0 : i64, tpu.core_type = #tpu.core_type<tc>} {
    %get3A = arith.constant 0 : index
    %get3A_0 = arith.constant 0 : index
    %get3A_1 = vector.load %arg0[%get3A, %get3A_0] : memref<2560x128xf32, #tpu.memory_space<vmem>>, vector<80x128xf32>
    %get3A_2 = arith.constant 80 : index
    %get3A_3 = arith.constant 0 : index
    %get3A_4 = vector.load %arg0[%get3A_2, %get3A_3] : memref<2560x128xf32, #tpu.memory_space<vmem>>, vector<80x128xf32>
    %add3A = arith.addf %get3A_1, %get3A_4 : vector<80x128xf32>
    %get3A_5 = arith.constant 160 : index
    %get3A_6 = arith.constant 0 : index
    %get3A_7 = vector.load %arg0[%get3A_5, %get3A_6] : memref<2560x128xf32, #tpu.memory_space<vmem>>, vector<80x128xf32>
    %add3A_8 = arith.addf %add3A, %get3A_7 : vector<80x128xf32>
    %get3A_9 = arith.constant 240 : index
    %get3A_10 = arith.constant 0 : index
    %get3A_11 = vector.load %arg0[%get3A_9, %get3A_10] : memref<2560x128xf32, #tpu.memory_space<vmem>>, vector<80x128xf32>
    %add3A_12 = arith.addf %add3A_8, %get3A_11 : vector<80x128xf32>
    %get3A_13 = arith.constant 320 : index
    %get3A_14 = arith.constant 0 : index
    %get3A_15 = vector.load %arg0[%get3A_13, %get3A_14] : memref<2560x128xf32, #tpu.memory_space<vmem>>, vector<80x128xf32>
    %add3A_16 = arith.addf %add3A_12, %get3A_15 : vector<80x128xf32>
    %get3A_17 = arith.constant 400 : index
    %get3A_18 = arith.constant 0 : index
    %get3A_19 = vector.load %arg0[%get3A_17, %get3A_18] : memref<2560x128xf32, #tpu.memory_space<vmem>>, vector<80x128xf32>
    %add3A_20 = arith.addf %add3A_16, %get3A_19 : vector<80x128xf32>
    %get3A_21 = arith.constant 480 : index
    %get3A_22 = arith.constant 0 : index
    %get3A_23 = vector.load %arg0[%get3A_21, %get3A_22] : memref<2560x128xf32, #tpu.memory_space<vmem>>, vector<80x128xf32>
    %add3A_24 = arith.addf %add3A_20, %get3A_23 : vector<80x128xf32>
    %get3A_25 = arith.constant 560 : index
    %get3A_26 = arith.constant 0 : index
    %get3A_27 = vector.load %arg0[%get3A_25, %get3A_26] : memref<2560x128xf32, #tpu.memory_space<vmem>>, vector<80x128xf32>
    %add3A_28 = arith.addf %add3A_24, %get3A_27 : vector<80x128xf32>
    %get3A_29 = arith.constant 640 : index
    %get3A_30 = arith.constant 0 : index
    %get3A_31 = vector.load %arg0[%get3A_29, %get3A_30] : memref<2560x128xf32, #tpu.memory_space<vmem>>, vector<80x128xf32>
    %add3A_32 = arith.addf %add3A_28, %get3A_31 : vector<80x128xf32>
    %get3A_33 = arith.constant 720 : index
    %get3A_34 = arith.constant 0 : index
    %get3A_35 = vector.load %arg0[%get3A_33, %get3A_34] : memref<2560x128xf32, #tpu.memory_space<vmem>>, vector<80x128xf32>
    %add3A_36 = arith.addf %add3A_32, %get3A_35 : vector<80x128xf32>
    %get3A_37 = arith.constant 800 : index
    %get3A_38 = arith.constant 0 : index
    %get3A_39 = vector.load %arg0[%get3A_37, %get3A_38] : memref<2560x128xf32, #tpu.memory_space<vmem>>, vector<80x128xf32>
    %add3A_40 = arith.addf %add3A_36, %get3A_39 : vector<80x128xf32>
    %get3A_41 = arith.constant 880 : index
    %get3A_42 = arith.constant 0 : index
    %get3A_43 = vector.load %arg0[%get3A_41, %get3A_42] : memref<2560x128xf32, #tpu.memory_space<vmem>>, vector<80x128xf32>
    %add3A_44 = arith.addf %add3A_40, %get3A_43 : vector<80x128xf32>
    %get3A_45 = arith.constant 960 : index
    %get3A_46 = arith.constant 0 : index
    %get3A_47 = vector.load %arg0[%get3A_45, %get3A_46] : memref<2560x128xf32, #tpu.memory_space<vmem>>, vector<80x128xf32>
    %add3A_48 = arith.addf %add3A_44, %get3A_47 : vector<80x128xf32>
    %get3A_49 = arith.constant 1040 : index
    %get3A_50 = arith.constant 0 : index
    %get3A_51 = vector.load %arg0[%get3A_49, %get3A_50] : memref<2560x128xf32, #tpu.memory_space<vmem>>, vector<80x128xf32>
    %add3A_52 = arith.addf %add3A_48, %get3A_51 : vector<80x128xf32>
    %get3A_53 = arith.constant 1120 : index
    %get3A_54 = arith.constant 0 : index
    %get3A_55 = vector.load %arg0[%get3A_53, %get3A_54] : memref<2560x128xf32, #tpu.memory_space<vmem>>, vector<80x128xf32>
    %add3A_56 = arith.addf %add3A_52, %get3A_55 : vector<80x128xf32>
    %get3A_57 = arith.constant 1200 : index
    %get3A_58 = arith.constant 0 : index
    %get3A_59 = vector.load %arg0[%get3A_57, %get3A_58] : memref<2560x128xf32, #tpu.memory_space<vmem>>, vector<80x128xf32>
    %add3A_60 = arith.addf %add3A_56, %get3A_59 : vector<80x128xf32>
    %get3A_61 = arith.constant 1280 : index
    %get3A_62 = arith.constant 0 : index
    %get3A_63 = vector.load %arg0[%get3A_61, %get3A_62] : memref<2560x128xf32, #tpu.memory_space<vmem>>, vector<80x128xf32>
    %add3A_64 = arith.addf %add3A_60, %get3A_63 : vector<80x128xf32>
    %get3A_65 = arith.constant 1360 : index
    %get3A_66 = arith.constant 0 : index
    %get3A_67 = vector.load %arg0[%get3A_65, %get3A_66] : memref<2560x128xf32, #tpu.memory_space<vmem>>, vector<80x128xf32>
    %add3A_68 = arith.addf %add3A_64, %get3A_67 : vector<80x128xf32>
    %get3A_69 = arith.constant 1440 : index
    %get3A_70 = arith.constant 0 : index
    %get3A_71 = vector.load %arg0[%get3A_69, %get3A_70] : memref<2560x128xf32, #tpu.memory_space<vmem>>, vector<80x128xf32>
    %add3A_72 = arith.addf %add3A_68, %get3A_71 : vector<80x128xf32>
    %get3A_73 = arith.constant 1520 : index
    %get3A_74 = arith.constant 0 : index
    %get3A_75 = vector.load %arg0[%get3A_73, %get3A_74] : memref<2560x128xf32, #tpu.memory_space<vmem>>, vector<80x128xf32>
    %add3A_76 = arith.addf %add3A_72, %get3A_75 : vector<80x128xf32>
    %get3A_77 = arith.constant 1600 : index
    %get3A_78 = arith.constant 0 : index
    %get3A_79 = vector.load %arg0[%get3A_77, %get3A_78] : memref<2560x128xf32, #tpu.memory_space<vmem>>, vector<80x128xf32>
    %add3A_80 = arith.addf %add3A_76, %get3A_79 : vector<80x128xf32>
    %get3A_81 = arith.constant 1680 : index
    %get3A_82 = arith.constant 0 : index
    %get3A_83 = vector.load %arg0[%get3A_81, %get3A_82] : memref<2560x128xf32, #tpu.memory_space<vmem>>, vector<80x128xf32>
    %add3A_84 = arith.addf %add3A_80, %get3A_83 : vector<80x128xf32>
    %get3A_85 = arith.constant 1760 : index
    %get3A_86 = arith.constant 0 : index
    %get3A_87 = vector.load %arg0[%get3A_85, %get3A_86] : memref<2560x128xf32, #tpu.memory_space<vmem>>, vector<80x128xf32>
    %add3A_88 = arith.addf %add3A_84, %get3A_87 : vector<80x128xf32>
    %get3A_89 = arith.constant 1840 : index
    %get3A_90 = arith.constant 0 : index
    %get3A_91 = vector.load %arg0[%get3A_89, %get3A_90] : memref<2560x128xf32, #tpu.memory_space<vmem>>, vector<80x128xf32>
    %add3A_92 = arith.addf %add3A_88, %get3A_91 : vector<80x128xf32>
    %get3A_93 = arith.constant 1920 : index
    %get3A_94 = arith.constant 0 : index
    %get3A_95 = vector.load %arg0[%get3A_93, %get3A_94] : memref<2560x128xf32, #tpu.memory_space<vmem>>, vector<80x128xf32>
    %add3A_96 = arith.addf %add3A_92, %get3A_95 : vector<80x128xf32>
    %get3A_97 = arith.constant 2000 : index
    %get3A_98 = arith.constant 0 : index
    %get3A_99 = vector.load %arg0[%get3A_97, %get3A_98] : memref<2560x128xf32, #tpu.memory_space<vmem>>, vector<80x128xf32>
    %add3A_100 = arith.addf %add3A_96, %get3A_99 : vector<80x128xf32>
    %get3A_101 = arith.constant 2080 : index
    %get3A_102 = arith.constant 0 : index
    %get3A_103 = vector.load %arg0[%get3A_101, %get3A_102] : memref<2560x128xf32, #tpu.memory_space<vmem>>, vector<80x128xf32>
    %add3A_104 = arith.addf %add3A_100, %get3A_103 : vector<80x128xf32>
    %get3A_105 = arith.constant 2160 : index
    %get3A_106 = arith.constant 0 : index
    %get3A_107 = vector.load %arg0[%get3A_105, %get3A_106] : memref<2560x128xf32, #tpu.memory_space<vmem>>, vector<80x128xf32>
    %add3A_108 = arith.addf %add3A_104, %get3A_107 : vector<80x128xf32>
    %get3A_109 = arith.constant 2240 : index
    %get3A_110 = arith.constant 0 : index
    %get3A_111 = vector.load %arg0[%get3A_109, %get3A_110] : memref<2560x128xf32, #tpu.memory_space<vmem>>, vector<80x128xf32>
    %add3A_112 = arith.addf %add3A_108, %get3A_111 : vector<80x128xf32>
    %get3A_113 = arith.constant 2320 : index
    %get3A_114 = arith.constant 0 : index
    %get3A_115 = vector.load %arg0[%get3A_113, %get3A_114] : memref<2560x128xf32, #tpu.memory_space<vmem>>, vector<80x128xf32>
    %add3A_116 = arith.addf %add3A_112, %get3A_115 : vector<80x128xf32>
    %get3A_117 = arith.constant 2400 : index
    %get3A_118 = arith.constant 0 : index
    %get3A_119 = vector.load %arg0[%get3A_117, %get3A_118] : memref<2560x128xf32, #tpu.memory_space<vmem>>, vector<80x128xf32>
    %add3A_120 = arith.addf %add3A_116, %get3A_119 : vector<80x128xf32>
    %get3A_121 = arith.constant 2480 : index
    %get3A_122 = arith.constant 0 : index
    %get3A_123 = vector.load %arg0[%get3A_121, %get3A_122] : memref<2560x128xf32, #tpu.memory_space<vmem>>, vector<80x128xf32>
    %add3A_124 = arith.addf %add3A_120, %get3A_123 : vector<80x128xf32>
    %max3A = arith.constant 9.99999997E-7 : f32
    %max3A_125 = vector.broadcast %max3A : f32 to vector<80x128xf32>
    %max3A_126 = arith.maximumf %add3A_124, %max3A_125 : vector<80x128xf32>
    %rsqrt3A = math.rsqrt %max3A_126 : vector<80x128xf32>
    %swap3A = arith.constant 0 : index
    %swap3A_127 = arith.constant 0 : index
    %swap3A_128 = vector.load %arg1[%swap3A, %swap3A_127] : memref<80x128xf32, #tpu.memory_space<vmem>>, vector<80x128xf32>
    tpu.vector_store %arg1[%swap3A, %swap3A_127], %rsqrt3A {strides = array<i32>} : memref<80x128xf32, #tpu.memory_space<vmem>>, vector<80x128xf32>,
    return
  }
}

module attributes {stable_mosaic.version = 14 : i64} {
  func.func @_gcn_mm_body(%arg0: i32, %arg1: memref<256x640xf32, #tpu.memory_space<vmem>>, %arg2: memref<640x4096xf32, #tpu.memory_space<vmem>>, %arg3: memref<4096x512xf32, #tpu.memory_space<vmem>>, %arg4: memref<1x512xf32, #tpu.memory_space<vmem>>, %arg5: memref<256x512xf32, #tpu.memory_space<vmem>>) attributes {dimension_semantics = [#tpu.dimension_semantics<arbitrary>], iteration_bounds = array<i64: 40>, scalar_prefetch = 0 : i64, scratch_operands = 0 : i64, tpu.core_type = #tpu.core_type<tc>, window_params = [{transform_indices = @transform_0, window_bounds = array<i64: 256, 640>}, {pipeline_mode = #tpu.pipeline_mode<synchronous>, transform_indices = @transform_1, window_bounds = array<i64: 640, 4096>}, {pipeline_mode = #tpu.pipeline_mode<synchronous>, transform_indices = @transform_2, window_bounds = array<i64: 4096, 512>}, {pipeline_mode = #tpu.pipeline_mode<synchronous>, transform_indices = @transform_3, window_bounds = array<i64: 1, 512>}, {transform_indices = @transform_4, window_bounds = array<i64: 256, 512>}]} {
    %get3A = arith.constant 0 : index
    %get3A_0 = arith.constant 0 : index
    %get3A_1 = vector.load %arg1[%get3A, %get3A_0] : memref<256x640xf32, #tpu.memory_space<vmem>>, vector<256x640xf32>
    %get3A_2 = arith.constant 0 : index
    %get3A_3 = arith.constant 0 : index
    %get3A_4 = vector.load %arg2[%get3A_2, %get3A_3] : memref<640x4096xf32, #tpu.memory_space<vmem>>, vector<640x4096xf32>
    %dot_general3A = arith.constant dense<0.000000e+00> : vector<256x4096xf32>
    %dot_general3A_5 = tpu.matmul %get3A_1, %get3A_4, %dot_general3A {dimension_numbers = #tpu.dot_dimension_numbers<[1], [0], [0], [1], [0, 0, 1, 1], [], []>, transpose_lhs_hint = false} : vector<256x640xf32>, vector<640x4096xf32>, vector<256x4096xf32> -> vector<256x4096xf32>
    %max3A = arith.constant 0.000000e+00 : f32
    %max3A_6 = vector.broadcast %max3A : f32 to vector<256x4096xf32>
    %max3A_7 = arith.maximumf %dot_general3A_5, %max3A_6 : vector<256x4096xf32>
    %get3A_8 = arith.constant 0 : index
    %get3A_9 = arith.constant 0 : index
    %get3A_10 = vector.load %arg3[%get3A_8, %get3A_9] : memref<4096x512xf32, #tpu.memory_space<vmem>>, vector<4096x512xf32>
    %dot_general3A_11 = arith.constant dense<0.000000e+00> : vector<256x512xf32>
    %dot_general3A_12 = tpu.matmul %max3A_7, %get3A_10, %dot_general3A_11 {dimension_numbers = #tpu.dot_dimension_numbers<[1], [0], [0], [1], [0, 0, 1, 1], [], []>, transpose_lhs_hint = false} : vector<256x4096xf32>, vector<4096x512xf32>, vector<256x512xf32> -> vector<256x512xf32>
    %get3A_13 = arith.constant 0 : index
    %get3A_14 = arith.constant 0 : index
    %get3A_15 = vector.load %arg4[%get3A_13, %get3A_14] : memref<1x512xf32, #tpu.memory_space<vmem>>, vector<1x512xf32>
    %add3A = vector.broadcast %get3A_15 : vector<1x512xf32> to vector<256x512xf32>
    %add3A_16 = arith.addf %dot_general3A_12, %add3A : vector<256x512xf32>
    %swap3A = arith.constant 0 : index
    %swap3A_17 = arith.constant 0 : index
    %swap3A_18 = vector.load %arg5[%swap3A, %swap3A_17] : memref<256x512xf32, #tpu.memory_space<vmem>>, vector<256x512xf32>
    tpu.vector_store %arg5[%swap3A, %swap3A_17], %add3A_16 {strides = array<i32>} : memref<256x512xf32, #tpu.memory_space<vmem>>, vector<256x512xf32>,
    return
  }
  func.func @transform_0(%arg0: i32) -> (i32, i32) {
    %c0_i32 = arith.constant 0 : i32
    %c0_i32_0 = arith.constant 0 : i32
    return %arg0, %c0_i32 : i32, i32
  }
  func.func @transform_1(%arg0: i32) -> (i32, i32) {
    %c0_i32 = arith.constant 0 : i32
    %c0_i32_0 = arith.constant 0 : i32
    %c0_i32_1 = arith.constant 0 : i32
    return %c0_i32, %c0_i32_0 : i32, i32
  }
  func.func @transform_2(%arg0: i32) -> (i32, i32) {
    %c0_i32 = arith.constant 0 : i32
    %c0_i32_0 = arith.constant 0 : i32
    %c0_i32_1 = arith.constant 0 : i32
    return %c0_i32, %c0_i32_0 : i32, i32
  }
  func.func @transform_3(%arg0: i32) -> (i32, i32) {
    %c0_i32 = arith.constant 0 : i32
    %c0_i32_0 = arith.constant 0 : i32
    %c0_i32_1 = arith.constant 0 : i32
    return %c0_i32, %c0_i32_0 : i32, i32
  }
  func.func @transform_4(%arg0: i32) -> (i32, i32) {
    %c0_i32 = arith.constant 0 : i32
    %c0_i32_0 = arith.constant 0 : i32
    return %arg0, %c0_i32 : i32, i32
  }
}

module attributes {stable_mosaic.version = 14 : i64} {
  func.func @_score_body(%arg0: i32, %arg1: memref<1024x512xf32, #tpu.memory_space<vmem>>, %arg2: memref<512x768xf32, #tpu.memory_space<vmem>>, %arg3: memref<1x768xf32, #tpu.memory_space<vmem>>, %arg4: memref<768x512xf32, #tpu.memory_space<vmem>>, %arg5: memref<1x512xf32, #tpu.memory_space<vmem>>, %arg6: memref<256x512xf32, #tpu.memory_space<vmem>>, %arg7: memref<1024x256xf32, #tpu.memory_space<vmem>>, %arg8: memref<1024x512xf32, #tpu.memory_space<vmem>>) attributes {dimension_semantics = [#tpu.dimension_semantics<arbitrary>], iteration_bounds = array<i64: 36>, scalar_prefetch = 0 : i64, scratch_operands = 1 : i64, tpu.core_type = #tpu.core_type<tc>, window_params = [{pipeline_mode = #tpu.pipeline_mode<synchronous>, transform_indices = @transform_0, window_bounds = array<i64: 1024, 512>}, {pipeline_mode = #tpu.pipeline_mode<synchronous>, transform_indices = @transform_1, window_bounds = array<i64: 512, 768>}, {pipeline_mode = #tpu.pipeline_mode<synchronous>, transform_indices = @transform_2, window_bounds = array<i64: 1, 768>}, {pipeline_mode = #tpu.pipeline_mode<synchronous>, transform_indices = @transform_3, window_bounds = array<i64: 768, 512>}, {pipeline_mode = #tpu.pipeline_mode<synchronous>, transform_indices = @transform_4, window_bounds = array<i64: 1, 512>}, {transform_indices = @transform_5, window_bounds = array<i64: 256, 512>}, {transform_indices = @transform_6, window_bounds = array<i64: 1024, 256>}]} {
    %eq3A = arith.constant 0 : i32
    %eq3A_0 = arith.cmpi eq, %arg0, %eq3A : i32
    %convert_element_type3A = arith.extui %eq3A_0 : i1 to i32
    %cond3A = arith.constant 0 : i32
    %cond3A_1 = arith.cmpi ne, %convert_element_type3A, %cond3A : i32
    scf.if %cond3A_1 {
      %get3A_10 = arith.constant 0 : index
      %get3A_11 = arith.constant 0 : index
      %get3A_12 = vector.load %arg1[%get3A_10, %get3A_11] : memref<1024x512xf32, #tpu.memory_space<vmem>>, vector<1024x512xf32>
      %get3A_13 = arith.constant 0 : index
      %get3A_14 = arith.constant 0 : index
      %get3A_15 = vector.load %arg2[%get3A_13, %get3A_14] : memref<512x768xf32, #tpu.memory_space<vmem>>, vector<512x768xf32>
      %dot_general3A_16 = arith.constant dense<0.000000e+00> : vector<1024x768xf32>
      %dot_general3A_17 = tpu.matmul %get3A_12, %get3A_15, %dot_general3A_16 {dimension_numbers = #tpu.dot_dimension_numbers<[1], [0], [0], [1], [0, 0, 1, 1], [], []>, transpose_lhs_hint = false} : vector<1024x512xf32>, vector<512x768xf32>, vector<1024x768xf32> -> vector<1024x768xf32>
      %get3A_18 = arith.constant 0 : index
      %get3A_19 = arith.constant 0 : index
      %get3A_20 = vector.load %arg3[%get3A_18, %get3A_19] : memref<1x768xf32, #tpu.memory_space<vmem>>, vector<1x768xf32>
      %add3A = vector.broadcast %get3A_20 : vector<1x768xf32> to vector<1024x768xf32>
      %add3A_21 = arith.addf %dot_general3A_17, %add3A : vector<1024x768xf32>
      %max3A = arith.constant 0.000000e+00 : f32
      %max3A_22 = vector.broadcast %max3A : f32 to vector<1024x768xf32>
      %max3A_23 = arith.maximumf %add3A_21, %max3A_22 : vector<1024x768xf32>
      %get3A_24 = arith.constant 0 : index
      %get3A_25 = arith.constant 0 : index
      %get3A_26 = vector.load %arg4[%get3A_24, %get3A_25] : memref<768x512xf32, #tpu.memory_space<vmem>>, vector<768x512xf32>
      %dot_general3A_27 = arith.constant dense<0.000000e+00> : vector<1024x512xf32>
      %dot_general3A_28 = tpu.matmul %max3A_23, %get3A_26, %dot_general3A_27 {dimension_numbers = #tpu.dot_dimension_numbers<[1], [0], [0], [1], [0, 0, 1, 1], [], []>, transpose_lhs_hint = false} : vector<1024x768xf32>, vector<768x512xf32>, vector<1024x512xf32> -> vector<1024x512xf32>
      %get3A_29 = arith.constant 0 : index
      %get3A_30 = arith.constant 0 : index
      %get3A_31 = vector.load %arg5[%get3A_29, %get3A_30] : memref<1x512xf32, #tpu.memory_space<vmem>>, vector<1x512xf32>
      %add3A_32 = vector.broadcast %get3A_31 : vector<1x512xf32> to vector<1024x512xf32>
      %add3A_33 = arith.addf %dot_general3A_28, %add3A_32 : vector<1024x512xf32>
      %swap3A_34 = arith.constant 0 : index
      %swap3A_35 = arith.constant 0 : index
      %swap3A_36 = vector.load %arg8[%swap3A_34, %swap3A_35] : memref<1024x512xf32, #tpu.memory_space<vmem>>, vector<1024x512xf32>
      tpu.vector_store %arg8[%swap3A_34, %swap3A_35], %add3A_33 {strides = array<i32>} : memref<1024x512xf32, #tpu.memory_space<vmem>>, vector<1024x512xf32>,
    } else {
    }
    %get3A = arith.constant 0 : index
    %get3A_2 = arith.constant 0 : index
    %get3A_3 = vector.load %arg8[%get3A, %get3A_2] : memref<1024x512xf32, #tpu.memory_space<vmem>>, vector<1024x512xf32>
    %get3A_4 = arith.constant 0 : index
    %get3A_5 = arith.constant 0 : index
    %get3A_6 = vector.load %arg6[%get3A_4, %get3A_5] : memref<256x512xf32, #tpu.memory_space<vmem>>, vector<256x512xf32>
    %dot_general3A = arith.constant dense<0.000000e+00> : vector<1024x256xf32>
    %dot_general3A_7 = tpu.matmul %get3A_3, %get3A_6, %dot_general3A {dimension_numbers = #tpu.dot_dimension_numbers<[1], [1], [0], [0], [0, 0, 1, 0], [], []>, transpose_lhs_hint = false} : vector<1024x512xf32>, vector<256x512xf32>, vector<1024x256xf32> -> vector<1024x256xf32>
    %swap3A = arith.constant 0 : index
    %swap3A_8 = arith.constant 0 : index
    %swap3A_9 = vector.load %arg7[%swap3A, %swap3A_8] : memref<1024x256xf32, #tpu.memory_space<vmem>>, vector<1024x256xf32>
    tpu.vector_store %arg7[%swap3A, %swap3A_8], %dot_general3A_7 {strides = array<i32>} : memref<1024x256xf32, #tpu.memory_space<vmem>>, vector<1024x256xf32>,
    return
  }
  func.func @transform_0(%arg0: i32) -> (i32, i32) {
    %c0_i32 = arith.constant 0 : i32
    %c0_i32_0 = arith.constant 0 : i32
    %c0_i32_1 = arith.constant 0 : i32
    return %c0_i32, %c0_i32_0 : i32, i32
  }
  func.func @transform_1(%arg0: i32) -> (i32, i32) {
    %c0_i32 = arith.constant 0 : i32
    %c0_i32_0 = arith.constant 0 : i32
    %c0_i32_1 = arith.constant 0 : i32
    return %c0_i32, %c0_i32_0 : i32, i32
  }
  func.func @transform_2(%arg0: i32) -> (i32, i32) {
    %c0_i32 = arith.constant 0 : i32
    %c0_i32_0 = arith.constant 0 : i32
    %c0_i32_1 = arith.constant 0 : i32
    return %c0_i32, %c0_i32_0 : i32, i32
  }
  func.func @transform_3(%arg0: i32) -> (i32, i32) {
    %c0_i32 = arith.constant 0 : i32
    %c0_i32_0 = arith.constant 0 : i32
    %c0_i32_1 = arith.constant 0 : i32
    return %c0_i32, %c0_i32_0 : i32, i32
  }
  func.func @transform_4(%arg0: i32) -> (i32, i32) {
    %c0_i32 = arith.constant 0 : i32
    %c0_i32_0 = arith.constant 0 : i32
    %c0_i32_1 = arith.constant 0 : i32
    return %c0_i32, %c0_i32_0 : i32, i32
  }
  func.func @transform_5(%arg0: i32) -> (i32, i32) {
    %c0_i32 = arith.constant 0 : i32
    %c0_i32_0 = arith.constant 0 : i32
    return %arg0, %c0_i32 : i32, i32
  }
  func.func @transform_6(%arg0: i32) -> (i32, i32) {
    %c0_i32 = arith.constant 0 : i32
    %c0_i32_0 = arith.constant 0 : i32
    return %c0_i32, %arg0 : i32, i32
  }
}

</mosaic_0001>

<sc_bundles>
// kernel: kernel.12.cloned.1.call-start
scs
__scs_entry_jumppad:
0x0: {  	(pc) =	sbr.rel $0x88, $3  }
0x1: {  	(tag) =	ssettag $0x0;
	lr =	simm.s32 $0x1  }
0x2: {  	[smem:$0x3F95] =	sst lr;
	_ =	strace $0xD0000000  }
0x3: {  	_ = 	snop  }
0x4: {  	_ = 	snop  }
0x5: {  	_ = 	snop  }
0x6: {  	_ = 	snop  }
0x7: {  	_ = 	snop  }
__scs_overlays_trampoline_lowered:
0x8: {  	[smem:$0x3FA4] =	sst s0  }
0x9: {  	[smem:$0x3FA5] =	sst s1  }
0xa: {  	[smem:$0x3FA6] =	sst s2  }
0xb: {  	[smem:$0x3FA7] =	sst s3  }
0xc: {  	[smem:$0x3FA8] =	sst s4  }
0xd: {  	[smem:$0x3FA9] =	sst s5  }
0xe: {  	[smem:$0x3FAA] =	sst s6  }
0xf: {  	[smem:$0x3FAB] =	sst s7  }
0x10: {  	[smem:$0x3FAC] =	sst s8  }
0x11: {  	[smem:$0x3FAD] =	sst s9;
	s0 =	simm.s32 @!p0 $0x0  }
0x12: {  	s1 =	sld [smem:$0x3F93];
	s0 =	simm.s32 @p0 $0x1  }
0x13: {  	[smem:$0x3FAE] =	sst s0;
	s0 =	simm.s32 @!p1 $0x0  }
0x14: {  	s2 =	sld [smem:$0x3F92];
	s0 =	simm.s32 @p1 $0x1  }
0x15: {  	[smem:$0x3FAF] =	sst s0;
	s0 =	simm.s32 @!p2 $0x0  }
0x16: {  	s3 =	sld [smem:$0x3FDB];
	s0 =	simm.s32 @p2 $0x1  }
0x17: {  	s4 =	simm.s32 $0x1BF5;
	[smem:$0x3FB1] =	sst s0  }
0x18: {  	s0 =	sld [smem:$0x3F94];
	_ =	swait.ge [sflag:s4], $0x0  }
0x19: {  	s7 =	sld [smem:$0x3F95]  }
0x1a: {  	s8 =	sadd.s32 $0xFFFFE003, lr  }
0x1b: {  	s9 =	sadd.s32 $0xFFFFFEF7, lr;
	s5 =	simm.s32 $0xFFFFFFFF;
	p2 =	slt.u32 s8, $0xFFFFF086  }
0x1c: {  	p1 =	slt.u32 s9, $0xF7A;
	s5 =	simm.s32 @!p2 $0x0  }
0x1d: {  	s5 =	simm.s32 @p1 $0x1;
	p0 =	seq.s32 s7, s2  }
0x1e: {  	s7 =	smul.u32 @!p0 $0xF7A, s2;
	p2 =	seq.s32 @!p0 s5, $0x0  }
0x1f: {  	s9 =	smul.u32 $0xF7A, s1;
	s8 =	simm.s32 @!p0 $0x1BF5;
	p2 =	por !p2, p0  }
0x20: {  	[sflag:s8] =	ssyncset.s32 @!p0 $0xFFFFF086;
	s6 =	sadd.s32 @!p0 s3, s7;
	s7 =	simm.s32 @!p0 $0x108  }
0x21: {  	s3 =	sadd.s32 s3, s9;
	s6 =	sadd.s32 @!p0 $0x88, s6;
	s7 =	simm.s32 @p2 $0x1082  }
0x22: {  	[simem:s7], [sflag:s8] =	dma.local @!p0 [hbm:s6], $0xF7A  }
0x23: {  	s9 =	sor.u32 $0xD0000000, s2;
	s6 =	simm.s32 $0x108;
	_ =	swait.ge @!p0 [sflag:s8], $0x0  }
0x24: {  	s3 =	sadd.s32 $0x88, s3;
	s6 =	simm.s32 @!p1 $0x1082;
	[sflag:s4] =	ssyncset.s32 $0xFFFFF086  }
0x25: {  	[simem:s6], [sflag:s4] =	dma.local [hbm:s3], $0xF7A  }
0x26: {  	[smem:$0x3F95] =	sst s1;
	(tag) =	ssettag s2;
	_ =	strace s9  }
0x27: {  	s1 =	sld [smem:$0x3FA5]  }
0x28: {  	s2 =	sld [smem:$0x3FA6]  }
0x29: {  	s4 =	sld [smem:$0x3FA8]  }
0x2a: {  	p0 =	seq.s32 s5, $0x0;
	s5 =	sld [smem:$0x3FA9]  }
0x2b: {  	s6 =	sld [smem:$0x3FAA]  }
0x2c: {  	s7 =	sld [smem:$0x3FAB]  }
0x2d: {  	s3 =	simm.s32 $0x108;
	s8 =	sld [smem:$0x3FAC]  }
0x2e: {  	s3 =	simm.s32 @!p0 $0x1082;
	s9 =	sld [smem:$0x3FAD]  }
0x2f: {  	lr =	sadd.s32 s0, s3;
	s0 =	sld [smem:$0x3FA4]  }
0x30: {  	s3 =	sld [smem:$0x3FA7]  }
0x31: {  	[smem:$0x3FB0] =	sst s10  }
0x32: {  	s10 =	sld [smem:$0x3FAE];
	_ =	sdelay $0x3  }
0x33: {  	p0 =	seq.s32 s10, $0x1;
	s10 =	sld [smem:$0x3FB0];
	_ =	sdelay $0x3  }
0x34: {  	[smem:$0x3FB0] =	sst s10  }
0x35: {  	s10 =	sld [smem:$0x3FAF];
	_ =	sdelay $0x3  }
0x36: {  	p1 =	seq.s32 s10, $0x1;
	s10 =	sld [smem:$0x3FB0];
	_ =	sdelay $0x3  }
0x37: {  	[smem:$0x3FB0] =	sst s10  }
0x38: {  	s10 =	sld [smem:$0x3FB1]  }
0x39: {  	_ = 	snop;
	(pc) =	sbr.ind lr, $3  }
0x3a: {  	_ = 	snop  }
0x3b: {  	_ = 	snop  }
0x3c: {  	p2 =	seq.s32 s10, $0x1;
	s10 =	sld [smem:$0x3FB0]  }
0x3d: {  	_ =	shalt  }
0x3e: {  	_ =	shalt  }
0x3f: {  	_ =	shalt  }
0x40: {  	_ =	shalt  }
0x41: {  	_ =	shalt  }
0x42: {  	_ =	shalt  }
0x43: {  	_ =	shalt  }
0x44: {  	_ =	shalt  }
0x45: {  	_ =	shalt  }
0x46: {  	_ =	shalt  }
0x47: {  	_ =	shalt  }
0x48: {  	_ =	shalt  }
0x49: {  	_ =	shalt  }
0x4a: {  	_ =	shalt  }
0x4b: {  	_ =	shalt  }
0x4c: {  	_ =	shalt  }
0x4d: {  	_ =	shalt  }
0x4e: {  	_ =	shalt  }
0x4f: {  	_ =	shalt  }
0x50: {  	_ =	shalt  }
0x51: {  	_ =	shalt  }
0x52: {  	_ =	shalt  }
0x53: {  	_ =	shalt  }
0x54: {  	_ =	shalt  }
0x55: {  	_ =	shalt  }
0x56: {  	_ =	shalt  }
0x57: {  	_ =	shalt  }
0x58: {  	_ =	shalt  }
0x59: {  	_ =	shalt  }
0x5a: {  	_ =	shalt  }
0x5b: {  	_ =	shalt  }
0x5c: {  	_ =	shalt  }
0x5d: {  	_ =	shalt  }
0x5e: {  	_ =	shalt  }
0x5f: {  	_ =	shalt  }
0x60: {  	_ =	shalt  }
0x61: {  	_ =	shalt  }
0x62: {  	_ =	shalt  }
0x63: {  	_ =	shalt  }
0x64: {  	_ =	shalt  }
0x65: {  	_ =	shalt  }
0x66: {  	_ =	shalt  }
0x67: {  	_ =	shalt  }
0x68: {  	_ =	shalt  }
0x69: {  	_ =	shalt  }
0x6a: {  	_ =	shalt  }
0x6b: {  	_ =	shalt  }
0x6c: {  	_ =	shalt  }
0x6d: {  	_ =	shalt  }
0x6e: {  	_ =	shalt  }
0x6f: {  	_ =	shalt  }
0x70: {  	_ =	shalt  }
0x71: {  	_ =	shalt  }
0x72: {  	_ =	shalt  }
0x73: {  	_ =	shalt  }
0x74: {  	_ =	shalt  }
0x75: {  	_ =	shalt  }
0x76: {  	_ =	shalt  }
0x77: {  	_ =	shalt  }
0x78: {  	_ =	shalt  }
0x79: {  	_ =	shalt  }
0x7a: {  	_ =	shalt  }
0x7b: {  	_ =	shalt  }
0x7c: {  	_ =	shalt  }
0x7d: {  	_ =	shalt  }
0x7e: {  	_ =	shalt  }
0x7f: {  	_ =	shalt  }
0x80: {  	_ =	shalt  }
0x81: {  	_ =	shalt  }
0x82: {  	_ =	shalt  }
0x83: {  	_ =	shalt  }
0x84: {  	_ =	shalt  }
0x85: {  	_ =	shalt  }
0x86: {  	_ =	shalt  }
0x87: {  	_ =	shalt  }
.Lfunc_end0:
.L_simem_size_0:
called_computation.2_lowered:
.L_overlay_start_0:
0x88: {  	s2 =	sld [smem:$0x3FD9]  }
0x89: {  	s3 =	sld [smem:$0x3FFE];
	_ =	sdelay $0x1  }
0x8a: {  	s1 =	srdreg.scid  }
0x8b: {  	s0 =	sand.u32 $0x1, s1  }
0x8c: {  	s16 =	sshll.u32 s0, $0xA;
	s2 =	sadd.s32 s3, s2  }
0x8d: {  	s2 =	sadd.s32 s2, s16  }
0x8e: {  	[smem:$0x3FBC] =	sst s2  }
0x8f: {  	_ = 	snop  }
0x90: {  	(tm) =	ssettm $0x1  }
0x91: {  	s17 =	sld [smem:$0x3FFB];
	_ =	sdelay $0x3  }
0x92: {  	_ =	strace s17  }
0x93: {  	s2 =	sld [smem:$0x3FFC];
	_ =	sdelay $0x3  }
0x94: {  	_ =	strace s2  }
0x95: {  	s2 =	sld [smem:$0x3FFD];
	_ =	sdelay $0x3  }
0x96: {  	_ =	strace s2  }
0x97: {  	_ =	strace $0x8FFFFFFF  }
0x98: {  	s18 =	sld [smem:$0x3FDB];
	_ =	sdelay $0x1  }
0x99: {  	s19 =	simm.s32 $_scs_section_size  }
0x9a: {  	s4 =	simm.s32 $_size__tile_overlayer_lowered;
	s5 =	simm.s32 $_tile_overlayer_lowered  }
0x9b: {  	s22 =	simm.s32 $0x1BFF;
	s21 =	sshll.u32 s5, $0x1;
	s2 =	sadd.s32 s19, s18  }
0x9c: {  	s6 =	simm.s32 $0x0;
	s20 =	sshll.u32 s4, $0x1;
	s4 =	sadd.s32 s21, s2  }
0x9d: {  	[timem:s6], [sflag:s22] =	dma.local [hbm:s4], s20  }
0x9e: {  	_ =	swait.ge [sflag:s22], s20  }
0x9f: {  	s3 =	ssub.s32 $0x0, s20;
	[sflag:s22] =	ssyncset.done $0x0  }
0xa0: {  	[sflag:s22] =	ssyncadd.s32 s3;
	_ =	sdelay $0x1  }
0xa1: {  	s23 =	simm.s32 $0x1B8B  }
0xa2: {  	_ =	swait.ge [sflag:s23], $0x1  }
0xa3: {  	[sflag:s23] =	ssyncset.done $0x0  }
0xa4: {  	s25 =	simm.s32 $0x1B8E;
	s24 =	sld [smem:$0x3FFE];
	[sflag:s23] =	ssyncadd.s32 $0xFFFFFFFF  }
0xa5: {  	s26 =	simm.s32 $execute0_lowered;
	[smem:$0x3FD2] =	sst s25  }
0xa6: {  	s4 =	sshll.u32 s26, $0x1;
	_ =	strace $0x80000049;
	[dreg:$0x1] =	wrdreg $0xFFFFFFFF  }
0xa7: {  	s28 =	simm.s32 $_size_execute0_lowered;
	s2 =	sadd.s32 s2, s4;
	[dreg:$0x0] =	wrdreg $0x0  }
0xa8: {  	s4 =	sshll.u32 s28, $0x1;
	[dreg:$0x2] =	wrdreg s2  }
0xa9: {  	[dreg:$0x3] =	wrdreg s4  }
0xaa: {  	[dreg:$0x4] =	wrdreg $0xC0  }
0xab: {  	_ =	task [dreg:s6], $0x5FFFF  }
0xac: {  	[dreg:$0x1] =	wrdreg $0xFFFFFFFF  }
0xad: {  	[dreg:$0x0] =	wrdreg $0x60  }
0xae: {  	[dreg:$0x2] =	wrdreg s24  }
0xaf: {  	[dreg:$0x3] =	wrdreg $0x9  }
0xb0: {  	_ =	task.clear_ibuf [dreg:s6], $0x4FFFF;
	_ =	strace $0x90000049  }
0xb1: {  	s29 =	simm.s32 $0x9;
	_ =	strace $0x8000004B  }
0xb2: {  	_ =	swait.ge [sflag:s29], $0x1  }
0xb3: {  	[sflag:s29] =	ssyncadd.s32 $0xFFFFFFFF  }
0xb4: {  	_ =	strace $0x9000004B  }
0xb5: {  	_ =	sfence  }
0xb6: {  	s30 =	sld [smem:$0x0];
	_ =	sdelay $0x2  }
0xb7: {  	s31 =	sshll.u32 s1, $0xD;
	s1 =	sshrl.u32 s1, $0x2  }
0xb8: {  	s3 =	sand.u32 $0x4000, s31;
	s1 =	sadd.s32 s1, s30  }
0xb9: {  	s0 =	sor.u32 s3, s0;
	s1 =	sshll.u32 s1, $0x11  }
0xba: {  	s0 =	sor.u32 s1, s0  }
0xbb: {  	s0 =	sadd.s32 $0x8F2B, s0  }
0xbc: {  	[sflag:s0] =	ssyncadd.remote.s32 $0x1  }
0xbd: {  	_ =	sfence.sel $0xFFFF  }
0xbe: {  	[dreg:$0x0] =	wrdreg $0xFFFFFFFF;
	(pc) =	sbr.abs _section_cstart, $3  }
0xbf: {  	[dreg:$0x1] =	wrdreg $0xFFFFFFFF  }
0xc0: {  	_ =	task.clear_ibuf [dreg:s6], $0x2FFFF;
	_ =	strace $0x9FFFFFFF  }
0xc1: {  	(tm) =	ssettm $0x7FFFFFFF  }
tec
execute0_lowered:
.L_overlay_start_1:
0x0: {  	(tag) =	ssettag $0x1  }
0x1: {  	s0 =	srdreg.scid  }
0x2: {  	s4 =	rddreg [dreg:$0x0];
	s1 =	stileid.u32  }
0x3: {  	s2 =	simm.s32 $0x0;
	s9 =	simm.s32 $0x1;
	s3 =	sand.u32 $0x1, s0  }
0x4: {  	s10 =	simm.s32 $0x2800;
	s11 =	simm.s32 $0x3C00;
	s5 =	sshll.u32 s3, $0x4  }
0x5: {  	s12 =	simm.s32 $0x5000;
	s13 =	simm.s32 $0x6400;
	s5 =	sor.u32 s1, s5  }
0x6: {  	s0 =	rddreg [dreg:$0x1];
	s6 =	ssub.s32 $0x2, s3;
	s5 =	smul.u32 $0x280, s5  }
0x7: {  	s14 =	simm.s32 $0x0;
	[smem:$0x7FF] =	sst s2;
	s31 =	sshrl.u32 s6, $0x1  }
0x8: {  	_ =	strace $0x8000004A;
	s8 =	ssub.s32 s6, s31;
	s7 =	sadd.s32 s5, s4  }
0x9: {  	s3 =	sadd.s32 $0x12200, s4;
	s8 =	smax.u32 s8, $0x1;
	s4 =	sadd.s32 $0xD200, s7  }
0xa: {  	s5 =	sadd.s32 $0x8200, s7;
	s6 =	sadd.s32 $0x3200, s7;
	s7 =	sadd.s32 $0x12800, s7  }
.LBB2_1:
0xb: {  	[tilespmem:s2], [sflag:$0x1] =	stream.linear.gather [hbm4b:s3+s2], $0x2800, $0x38;
	[tilespmem:$0x7800] =	vst v63  }
0xc: {  	_ =	swait.ge [sflag:s9], $0x2800  }
0xd: {  	[sflag:s9] =	ssyncset.done $0x0  }
0xe: {  	[sflag:s9] =	ssyncadd.s32 $0xFFFFD800  }
0xf: {  	[tilespmem:s10], [sflag:$0x1] =	stream.linear.gather [hbm4b:s4+s2], $0x1400, $0x38;
	[tilespmem:$0x7800] =	vst v63  }
0x10: {  	_ =	swait.ge [sflag:s9], $0x1400  }
0x11: {  	[sflag:s9] =	ssyncset.done $0x0  }
0x12: {  	[sflag:s9] =	ssyncadd.s32 $0xFFFFEC00  }
0x13: {  	[tilespmem:s11], [sflag:$0x1] =	stream.linear.gather [hbm4b:s5+s2], $0x1400, $0x38;
	[tilespmem:$0x7800] =	vst v63  }
0x14: {  	_ =	swait.ge [sflag:s9], $0x1400  }
0x15: {  	[sflag:s9] =	ssyncset.done $0x0  }
0x16: {  	[sflag:s9] =	ssyncadd.s32 $0xFFFFEC00  }
0x17: {  	[tilespmem:s12], [sflag:$0x1] =	stream.linear.gather [hbm4b:s6+s2], $0x1400, $0x38;
	[tilespmem:$0x7800] =	vst v63  }
0x18: {  	_ =	swait.ge [sflag:s9], $0x1400  }
0x19: {  	[sflag:s9] =	ssyncset.done $0x0  }
0x1a: {  	s15 =	simm.s32 $0x0;
	[sflag:s9] =	ssyncadd.s32 $0xFFFFEC00  }
0x1b: {  	v0 =	vld [tilespmem:s15+$0x2800]  }
0x1c: {  	v2 =	vld [tilespmem:s15+$0x3C00];
	_ =	sdelay $0x5  }
0x1d: {  	v1 =	vld [tilespmem:s15+$0x5000]  }
0x1e: {  	v0 =	vld.idx.msk [tilespmem:v0+s2+$0x0], $0xffff  }
0x1f: {  	s16 =	simm.s32 $0x10;
	s17 =	simm.s32 $0x80;
	v2 =	vld.idx.msk [tilespmem:v2+s2+$0x0], $0xffff  }
.LBB2_2:
0x20: {  	p0 =	sne.s32 s17, $0x4FC0;
	v3 =	vld [tilespmem:s16+$0x2800];
	_ =	sdelay $0x1  }
0x21: {  	v4 =	vld [tilespmem:s16+$0x3C00]  }
0x22: {  	v0 =	vmul.f32 v1, v0;
	_ =	sdelay $0x1  }
0x23: {  	v0 =	vmul.f32 v0, v2  }
.Ltmp0:
0x24: {  	(pc) =	sbr.rel @p0 .LBB2_2-.Ltmp0, $4  }
0x25: {  	[tilespmem:s15+$0x6400] =	vst v0;
	s15 =	smov.u32 s16  }
0x26: {  	v0 =	vld.idx.msk [tilespmem:v3+s2+$0x0], $0xffff  }
0x27: {  	v1 =	vld [tilespmem:s15+$0x5000]  }
0x28: {  	s16 =	sshra.s32 s17, $0x2;
	s17 =	sadd.s32 $0x40, s17;
	v2 =	vld.idx.msk [tilespmem:v4+s2+$0x0], $0xffff  }
0x29: {  	v3 =	vld [tilespmem:s16+$0x2800];
	_ =	sdelay $0x2  }
0x2a: {  	v4 =	vld [tilespmem:s16+$0x3C00];
	v0 =	vmul.f32 v1, v0;
	_ =	sdelay $0x1  }
0x2b: {  	v0 =	vmul.f32 v0, v2;
	_ =	sdelay $0x1  }
0x2c: {  	[tilespmem:s15+$0x6400] =	vst v0  }
0x2d: {  	v0 =	vld.idx.msk [tilespmem:v3+s2+$0x0], $0xffff  }
0x2e: {  	v62 =	vld [tilespmem:s16+$0x5000];
	_ =	sdelay $0x1  }
0x2f: {  	v63 =	vld.idx.msk [tilespmem:v4+s2+$0x0], $0xffff;
	_ =	sdelay $0x2  }
0x30: {  	v0 =	vmul.f32 v62, v0;
	_ =	sdelay $0x1  }
0x31: {  	s14 =	sadd.s32 $0x1, s14;
	v0 =	vmul.f32 v0, v63  }
0x32: {  	p0 =	sne.s32 s14, s8  }
.Ltmp1:
0x33: {  	[tilespmem:s16+$0x6400] =	vst v0;
	(pc) =	sbr.rel @p0 .LBB2_1-.Ltmp1, $4  }
0x34: {  	[hbm4b:s7+s2] =	stream.linear.scatter [tilespmem:s13], [sflag:$0x1], $0x1400, $0x38;
	[tilespmem:$0x7800] =	vst v63  }
0x35: {  	_ =	swait.ge [sflag:s9], $0x1400  }
0x36: {  	[sflag:s9] =	ssyncset.done $0x0  }
0x37: {  	[sflag:s9] =	ssyncadd.s32 $0xFFFFEC00  }
0x38: {  	_ =	sfence.sel $0x180000  }
0x39: {  	[bflag:$0x0] =	sbarrier.arrive $0xFFFF  }
0x3a: {  	p0 =	sne.s32 s1, $0x0;
	_ =	strace $0x9000004A  }
0x3b: {  	s0 =	sadd.s32 @!p0 $0x100000, s0;
	[bflag:$0x2] =	sbarrier.arrive $0xFFFF  }
0x3c: {  	[sflag:s0] =	ssyncadd.tile.s32 @!p0 $0x1;
	_ =	shalt  }
.Lfunc_end2:
_tile_overlayer_lowered:
.L_overlay_start_2:
0x3d: {  	(tag) =	ssettag $0x2  }
0x3e: {  	s0 =	rddreg [dreg:$0x0];
	s2 =	stileid.u32  }
0x3f: {  	s1 =	rddreg [dreg:$0x1];
	p0 =	sne.s32 s2, $0x0  }
0x40: {  	s3 =	rddreg [dreg:$0x2];
	[bflag:$0x3] =	sbarrier.arrive $0xFFFF;
	s2 =	simm.s32 @!p0 $0x1C01  }
0x41: {  	[timem:s3], [sflag:s2] =	dma.local @!p0 [hbm:s0], s1  }
0x42: {  	s0 =	simm.s32 @!p0 $0x1  }
0x43: {  	_ =	swait.ge @!p0 [sflag:s0], s1  }
0x44: {  	s1 =	ssub.s32 @!p0 $0x0, s1;
	[sflag:s0] =	ssyncset.done @!p0 $0x0  }
0x45: {  	[sflag:s0] =	ssyncadd.s32 @!p0 s1  }
0x46: {  	[bflag:$0x3] =	sbarrier.arrive $0xFFFF  }
0x47: {  	_ =	shalt  }

// kernel: kernel.15.cloned.1.call-start
scs
__scs_entry_jumppad:
0x0: {  	(pc) =	sbr.rel $0x88, $3  }
0x1: {  	(tag) =	ssettag $0x0;
	lr =	simm.s32 $0x1  }
0x2: {  	[smem:$0x3F95] =	sst lr;
	_ =	strace $0xD0000000  }
0x3: {  	_ = 	snop  }
0x4: {  	_ = 	snop  }
0x5: {  	_ = 	snop  }
0x6: {  	_ = 	snop  }
0x7: {  	_ = 	snop  }
__scs_overlays_trampoline_lowered:
0x8: {  	[smem:$0x3FA4] =	sst s0  }
0x9: {  	[smem:$0x3FA5] =	sst s1  }
0xa: {  	[smem:$0x3FA6] =	sst s2  }
0xb: {  	[smem:$0x3FA7] =	sst s3  }
0xc: {  	[smem:$0x3FA8] =	sst s4  }
0xd: {  	[smem:$0x3FA9] =	sst s5  }
0xe: {  	[smem:$0x3FAA] =	sst s6  }
0xf: {  	[smem:$0x3FAB] =	sst s7  }
0x10: {  	[smem:$0x3FAC] =	sst s8  }
0x11: {  	[smem:$0x3FAD] =	sst s9;
	s0 =	simm.s32 @!p0 $0x0  }
0x12: {  	s1 =	sld [smem:$0x3F93];
	s0 =	simm.s32 @p0 $0x1  }
0x13: {  	[smem:$0x3FAE] =	sst s0;
	s0 =	simm.s32 @!p1 $0x0  }
0x14: {  	s2 =	sld [smem:$0x3F92];
	s0 =	simm.s32 @p1 $0x1  }
0x15: {  	[smem:$0x3FAF] =	sst s0;
	s0 =	simm.s32 @!p2 $0x0  }
0x16: {  	s3 =	sld [smem:$0x3FDB];
	s0 =	simm.s32 @p2 $0x1  }
0x17: {  	s4 =	simm.s32 $0x1BF5;
	[smem:$0x3FB1] =	sst s0  }
0x18: {  	s0 =	sld [smem:$0x3F94];
	_ =	swait.ge [sflag:s4], $0x0  }
0x19: {  	s7 =	sld [smem:$0x3F95]  }
0x1a: {  	s8 =	sadd.s32 $0xFFFFE003, lr  }
0x1b: {  	s9 =	sadd.s32 $0xFFFFFEF7, lr;
	s5 =	simm.s32 $0xFFFFFFFF;
	p2 =	slt.u32 s8, $0xFFFFF086  }
0x1c: {  	p1 =	slt.u32 s9, $0xF7A;
	s5 =	simm.s32 @!p2 $0x0  }
0x1d: {  	s5 =	simm.s32 @p1 $0x1;
	p0 =	seq.s32 s7, s2  }
0x1e: {  	s7 =	smul.u32 @!p0 $0xF7A, s2;
	p2 =	seq.s32 @!p0 s5, $0x0  }
0x1f: {  	s9 =	smul.u32 $0xF7A, s1;
	s8 =	simm.s32 @!p0 $0x1BF5;
	p2 =	por !p2, p0  }
0x20: {  	[sflag:s8] =	ssyncset.s32 @!p0 $0xFFFFF086;
	s6 =	sadd.s32 @!p0 s3, s7;
	s7 =	simm.s32 @!p0 $0x108  }
0x21: {  	s3 =	sadd.s32 s3, s9;
	s6 =	sadd.s32 @!p0 $0x88, s6;
	s7 =	simm.s32 @p2 $0x1082  }
0x22: {  	[simem:s7], [sflag:s8] =	dma.local @!p0 [hbm:s6], $0xF7A  }
0x23: {  	s9 =	sor.u32 $0xD0000000, s2;
	s6 =	simm.s32 $0x108;
	_ =	swait.ge @!p0 [sflag:s8], $0x0  }
0x24: {  	s3 =	sadd.s32 $0x88, s3;
	s6 =	simm.s32 @!p1 $0x1082;
	[sflag:s4] =	ssyncset.s32 $0xFFFFF086  }
0x25: {  	[simem:s6], [sflag:s4] =	dma.local [hbm:s3], $0xF7A  }
0x26: {  	[smem:$0x3F95] =	sst s1;
	(tag) =	ssettag s2;
	_ =	strace s9  }
0x27: {  	s1 =	sld [smem:$0x3FA5]  }
0x28: {  	s2 =	sld [smem:$0x3FA6]  }
0x29: {  	s4 =	sld [smem:$0x3FA8]  }
0x2a: {  	p0 =	seq.s32 s5, $0x0;
	s5 =	sld [smem:$0x3FA9]  }
0x2b: {  	s6 =	sld [smem:$0x3FAA]  }
0x2c: {  	s7 =	sld [smem:$0x3FAB]  }
0x2d: {  	s3 =	simm.s32 $0x108;
	s8 =	sld [smem:$0x3FAC]  }
0x2e: {  	s3 =	simm.s32 @!p0 $0x1082;
	s9 =	sld [smem:$0x3FAD]  }
0x2f: {  	lr =	sadd.s32 s0, s3;
	s0 =	sld [smem:$0x3FA4]  }
0x30: {  	s3 =	sld [smem:$0x3FA7]  }
0x31: {  	[smem:$0x3FB0] =	sst s10  }
0x32: {  	s10 =	sld [smem:$0x3FAE];
	_ =	sdelay $0x3  }
0x33: {  	p0 =	seq.s32 s10, $0x1;
	s10 =	sld [smem:$0x3FB0];
	_ =	sdelay $0x3  }
0x34: {  	[smem:$0x3FB0] =	sst s10  }
0x35: {  	s10 =	sld [smem:$0x3FAF];
	_ =	sdelay $0x3  }
0x36: {  	p1 =	seq.s32 s10, $0x1;
	s10 =	sld [smem:$0x3FB0];
	_ =	sdelay $0x3  }
0x37: {  	[smem:$0x3FB0] =	sst s10  }
0x38: {  	s10 =	sld [smem:$0x3FB1]  }
0x39: {  	_ = 	snop;
	(pc) =	sbr.ind lr, $3  }
0x3a: {  	_ = 	snop  }
0x3b: {  	_ = 	snop  }
0x3c: {  	p2 =	seq.s32 s10, $0x1;
	s10 =	sld [smem:$0x3FB0]  }
0x3d: {  	_ =	shalt  }
0x3e: {  	_ =	shalt  }
0x3f: {  	_ =	shalt  }
0x40: {  	_ =	shalt  }
0x41: {  	_ =	shalt  }
0x42: {  	_ =	shalt  }
0x43: {  	_ =	shalt  }
0x44: {  	_ =	shalt  }
0x45: {  	_ =	shalt  }
0x46: {  	_ =	shalt  }
0x47: {  	_ =	shalt  }
0x48: {  	_ =	shalt  }
0x49: {  	_ =	shalt  }
0x4a: {  	_ =	shalt  }
0x4b: {  	_ =	shalt  }
0x4c: {  	_ =	shalt  }
0x4d: {  	_ =	shalt  }
0x4e: {  	_ =	shalt  }
0x4f: {  	_ =	shalt  }
0x50: {  	_ =	shalt  }
0x51: {  	_ =	shalt  }
0x52: {  	_ =	shalt  }
0x53: {  	_ =	shalt  }
0x54: {  	_ =	shalt  }
0x55: {  	_ =	shalt  }
0x56: {  	_ =	shalt  }
0x57: {  	_ =	shalt  }
0x58: {  	_ =	shalt  }
0x59: {  	_ =	shalt  }
0x5a: {  	_ =	shalt  }
0x5b: {  	_ =	shalt  }
0x5c: {  	_ =	shalt  }
0x5d: {  	_ =	shalt  }
0x5e: {  	_ =	shalt  }
0x5f: {  	_ =	shalt  }
0x60: {  	_ =	shalt  }
0x61: {  	_ =	shalt  }
0x62: {  	_ =	shalt  }
0x63: {  	_ =	shalt  }
0x64: {  	_ =	shalt  }
0x65: {  	_ =	shalt  }
0x66: {  	_ =	shalt  }
0x67: {  	_ =	shalt  }
0x68: {  	_ =	shalt  }
0x69: {  	_ =	shalt  }
0x6a: {  	_ =	shalt  }
0x6b: {  	_ =	shalt  }
0x6c: {  	_ =	shalt  }
0x6d: {  	_ =	shalt  }
0x6e: {  	_ =	shalt  }
0x6f: {  	_ =	shalt  }
0x70: {  	_ =	shalt  }
0x71: {  	_ =	shalt  }
0x72: {  	_ =	shalt  }
0x73: {  	_ =	shalt  }
0x74: {  	_ =	shalt  }
0x75: {  	_ =	shalt  }
0x76: {  	_ =	shalt  }
0x77: {  	_ =	shalt  }
0x78: {  	_ =	shalt  }
0x79: {  	_ =	shalt  }
0x7a: {  	_ =	shalt  }
0x7b: {  	_ =	shalt  }
0x7c: {  	_ =	shalt  }
0x7d: {  	_ =	shalt  }
0x7e: {  	_ =	shalt  }
0x7f: {  	_ =	shalt  }
0x80: {  	_ =	shalt  }
0x81: {  	_ =	shalt  }
0x82: {  	_ =	shalt  }
0x83: {  	_ =	shalt  }
0x84: {  	_ =	shalt  }
0x85: {  	_ =	shalt  }
0x86: {  	_ =	shalt  }
0x87: {  	_ =	shalt  }
.Lfunc_end0:
.L_simem_size_0:
called_computation.3_lowered:
.L_overlay_start_0:
0x88: {  	s2 =	sld [smem:$0x3FD9]  }
0x89: {  	s3 =	sld [smem:$0x3FFE];
	_ =	sdelay $0x1  }
0x8a: {  	s1 =	srdreg.scid  }
0x8b: {  	s0 =	sand.u32 $0x1, s1  }
0x8c: {  	s17 =	sshll.u32 s0, $0xA;
	s2 =	sadd.s32 s3, s2  }
0x8d: {  	s2 =	sadd.s32 s2, s17  }
0x8e: {  	[smem:$0x3FBC] =	sst s2  }
0x8f: {  	_ = 	snop  }
0x90: {  	s2 =	sld [smem:$0x3FD0];
	(tm) =	ssettm $0x1  }
0x91: {  	s18 =	sld [smem:$0x3FFB];
	_ =	sdelay $0x3  }
0x92: {  	_ =	strace s18  }
0x93: {  	s3 =	sld [smem:$0x3FFC];
	_ =	sdelay $0x3  }
0x94: {  	_ =	strace s3  }
0x95: {  	s3 =	sld [smem:$0x3FFD];
	_ =	sdelay $0x3  }
0x96: {  	_ =	strace s3  }
0x97: {  	_ =	strace $0x8FFFFFFF  }
0x98: {  	s19 =	sld [smem:$0x3FDB];
	_ =	sdelay $0x1  }
0x99: {  	s4 =	simm.s32 $_scs_section_size  }
0x9a: {  	s5 =	simm.s32 $_size__tile_overlayer_lowered;
	s6 =	simm.s32 $_tile_overlayer_lowered  }
0x9b: {  	s22 =	simm.s32 $0x1BFF;
	s21 =	sshll.u32 s6, $0x1;
	s3 =	sadd.s32 s4, s19  }
0x9c: {  	s7 =	simm.s32 $0x0;
	s20 =	sshll.u32 s5, $0x1;
	s5 =	sadd.s32 s21, s3  }
0x9d: {  	[timem:s7], [sflag:s22] =	dma.local [hbm:s5], s20  }
0x9e: {  	_ =	swait.ge [sflag:s22], s20  }
0x9f: {  	s4 =	ssub.s32 $0x0, s20;
	[sflag:s22] =	ssyncset.done $0x0  }
0xa0: {  	[sflag:s22] =	ssyncadd.s32 s4;
	_ =	sdelay $0x1  }
0xa1: {  	s23 =	simm.s32 $0x1B8B  }
0xa2: {  	_ =	swait.ge [sflag:s23], $0x1  }
0xa3: {  	[sflag:s23] =	ssyncset.done $0x0  }
0xa4: {  	s25 =	simm.s32 $0x1B8E;
	s24 =	sld [smem:$0x3FFE];
	[sflag:s23] =	ssyncadd.s32 $0xFFFFFFFF  }
0xa5: {  	s26 =	simm.s32 $execute0_lowered;
	[smem:$0x3FD2] =	sst s25  }
0xa6: {  	s5 =	sshll.u32 s26, $0x1;
	_ =	strace $0x8000004C;
	[dreg:$0x1] =	wrdreg $0xFFFFFFFF  }
0xa7: {  	s28 =	simm.s32 $_size_execute0_lowered;
	s3 =	sadd.s32 s3, s5;
	[dreg:$0x0] =	wrdreg $0x0  }
0xa8: {  	s5 =	sshll.u32 s28, $0x1;
	[dreg:$0x2] =	wrdreg s3  }
0xa9: {  	[dreg:$0x3] =	wrdreg s5  }
0xaa: {  	[dreg:$0x4] =	wrdreg $0xC0  }
0xab: {  	_ =	task [dreg:s7], $0x5FFFF  }
0xac: {  	[dreg:$0x1] =	wrdreg $0xFFFFFFFF  }
0xad: {  	[dreg:$0x0] =	wrdreg $0x60  }
0xae: {  	[dreg:$0x2] =	wrdreg s24  }
0xaf: {  	[dreg:$0x3] =	wrdreg s2  }
0xb0: {  	[dreg:$0x4] =	wrdreg $0x9  }
0xb1: {  	_ =	task.clear_ibuf [dreg:s7], $0x5FFFF;
	_ =	strace $0x9000004C  }
0xb2: {  	s29 =	simm.s32 $0x9;
	_ =	strace $0x8000004E  }
0xb3: {  	_ =	swait.ge [sflag:s29], $0x1  }
0xb4: {  	[sflag:s29] =	ssyncadd.s32 $0xFFFFFFFF  }
0xb5: {  	_ =	strace $0x9000004E  }
0xb6: {  	_ =	sfence  }
0xb7: {  	s30 =	sld [smem:$0x0];
	_ =	sdelay $0x2  }
0xb8: {  	s31 =	sshll.u32 s1, $0xD;
	s1 =	sshrl.u32 s1, $0x2  }
0xb9: {  	s3 =	sand.u32 $0x4000, s31;
	s1 =	sadd.s32 s1, s30  }
0xba: {  	s0 =	sor.u32 s3, s0;
	s1 =	sshll.u32 s1, $0x11  }
0xbb: {  	s0 =	sor.u32 s1, s0  }
0xbc: {  	s0 =	sadd.s32 $0x8F2B, s0  }
0xbd: {  	[sflag:s0] =	ssyncadd.remote.s32 $0x1  }
0xbe: {  	_ =	sfence.sel $0xFFFF  }
0xbf: {  	[dreg:$0x0] =	wrdreg $0xFFFFFFFF;
	(pc) =	sbr.abs _section_cstart, $3  }
0xc0: {  	[dreg:$0x1] =	wrdreg $0xFFFFFFFF  }
0xc1: {  	_ =	task.clear_ibuf [dreg:s7], $0x2FFFF;
	_ =	strace $0x9FFFFFFF  }
0xc2: {  	(tm) =	ssettm $0x7FFFFFFF  }
0xc3: {  	_ =	shalt  }
tec
execute0_lowered:
.L_overlay_start_1:
0x0: {  	(tag) =	ssettag $0x1  }
0x1: {  	s0 =	rddreg [dreg:$0x0]  }
0x2: {  	s1 =	rddreg [dreg:$0x1]  }
0x3: {  	s2 =	simm.s32 $0x0;
	s30 =	srdreg.scid;
	s9 =	stileid.u32  }
0x4: {  	s12 =	simm.s32 $0x19000;
	s13 =	simm.s32 $0x1;
	s14 =	simm.s32 $0x19A00  }
0x5: {  	s15 =	simm.s32 $0x1A400;
	s16 =	simm.s32 $0x1CD80;
	s17 =	simm.s32 $0x1D580  }
0x6: {  	s18 =	simm.s32 $0x1DD80;
	s19 =	simm.s32 $0x1E180;
	s20 =	simm.s32 $0x1E980  }
0x7: {  	s21 =	simm.s32 $0x1F180;
	s24 =	simm.s32 $0x0;
	[smem:$0x7FF] =	sst s2  }
0x8: {  	s3 =	sadd.s32 $0xD200, s0;
	s2 =	sand.u32 $0x1, s30;
	s5 =	sadd.s32 $0x8200, s0  }
.Ltmp0:
0x9: {  	s6 =	sadd.s32 $0x12800, s0;
	s4 =	ssub.s32 $0x2, s2;
	(pc) =	sbr.rel .LBB2_1-.Ltmp0, $4  }
0xa: {  	s7 =	sadd.s32 $0x17800, s0;
	s10 =	sadd.s32 $0x200, s1;
	s8 =	sshrl.u32 s4, $0x1  }
0xb: {  	v4 =	vlaneseq.u32;
	v0 =	vimm.f32 $0.0e+00;
	v1 =	vimm.s32 $0x0;
	_ =	strace $0x8000004D;
	s2 =	sshll.u32 s2, $0x4;
	s31 =	ssub.s32 s4, s8  }
0xc: {  	vm0 =	vmmov $0xffff;
	vm1 =	vmmov $0xff;
	v3 =	vshrl.u32 v4, $0x3;
	s2 =	sor.u32 s9, s2;
	s9 =	sadd.s32 $0x100, s1;
	s0 =	smax.u32 s31, $0x1  }
0xd: {  	v2 =	vand.u32 $0x7, v4;
	v4 =	vor.u32 $0x8, v4;
	v3 =	vmul.u32 $0x8, v3;
	s8 =	smul.u32 $0xA0, s2;
	s2 =	simm.s32 $0x0;
	[dreg:$0x3] =	wrdreg s0  }
.LBB2_43:
0xe: {  	s2 =	rddreg [dreg:$0x4]  }
0xf: {  	s0 =	rddreg [dreg:$0x3];
	s2 =	sadd.s32 $0x1, s2  }
0x10: {  	p0 =	sne.s32 s2, s0  }
.Ltmp1:
0x11: {  	_ = 	snop;
	(pc) =	sbr.rel @!p0 .LBB2_44-.Ltmp1, $1  }
0x12: {  	_ =	sdelay $0x3  }
.LBB2_1:
.Ltmp2:
0x13: {  	(pc) =	sbr.rel .LBB2_2-.Ltmp2, $2  }
0x14: {  	_ =	sdelay $0x2  }
0x15: {  	[dreg:$0x4] =	wrdreg s2;
	p1 =	por $0x1, $0x1;
	s0 =	simm.s32 $0x0  }
.LBB2_42:
0x16: {  	s0 =	smul.u32 $0x50, s23;
	_ =	sdelay $0x1  }
.Ltmp3:
0x17: {  	s2 =	simm.s32 $0x0;
	s0 =	sadd.s32 s7, s0;
	(pc) =	sbr.rel @!p0 .LBB2_43-.Ltmp3, $4  }
0x18: {  	[hbm4b:s0+s2] =	stream.linear.scatter [tilespmem:s2], [sflag:$0x1], $0x19000, $0x38;
	[tilespmem:$0x1F580] =	vst v63  }
0x19: {  	_ =	swait.ge [sflag:s13], $0x19000  }
0x1a: {  	[sflag:s13] =	ssyncset.done $0x0  }
0x1b: {  	p1 =	por $0x0, $0x0;
	s0 =	simm.s32 $0x1400;
	[sflag:s13] =	ssyncadd.s32 $0xFFFE7000  }
.LBB2_2:
0x1c: {  	p0 =	por p1, p1;
	s4 =	simm.s32 $0x40;
	s2 =	simm.s32 $0x0  }
.LBB2_3:
0x1d: {  	p1 =	seq.s32 s4, $0x63FC0;
	[tilespmem:s2+$0x0] =	vst v0;
	s2 =	smov.u32 s4;
	s4 =	sadd.s32 $0x40, s4  }
.Ltmp4:
0x1e: {  	(pc) =	sbr.rel @!p1 .LBB2_3-.Ltmp4, $2  }
0x1f: {  	_ =	sdelay $0x2  }
0x20: {  	s2 =	sshra.s32 s2, $0x2  }
.Ltmp5:
0x21: {  	(pc) =	sbr.rel .LBB2_5-.Ltmp5, $4  }
0x22: {  	_ = 	snop  }
0x23: {  	s23 =	sadd.s32 s8, s0  }
0x24: {  	s0 =	sadd.s32 $0xA0, s23  }
0x25: {  	[tilespmem:s2+$0x0] =	vst v0;
	s25 =	simm.s32 $0x0;
	v5 =	vmov s23;
	v6 =	vmov s0  }
.LBB2_41:
0x26: {  	s25 =	sadd.s32 $0x1, s25  }
0x27: {  	p1 =	sne.s32 s25, $0x40  }
.Ltmp6:
0x28: {  	_ = 	snop;
	(pc) =	sbr.rel @!p1 .LBB2_42-.Ltmp6, $1  }
0x29: {  	_ =	sdelay $0x3  }
.LBB2_5:
0x2a: {  	s0 =	smul.u32 $0x140, s25;
	_ =	sdelay $0x1  }
0x2b: {  	s2 =	sadd.s32 s3, s0  }
0x2c: {  	[tilespmem:s12], [sflag:$0x1] =	stream.linear.gather [hbm4b:s2+s24], $0xA00, $0x38;
	[tilespmem:$0x1F580] =	vst v63  }
0x2d: {  	_ =	swait.ge [sflag:s13], $0xA00  }
0x2e: {  	[sflag:s13] =	ssyncset.done $0x0  }
0x2f: {  	s30 =	sadd.s32 s5, s0;
	[sflag:s13] =	ssyncadd.s32 $0xFFFFF600  }
0x30: {  	[tilespmem:s14], [sflag:$0x1] =	stream.linear.gather [hbm4b:s30+s24], $0xA00, $0x38;
	[tilespmem:$0x1F580] =	vst v63  }
0x31: {  	_ =	swait.ge [sflag:s13], $0xA00  }
0x32: {  	[sflag:s13] =	ssyncset.done $0x0  }
0x33: {  	s0 =	sadd.s32 s6, s0;
	[sflag:s13] =	ssyncadd.s32 $0xFFFFF600  }
0x34: {  	[tilespmem:s15], [sflag:$0x1] =	stream.linear.gather [hbm4b:s0+s24], $0xA00, $0x38;
	[tilespmem:$0x1F580] =	vst v63  }
0x35: {  	_ =	swait.ge [sflag:s13], $0xA00  }
0x36: {  	[sflag:s13] =	ssyncset.done $0x0  }
0x37: {  	s31 =	simm.s32 $0x0;
	[sflag:s13] =	ssyncadd.s32 $0xFFFFF600  }
0x38: {  	v7 =	vld [tilespmem:s31+$0x19A00];
	_ =	sdelay $0x4  }
0x39: {  	vm2 =	vge.s32 v7, v5;
	vm3 =	vlt.s32 v7, v6  }
0x3a: {  	vm2 =	vmand vm2, vm3  }
0x3b: {  	v8 =	vld [tilespmem:s31+$0x19000];
	v9 =	vsel vm2, $0x1, v1  }
0x3c: {  	(xrf0) =	vadd.scan.msk.s32 $0xffff, v9;
	_ =	sdelay $0x3  }
0x3d: {  	v7 =	vsub.s32 v7, v5;
	[tilespmem:s24+$0x1AE00] =	vst.msk vm2, v8  }
0x3e: {  	[tilespmem:s24+$0x1B880] =	vst.msk vm2, v7  }
0x3f: {  	v7 =	vld [tilespmem:s31+$0x1A400];
	v8, _, _ =	vpop (xrf0)  }
0x40: {  	(v2sf) =	vpush v8, $0xF;
	_ =	sdelay $0x3  }
0x41: {  	s26 =	simm.s32 $0x10;
	s29 =	simm.s32 $0x80;
	s28 =	simm.s32 $0x0;
	[tilespmem:s24+$0x1C300] =	vst.msk vm2, v7  }
.LBB2_6:
0x42: {  	p1 =	sne.s32 s29, $0x27C0;
	v7 =	vld [tilespmem:s26+$0x19A00]  }
0x43: {  	v8 =	vld [tilespmem:s26+$0x19000];
	_ =	sdelay $0x3  }
0x44: {  	vm2 =	vge.s32 v7, v5;
	vm3 =	vlt.s32 v7, v6;
	v7 =	vsub.s32 v7, v5  }
0x45: {  	vm2 =	vmand vm2, vm3  }
0x46: {  	v9 =	vsel vm2, $0x1, v1  }
0x47: {  	(xrf0) =	vadd.scan.msk.s32 $0xffff, v9;
	_ =	sdelay $0x1  }
0x48: {  	s0 =	spop (v2sf)  }
0x49: {  	s28 =	sadd.s32 s28, s0  }
0x4a: {  	[tilespmem:s28+$0x1AE00] =	vst.msk vm2, v8  }
0x4b: {  	[tilespmem:s28+$0x1B880] =	vst.msk vm2, v7  }
0x4c: {  	v7 =	vld [tilespmem:s26+$0x1A400];
	v8, _, _ =	vpop (xrf0)  }
.Ltmp7:
0x4d: {  	(v2sf) =	vpush v8, $0xF;
	(pc) =	sbr.rel @p1 .LBB2_6-.Ltmp7, $2  }
0x4e: {  	_ =	sdelay $0x2  }
0x4f: {  	s26 =	sshra.s32 s29, $0x2;
	s29 =	sadd.s32 $0x40, s29;
	[tilespmem:s28+$0x1C300] =	vst.msk vm2, v7  }
0x50: {  	v7 =	vld [tilespmem:s26+$0x19A00];
	_ =	sdelay $0x4  }
0x51: {  	vm2 =	vge.s32 v7, v5;
	vm3 =	vlt.s32 v7, v6  }
0x52: {  	vm2 =	vmand vm2, vm3  }
0x53: {  	v8 =	vsel vm2, $0x1, v1  }
0x54: {  	(xrf0) =	vadd.scan.msk.s32 $0xffff, v8;
	_ =	sdelay $0x5  }
0x55: {  	v8, _, _ =	vpop (xrf0)  }
0x56: {  	(v2sf) =	vpush v8, $0xF;
	_ =	sdelay $0xd  }
0x57: {  	s0 =	spop (v2sf);
	v8 =	vld [tilespmem:s26+$0x19000]  }
0x58: {  	s0 =	sadd.s32 s28, s0;
	s2 =	spop (v2sf)  }
0x59: {  	s2 =	sadd.s32 s0, s2  }
0x5a: {  	s4 =	sadd.s32 $0xF, s2  }
0x5b: {  	s11 =	sand.u32 $0xF, s4  }
0x5c: {  	v7 =	vsub.s32 v7, v5;
	[tilespmem:s0+$0x1AE00] =	vst.msk vm2, v8;
	s30 =	sshra.s32 s4, $0x1F;
	p2 =	slt.s32 s4, $0x1;
	p1 =	sne.s32 s11, $0x0  }
0x5d: {  	[tilespmem:s0+$0x1B880] =	vst.msk vm2, v7;
	s11 =	sshrl.u32 s30, $0x1C;
	p1 =	por !p2, !p1  }
0x5e: {  	v7 =	vld [tilespmem:s26+$0x1A400];
	s4 =	sadd.s32 s11, s4;
	s11 =	simm.s32 $0x1;
	p1 =	por !p1, !p1  }
0x5f: {  	s31 =	sshra.s32 s4, $0x4;
	s11 =	simm.s32 @!p1 $0x0  }
0x60: {  	s26 =	ssub.s32 s31, s11  }
0x61: {  	p1 =	slt.s32 s26, $0x1  }
.Ltmp8:
0x62: {  	_ = 	snop;
	(pc) =	sbr.rel @p1 .LBB2_41-.Ltmp8, $4  }
0x63: {  	[tilespmem:s0+$0x1C300] =	vst.msk vm2, v7  }
0x64: {  	[tilespmem:s2+$0x1AE00] =	vst v1  }
0x65: {  	[tilespmem:s2+$0x1B880] =	vst v1  }
0x66: {  	s29 =	simm.s32 $0x0;
	s28 =	simm.s32 $0x0;
	[tilespmem:s2+$0x1C300] =	vst v0  }
.LBB2_8:
0x67: {  	s0 =	sshll.u32 s29, $0x4  }
0x68: {  	v7 =	vld [tilespmem:s0+$0x1AE00];
	_ =	sdelay $0x4  }
0x69: {  	v8 =	vshrl.u32 v7, $0x3  }
0x6a: {  	v8 =	vmul.u32 $0x28, v8  }
0x6b: {  	v7 =	vand.u32 $0x7, v7  }
0x6c: {  	v7 =	vor.u32 v7, v8  }
0x6d: {  	v8 =	vperm.xlane v7, v2;
	_ =	sdelay $0x1  }
0x6e: {  	v8 =	vadd.s32 v3, v8;
	_ =	sdelay $0x3  }
0x6f: {  	v7 =	vperm.xlane v7, v4  }
0x70: {  	[tilespmem:s16], [sflag:$0x1] =	stream.indirect_vreg.gather [hbm4b:s1+s28], $0x80, v8, vm0, $0xb8;
	[tilespmem:$0x1F580] =	vst v63  }
0x71: {  	v7 =	vadd.s32 v3, v7  }
0x72: {  	[tilespmem:s17], [sflag:$0x1] =	stream.indirect_vreg.gather [hbm4b:s9+s28], $0x80, v8, vm0, $0xb8;
	[tilespmem:$0x1F580] =	vst v63  }
0x73: {  	_ = 	snop  }
0x74: {  	[tilespmem:s18], [sflag:$0x1] =	stream.indirect_vreg.gather [hbm4b:s10+s28], $0x80, v8, vm1, $0xb8;
	[tilespmem:$0x1F580] =	vst v63  }
0x75: {  	_ = 	snop  }
0x76: {  	[tilespmem:s19], [sflag:$0x1] =	stream.indirect_vreg.gather [hbm4b:s1+s28], $0x80, v7, vm0, $0xb8;
	[tilespmem:$0x1F580] =	vst v63  }
0x77: {  	_ = 	snop  }
0x78: {  	[tilespmem:s20], [sflag:$0x1] =	stream.indirect_vreg.gather [hbm4b:s9+s28], $0x80, v7, vm0, $0xb8;
	[tilespmem:$0x1F580] =	vst v63  }
0x79: {  	_ = 	snop  }
0x7a: {  	[tilespmem:s21], [sflag:$0x1] =	stream.indirect_vreg.gather [hbm4b:s10+s28], $0x80, v7, vm1, $0xb8;
	[tilespmem:$0x1F580] =	vst v63  }
0x7b: {  	_ =	swait.ge [sflag:s13], $0x2800  }
0x7c: {  	[sflag:s13] =	ssyncset.done $0x0  }
0x7d: {  	[sflag:s13] =	ssyncadd.s32 $0xFFFFD800  }
0x7e: {  	v8 =	vld [tilespmem:s0+$0x1B880];
	_ =	sdelay $0x4  }
0x7f: {  	(v2sf) =	vpush v8, $0x0;
	_ =	sdelay $0xe  }
0x80: {  	s2 =	spop (v2sf)  }
0x81: {  	s30 =	smul.u32 $0x280, s2  }
0x82: {  	s11 =	sand.u32 $0x70, s28;
	s22 =	sand.u32 $0x1C00, s28;
	v7 =	vld [tilespmem:s0+$0x1C300]  }
0x83: {  	s2 =	sor.u32 s11, s22;
	s4 =	sadd.s32 $0x0, s30  }
0x84: {  	v10 =	vld [tilespmem:s2+$0x1CD80];
	s4 =	sand.u32 $0xFFFFFF80, s4  }
0x85: {  	s31 =	sor.u32 s11, s4  }
0x86: {  	v11 =	vld [tilespmem:s31+$0x0]  }
0x87: {  	v9 =	vbroadcast v7, $0x0;
	_ =	sdelay $0x1  }
0x88: {  	v10 =	vmul.f32 v10, v9;
	_ =	sdelay $0x1  }
0x89: {  	s0 =	simm.s32 $0x80;
	s4 =	simm.s32 $0x10;
	v10 =	vadd.f32 v10, v11  }
0x8a: {  	s2 =	sand.u32 $0x1C00, s0;
	s11 =	simm.s32 $0x20;
	s22 =	sand.u32 $0x70, s4  }
.LBB2_9:
0x8b: {  	p1 =	sne.s32 s11, $0x270;
	s4 =	sadd.s32 s4, s30;
	s2 =	sor.u32 s22, s2;
	[tilespmem:s31+$0x0] =	vst v10  }
0x8c: {  	s31 =	sand.u32 $0xFFFFFF80, s4;
	v10 =	vld [tilespmem:s2+$0x1CD80];
	s4 =	smov.u32 s11  }
0x8d: {  	s31 =	sor.u32 s22, s31  }
0x8e: {  	v11 =	vld [tilespmem:s31+$0x0];
	_ =	sdelay $0x1  }
.Ltmp9:
0x8f: {  	(pc) =	sbr.rel @p1 .LBB2_9-.Ltmp9, $3  }
0x90: {  	v10 =	vmul.f32 v10, v9;
	_ =	sdelay $0x1  }
0x91: {  	s0 =	sadd.s32 $0x80, s0;
	v10 =	vadd.f32 v10, v11  }
0x92: {  	s2 =	sand.u32 $0x1C00, s0;
	s11 =	sadd.s32 $0x10, s11;
	s22 =	sand.u32 $0x70, s4  }
0x93: {  	(v2sf) =	vpush v8, $0x1;
	_ =	sdelay $0x7  }
0x94: {  	s0 =	sadd.s32 s4, s30;
	s2 =	sor.u32 s22, s2;
	[tilespmem:s31+$0x0] =	vst v10  }
0x95: {  	s0 =	sand.u32 $0xFFFFFF80, s0;
	v10 =	vld [tilespmem:s2+$0x1CD80]  }
0x96: {  	s0 =	sor.u32 s22, s0  }
0x97: {  	v11 =	vld [tilespmem:s0+$0x0];
	_ =	sdelay $0x2  }
0x98: {  	v9 =	vmul.f32 v10, v9  }
0x99: {  	s22 =	spop (v2sf)  }
0x9a: {  	s4 =	simm.s32 $0x0;
	v9 =	vadd.f32 v9, v11;
	s30 =	smul.u32 $0x280, s22  }
0x9b: {  	s11 =	sand.u32 $0x70, s4;
	s2 =	sand.u32 $0x1C00, s4  }
0x9c: {  	s2 =	sor.u32 s11, s2;
	[tilespmem:s0+$0x0] =	vst v9;
	s22 =	sadd.s32 $0x0, s30  }
0x9d: {  	v10 =	vld [tilespmem:s2+$0x1CE00];
	s0 =	sand.u32 $0xFFFFFF80, s22  }
0x9e: {  	s31 =	sor.u32 s11, s0  }
0x9f: {  	v11 =	vld [tilespmem:s31+$0x0]  }
0xa0: {  	v9 =	vbroadcast v7, $0x1;
	_ =	sdelay $0x1  }
0xa1: {  	v10 =	vmul.f32 v10, v9;
	_ =	sdelay $0x1  }
0xa2: {  	s4 =	simm.s32 $0x10;
	s0 =	simm.s32 $0x80;
	v10 =	vadd.f32 v10, v11  }
0xa3: {  	s22 =	sand.u32 $0x70, s4;
	s11 =	simm.s32 $0x20;
	s2 =	sand.u32 $0x1C00, s0  }
.LBB2_11:
0xa4: {  	p1 =	sne.s32 s11, $0x270;
	s4 =	sadd.s32 s4, s30;
	s2 =	sor.u32 s22, s2;
	[tilespmem:s31+$0x0] =	vst v10  }
0xa5: {  	s31 =	sand.u32 $0xFFFFFF80, s4;
	v10 =	vld [tilespmem:s2+$0x1CE00];
	s4 =	smov.u32 s11  }
0xa6: {  	s31 =	sor.u32 s22, s31  }
0xa7: {  	v11 =	vld [tilespmem:s31+$0x0];
	_ =	sdelay $0x1  }
.Ltmp10:
0xa8: {  	(pc) =	sbr.rel @p1 .LBB2_11-.Ltmp10, $3  }
0xa9: {  	v10 =	vmul.f32 v10, v9;
	_ =	sdelay $0x1  }
0xaa: {  	s0 =	sadd.s32 $0x80, s0;
	v10 =	vadd.f32 v10, v11  }
0xab: {  	s2 =	sand.u32 $0x1C00, s0;
	s11 =	sadd.s32 $0x10, s11;
	s22 =	sand.u32 $0x70, s4  }
0xac: {  	(v2sf) =	vpush v8, $0x2;
	_ =	sdelay $0x7  }
0xad: {  	s0 =	sadd.s32 s4, s30;
	s2 =	sor.u32 s22, s2;
	[tilespmem:s31+$0x0] =	vst v10  }
0xae: {  	s0 =	sand.u32 $0xFFFFFF80, s0;
	v10 =	vld [tilespmem:s2+$0x1CE00]  }
0xaf: {  	s0 =	sor.u32 s22, s0  }
0xb0: {  	v11 =	vld [tilespmem:s0+$0x0];
	_ =	sdelay $0x2  }
0xb1: {  	v9 =	vmul.f32 v10, v9  }
0xb2: {  	s22 =	spop (v2sf)  }
0xb3: {  	s4 =	simm.s32 $0x0;
	v9 =	vadd.f32 v9, v11;
	s30 =	smul.u32 $0x280, s22  }
0xb4: {  	s11 =	sand.u32 $0x70, s4;
	s2 =	sand.u32 $0x1C00, s4  }
0xb5: {  	s2 =	sor.u32 s11, s2;
	[tilespmem:s0+$0x0] =	vst v9;
	s22 =	sadd.s32 $0x0, s30  }
0xb6: {  	v10 =	vld [tilespmem:s2+$0x1CE80];
	s0 =	sand.u32 $0xFFFFFF80, s22  }
0xb7: {  	s31 =	sor.u32 s11, s0  }
0xb8: {  	v11 =	vld [tilespmem:s31+$0x0]  }
0xb9: {  	v9 =	vbroadcast v7, $0x2;
	_ =	sdelay $0x1  }
0xba: {  	v10 =	vmul.f32 v10, v9;
	_ =	sdelay $0x1  }
0xbb: {  	s4 =	simm.s32 $0x10;
	s0 =	simm.s32 $0x80;
	v10 =	vadd.f32 v10, v11  }
0xbc: {  	s22 =	sand.u32 $0x70, s4;
	s11 =	simm.s32 $0x20;
	s2 =	sand.u32 $0x1C00, s0  }
.LBB2_13:
0xbd: {  	p1 =	sne.s32 s11, $0x270;
	s4 =	sadd.s32 s4, s30;
	s2 =	sor.u32 s22, s2;
	[tilespmem:s31+$0x0] =	vst v10  }
0xbe: {  	s31 =	sand.u32 $0xFFFFFF80, s4;
	v10 =	vld [tilespmem:s2+$0x1CE80];
	s4 =	smov.u32 s11  }
0xbf: {  	s31 =	sor.u32 s22, s31  }
0xc0: {  	v11 =	vld [tilespmem:s31+$0x0];
	_ =	sdelay $0x1  }
.Ltmp11:
0xc1: {  	(pc) =	sbr.rel @p1 .LBB2_13-.Ltmp11, $3  }
0xc2: {  	v10 =	vmul.f32 v10, v9;
	_ =	sdelay $0x1  }
0xc3: {  	s0 =	sadd.s32 $0x80, s0;
	v10 =	vadd.f32 v10, v11  }
0xc4: {  	s2 =	sand.u32 $0x1C00, s0;
	s11 =	sadd.s32 $0x10, s11;
	s22 =	sand.u32 $0x70, s4  }
0xc5: {  	(v2sf) =	vpush v8, $0x3;
	_ =	sdelay $0x7  }
0xc6: {  	s0 =	sadd.s32 s4, s30;
	s2 =	sor.u32 s22, s2;
	[tilespmem:s31+$0x0] =	vst v10  }
0xc7: {  	s0 =	sand.u32 $0xFFFFFF80, s0;
	v10 =	vld [tilespmem:s2+$0x1CE80]  }
0xc8: {  	s0 =	sor.u32 s22, s0  }
0xc9: {  	v11 =	vld [tilespmem:s0+$0x0];
	_ =	sdelay $0x2  }
0xca: {  	v9 =	vmul.f32 v10, v9  }
0xcb: {  	s22 =	spop (v2sf)  }
0xcc: {  	s4 =	simm.s32 $0x0;
	v9 =	vadd.f32 v9, v11;
	s30 =	smul.u32 $0x280, s22  }
0xcd: {  	s11 =	sand.u32 $0x70, s4;
	s2 =	sand.u32 $0x1C00, s4  }
0xce: {  	s2 =	sor.u32 s11, s2;
	[tilespmem:s0+$0x0] =	vst v9;
	s22 =	sadd.s32 $0x0, s30  }
0xcf: {  	v10 =	vld [tilespmem:s2+$0x1CF00];
	s0 =	sand.u32 $0xFFFFFF80, s22  }
0xd0: {  	s31 =	sor.u32 s11, s0  }
0xd1: {  	v11 =	vld [tilespmem:s31+$0x0]  }
0xd2: {  	v9 =	vbroadcast v7, $0x3;
	_ =	sdelay $0x1  }
0xd3: {  	v10 =	vmul.f32 v10, v9;
	_ =	sdelay $0x1  }
0xd4: {  	s4 =	simm.s32 $0x10;
	s0 =	simm.s32 $0x80;
	v10 =	vadd.f32 v10, v11  }
0xd5: {  	s22 =	sand.u32 $0x70, s4;
	s11 =	simm.s32 $0x20;
	s2 =	sand.u32 $0x1C00, s0  }
.LBB2_15:
0xd6: {  	p1 =	sne.s32 s11, $0x270;
	s4 =	sadd.s32 s4, s30;
	s2 =	sor.u32 s22, s2;
	[tilespmem:s31+$0x0] =	vst v10  }
0xd7: {  	s31 =	sand.u32 $0xFFFFFF80, s4;
	v10 =	vld [tilespmem:s2+$0x1CF00];
	s4 =	smov.u32 s11  }
0xd8: {  	s31 =	sor.u32 s22, s31  }
0xd9: {  	v11 =	vld [tilespmem:s31+$0x0];
	_ =	sdelay $0x1  }
.Ltmp12:
0xda: {  	(pc) =	sbr.rel @p1 .LBB2_15-.Ltmp12, $3  }
0xdb: {  	v10 =	vmul.f32 v10, v9;
	_ =	sdelay $0x1  }
0xdc: {  	s0 =	sadd.s32 $0x80, s0;
	v10 =	vadd.f32 v10, v11  }
0xdd: {  	s2 =	sand.u32 $0x1C00, s0;
	s11 =	sadd.s32 $0x10, s11;
	s22 =	sand.u32 $0x70, s4  }
0xde: {  	(v2sf) =	vpush v8, $0x4;
	_ =	sdelay $0x7  }
0xdf: {  	s0 =	sadd.s32 s4, s30;
	s2 =	sor.u32 s22, s2;
	[tilespmem:s31+$0x0] =	vst v10  }
0xe0: {  	s0 =	sand.u32 $0xFFFFFF80, s0;
	v10 =	vld [tilespmem:s2+$0x1CF00]  }
0xe1: {  	s0 =	sor.u32 s22, s0  }
0xe2: {  	v11 =	vld [tilespmem:s0+$0x0];
	_ =	sdelay $0x2  }
0xe3: {  	v9 =	vmul.f32 v10, v9  }
0xe4: {  	s22 =	spop (v2sf)  }
0xe5: {  	s4 =	simm.s32 $0x0;
	v9 =	vadd.f32 v9, v11;
	s30 =	smul.u32 $0x280, s22  }
0xe6: {  	s11 =	sand.u32 $0x70, s4;
	s2 =	sand.u32 $0x1C00, s4  }
0xe7: {  	s2 =	sor.u32 s11, s2;
	[tilespmem:s0+$0x0] =	vst v9;
	s22 =	sadd.s32 $0x0, s30  }
0xe8: {  	v10 =	vld [tilespmem:s2+$0x1CF80];
	s0 =	sand.u32 $0xFFFFFF80, s22  }
0xe9: {  	s31 =	sor.u32 s11, s0  }
0xea: {  	v11 =	vld [tilespmem:s31+$0x0]  }
0xeb: {  	v9 =	vbroadcast v7, $0x4;
	_ =	sdelay $0x1  }
0xec: {  	v10 =	vmul.f32 v10, v9;
	_ =	sdelay $0x1  }
0xed: {  	s4 =	simm.s32 $0x10;
	s0 =	simm.s32 $0x80;
	v10 =	vadd.f32 v10, v11  }
0xee: {  	s22 =	sand.u32 $0x70, s4;
	s11 =	simm.s32 $0x20;
	s2 =	sand.u32 $0x1C00, s0  }
.LBB2_17:
0xef: {  	p1 =	sne.s32 s11, $0x270;
	s4 =	sadd.s32 s4, s30;
	s2 =	sor.u32 s22, s2;
	[tilespmem:s31+$0x0] =	vst v10  }
0xf0: {  	s31 =	sand.u32 $0xFFFFFF80, s4;
	v10 =	vld [tilespmem:s2+$0x1CF80];
	s4 =	smov.u32 s11  }
0xf1: {  	s31 =	sor.u32 s22, s31  }
0xf2: {  	v11 =	vld [tilespmem:s31+$0x0];
	_ =	sdelay $0x1  }
.Ltmp13:
0xf3: {  	(pc) =	sbr.rel @p1 .LBB2_17-.Ltmp13, $3  }
0xf4: {  	v10 =	vmul.f32 v10, v9;
	_ =	sdelay $0x1  }
0xf5: {  	s0 =	sadd.s32 $0x80, s0;
	v10 =	vadd.f32 v10, v11  }
0xf6: {  	s2 =	sand.u32 $0x1C00, s0;
	s11 =	sadd.s32 $0x10, s11;
	s22 =	sand.u32 $0x70, s4  }
0xf7: {  	(v2sf) =	vpush v8, $0x5;
	_ =	sdelay $0x7  }
0xf8: {  	s0 =	sadd.s32 s4, s30;
	s2 =	sor.u32 s22, s2;
	[tilespmem:s31+$0x0] =	vst v10  }
0xf9: {  	s0 =	sand.u32 $0xFFFFFF80, s0;
	v10 =	vld [tilespmem:s2+$0x1CF80]  }
0xfa: {  	s0 =	sor.u32 s22, s0  }
0xfb: {  	v11 =	vld [tilespmem:s0+$0x0];
	_ =	sdelay $0x2  }
0xfc: {  	v9 =	vmul.f32 v10, v9  }
0xfd: {  	s22 =	spop (v2sf)  }
0xfe: {  	s4 =	simm.s32 $0x0;
	v9 =	vadd.f32 v9, v11;
	s30 =	smul.u32 $0x280, s22  }
0xff: {  	s11 =	sand.u32 $0x70, s4;
	s2 =	sand.u32 $0x1C00, s4  }
0x100: {  	s2 =	sor.u32 s11, s2;
	[tilespmem:s0+$0x0] =	vst v9;
	s22 =	sadd.s32 $0x0, s30  }
0x101: {  	v10 =	vld [tilespmem:s2+$0x1D000];
	s0 =	sand.u32 $0xFFFFFF80, s22  }
0x102: {  	s31 =	sor.u32 s11, s0  }
0x103: {  	v11 =	vld [tilespmem:s31+$0x0]  }
0x104: {  	v9 =	vbroadcast v7, $0x5;
	_ =	sdelay $0x1  }
0x105: {  	v10 =	vmul.f32 v10, v9;
	_ =	sdelay $0x1  }
0x106: {  	s4 =	simm.s32 $0x10;
	s0 =	simm.s32 $0x80;
	v10 =	vadd.f32 v10, v11  }
0x107: {  	s22 =	sand.u32 $0x70, s4;
	s11 =	simm.s32 $0x20;
	s2 =	sand.u32 $0x1C00, s0  }
.LBB2_19:
0x108: {  	p1 =	sne.s32 s11, $0x270;
	s4 =	sadd.s32 s4, s30;
	s2 =	sor.u32 s22, s2;
	[tilespmem:s31+$0x0] =	vst v10  }
0x109: {  	s31 =	sand.u32 $0xFFFFFF80, s4;
	v10 =	vld [tilespmem:s2+$0x1D000];
	s4 =	smov.u32 s11  }
0x10a: {  	s31 =	sor.u32 s22, s31  }
0x10b: {  	v11 =	vld [tilespmem:s31+$0x0];
	_ =	sdelay $0x1  }
.Ltmp14:
0x10c: {  	(pc) =	sbr.rel @p1 .LBB2_19-.Ltmp14, $3  }
0x10d: {  	v10 =	vmul.f32 v10, v9;
	_ =	sdelay $0x1  }
0x10e: {  	s0 =	sadd.s32 $0x80, s0;
	v10 =	vadd.f32 v10, v11  }
0x10f: {  	s2 =	sand.u32 $0x1C00, s0;
	s11 =	sadd.s32 $0x10, s11;
	s22 =	sand.u32 $0x70, s4  }
0x110: {  	(v2sf) =	vpush v8, $0x6;
	_ =	sdelay $0x7  }
0x111: {  	s0 =	sadd.s32 s4, s30;
	s2 =	sor.u32 s22, s2;
	[tilespmem:s31+$0x0] =	vst v10  }
0x112: {  	s0 =	sand.u32 $0xFFFFFF80, s0;
	v10 =	vld [tilespmem:s2+$0x1D000]  }
0x113: {  	s0 =	sor.u32 s22, s0  }
0x114: {  	v11 =	vld [tilespmem:s0+$0x0];
	_ =	sdelay $0x2  }
0x115: {  	v9 =	vmul.f32 v10, v9  }
0x116: {  	s22 =	spop (v2sf)  }
0x117: {  	s4 =	simm.s32 $0x0;
	v9 =	vadd.f32 v9, v11;
	s30 =	smul.u32 $0x280, s22  }
0x118: {  	s11 =	sand.u32 $0x70, s4;
	s2 =	sand.u32 $0x1C00, s4  }
0x119: {  	s2 =	sor.u32 s11, s2;
	[tilespmem:s0+$0x0] =	vst v9;
	s22 =	sadd.s32 $0x0, s30  }
0x11a: {  	v10 =	vld [tilespmem:s2+$0x1D080];
	s0 =	sand.u32 $0xFFFFFF80, s22  }
0x11b: {  	s31 =	sor.u32 s11, s0  }
0x11c: {  	v11 =	vld [tilespmem:s31+$0x0]  }
0x11d: {  	v9 =	vbroadcast v7, $0x6;
	_ =	sdelay $0x1  }
0x11e: {  	v10 =	vmul.f32 v10, v9;
	_ =	sdelay $0x1  }
0x11f: {  	s4 =	simm.s32 $0x10;
	s0 =	simm.s32 $0x80;
	v10 =	vadd.f32 v10, v11  }
0x120: {  	s22 =	sand.u32 $0x70, s4;
	s11 =	simm.s32 $0x20;
	s2 =	sand.u32 $0x1C00, s0  }
.LBB2_21:
0x121: {  	p1 =	sne.s32 s11, $0x270;
	s4 =	sadd.s32 s4, s30;
	s2 =	sor.u32 s22, s2;
	[tilespmem:s31+$0x0] =	vst v10  }
0x122: {  	s31 =	sand.u32 $0xFFFFFF80, s4;
	v10 =	vld [tilespmem:s2+$0x1D080];
	s4 =	smov.u32 s11  }
0x123: {  	s31 =	sor.u32 s22, s31  }
0x124: {  	v11 =	vld [tilespmem:s31+$0x0];
	_ =	sdelay $0x1  }
.Ltmp15:
0x125: {  	(pc) =	sbr.rel @p1 .LBB2_21-.Ltmp15, $3  }
0x126: {  	v10 =	vmul.f32 v10, v9;
	_ =	sdelay $0x1  }
0x127: {  	s0 =	sadd.s32 $0x80, s0;
	v10 =	vadd.f32 v10, v11  }
0x128: {  	s2 =	sand.u32 $0x1C00, s0;
	s11 =	sadd.s32 $0x10, s11;
	s22 =	sand.u32 $0x70, s4  }
0x129: {  	(v2sf) =	vpush v8, $0x7;
	_ =	sdelay $0x7  }
0x12a: {  	s0 =	sadd.s32 s4, s30;
	s2 =	sor.u32 s22, s2;
	[tilespmem:s31+$0x0] =	vst v10  }
0x12b: {  	s0 =	sand.u32 $0xFFFFFF80, s0;
	v10 =	vld [tilespmem:s2+$0x1D080]  }
0x12c: {  	s0 =	sor.u32 s22, s0  }
0x12d: {  	v11 =	vld [tilespmem:s0+$0x0];
	_ =	sdelay $0x2  }
0x12e: {  	v9 =	vmul.f32 v10, v9  }
0x12f: {  	s4 =	spop (v2sf)  }
0x130: {  	s2 =	simm.s32 $0x0;
	v9 =	vadd.f32 v9, v11;
	s30 =	smul.u32 $0x280, s4  }
0x131: {  	s11 =	sor.u32 s2, s2  }
0x132: {  	[tilespmem:s0+$0x0] =	vst v9;
	s4 =	sor.u32 $0x380, s11;
	s22 =	sadd.s32 $0x0, s30  }
0x133: {  	s2 =	sand.u32 $0x70, s2;
	v10 =	vld [tilespmem:s4+$0x1CD80];
	s0 =	sand.u32 $0xFFFFFF80, s22  }
0x134: {  	s0 =	sor.u32 s2, s0  }
0x135: {  	v11 =	vld [tilespmem:s0+$0x0]  }
0x136: {  	v9 =	vbroadcast v7, $0x7;
	_ =	sdelay $0x1  }
0x137: {  	v10 =	vmul.f32 v10, v9;
	_ =	sdelay $0x1  }
0x138: {  	s31 =	simm.s32 $0x10;
	s4 =	simm.s32 $0x80;
	v10 =	vadd.f32 v10, v11  }
0x139: {  	s11 =	simm.s32 $0x20;
	s2 =	sor.u32 s4, s31  }
.LBB2_23:
0x13a: {  	p1 =	sne.s32 s11, $0x270;
	s22 =	sadd.s32 s31, s30;
	s2 =	sor.u32 $0x380, s2;
	[tilespmem:s0+$0x0] =	vst v10  }
0x13b: {  	s0 =	sand.u32 $0xFFFFFF80, s22;
	s22 =	sand.u32 $0x70, s31;
	v10 =	vld [tilespmem:s2+$0x1CD80];
	s31 =	smov.u32 s11  }
0x13c: {  	s0 =	sor.u32 s22, s0  }
0x13d: {  	v11 =	vld [tilespmem:s0+$0x0];
	_ =	sdelay $0x1  }
.Ltmp16:
0x13e: {  	(pc) =	sbr.rel @p1 .LBB2_23-.Ltmp16, $3  }
0x13f: {  	v10 =	vmul.f32 v10, v9;
	_ =	sdelay $0x1  }
0x140: {  	s4 =	sadd.s32 $0x80, s4;
	v10 =	vadd.f32 v10, v11  }
0x141: {  	s11 =	sadd.s32 $0x10, s11;
	s2 =	sor.u32 s4, s31  }
0x142: {  	(v2sf) =	vpush v8, $0x8;
	_ =	sdelay $0x7  }
0x143: {  	s4 =	sadd.s32 s31, s30;
	s2 =	sor.u32 $0x380, s2;
	[tilespmem:s0+$0x0] =	vst v10  }
0x144: {  	s11 =	sand.u32 $0x70, s31;
	s4 =	sand.u32 $0xFFFFFF80, s4;
	v10 =	vld [tilespmem:s2+$0x1CD80]  }
0x145: {  	s0 =	sor.u32 s11, s4  }
0x146: {  	v11 =	vld [tilespmem:s0+$0x0];
	_ =	sdelay $0x2  }
0x147: {  	v9 =	vmul.f32 v10, v9  }
0x148: {  	s22 =	spop (v2sf)  }
0x149: {  	s4 =	simm.s32 $0x0;
	v9 =	vadd.f32 v9, v11;
	s30 =	smul.u32 $0x280, s22  }
0x14a: {  	s11 =	sand.u32 $0x70, s4;
	s2 =	sand.u32 $0x1C00, s4  }
0x14b: {  	s2 =	sor.u32 s11, s2;
	[tilespmem:s0+$0x0] =	vst v9;
	s22 =	sadd.s32 $0x0, s30  }
0x14c: {  	v10 =	vld [tilespmem:s2+$0x1E180];
	s0 =	sand.u32 $0xFFFFFF80, s22  }
0x14d: {  	s31 =	sor.u32 s11, s0  }
0x14e: {  	v11 =	vld [tilespmem:s31+$0x0]  }
0x14f: {  	v9 =	vbroadcast v7, $0x8;
	_ =	sdelay $0x1  }
0x150: {  	v10 =	vmul.f32 v10, v9;
	_ =	sdelay $0x1  }
0x151: {  	s4 =	simm.s32 $0x10;
	s0 =	simm.s32 $0x80;
	v10 =	vadd.f32 v10, v11  }
0x152: {  	s22 =	sand.u32 $0x70, s4;
	s11 =	simm.s32 $0x20;
	s2 =	sand.u32 $0x1C00, s0  }
.LBB2_25:
0x153: {  	p1 =	sne.s32 s11, $0x270;
	s4 =	sadd.s32 s4, s30;
	s2 =	sor.u32 s22, s2;
	[tilespmem:s31+$0x0] =	vst v10  }
0x154: {  	s31 =	sand.u32 $0xFFFFFF80, s4;
	v10 =	vld [tilespmem:s2+$0x1E180];
	s4 =	smov.u32 s11  }
0x155: {  	s31 =	sor.u32 s22, s31  }
0x156: {  	v11 =	vld [tilespmem:s31+$0x0];
	_ =	sdelay $0x1  }
.Ltmp17:
0x157: {  	(pc) =	sbr.rel @p1 .LBB2_25-.Ltmp17, $3  }
0x158: {  	v10 =	vmul.f32 v10, v9;
	_ =	sdelay $0x1  }
0x159: {  	s0 =	sadd.s32 $0x80, s0;
	v10 =	vadd.f32 v10, v11  }
0x15a: {  	s2 =	sand.u32 $0x1C00, s0;
	s11 =	sadd.s32 $0x10, s11;
	s22 =	sand.u32 $0x70, s4  }
0x15b: {  	(v2sf) =	vpush v8, $0x9;
	_ =	sdelay $0x7  }
0x15c: {  	s0 =	sadd.s32 s4, s30;
	s2 =	sor.u32 s22, s2;
	[tilespmem:s31+$0x0] =	vst v10  }
0x15d: {  	s0 =	sand.u32 $0xFFFFFF80, s0;
	v10 =	vld [tilespmem:s2+$0x1E180]  }
0x15e: {  	s0 =	sor.u32 s22, s0  }
0x15f: {  	v11 =	vld [tilespmem:s0+$0x0];
	_ =	sdelay $0x2  }
0x160: {  	v9 =	vmul.f32 v10, v9  }
0x161: {  	s22 =	spop (v2sf)  }
0x162: {  	s4 =	simm.s32 $0x0;
	v9 =	vadd.f32 v9, v11;
	s30 =	smul.u32 $0x280, s22  }
0x163: {  	s11 =	sand.u32 $0x70, s4;
	s2 =	sand.u32 $0x1C00, s4  }
0x164: {  	s2 =	sor.u32 s11, s2;
	[tilespmem:s0+$0x0] =	vst v9;
	s22 =	sadd.s32 $0x0, s30  }
0x165: {  	v10 =	vld [tilespmem:s2+$0x1E200];
	s0 =	sand.u32 $0xFFFFFF80, s22  }
0x166: {  	s31 =	sor.u32 s11, s0  }
0x167: {  	v11 =	vld [tilespmem:s31+$0x0]  }
0x168: {  	v9 =	vbroadcast v7, $0x9;
	_ =	sdelay $0x1  }
0x169: {  	v10 =	vmul.f32 v10, v9;
	_ =	sdelay $0x1  }
0x16a: {  	s4 =	simm.s32 $0x10;
	s0 =	simm.s32 $0x80;
	v10 =	vadd.f32 v10, v11  }
0x16b: {  	s22 =	sand.u32 $0x70, s4;
	s11 =	simm.s32 $0x20;
	s2 =	sand.u32 $0x1C00, s0  }
.LBB2_27:
0x16c: {  	p1 =	sne.s32 s11, $0x270;
	s4 =	sadd.s32 s4, s30;
	s2 =	sor.u32 s22, s2;
	[tilespmem:s31+$0x0] =	vst v10  }
0x16d: {  	s31 =	sand.u32 $0xFFFFFF80, s4;
	v10 =	vld [tilespmem:s2+$0x1E200];
	s4 =	smov.u32 s11  }
0x16e: {  	s31 =	sor.u32 s22, s31  }
0x16f: {  	v11 =	vld [tilespmem:s31+$0x0];
	_ =	sdelay $0x1  }
.Ltmp18:
0x170: {  	(pc) =	sbr.rel @p1 .LBB2_27-.Ltmp18, $3  }
0x171: {  	v10 =	vmul.f32 v10, v9;
	_ =	sdelay $0x1  }
0x172: {  	s0 =	sadd.s32 $0x80, s0;
	v10 =	vadd.f32 v10, v11  }
0x173: {  	s2 =	sand.u32 $0x1C00, s0;
	s11 =	sadd.s32 $0x10, s11;
	s22 =	sand.u32 $0x70, s4  }
0x174: {  	(v2sf) =	vpush v8, $0xA;
	_ =	sdelay $0x7  }
0x175: {  	s0 =	sadd.s32 s4, s30;
	s2 =	sor.u32 s22, s2;
	[tilespmem:s31+$0x0] =	vst v10  }
0x176: {  	s0 =	sand.u32 $0xFFFFFF80, s0;
	v10 =	vld [tilespmem:s2+$0x1E200]  }
0x177: {  	s0 =	sor.u32 s22, s0  }
0x178: {  	v11 =	vld [tilespmem:s0+$0x0];
	_ =	sdelay $0x2  }
0x179: {  	v9 =	vmul.f32 v10, v9  }
0x17a: {  	s22 =	spop (v2sf)  }
0x17b: {  	s4 =	simm.s32 $0x0;
	v9 =	vadd.f32 v9, v11;
	s30 =	smul.u32 $0x280, s22  }
0x17c: {  	s11 =	sand.u32 $0x70, s4;
	s2 =	sand.u32 $0x1C00, s4  }
0x17d: {  	s2 =	sor.u32 s11, s2;
	[tilespmem:s0+$0x0] =	vst v9;
	s22 =	sadd.s32 $0x0, s30  }
0x17e: {  	v10 =	vld [tilespmem:s2+$0x1E280];
	s0 =	sand.u32 $0xFFFFFF80, s22  }
0x17f: {  	s31 =	sor.u32 s11, s0  }
0x180: {  	v11 =	vld [tilespmem:s31+$0x0]  }
0x181: {  	v9 =	vbroadcast v7, $0xA;
	_ =	sdelay $0x1  }
0x182: {  	v10 =	vmul.f32 v10, v9;
	_ =	sdelay $0x1  }
0x183: {  	s4 =	simm.s32 $0x10;
	s0 =	simm.s32 $0x80;
	v10 =	vadd.f32 v10, v11  }
0x184: {  	s22 =	sand.u32 $0x70, s4;
	s11 =	simm.s32 $0x20;
	s2 =	sand.u32 $0x1C00, s0  }
.LBB2_29:
0x185: {  	p1 =	sne.s32 s11, $0x270;
	s4 =	sadd.s32 s4, s30;
	s2 =	sor.u32 s22, s2;
	[tilespmem:s31+$0x0] =	vst v10  }
0x186: {  	s31 =	sand.u32 $0xFFFFFF80, s4;
	v10 =	vld [tilespmem:s2+$0x1E280];
	s4 =	smov.u32 s11  }
0x187: {  	s31 =	sor.u32 s22, s31  }
0x188: {  	v11 =	vld [tilespmem:s31+$0x0];
	_ =	sdelay $0x1  }
.Ltmp19:
0x189: {  	(pc) =	sbr.rel @p1 .LBB2_29-.Ltmp19, $3  }
0x18a: {  	v10 =	vmul.f32 v10, v9;
	_ =	sdelay $0x1  }
0x18b: {  	s0 =	sadd.s32 $0x80, s0;
	v10 =	vadd.f32 v10, v11  }
0x18c: {  	s2 =	sand.u32 $0x1C00, s0;
	s11 =	sadd.s32 $0x10, s11;
	s22 =	sand.u32 $0x70, s4  }
0x18d: {  	(v2sf) =	vpush v8, $0xB;
	_ =	sdelay $0x7  }
0x18e: {  	s0 =	sadd.s32 s4, s30;
	s2 =	sor.u32 s22, s2;
	[tilespmem:s31+$0x0] =	vst v10  }
0x18f: {  	s0 =	sand.u32 $0xFFFFFF80, s0;
	v10 =	vld [tilespmem:s2+$0x1E280]  }
0x190: {  	s0 =	sor.u32 s22, s0  }
0x191: {  	v11 =	vld [tilespmem:s0+$0x0];
	_ =	sdelay $0x2  }
0x192: {  	v9 =	vmul.f32 v10, v9  }
0x193: {  	s22 =	spop (v2sf)  }
0x194: {  	s4 =	simm.s32 $0x0;
	v9 =	vadd.f32 v9, v11;
	s30 =	smul.u32 $0x280, s22  }
0x195: {  	s11 =	sand.u32 $0x70, s4;
	s2 =	sand.u32 $0x1C00, s4  }
0x196: {  	s2 =	sor.u32 s11, s2;
	[tilespmem:s0+$0x0] =	vst v9;
	s22 =	sadd.s32 $0x0, s30  }
0x197: {  	v10 =	vld [tilespmem:s2+$0x1E300];
	s0 =	sand.u32 $0xFFFFFF80, s22  }
0x198: {  	s31 =	sor.u32 s11, s0  }
0x199: {  	v11 =	vld [tilespmem:s31+$0x0]  }
0x19a: {  	v9 =	vbroadcast v7, $0xB;
	_ =	sdelay $0x1  }
0x19b: {  	v10 =	vmul.f32 v10, v9;
	_ =	sdelay $0x1  }
0x19c: {  	s4 =	simm.s32 $0x10;
	s0 =	simm.s32 $0x80;
	v10 =	vadd.f32 v10, v11  }
0x19d: {  	s22 =	sand.u32 $0x70, s4;
	s11 =	simm.s32 $0x20;
	s2 =	sand.u32 $0x1C00, s0  }
.LBB2_31:
0x19e: {  	p1 =	sne.s32 s11, $0x270;
	s4 =	sadd.s32 s4, s30;
	s2 =	sor.u32 s22, s2;
	[tilespmem:s31+$0x0] =	vst v10  }
0x19f: {  	s31 =	sand.u32 $0xFFFFFF80, s4;
	v10 =	vld [tilespmem:s2+$0x1E300];
	s4 =	smov.u32 s11  }
0x1a0: {  	s31 =	sor.u32 s22, s31  }
0x1a1: {  	v11 =	vld [tilespmem:s31+$0x0];
	_ =	sdelay $0x1  }
.Ltmp20:
0x1a2: {  	(pc) =	sbr.rel @p1 .LBB2_31-.Ltmp20, $3  }
0x1a3: {  	v10 =	vmul.f32 v10, v9;
	_ =	sdelay $0x1  }
0x1a4: {  	s0 =	sadd.s32 $0x80, s0;
	v10 =	vadd.f32 v10, v11  }
0x1a5: {  	s2 =	sand.u32 $0x1C00, s0;
	s11 =	sadd.s32 $0x10, s11;
	s22 =	sand.u32 $0x70, s4  }
0x1a6: {  	(v2sf) =	vpush v8, $0xC;
	_ =	sdelay $0x7  }
0x1a7: {  	s0 =	sadd.s32 s4, s30;
	s2 =	sor.u32 s22, s2;
	[tilespmem:s31+$0x0] =	vst v10  }
0x1a8: {  	s0 =	sand.u32 $0xFFFFFF80, s0;
	v10 =	vld [tilespmem:s2+$0x1E300]  }
0x1a9: {  	s0 =	sor.u32 s22, s0  }
0x1aa: {  	v11 =	vld [tilespmem:s0+$0x0];
	_ =	sdelay $0x2  }
0x1ab: {  	v9 =	vmul.f32 v10, v9  }
0x1ac: {  	s22 =	spop (v2sf)  }
0x1ad: {  	s4 =	simm.s32 $0x0;
	v9 =	vadd.f32 v9, v11;
	s30 =	smul.u32 $0x280, s22  }
0x1ae: {  	s11 =	sand.u32 $0x70, s4;
	s2 =	sand.u32 $0x1C00, s4  }
0x1af: {  	s2 =	sor.u32 s11, s2;
	[tilespmem:s0+$0x0] =	vst v9;
	s22 =	sadd.s32 $0x0, s30  }
0x1b0: {  	v10 =	vld [tilespmem:s2+$0x1E380];
	s0 =	sand.u32 $0xFFFFFF80, s22  }
0x1b1: {  	s31 =	sor.u32 s11, s0  }
0x1b2: {  	v11 =	vld [tilespmem:s31+$0x0]  }
0x1b3: {  	v9 =	vbroadcast v7, $0xC;
	_ =	sdelay $0x1  }
0x1b4: {  	v10 =	vmul.f32 v10, v9;
	_ =	sdelay $0x1  }
0x1b5: {  	s4 =	simm.s32 $0x10;
	s0 =	simm.s32 $0x80;
	v10 =	vadd.f32 v10, v11  }
0x1b6: {  	s22 =	sand.u32 $0x70, s4;
	s11 =	simm.s32 $0x20;
	s2 =	sand.u32 $0x1C00, s0  }
.LBB2_33:
0x1b7: {  	p1 =	sne.s32 s11, $0x270;
	s4 =	sadd.s32 s4, s30;
	s2 =	sor.u32 s22, s2;
	[tilespmem:s31+$0x0] =	vst v10  }
0x1b8: {  	s31 =	sand.u32 $0xFFFFFF80, s4;
	v10 =	vld [tilespmem:s2+$0x1E380];
	s4 =	smov.u32 s11  }
0x1b9: {  	s31 =	sor.u32 s22, s31  }
0x1ba: {  	v11 =	vld [tilespmem:s31+$0x0];
	_ =	sdelay $0x1  }
.Ltmp21:
0x1bb: {  	(pc) =	sbr.rel @p1 .LBB2_33-.Ltmp21, $3  }
0x1bc: {  	v10 =	vmul.f32 v10, v9;
	_ =	sdelay $0x1  }
0x1bd: {  	s0 =	sadd.s32 $0x80, s0;
	v10 =	vadd.f32 v10, v11  }
0x1be: {  	s2 =	sand.u32 $0x1C00, s0;
	s11 =	sadd.s32 $0x10, s11;
	s22 =	sand.u32 $0x70, s4  }
0x1bf: {  	(v2sf) =	vpush v8, $0xD;
	_ =	sdelay $0x7  }
0x1c0: {  	s0 =	sadd.s32 s4, s30;
	s2 =	sor.u32 s22, s2;
	[tilespmem:s31+$0x0] =	vst v10  }
0x1c1: {  	s0 =	sand.u32 $0xFFFFFF80, s0;
	v10 =	vld [tilespmem:s2+$0x1E380]  }
0x1c2: {  	s0 =	sor.u32 s22, s0  }
0x1c3: {  	v11 =	vld [tilespmem:s0+$0x0];
	_ =	sdelay $0x2  }
0x1c4: {  	v9 =	vmul.f32 v10, v9  }
0x1c5: {  	s22 =	spop (v2sf)  }
0x1c6: {  	s4 =	simm.s32 $0x0;
	v9 =	vadd.f32 v9, v11;
	s30 =	smul.u32 $0x280, s22  }
0x1c7: {  	s11 =	sand.u32 $0x70, s4;
	s2 =	sand.u32 $0x1C00, s4  }
0x1c8: {  	s2 =	sor.u32 s11, s2;
	[tilespmem:s0+$0x0] =	vst v9;
	s22 =	sadd.s32 $0x0, s30  }
0x1c9: {  	v10 =	vld [tilespmem:s2+$0x1E400];
	s0 =	sand.u32 $0xFFFFFF80, s22  }
0x1ca: {  	s31 =	sor.u32 s11, s0  }
0x1cb: {  	v11 =	vld [tilespmem:s31+$0x0]  }
0x1cc: {  	v9 =	vbroadcast v7, $0xD;
	_ =	sdelay $0x1  }
0x1cd: {  	v10 =	vmul.f32 v10, v9;
	_ =	sdelay $0x1  }
0x1ce: {  	s4 =	simm.s32 $0x10;
	s0 =	simm.s32 $0x80;
	v10 =	vadd.f32 v10, v11  }
0x1cf: {  	s22 =	sand.u32 $0x70, s4;
	s11 =	simm.s32 $0x20;
	s2 =	sand.u32 $0x1C00, s0  }
.LBB2_35:
0x1d0: {  	p1 =	sne.s32 s11, $0x270;
	s4 =	sadd.s32 s4, s30;
	s2 =	sor.u32 s22, s2;
	[tilespmem:s31+$0x0] =	vst v10  }
0x1d1: {  	s31 =	sand.u32 $0xFFFFFF80, s4;
	v10 =	vld [tilespmem:s2+$0x1E400];
	s4 =	smov.u32 s11  }
0x1d2: {  	s31 =	sor.u32 s22, s31  }
0x1d3: {  	v11 =	vld [tilespmem:s31+$0x0];
	_ =	sdelay $0x1  }
.Ltmp22:
0x1d4: {  	(pc) =	sbr.rel @p1 .LBB2_35-.Ltmp22, $3  }
0x1d5: {  	v10 =	vmul.f32 v10, v9;
	_ =	sdelay $0x1  }
0x1d6: {  	s0 =	sadd.s32 $0x80, s0;
	v10 =	vadd.f32 v10, v11  }
0x1d7: {  	s2 =	sand.u32 $0x1C00, s0;
	s11 =	sadd.s32 $0x10, s11;
	s22 =	sand.u32 $0x70, s4  }
0x1d8: {  	(v2sf) =	vpush v8, $0xE;
	_ =	sdelay $0x7  }
0x1d9: {  	s0 =	sadd.s32 s4, s30;
	s2 =	sor.u32 s22, s2;
	[tilespmem:s31+$0x0] =	vst v10  }
0x1da: {  	s0 =	sand.u32 $0xFFFFFF80, s0;
	v10 =	vld [tilespmem:s2+$0x1E400]  }
0x1db: {  	s0 =	sor.u32 s22, s0  }
0x1dc: {  	v11 =	vld [tilespmem:s0+$0x0];
	_ =	sdelay $0x2  }
0x1dd: {  	v9 =	vmul.f32 v10, v9  }
0x1de: {  	s22 =	spop (v2sf)  }
0x1df: {  	s4 =	simm.s32 $0x0;
	v9 =	vadd.f32 v9, v11;
	s30 =	smul.u32 $0x280, s22  }
0x1e0: {  	s11 =	sand.u32 $0x70, s4;
	s2 =	sand.u32 $0x1C00, s4  }
0x1e1: {  	s2 =	sor.u32 s11, s2;
	[tilespmem:s0+$0x0] =	vst v9;
	s22 =	sadd.s32 $0x0, s30  }
0x1e2: {  	v10 =	vld [tilespmem:s2+$0x1E480];
	s0 =	sand.u32 $0xFFFFFF80, s22  }
0x1e3: {  	s31 =	sor.u32 s11, s0  }
0x1e4: {  	v11 =	vld [tilespmem:s31+$0x0]  }
0x1e5: {  	v9 =	vbroadcast v7, $0xE;
	_ =	sdelay $0x1  }
0x1e6: {  	v10 =	vmul.f32 v10, v9;
	_ =	sdelay $0x1  }
0x1e7: {  	s4 =	simm.s32 $0x10;
	s0 =	simm.s32 $0x80;
	v10 =	vadd.f32 v10, v11  }
0x1e8: {  	s22 =	sand.u32 $0x70, s4;
	s11 =	simm.s32 $0x20;
	s2 =	sand.u32 $0x1C00, s0  }
.LBB2_37:
0x1e9: {  	p1 =	sne.s32 s11, $0x270;
	s4 =	sadd.s32 s4, s30;
	s2 =	sor.u32 s22, s2;
	[tilespmem:s31+$0x0] =	vst v10  }
0x1ea: {  	s31 =	sand.u32 $0xFFFFFF80, s4;
	v10 =	vld [tilespmem:s2+$0x1E480];
	s4 =	smov.u32 s11  }
0x1eb: {  	s31 =	sor.u32 s22, s31  }
0x1ec: {  	v11 =	vld [tilespmem:s31+$0x0];
	_ =	sdelay $0x1  }
.Ltmp23:
0x1ed: {  	(pc) =	sbr.rel @p1 .LBB2_37-.Ltmp23, $3  }
0x1ee: {  	v10 =	vmul.f32 v10, v9;
	_ =	sdelay $0x1  }
0x1ef: {  	s0 =	sadd.s32 $0x80, s0;
	v10 =	vadd.f32 v10, v11  }
0x1f0: {  	s2 =	sand.u32 $0x1C00, s0;
	s11 =	sadd.s32 $0x10, s11;
	s22 =	sand.u32 $0x70, s4  }
0x1f1: {  	(v2sf) =	vpush v8, $0xF;
	_ =	sdelay $0x7  }
0x1f2: {  	s0 =	sadd.s32 s4, s30;
	s2 =	sor.u32 s22, s2;
	[tilespmem:s31+$0x0] =	vst v10  }
0x1f3: {  	s0 =	sand.u32 $0xFFFFFF80, s0;
	v8 =	vld [tilespmem:s2+$0x1E480]  }
0x1f4: {  	s0 =	sor.u32 s22, s0  }
0x1f5: {  	v10 =	vld [tilespmem:s0+$0x0];
	_ =	sdelay $0x2  }
0x1f6: {  	v8 =	vmul.f32 v8, v9  }
0x1f7: {  	s22 =	spop (v2sf)  }
0x1f8: {  	s4 =	simm.s32 $0x0;
	v8 =	vadd.f32 v8, v10;
	s30 =	smul.u32 $0x280, s22  }
0x1f9: {  	s11 =	sand.u32 $0x70, s4;
	s2 =	sand.u32 $0x1C00, s4  }
0x1fa: {  	s2 =	sor.u32 s11, s2;
	[tilespmem:s0+$0x0] =	vst v8;
	s22 =	sadd.s32 $0x0, s30  }
0x1fb: {  	v8 =	vld [tilespmem:s2+$0x1E500];
	s0 =	sand.u32 $0xFFFFFF80, s22  }
0x1fc: {  	s31 =	sor.u32 s11, s0  }
0x1fd: {  	v9 =	vld [tilespmem:s31+$0x0]  }
0x1fe: {  	v7 =	vbroadcast v7, $0xF;
	_ =	sdelay $0x1  }
0x1ff: {  	v8 =	vmul.f32 v8, v7;
	_ =	sdelay $0x1  }
0x200: {  	s4 =	simm.s32 $0x10;
	s0 =	simm.s32 $0x80;
	v8 =	vadd.f32 v8, v9  }
0x201: {  	s22 =	sand.u32 $0x70, s4;
	s11 =	simm.s32 $0x20;
	s2 =	sand.u32 $0x1C00, s0  }
.LBB2_39:
0x202: {  	p1 =	sne.s32 s11, $0x270;
	s4 =	sadd.s32 s4, s30;
	s2 =	sor.u32 s22, s2;
	[tilespmem:s31+$0x0] =	vst v8  }
0x203: {  	s31 =	sand.u32 $0xFFFFFF80, s4;
	v8 =	vld [tilespmem:s2+$0x1E500];
	s4 =	smov.u32 s11  }
0x204: {  	s31 =	sor.u32 s22, s31  }
0x205: {  	v9 =	vld [tilespmem:s31+$0x0];
	_ =	sdelay $0x1  }
.Ltmp24:
0x206: {  	(pc) =	sbr.rel @p1 .LBB2_39-.Ltmp24, $3  }
0x207: {  	v8 =	vmul.f32 v8, v7;
	_ =	sdelay $0x1  }
0x208: {  	s0 =	sadd.s32 $0x80, s0;
	v8 =	vadd.f32 v8, v9  }
0x209: {  	s2 =	sand.u32 $0x1C00, s0;
	s11 =	sadd.s32 $0x10, s11;
	s22 =	sand.u32 $0x70, s4  }
0x20a: {  	s0 =	sadd.s32 s4, s30;
	s2 =	sor.u32 s22, s2;
	[tilespmem:s31+$0x0] =	vst v8  }
0x20b: {  	s0 =	sand.u32 $0xFFFFFF80, s0;
	v8 =	vld [tilespmem:s2+$0x1E500]  }
0x20c: {  	s0 =	sor.u32 s22, s0  }
0x20d: {  	v9 =	vld [tilespmem:s0+$0x0]  }
0x20e: {  	s29 =	sadd.s32 $0x1, s29  }
0x20f: {  	p1 =	sne.s32 s29, s26  }
.Ltmp25:
0x210: {  	v7 =	vmul.f32 v8, v7;
	(pc) =	sbr.rel @p1 .LBB2_8-.Ltmp25, $4  }
.Ltmp26:
0x211: {  	_ = 	snop;
	(pc) =	sbr.rel @!p1 .LBB2_41-.Ltmp26, $4  }
0x212: {  	v7 =	vadd.f32 v7, v9  }
0x213: {  	_ = 	snop  }
0x214: {  	[tilespmem:s0+$0x0] =	vst v7  }
0x215: {  	_ = 	snop  }
.LBB2_44:
0x216: {  	_ =	sfence.sel $0x180000  }
0x217: {  	[bflag:$0x0] =	sbarrier.arrive $0xFFFF  }
0x218: {  	_ =	strace $0x9000004D  }
0x219: {  	s0 =	stileid.u32;
	[bflag:$0x2] =	sbarrier.arrive $0xFFFF  }
0x21a: {  	p0 =	sne.s32 s0, $0x0;
	s0 =	rddreg [dreg:$0x2]  }
0x21b: {  	s0 =	sadd.s32 @!p0 $0x100000, s0  }
0x21c: {  	[sflag:s0] =	ssyncadd.tile.s32 @!p0 $0x1;
	_ =	shalt  }
.Lfunc_end2:
_tile_overlayer_lowered:
.L_overlay_start_2:
0x21d: {  	(tag) =	ssettag $0x2  }
0x21e: {  	s0 =	rddreg [dreg:$0x0];
	s2 =	stileid.u32  }
0x21f: {  	s1 =	rddreg [dreg:$0x1];
	p0 =	sne.s32 s2, $0x0  }
0x220: {  	s3 =	rddreg [dreg:$0x2];
	[bflag:$0x3] =	sbarrier.arrive $0xFFFF;
	s2 =	simm.s32 @!p0 $0x1C01  }
0x221: {  	[timem:s3], [sflag:s2] =	dma.local @!p0 [hbm:s0], s1  }
0x222: {  	s0 =	simm.s32 @!p0 $0x1  }
0x223: {  	_ =	swait.ge @!p0 [sflag:s0], s1  }
0x224: {  	s1 =	ssub.s32 @!p0 $0x0, s1;
	[sflag:s0] =	ssyncset.done @!p0 $0x0  }
0x225: {  	[sflag:s0] =	ssyncadd.s32 @!p0 s1  }
0x226: {  	[bflag:$0x3] =	sbarrier.arrive $0xFFFF  }
0x227: {  	_ =	shalt  }

// kernel: kernel.18.cloned.1.call-start
scs
__scs_entry_jumppad:
0x0: {  	(pc) =	sbr.rel $0x88, $3  }
0x1: {  	(tag) =	ssettag $0x0;
	lr =	simm.s32 $0x1  }
0x2: {  	[smem:$0x3F95] =	sst lr;
	_ =	strace $0xD0000000  }
0x3: {  	_ = 	snop  }
0x4: {  	_ = 	snop  }
0x5: {  	_ = 	snop  }
0x6: {  	_ = 	snop  }
0x7: {  	_ = 	snop  }
__scs_overlays_trampoline_lowered:
0x8: {  	[smem:$0x3FA4] =	sst s0  }
0x9: {  	[smem:$0x3FA5] =	sst s1  }
0xa: {  	[smem:$0x3FA6] =	sst s2  }
0xb: {  	[smem:$0x3FA7] =	sst s3  }
0xc: {  	[smem:$0x3FA8] =	sst s4  }
0xd: {  	[smem:$0x3FA9] =	sst s5  }
0xe: {  	[smem:$0x3FAA] =	sst s6  }
0xf: {  	[smem:$0x3FAB] =	sst s7  }
0x10: {  	[smem:$0x3FAC] =	sst s8  }
0x11: {  	[smem:$0x3FAD] =	sst s9;
	s0 =	simm.s32 @!p0 $0x0  }
0x12: {  	s1 =	sld [smem:$0x3F93];
	s0 =	simm.s32 @p0 $0x1  }
0x13: {  	[smem:$0x3FAE] =	sst s0;
	s0 =	simm.s32 @!p1 $0x0  }
0x14: {  	s2 =	sld [smem:$0x3F92];
	s0 =	simm.s32 @p1 $0x1  }
0x15: {  	[smem:$0x3FAF] =	sst s0;
	s0 =	simm.s32 @!p2 $0x0  }
0x16: {  	s3 =	sld [smem:$0x3FDB];
	s0 =	simm.s32 @p2 $0x1  }
0x17: {  	s4 =	simm.s32 $0x1BF5;
	[smem:$0x3FB1] =	sst s0  }
0x18: {  	s0 =	sld [smem:$0x3F94];
	_ =	swait.ge [sflag:s4], $0x0  }
0x19: {  	s7 =	sld [smem:$0x3F95]  }
0x1a: {  	s8 =	sadd.s32 $0xFFFFE003, lr  }
0x1b: {  	s9 =	sadd.s32 $0xFFFFFEF7, lr;
	s5 =	simm.s32 $0xFFFFFFFF;
	p2 =	slt.u32 s8, $0xFFFFF086  }
0x1c: {  	p1 =	slt.u32 s9, $0xF7A;
	s5 =	simm.s32 @!p2 $0x0  }
0x1d: {  	s5 =	simm.s32 @p1 $0x1;
	p0 =	seq.s32 s7, s2  }
0x1e: {  	s7 =	smul.u32 @!p0 $0xF7A, s2;
	p2 =	seq.s32 @!p0 s5, $0x0  }
0x1f: {  	s9 =	smul.u32 $0xF7A, s1;
	s8 =	simm.s32 @!p0 $0x1BF5;
	p2 =	por !p2, p0  }
0x20: {  	[sflag:s8] =	ssyncset.s32 @!p0 $0xFFFFF086;
	s6 =	sadd.s32 @!p0 s3, s7;
	s7 =	simm.s32 @!p0 $0x108  }
0x21: {  	s3 =	sadd.s32 s3, s9;
	s6 =	sadd.s32 @!p0 $0x88, s6;
	s7 =	simm.s32 @p2 $0x1082  }
0x22: {  	[simem:s7], [sflag:s8] =	dma.local @!p0 [hbm:s6], $0xF7A  }
0x23: {  	s9 =	sor.u32 $0xD0000000, s2;
	s6 =	simm.s32 $0x108;
	_ =	swait.ge @!p0 [sflag:s8], $0x0  }
0x24: {  	s3 =	sadd.s32 $0x88, s3;
	s6 =	simm.s32 @!p1 $0x1082;
	[sflag:s4] =	ssyncset.s32 $0xFFFFF086  }
0x25: {  	[simem:s6], [sflag:s4] =	dma.local [hbm:s3], $0xF7A  }
0x26: {  	[smem:$0x3F95] =	sst s1;
	(tag) =	ssettag s2;
	_ =	strace s9  }
0x27: {  	s1 =	sld [smem:$0x3FA5]  }
0x28: {  	s2 =	sld [smem:$0x3FA6]  }
0x29: {  	s4 =	sld [smem:$0x3FA8]  }
0x2a: {  	p0 =	seq.s32 s5, $0x0;
	s5 =	sld [smem:$0x3FA9]  }
0x2b: {  	s6 =	sld [smem:$0x3FAA]  }
0x2c: {  	s7 =	sld [smem:$0x3FAB]  }
0x2d: {  	s3 =	simm.s32 $0x108;
	s8 =	sld [smem:$0x3FAC]  }
0x2e: {  	s3 =	simm.s32 @!p0 $0x1082;
	s9 =	sld [smem:$0x3FAD]  }
0x2f: {  	lr =	sadd.s32 s0, s3;
	s0 =	sld [smem:$0x3FA4]  }
0x30: {  	s3 =	sld [smem:$0x3FA7]  }
0x31: {  	[smem:$0x3FB0] =	sst s10  }
0x32: {  	s10 =	sld [smem:$0x3FAE];
	_ =	sdelay $0x3  }
0x33: {  	p0 =	seq.s32 s10, $0x1;
	s10 =	sld [smem:$0x3FB0];
	_ =	sdelay $0x3  }
0x34: {  	[smem:$0x3FB0] =	sst s10  }
0x35: {  	s10 =	sld [smem:$0x3FAF];
	_ =	sdelay $0x3  }
0x36: {  	p1 =	seq.s32 s10, $0x1;
	s10 =	sld [smem:$0x3FB0];
	_ =	sdelay $0x3  }
0x37: {  	[smem:$0x3FB0] =	sst s10  }
0x38: {  	s10 =	sld [smem:$0x3FB1]  }
0x39: {  	_ = 	snop;
	(pc) =	sbr.ind lr, $3  }
0x3a: {  	_ = 	snop  }
0x3b: {  	_ = 	snop  }
0x3c: {  	p2 =	seq.s32 s10, $0x1;
	s10 =	sld [smem:$0x3FB0]  }
0x3d: {  	_ =	shalt  }
0x3e: {  	_ =	shalt  }
0x3f: {  	_ =	shalt  }
0x40: {  	_ =	shalt  }
0x41: {  	_ =	shalt  }
0x42: {  	_ =	shalt  }
0x43: {  	_ =	shalt  }
0x44: {  	_ =	shalt  }
0x45: {  	_ =	shalt  }
0x46: {  	_ =	shalt  }
0x47: {  	_ =	shalt  }
0x48: {  	_ =	shalt  }
0x49: {  	_ =	shalt  }
0x4a: {  	_ =	shalt  }
0x4b: {  	_ =	shalt  }
0x4c: {  	_ =	shalt  }
0x4d: {  	_ =	shalt  }
0x4e: {  	_ =	shalt  }
0x4f: {  	_ =	shalt  }
0x50: {  	_ =	shalt  }
0x51: {  	_ =	shalt  }
0x52: {  	_ =	shalt  }
0x53: {  	_ =	shalt  }
0x54: {  	_ =	shalt  }
0x55: {  	_ =	shalt  }
0x56: {  	_ =	shalt  }
0x57: {  	_ =	shalt  }
0x58: {  	_ =	shalt  }
0x59: {  	_ =	shalt  }
0x5a: {  	_ =	shalt  }
0x5b: {  	_ =	shalt  }
0x5c: {  	_ =	shalt  }
0x5d: {  	_ =	shalt  }
0x5e: {  	_ =	shalt  }
0x5f: {  	_ =	shalt  }
0x60: {  	_ =	shalt  }
0x61: {  	_ =	shalt  }
0x62: {  	_ =	shalt  }
0x63: {  	_ =	shalt  }
0x64: {  	_ =	shalt  }
0x65: {  	_ =	shalt  }
0x66: {  	_ =	shalt  }
0x67: {  	_ =	shalt  }
0x68: {  	_ =	shalt  }
0x69: {  	_ =	shalt  }
0x6a: {  	_ =	shalt  }
0x6b: {  	_ =	shalt  }
0x6c: {  	_ =	shalt  }
0x6d: {  	_ =	shalt  }
0x6e: {  	_ =	shalt  }
0x6f: {  	_ =	shalt  }
0x70: {  	_ =	shalt  }
0x71: {  	_ =	shalt  }
0x72: {  	_ =	shalt  }
0x73: {  	_ =	shalt  }
0x74: {  	_ =	shalt  }
0x75: {  	_ =	shalt  }
0x76: {  	_ =	shalt  }
0x77: {  	_ =	shalt  }
0x78: {  	_ =	shalt  }
0x79: {  	_ =	shalt  }
0x7a: {  	_ =	shalt  }
0x7b: {  	_ =	shalt  }
0x7c: {  	_ =	shalt  }
0x7d: {  	_ =	shalt  }
0x7e: {  	_ =	shalt  }
0x7f: {  	_ =	shalt  }
0x80: {  	_ =	shalt  }
0x81: {  	_ =	shalt  }
0x82: {  	_ =	shalt  }
0x83: {  	_ =	shalt  }
0x84: {  	_ =	shalt  }
0x85: {  	_ =	shalt  }
0x86: {  	_ =	shalt  }
0x87: {  	_ =	shalt  }
.Lfunc_end0:
.L_simem_size_0:
called_computation.4_lowered:
.L_overlay_start_0:
0x88: {  	s2 =	sld [smem:$0x3FD9]  }
0x89: {  	s3 =	sld [smem:$0x3FFE];
	_ =	sdelay $0x1  }
0x8a: {  	s1 =	srdreg.scid  }
0x8b: {  	s0 =	sand.u32 $0x1, s1  }
0x8c: {  	s17 =	sshll.u32 s0, $0xA;
	s2 =	sadd.s32 s3, s2  }
0x8d: {  	s2 =	sadd.s32 s2, s17  }
0x8e: {  	[smem:$0x3FBC] =	sst s2  }
0x8f: {  	_ = 	snop  }
0x90: {  	s2 =	sld [smem:$0x3FD0];
	(tm) =	ssettm $0x1  }
0x91: {  	s18 =	sld [smem:$0x3FFB];
	_ =	sdelay $0x3  }
0x92: {  	_ =	strace s18  }
0x93: {  	s3 =	sld [smem:$0x3FFC];
	_ =	sdelay $0x3  }
0x94: {  	_ =	strace s3  }
0x95: {  	s3 =	sld [smem:$0x3FFD];
	_ =	sdelay $0x3  }
0x96: {  	_ =	strace s3  }
0x97: {  	_ =	strace $0x8FFFFFFF  }
0x98: {  	s19 =	sld [smem:$0x3FDB];
	_ =	sdelay $0x1  }
0x99: {  	s4 =	simm.s32 $_scs_section_size  }
0x9a: {  	s5 =	simm.s32 $_size__tile_overlayer_lowered;
	s6 =	simm.s32 $_tile_overlayer_lowered  }
0x9b: {  	s22 =	simm.s32 $0x1BFF;
	s21 =	sshll.u32 s6, $0x1;
	s3 =	sadd.s32 s4, s19  }
0x9c: {  	s7 =	simm.s32 $0x0;
	s20 =	sshll.u32 s5, $0x1;
	s5 =	sadd.s32 s21, s3  }
0x9d: {  	[timem:s7], [sflag:s22] =	dma.local [hbm:s5], s20  }
0x9e: {  	_ =	swait.ge [sflag:s22], s20  }
0x9f: {  	s4 =	ssub.s32 $0x0, s20;
	[sflag:s22] =	ssyncset.done $0x0  }
0xa0: {  	[sflag:s22] =	ssyncadd.s32 s4;
	_ =	sdelay $0x1  }
0xa1: {  	s23 =	simm.s32 $0x1B8B  }
0xa2: {  	_ =	swait.ge [sflag:s23], $0x1  }
0xa3: {  	[sflag:s23] =	ssyncset.done $0x0  }
0xa4: {  	s25 =	simm.s32 $0x1B8E;
	s24 =	sld [smem:$0x3FFE];
	[sflag:s23] =	ssyncadd.s32 $0xFFFFFFFF  }
0xa5: {  	s26 =	simm.s32 $execute0_lowered;
	[smem:$0x3FD2] =	sst s25  }
0xa6: {  	s5 =	sshll.u32 s26, $0x1;
	_ =	strace $0x8000004F;
	[dreg:$0x1] =	wrdreg $0xFFFFFFFF  }
0xa7: {  	s28 =	simm.s32 $_size_execute0_lowered;
	s3 =	sadd.s32 s3, s5;
	[dreg:$0x0] =	wrdreg $0x0  }
0xa8: {  	s5 =	sshll.u32 s28, $0x1;
	[dreg:$0x2] =	wrdreg s3  }
0xa9: {  	[dreg:$0x3] =	wrdreg s5  }
0xaa: {  	[dreg:$0x4] =	wrdreg $0xC0  }
0xab: {  	_ =	task [dreg:s7], $0x5FFFF  }
0xac: {  	[dreg:$0x1] =	wrdreg $0xFFFFFFFF  }
0xad: {  	[dreg:$0x0] =	wrdreg $0x60  }
0xae: {  	[dreg:$0x2] =	wrdreg s24  }
0xaf: {  	[dreg:$0x3] =	wrdreg s2  }
0xb0: {  	[dreg:$0x4] =	wrdreg $0x9  }
0xb1: {  	_ =	task.clear_ibuf [dreg:s7], $0x5FFFF;
	_ =	strace $0x9000004F  }
0xb2: {  	s29 =	simm.s32 $0x9;
	_ =	strace $0x80000051  }
0xb3: {  	_ =	swait.ge [sflag:s29], $0x1  }
0xb4: {  	[sflag:s29] =	ssyncadd.s32 $0xFFFFFFFF  }
0xb5: {  	_ =	strace $0x90000051  }
0xb6: {  	_ =	sfence  }
0xb7: {  	s30 =	sld [smem:$0x0];
	_ =	sdelay $0x2  }
0xb8: {  	s31 =	sshll.u32 s1, $0xD;
	s1 =	sshrl.u32 s1, $0x2  }
0xb9: {  	s3 =	sand.u32 $0x4000, s31;
	s1 =	sadd.s32 s1, s30  }
0xba: {  	s0 =	sor.u32 s3, s0;
	s1 =	sshll.u32 s1, $0x11  }
0xbb: {  	s0 =	sor.u32 s1, s0  }
0xbc: {  	s0 =	sadd.s32 $0x8F2B, s0  }
0xbd: {  	[sflag:s0] =	ssyncadd.remote.s32 $0x1  }
0xbe: {  	_ =	sfence.sel $0xFFFF  }
0xbf: {  	[dreg:$0x0] =	wrdreg $0xFFFFFFFF;
	(pc) =	sbr.abs _section_cstart, $3  }
0xc0: {  	[dreg:$0x1] =	wrdreg $0xFFFFFFFF  }
0xc1: {  	_ =	task.clear_ibuf [dreg:s7], $0x2FFFF;
	_ =	strace $0x9FFFFFFF  }
0xc2: {  	(tm) =	ssettm $0x7FFFFFFF  }
0xc3: {  	_ =	shalt  }
tec
execute0_lowered:
.L_overlay_start_1:
0x0: {  	(tag) =	ssettag $0x1  }
0x1: {  	s0 =	rddreg [dreg:$0x0]  }
0x2: {  	s1 =	rddreg [dreg:$0x1];
	s2 =	simm.s32 $0x0;
	s4 =	srdreg.scid  }
0x3: {  	s11 =	stileid.u32;
	s12 =	simm.s32 $0x1;
	s13 =	simm.s32 $0x15400  }
0x4: {  	s14 =	simm.s32 $0x16800;
	s15 =	simm.s32 $0x1B980;
	s16 =	simm.s32 $0x1C180  }
0x5: {  	s17 =	simm.s32 $0x1C980;
	s18 =	simm.s32 $0x1D180;
	s19 =	simm.s32 $0x0  }
0x6: {  	s21 =	simm.s32 $0x0;
	[smem:$0x7FF] =	sst s2;
	s3 =	sadd.s32 $0xD200, s0  }
.Ltmp0:
0x7: {  	s4 =	sand.u32 $0x1, s4;
	s5 =	sadd.s32 $0x8200, s0;
	(pc) =	sbr.rel .LBB2_1-.Ltmp0, $4  }
0x8: {  	s6 =	sadd.s32 $0x12800, s0;
	s7 =	sadd.s32 $0x17800, s0;
	s8 =	ssub.s32 $0x2, s4  }
0x9: {  	v0 =	vimm.f32 $0.0e+00;
	v4 =	vlaneseq.u32;
	_ =	strace $0x80000050;
	s4 =	sshll.u32 s4, $0x4;
	s9 =	sshrl.u32 s8, $0x1  }
0xa: {  	v1 =	vimm.s32 $0x0;
	vm0 =	vmmov $0xffff;
	v3 =	vshrl.u32 v4, $0x3;
	s4 =	sor.u32 s11, s4;
	s11 =	simm.s32 $0x14000;
	s10 =	ssub.s32 s8, s9  }
0xb: {  	v2 =	vand.u32 $0x7, v4;
	v4 =	vor.u32 $0x8, v4;
	v3 =	vmul.u32 $0x8, v3;
	s8 =	smul.u32 $0xA0, s4;
	s9 =	sadd.s32 $0x17900, s0;
	s10 =	smax.u32 s10, $0x1  }
.LBB2_43:
0xc: {  	s19 =	sadd.s32 $0x1, s19  }
0xd: {  	p0 =	sne.s32 s19, s10  }
.Ltmp1:
0xe: {  	_ = 	snop;
	(pc) =	sbr.rel @!p0 .LBB2_44-.Ltmp1, $1  }
0xf: {  	_ =	sdelay $0x3  }
.LBB2_1:
.Ltmp2:
0x10: {  	(pc) =	sbr.rel .LBB2_2-.Ltmp2, $2  }
0x11: {  	_ =	sdelay $0x2  }
0x12: {  	p1 =	por $0x1, $0x1;
	s20 =	simm.s32 $0x0  }
.LBB2_42:
0x13: {  	s0 =	sshll.u32 s20, $0x6  }
.Ltmp3:
0x14: {  	s0 =	sadd.s32 s1, s0;
	(pc) =	sbr.rel @!p0 .LBB2_43-.Ltmp3, $4  }
0x15: {  	[hbm4b:s0+s2] =	stream.linear.scatter [tilespmem:s2], [sflag:$0x1], $0x14000, $0x38;
	[tilespmem:$0x1D980] =	vst v63  }
0x16: {  	_ =	swait.ge [sflag:s12], $0x14000  }
0x17: {  	[sflag:s12] =	ssyncset.done $0x0  }
0x18: {  	s20 =	simm.s32 $0x1400;
	p1 =	por $0x0, $0x0;
	[sflag:s12] =	ssyncadd.s32 $0xFFFEC000  }
.LBB2_2:
0x19: {  	p0 =	por p1, p1;
	s0 =	simm.s32 $0x40;
	s4 =	simm.s32 $0x0  }
.LBB2_3:
0x1a: {  	p1 =	seq.s32 s0, $0x4FFC0;
	[tilespmem:s4+$0x0] =	vst v0;
	s4 =	smov.u32 s0;
	s0 =	sadd.s32 $0x40, s0  }
.Ltmp4:
0x1b: {  	(pc) =	sbr.rel @!p1 .LBB2_3-.Ltmp4, $2  }
0x1c: {  	_ =	sdelay $0x2  }
0x1d: {  	s4 =	sshra.s32 s4, $0x2  }
.Ltmp5:
0x1e: {  	(pc) =	sbr.rel .LBB2_5-.Ltmp5, $4  }
0x1f: {  	_ = 	snop  }
0x20: {  	s20 =	sadd.s32 s8, s20  }
0x21: {  	s0 =	sadd.s32 $0xA0, s20  }
0x22: {  	[tilespmem:s4+$0x0] =	vst v0;
	s22 =	simm.s32 $0x0;
	v5 =	vmov s20;
	v6 =	vmov s0  }
.LBB2_41:
0x23: {  	s22 =	sadd.s32 $0x1, s22  }
0x24: {  	p1 =	sne.s32 s22, $0x20  }
.Ltmp6:
0x25: {  	_ = 	snop;
	(pc) =	sbr.rel @!p1 .LBB2_42-.Ltmp6, $1  }
0x26: {  	_ =	sdelay $0x3  }
.LBB2_5:
0x27: {  	s0 =	smul.u32 $0x280, s22;
	_ =	sdelay $0x1  }
0x28: {  	s4 =	sadd.s32 s3, s0  }
0x29: {  	[tilespmem:s11], [sflag:$0x1] =	stream.linear.gather [hbm4b:s4+s21], $0x1400, $0x38;
	[tilespmem:$0x1D980] =	vst v63  }
0x2a: {  	_ =	swait.ge [sflag:s12], $0x1400  }
0x2b: {  	[sflag:s12] =	ssyncset.done $0x0  }
0x2c: {  	s30 =	sadd.s32 s5, s0;
	[sflag:s12] =	ssyncadd.s32 $0xFFFFEC00  }
0x2d: {  	[tilespmem:s13], [sflag:$0x1] =	stream.linear.gather [hbm4b:s30+s21], $0x1400, $0x38;
	[tilespmem:$0x1D980] =	vst v63  }
0x2e: {  	_ =	swait.ge [sflag:s12], $0x1400  }
0x2f: {  	[sflag:s12] =	ssyncset.done $0x0  }
0x30: {  	s0 =	sadd.s32 s6, s0;
	[sflag:s12] =	ssyncadd.s32 $0xFFFFEC00  }
0x31: {  	[tilespmem:s14], [sflag:$0x1] =	stream.linear.gather [hbm4b:s0+s21], $0x1400, $0x38;
	[tilespmem:$0x1D980] =	vst v63  }
0x32: {  	_ =	swait.ge [sflag:s12], $0x1400  }
0x33: {  	[sflag:s12] =	ssyncset.done $0x0  }
0x34: {  	s31 =	simm.s32 $0x0;
	[sflag:s12] =	ssyncadd.s32 $0xFFFFEC00  }
0x35: {  	v7 =	vld [tilespmem:s31+$0x15400];
	_ =	sdelay $0x4  }
0x36: {  	vm1 =	vge.s32 v7, v5;
	vm2 =	vlt.s32 v7, v6  }
0x37: {  	vm1 =	vmand vm1, vm2  }
0x38: {  	v8 =	vld [tilespmem:s31+$0x14000];
	v9 =	vsel vm1, $0x1, v1  }
0x39: {  	(xrf0) =	vadd.scan.msk.s32 $0xffff, v9;
	_ =	sdelay $0x3  }
0x3a: {  	v7 =	vsub.s32 v7, v5;
	[tilespmem:s21+$0x17C00] =	vst.msk vm1, v8  }
0x3b: {  	[tilespmem:s21+$0x19080] =	vst.msk vm1, v7  }
0x3c: {  	v7 =	vld [tilespmem:s31+$0x16800];
	v8, _, _ =	vpop (xrf0)  }
0x3d: {  	(v2sf) =	vpush v8, $0xF;
	_ =	sdelay $0x3  }
0x3e: {  	s23 =	simm.s32 $0x10;
	s25 =	simm.s32 $0x80;
	s24 =	simm.s32 $0x0;
	[tilespmem:s21+$0x1A500] =	vst.msk vm1, v7  }
.LBB2_6:
0x3f: {  	p1 =	sne.s32 s25, $0x4FC0;
	v7 =	vld [tilespmem:s23+$0x15400]  }
0x40: {  	v8 =	vld [tilespmem:s23+$0x14000];
	_ =	sdelay $0x3  }
0x41: {  	vm1 =	vge.s32 v7, v5;
	vm2 =	vlt.s32 v7, v6;
	v7 =	vsub.s32 v7, v5  }
0x42: {  	vm1 =	vmand vm1, vm2  }
0x43: {  	v9 =	vsel vm1, $0x1, v1  }
0x44: {  	(xrf0) =	vadd.scan.msk.s32 $0xffff, v9;
	_ =	sdelay $0x1  }
0x45: {  	s0 =	spop (v2sf)  }
0x46: {  	s24 =	sadd.s32 s24, s0  }
0x47: {  	[tilespmem:s24+$0x17C00] =	vst.msk vm1, v8  }
0x48: {  	[tilespmem:s24+$0x19080] =	vst.msk vm1, v7  }
0x49: {  	v7 =	vld [tilespmem:s23+$0x16800];
	v8, _, _ =	vpop (xrf0)  }
.Ltmp7:
0x4a: {  	(v2sf) =	vpush v8, $0xF;
	(pc) =	sbr.rel @p1 .LBB2_6-.Ltmp7, $2  }
0x4b: {  	_ =	sdelay $0x2  }
0x4c: {  	s23 =	sshra.s32 s25, $0x2;
	s25 =	sadd.s32 $0x40, s25;
	[tilespmem:s24+$0x1A500] =	vst.msk vm1, v7  }
0x4d: {  	v7 =	vld [tilespmem:s23+$0x15400];
	_ =	sdelay $0x4  }
0x4e: {  	vm1 =	vge.s32 v7, v5;
	vm2 =	vlt.s32 v7, v6  }
0x4f: {  	vm1 =	vmand vm1, vm2  }
0x50: {  	v8 =	vsel vm1, $0x1, v1  }
0x51: {  	(xrf0) =	vadd.scan.msk.s32 $0xffff, v8;
	_ =	sdelay $0x5  }
0x52: {  	v8, _, _ =	vpop (xrf0)  }
0x53: {  	(v2sf) =	vpush v8, $0xF;
	_ =	sdelay $0xd  }
0x54: {  	s0 =	spop (v2sf);
	v8 =	vld [tilespmem:s23+$0x14000]  }
0x55: {  	s0 =	sadd.s32 s24, s0;
	s4 =	spop (v2sf)  }
0x56: {  	s4 =	sadd.s32 s0, s4  }
0x57: {  	s28 =	sadd.s32 $0xF, s4  }
0x58: {  	s29 =	sand.u32 $0xF, s28  }
0x59: {  	v7 =	vsub.s32 v7, v5;
	[tilespmem:s0+$0x17C00] =	vst.msk vm1, v8;
	s30 =	sshra.s32 s28, $0x1F;
	p2 =	slt.s32 s28, $0x1;
	p1 =	sne.s32 s29, $0x0  }
0x5a: {  	[tilespmem:s0+$0x19080] =	vst.msk vm1, v7;
	s24 =	sshrl.u32 s30, $0x1C;
	p1 =	por !p2, !p1  }
0x5b: {  	v7 =	vld [tilespmem:s23+$0x16800];
	s23 =	sadd.s32 s24, s28;
	s24 =	simm.s32 $0x1;
	p1 =	por !p1, !p1  }
0x5c: {  	s31 =	sshra.s32 s23, $0x4;
	s24 =	simm.s32 @!p1 $0x0  }
0x5d: {  	s23 =	ssub.s32 s31, s24  }
0x5e: {  	p1 =	slt.s32 s23, $0x1  }
.Ltmp8:
0x5f: {  	_ = 	snop;
	(pc) =	sbr.rel @p1 .LBB2_41-.Ltmp8, $4  }
0x60: {  	[tilespmem:s0+$0x1A500] =	vst.msk vm1, v7  }
0x61: {  	[tilespmem:s4+$0x17C00] =	vst v1  }
0x62: {  	[tilespmem:s4+$0x19080] =	vst v1  }
0x63: {  	s25 =	simm.s32 $0x0;
	[tilespmem:s4+$0x1A500] =	vst v0;
	s24 =	simm.s32 $0x0  }
.LBB2_8:
0x64: {  	s0 =	sshll.u32 s25, $0x4  }
0x65: {  	v7 =	vld [tilespmem:s0+$0x17C00];
	_ =	sdelay $0x4  }
0x66: {  	v8 =	vshll.u32 v7, $0x2  }
0x67: {  	v7 =	vand.u32 $0x7, v7;
	v8 =	vand.u32 $0xFFFFFFE0, v8  }
0x68: {  	v7 =	vor.u32 v7, v8  }
0x69: {  	v8 =	vperm.xlane v7, v2;
	_ =	sdelay $0x1  }
0x6a: {  	v8 =	vadd.s32 v3, v8;
	_ =	sdelay $0x1  }
0x6b: {  	v7 =	vperm.xlane v7, v4;
	_ =	sdelay $0x1  }
0x6c: {  	v7 =	vadd.s32 v3, v7  }
0x6d: {  	[tilespmem:s15], [sflag:$0x1] =	stream.indirect_vreg.gather [hbm4b:s7+s24], $0x80, v8, vm0, $0xb8;
	[tilespmem:$0x1D980] =	vst v63  }
0x6e: {  	_ = 	snop  }
0x6f: {  	[tilespmem:s16], [sflag:$0x1] =	stream.indirect_vreg.gather [hbm4b:s9+s24], $0x80, v8, vm0, $0xb8;
	[tilespmem:$0x1D980] =	vst v63  }
0x70: {  	_ = 	snop  }
0x71: {  	[tilespmem:s17], [sflag:$0x1] =	stream.indirect_vreg.gather [hbm4b:s7+s24], $0x80, v7, vm0, $0xb8;
	[tilespmem:$0x1D980] =	vst v63  }
0x72: {  	_ = 	snop  }
0x73: {  	[tilespmem:s18], [sflag:$0x1] =	stream.indirect_vreg.gather [hbm4b:s9+s24], $0x80, v7, vm0, $0xb8;
	[tilespmem:$0x1D980] =	vst v63  }
0x74: {  	_ =	swait.ge [sflag:s12], $0x2000  }
0x75: {  	[sflag:s12] =	ssyncset.done $0x0  }
0x76: {  	[sflag:s12] =	ssyncadd.s32 $0xFFFFE000  }
0x77: {  	v8 =	vld [tilespmem:s0+$0x19080];
	_ =	sdelay $0x4  }
0x78: {  	(v2sf) =	vpush v8, $0x0;
	_ =	sdelay $0xe  }
0x79: {  	s4 =	spop (v2sf)  }
0x7a: {  	s28 =	sand.u32 $0xC00, s24;
	v7 =	vld [tilespmem:s0+$0x1A500];
	s26 =	sshll.u32 s4, $0xB;
	s4 =	sand.u32 $0x70, s24  }
0x7b: {  	s0 =	sand.u32 $0x180, s24;
	s26 =	sshra.s32 s26, $0x2;
	s28 =	sor.u32 s4, s28  }
0x7c: {  	s0 =	sadd.s32 s0, s26;
	v10 =	vld [tilespmem:s28+$0x1B980]  }
0x7d: {  	s28 =	sadd.s32 s4, s0  }
0x7e: {  	v11 =	vld [tilespmem:s28+$0x0]  }
0x7f: {  	v9 =	vbroadcast v7, $0x0;
	_ =	sdelay $0x1  }
0x80: {  	v10 =	vmul.f32 v10, v9;
	_ =	sdelay $0x1  }
0x81: {  	s30 =	simm.s32 $0x10;
	s29 =	simm.s32 $0x80;
	v10 =	vadd.f32 v10, v11  }
0x82: {  	s31 =	simm.s32 $0x20;
	s0 =	sand.u32 $0x70, s30;
	s4 =	sand.u32 $0xC00, s29  }
.LBB2_9:
0x83: {  	p1 =	sne.s32 s31, $0x1F0;
	s30 =	sand.u32 $0x180, s30;
	s4 =	sor.u32 s0, s4;
	[tilespmem:s28+$0x0] =	vst v10  }
0x84: {  	s28 =	sadd.s32 s30, s26;
	v10 =	vld [tilespmem:s4+$0x1B980];
	s30 =	smov.u32 s31  }
0x85: {  	s28 =	sadd.s32 s0, s28  }
0x86: {  	v11 =	vld [tilespmem:s28+$0x0];
	_ =	sdelay $0x1  }
.Ltmp9:
0x87: {  	(pc) =	sbr.rel @p1 .LBB2_9-.Ltmp9, $3  }
0x88: {  	v10 =	vmul.f32 v10, v9;
	_ =	sdelay $0x1  }
0x89: {  	s29 =	sadd.s32 $0x80, s29;
	v10 =	vadd.f32 v10, v11  }
0x8a: {  	s4 =	sand.u32 $0xC00, s29;
	s31 =	sadd.s32 $0x10, s31;
	s0 =	sand.u32 $0x70, s30  }
0x8b: {  	(v2sf) =	vpush v8, $0x1;
	_ =	sdelay $0x6  }
0x8c: {  	s29 =	sand.u32 $0x180, s30;
	s4 =	sor.u32 s0, s4;
	[tilespmem:s28+$0x0] =	vst v10  }
0x8d: {  	s26 =	sadd.s32 s29, s26;
	v10 =	vld [tilespmem:s4+$0x1B980]  }
0x8e: {  	s0 =	sadd.s32 s0, s26  }
0x8f: {  	v11 =	vld [tilespmem:s0+$0x0];
	_ =	sdelay $0x2  }
0x90: {  	v9 =	vmul.f32 v10, v9;
	_ =	sdelay $0x1  }
0x91: {  	s28 =	simm.s32 $0x0;
	v9 =	vadd.f32 v9, v11;
	s26 =	spop (v2sf)  }
0x92: {  	s29 =	sand.u32 $0x70, s28;
	s30 =	sand.u32 $0xC00, s28;
	s4 =	sshll.u32 s26, $0xB  }
0x93: {  	[tilespmem:s0+$0x0] =	vst v9;
	s0 =	sand.u32 $0x180, s28;
	s26 =	sshra.s32 s4, $0x2;
	s4 =	sor.u32 s29, s30  }
0x94: {  	s0 =	sadd.s32 s0, s26;
	v10 =	vld [tilespmem:s4+$0x1BA00]  }
0x95: {  	s28 =	sadd.s32 s29, s0  }
0x96: {  	v11 =	vld [tilespmem:s28+$0x0]  }
0x97: {  	v9 =	vbroadcast v7, $0x1;
	_ =	sdelay $0x1  }
0x98: {  	v10 =	vmul.f32 v10, v9;
	_ =	sdelay $0x1  }
0x99: {  	s30 =	simm.s32 $0x10;
	s29 =	simm.s32 $0x80;
	v10 =	vadd.f32 v10, v11  }
0x9a: {  	s31 =	simm.s32 $0x20;
	s0 =	sand.u32 $0x70, s30;
	s4 =	sand.u32 $0xC00, s29  }
.LBB2_11:
0x9b: {  	p1 =	sne.s32 s31, $0x1F0;
	s30 =	sand.u32 $0x180, s30;
	s4 =	sor.u32 s0, s4;
	[tilespmem:s28+$0x0] =	vst v10  }
0x9c: {  	s28 =	sadd.s32 s30, s26;
	v10 =	vld [tilespmem:s4+$0x1BA00];
	s30 =	smov.u32 s31  }
0x9d: {  	s28 =	sadd.s32 s0, s28  }
0x9e: {  	v11 =	vld [tilespmem:s28+$0x0];
	_ =	sdelay $0x1  }
.Ltmp10:
0x9f: {  	(pc) =	sbr.rel @p1 .LBB2_11-.Ltmp10, $3  }
0xa0: {  	v10 =	vmul.f32 v10, v9;
	_ =	sdelay $0x1  }
0xa1: {  	s29 =	sadd.s32 $0x80, s29;
	v10 =	vadd.f32 v10, v11  }
0xa2: {  	s4 =	sand.u32 $0xC00, s29;
	s31 =	sadd.s32 $0x10, s31;
	s0 =	sand.u32 $0x70, s30  }
0xa3: {  	(v2sf) =	vpush v8, $0x2;
	_ =	sdelay $0x6  }
0xa4: {  	s29 =	sand.u32 $0x180, s30;
	s4 =	sor.u32 s0, s4;
	[tilespmem:s28+$0x0] =	vst v10  }
0xa5: {  	s26 =	sadd.s32 s29, s26;
	v10 =	vld [tilespmem:s4+$0x1BA00]  }
0xa6: {  	s0 =	sadd.s32 s0, s26  }
0xa7: {  	v11 =	vld [tilespmem:s0+$0x0];
	_ =	sdelay $0x2  }
0xa8: {  	v9 =	vmul.f32 v10, v9;
	_ =	sdelay $0x1  }
0xa9: {  	s28 =	simm.s32 $0x0;
	v9 =	vadd.f32 v9, v11;
	s26 =	spop (v2sf)  }
0xaa: {  	s29 =	sand.u32 $0x70, s28;
	s30 =	sand.u32 $0xC00, s28;
	s4 =	sshll.u32 s26, $0xB  }
0xab: {  	[tilespmem:s0+$0x0] =	vst v9;
	s0 =	sand.u32 $0x180, s28;
	s26 =	sshra.s32 s4, $0x2;
	s4 =	sor.u32 s29, s30  }
0xac: {  	s0 =	sadd.s32 s0, s26;
	v10 =	vld [tilespmem:s4+$0x1BA80]  }
0xad: {  	s28 =	sadd.s32 s29, s0  }
0xae: {  	v11 =	vld [tilespmem:s28+$0x0]  }
0xaf: {  	v9 =	vbroadcast v7, $0x2;
	_ =	sdelay $0x1  }
0xb0: {  	v10 =	vmul.f32 v10, v9;
	_ =	sdelay $0x1  }
0xb1: {  	s30 =	simm.s32 $0x10;
	s29 =	simm.s32 $0x80;
	v10 =	vadd.f32 v10, v11  }
0xb2: {  	s31 =	simm.s32 $0x20;
	s0 =	sand.u32 $0x70, s30;
	s4 =	sand.u32 $0xC00, s29  }
.LBB2_13:
0xb3: {  	p1 =	sne.s32 s31, $0x1F0;
	s30 =	sand.u32 $0x180, s30;
	s4 =	sor.u32 s0, s4;
	[tilespmem:s28+$0x0] =	vst v10  }
0xb4: {  	s28 =	sadd.s32 s30, s26;
	v10 =	vld [tilespmem:s4+$0x1BA80];
	s30 =	smov.u32 s31  }
0xb5: {  	s28 =	sadd.s32 s0, s28  }
0xb6: {  	v11 =	vld [tilespmem:s28+$0x0];
	_ =	sdelay $0x1  }
.Ltmp11:
0xb7: {  	(pc) =	sbr.rel @p1 .LBB2_13-.Ltmp11, $3  }
0xb8: {  	v10 =	vmul.f32 v10, v9;
	_ =	sdelay $0x1  }
0xb9: {  	s29 =	sadd.s32 $0x80, s29;
	v10 =	vadd.f32 v10, v11  }
0xba: {  	s4 =	sand.u32 $0xC00, s29;
	s31 =	sadd.s32 $0x10, s31;
	s0 =	sand.u32 $0x70, s30  }
0xbb: {  	(v2sf) =	vpush v8, $0x3;
	_ =	sdelay $0x6  }
0xbc: {  	s29 =	sand.u32 $0x180, s30;
	s4 =	sor.u32 s0, s4;
	[tilespmem:s28+$0x0] =	vst v10  }
0xbd: {  	s26 =	sadd.s32 s29, s26;
	v10 =	vld [tilespmem:s4+$0x1BA80]  }
0xbe: {  	s0 =	sadd.s32 s0, s26  }
0xbf: {  	v11 =	vld [tilespmem:s0+$0x0];
	_ =	sdelay $0x2  }
0xc0: {  	v9 =	vmul.f32 v10, v9;
	_ =	sdelay $0x1  }
0xc1: {  	s28 =	simm.s32 $0x0;
	v9 =	vadd.f32 v9, v11;
	s26 =	spop (v2sf)  }
0xc2: {  	s29 =	sand.u32 $0x70, s28;
	s30 =	sand.u32 $0xC00, s28;
	s4 =	sshll.u32 s26, $0xB  }
0xc3: {  	[tilespmem:s0+$0x0] =	vst v9;
	s0 =	sand.u32 $0x180, s28;
	s26 =	sshra.s32 s4, $0x2;
	s4 =	sor.u32 s29, s30  }
0xc4: {  	s0 =	sadd.s32 s0, s26;
	v10 =	vld [tilespmem:s4+$0x1BB00]  }
0xc5: {  	s28 =	sadd.s32 s29, s0  }
0xc6: {  	v11 =	vld [tilespmem:s28+$0x0]  }
0xc7: {  	v9 =	vbroadcast v7, $0x3;
	_ =	sdelay $0x1  }
0xc8: {  	v10 =	vmul.f32 v10, v9;
	_ =	sdelay $0x1  }
0xc9: {  	s30 =	simm.s32 $0x10;
	s29 =	simm.s32 $0x80;
	v10 =	vadd.f32 v10, v11  }
0xca: {  	s31 =	simm.s32 $0x20;
	s0 =	sand.u32 $0x70, s30;
	s4 =	sand.u32 $0xC00, s29  }
.LBB2_15:
0xcb: {  	p1 =	sne.s32 s31, $0x1F0;
	s30 =	sand.u32 $0x180, s30;
	s4 =	sor.u32 s0, s4;
	[tilespmem:s28+$0x0] =	vst v10  }
0xcc: {  	s28 =	sadd.s32 s30, s26;
	v10 =	vld [tilespmem:s4+$0x1BB00];
	s30 =	smov.u32 s31  }
0xcd: {  	s28 =	sadd.s32 s0, s28  }
0xce: {  	v11 =	vld [tilespmem:s28+$0x0];
	_ =	sdelay $0x1  }
.Ltmp12:
0xcf: {  	(pc) =	sbr.rel @p1 .LBB2_15-.Ltmp12, $3  }
0xd0: {  	v10 =	vmul.f32 v10, v9;
	_ =	sdelay $0x1  }
0xd1: {  	s29 =	sadd.s32 $0x80, s29;
	v10 =	vadd.f32 v10, v11  }
0xd2: {  	s4 =	sand.u32 $0xC00, s29;
	s31 =	sadd.s32 $0x10, s31;
	s0 =	sand.u32 $0x70, s30  }
0xd3: {  	(v2sf) =	vpush v8, $0x4;
	_ =	sdelay $0x6  }
0xd4: {  	s29 =	sand.u32 $0x180, s30;
	s4 =	sor.u32 s0, s4;
	[tilespmem:s28+$0x0] =	vst v10  }
0xd5: {  	s26 =	sadd.s32 s29, s26;
	v10 =	vld [tilespmem:s4+$0x1BB00]  }
0xd6: {  	s0 =	sadd.s32 s0, s26  }
0xd7: {  	v11 =	vld [tilespmem:s0+$0x0];
	_ =	sdelay $0x2  }
0xd8: {  	v9 =	vmul.f32 v10, v9;
	_ =	sdelay $0x1  }
0xd9: {  	s28 =	simm.s32 $0x0;
	v9 =	vadd.f32 v9, v11;
	s26 =	spop (v2sf)  }
0xda: {  	s29 =	sand.u32 $0x70, s28;
	s30 =	sand.u32 $0xC00, s28;
	s4 =	sshll.u32 s26, $0xB  }
0xdb: {  	[tilespmem:s0+$0x0] =	vst v9;
	s0 =	sand.u32 $0x180, s28;
	s26 =	sshra.s32 s4, $0x2;
	s4 =	sor.u32 s29, s30  }
0xdc: {  	s0 =	sadd.s32 s0, s26;
	v10 =	vld [tilespmem:s4+$0x1BB80]  }
0xdd: {  	s28 =	sadd.s32 s29, s0  }
0xde: {  	v11 =	vld [tilespmem:s28+$0x0]  }
0xdf: {  	v9 =	vbroadcast v7, $0x4;
	_ =	sdelay $0x1  }
0xe0: {  	v10 =	vmul.f32 v10, v9;
	_ =	sdelay $0x1  }
0xe1: {  	s30 =	simm.s32 $0x10;
	s29 =	simm.s32 $0x80;
	v10 =	vadd.f32 v10, v11  }
0xe2: {  	s31 =	simm.s32 $0x20;
	s0 =	sand.u32 $0x70, s30;
	s4 =	sand.u32 $0xC00, s29  }
.LBB2_17:
0xe3: {  	p1 =	sne.s32 s31, $0x1F0;
	s30 =	sand.u32 $0x180, s30;
	s4 =	sor.u32 s0, s4;
	[tilespmem:s28+$0x0] =	vst v10  }
0xe4: {  	s28 =	sadd.s32 s30, s26;
	v10 =	vld [tilespmem:s4+$0x1BB80];
	s30 =	smov.u32 s31  }
0xe5: {  	s28 =	sadd.s32 s0, s28  }
0xe6: {  	v11 =	vld [tilespmem:s28+$0x0];
	_ =	sdelay $0x1  }
.Ltmp13:
0xe7: {  	(pc) =	sbr.rel @p1 .LBB2_17-.Ltmp13, $3  }
0xe8: {  	v10 =	vmul.f32 v10, v9;
	_ =	sdelay $0x1  }
0xe9: {  	s29 =	sadd.s32 $0x80, s29;
	v10 =	vadd.f32 v10, v11  }
0xea: {  	s4 =	sand.u32 $0xC00, s29;
	s31 =	sadd.s32 $0x10, s31;
	s0 =	sand.u32 $0x70, s30  }
0xeb: {  	(v2sf) =	vpush v8, $0x5;
	_ =	sdelay $0x6  }
0xec: {  	s29 =	sand.u32 $0x180, s30;
	s4 =	sor.u32 s0, s4;
	[tilespmem:s28+$0x0] =	vst v10  }
0xed: {  	s26 =	sadd.s32 s29, s26;
	v10 =	vld [tilespmem:s4+$0x1BB80]  }
0xee: {  	s0 =	sadd.s32 s0, s26  }
0xef: {  	v11 =	vld [tilespmem:s0+$0x0];
	_ =	sdelay $0x2  }
0xf0: {  	v9 =	vmul.f32 v10, v9;
	_ =	sdelay $0x1  }
0xf1: {  	s28 =	simm.s32 $0x0;
	v9 =	vadd.f32 v9, v11;
	s26 =	spop (v2sf)  }
0xf2: {  	s29 =	sand.u32 $0x70, s28;
	s30 =	sand.u32 $0xC00, s28;
	s4 =	sshll.u32 s26, $0xB  }
0xf3: {  	[tilespmem:s0+$0x0] =	vst v9;
	s0 =	sand.u32 $0x180, s28;
	s26 =	sshra.s32 s4, $0x2;
	s4 =	sor.u32 s29, s30  }
0xf4: {  	s0 =	sadd.s32 s0, s26;
	v10 =	vld [tilespmem:s4+$0x1BC00]  }
0xf5: {  	s28 =	sadd.s32 s29, s0  }
0xf6: {  	v11 =	vld [tilespmem:s28+$0x0]  }
0xf7: {  	v9 =	vbroadcast v7, $0x5;
	_ =	sdelay $0x1  }
0xf8: {  	v10 =	vmul.f32 v10, v9;
	_ =	sdelay $0x1  }
0xf9: {  	s30 =	simm.s32 $0x10;
	s29 =	simm.s32 $0x80;
	v10 =	vadd.f32 v10, v11  }
0xfa: {  	s31 =	simm.s32 $0x20;
	s0 =	sand.u32 $0x70, s30;
	s4 =	sand.u32 $0xC00, s29  }
.LBB2_19:
0xfb: {  	p1 =	sne.s32 s31, $0x1F0;
	s30 =	sand.u32 $0x180, s30;
	s4 =	sor.u32 s0, s4;
	[tilespmem:s28+$0x0] =	vst v10  }
0xfc: {  	s28 =	sadd.s32 s30, s26;
	v10 =	vld [tilespmem:s4+$0x1BC00];
	s30 =	smov.u32 s31  }
0xfd: {  	s28 =	sadd.s32 s0, s28  }
0xfe: {  	v11 =	vld [tilespmem:s28+$0x0];
	_ =	sdelay $0x1  }
.Ltmp14:
0xff: {  	(pc) =	sbr.rel @p1 .LBB2_19-.Ltmp14, $3  }
0x100: {  	v10 =	vmul.f32 v10, v9;
	_ =	sdelay $0x1  }
0x101: {  	s29 =	sadd.s32 $0x80, s29;
	v10 =	vadd.f32 v10, v11  }
0x102: {  	s4 =	sand.u32 $0xC00, s29;
	s31 =	sadd.s32 $0x10, s31;
	s0 =	sand.u32 $0x70, s30  }
0x103: {  	(v2sf) =	vpush v8, $0x6;
	_ =	sdelay $0x6  }
0x104: {  	s29 =	sand.u32 $0x180, s30;
	s4 =	sor.u32 s0, s4;
	[tilespmem:s28+$0x0] =	vst v10  }
0x105: {  	s26 =	sadd.s32 s29, s26;
	v10 =	vld [tilespmem:s4+$0x1BC00]  }
0x106: {  	s0 =	sadd.s32 s0, s26  }
0x107: {  	v11 =	vld [tilespmem:s0+$0x0];
	_ =	sdelay $0x2  }
0x108: {  	v9 =	vmul.f32 v10, v9;
	_ =	sdelay $0x1  }
0x109: {  	s28 =	simm.s32 $0x0;
	v9 =	vadd.f32 v9, v11;
	s26 =	spop (v2sf)  }
0x10a: {  	s29 =	sand.u32 $0x70, s28;
	s30 =	sand.u32 $0xC00, s28;
	s4 =	sshll.u32 s26, $0xB  }
0x10b: {  	[tilespmem:s0+$0x0] =	vst v9;
	s0 =	sand.u32 $0x180, s28;
	s26 =	sshra.s32 s4, $0x2;
	s4 =	sor.u32 s29, s30  }
0x10c: {  	s0 =	sadd.s32 s0, s26;
	v10 =	vld [tilespmem:s4+$0x1BC80]  }
0x10d: {  	s28 =	sadd.s32 s29, s0  }
0x10e: {  	v11 =	vld [tilespmem:s28+$0x0]  }
0x10f: {  	v9 =	vbroadcast v7, $0x6;
	_ =	sdelay $0x1  }
0x110: {  	v10 =	vmul.f32 v10, v9;
	_ =	sdelay $0x1  }
0x111: {  	s30 =	simm.s32 $0x10;
	s29 =	simm.s32 $0x80;
	v10 =	vadd.f32 v10, v11  }
0x112: {  	s31 =	simm.s32 $0x20;
	s0 =	sand.u32 $0x70, s30;
	s4 =	sand.u32 $0xC00, s29  }
.LBB2_21:
0x113: {  	p1 =	sne.s32 s31, $0x1F0;
	s30 =	sand.u32 $0x180, s30;
	s4 =	sor.u32 s0, s4;
	[tilespmem:s28+$0x0] =	vst v10  }
0x114: {  	s28 =	sadd.s32 s30, s26;
	v10 =	vld [tilespmem:s4+$0x1BC80];
	s30 =	smov.u32 s31  }
0x115: {  	s28 =	sadd.s32 s0, s28  }
0x116: {  	v11 =	vld [tilespmem:s28+$0x0];
	_ =	sdelay $0x1  }
.Ltmp15:
0x117: {  	(pc) =	sbr.rel @p1 .LBB2_21-.Ltmp15, $3  }
0x118: {  	v10 =	vmul.f32 v10, v9;
	_ =	sdelay $0x1  }
0x119: {  	s29 =	sadd.s32 $0x80, s29;
	v10 =	vadd.f32 v10, v11  }
0x11a: {  	s4 =	sand.u32 $0xC00, s29;
	s31 =	sadd.s32 $0x10, s31;
	s0 =	sand.u32 $0x70, s30  }
0x11b: {  	(v2sf) =	vpush v8, $0x7;
	_ =	sdelay $0x6  }
0x11c: {  	s29 =	sand.u32 $0x180, s30;
	s4 =	sor.u32 s0, s4;
	[tilespmem:s28+$0x0] =	vst v10  }
0x11d: {  	s26 =	sadd.s32 s29, s26;
	v10 =	vld [tilespmem:s4+$0x1BC80]  }
0x11e: {  	s0 =	sadd.s32 s0, s26  }
0x11f: {  	v11 =	vld [tilespmem:s0+$0x0];
	_ =	sdelay $0x2  }
0x120: {  	v9 =	vmul.f32 v10, v9;
	_ =	sdelay $0x1  }
0x121: {  	s28 =	simm.s32 $0x0;
	v9 =	vadd.f32 v9, v11;
	s26 =	spop (v2sf)  }
0x122: {  	s29 =	sor.u32 s28, s28;
	s4 =	sshll.u32 s26, $0xB  }
0x123: {  	[tilespmem:s0+$0x0] =	vst v9;
	s0 =	sand.u32 $0x180, s28;
	s26 =	sshra.s32 s4, $0x2;
	s4 =	sor.u32 $0x380, s29  }
0x124: {  	s28 =	sand.u32 $0x70, s28;
	s0 =	sadd.s32 s0, s26;
	v10 =	vld [tilespmem:s4+$0x1B980]  }
0x125: {  	s29 =	sadd.s32 s28, s0  }
0x126: {  	v11 =	vld [tilespmem:s29+$0x0]  }
0x127: {  	v9 =	vbroadcast v7, $0x7;
	_ =	sdelay $0x1  }
0x128: {  	v10 =	vmul.f32 v10, v9;
	_ =	sdelay $0x1  }
0x129: {  	s30 =	simm.s32 $0x80;
	s28 =	simm.s32 $0x10;
	v10 =	vadd.f32 v10, v11  }
0x12a: {  	s31 =	simm.s32 $0x20;
	s0 =	sor.u32 s30, s28  }
.LBB2_23:
0x12b: {  	p1 =	sne.s32 s31, $0x1F0;
	s4 =	sand.u32 $0x180, s28;
	s0 =	sor.u32 $0x380, s0;
	[tilespmem:s29+$0x0] =	vst v10  }
0x12c: {  	s29 =	sand.u32 $0x70, s28;
	s28 =	smov.u32 s31;
	s4 =	sadd.s32 s4, s26;
	v10 =	vld [tilespmem:s0+$0x1B980]  }
0x12d: {  	s29 =	sadd.s32 s29, s4  }
0x12e: {  	v11 =	vld [tilespmem:s29+$0x0];
	_ =	sdelay $0x1  }
.Ltmp16:
0x12f: {  	(pc) =	sbr.rel @p1 .LBB2_23-.Ltmp16, $3  }
0x130: {  	v10 =	vmul.f32 v10, v9;
	_ =	sdelay $0x1  }
0x131: {  	s30 =	sadd.s32 $0x80, s30;
	v10 =	vadd.f32 v10, v11  }
0x132: {  	s31 =	sadd.s32 $0x10, s31;
	s0 =	sor.u32 s30, s28  }
0x133: {  	(v2sf) =	vpush v8, $0x8;
	_ =	sdelay $0x6  }
0x134: {  	s4 =	sand.u32 $0x180, s28;
	s0 =	sor.u32 $0x380, s0;
	[tilespmem:s29+$0x0] =	vst v10  }
0x135: {  	s28 =	sand.u32 $0x70, s28;
	s4 =	sadd.s32 s4, s26;
	v10 =	vld [tilespmem:s0+$0x1B980]  }
0x136: {  	s0 =	sadd.s32 s28, s4  }
0x137: {  	v11 =	vld [tilespmem:s0+$0x0];
	_ =	sdelay $0x2  }
0x138: {  	v9 =	vmul.f32 v10, v9;
	_ =	sdelay $0x1  }
0x139: {  	s28 =	simm.s32 $0x0;
	v9 =	vadd.f32 v9, v11;
	s26 =	spop (v2sf)  }
0x13a: {  	s29 =	sand.u32 $0x70, s28;
	s30 =	sand.u32 $0xC00, s28;
	s4 =	sshll.u32 s26, $0xB  }
0x13b: {  	[tilespmem:s0+$0x0] =	vst v9;
	s0 =	sand.u32 $0x180, s28;
	s26 =	sshra.s32 s4, $0x2;
	s4 =	sor.u32 s29, s30  }
0x13c: {  	s0 =	sadd.s32 s0, s26;
	v10 =	vld [tilespmem:s4+$0x1C980]  }
0x13d: {  	s28 =	sadd.s32 s29, s0  }
0x13e: {  	v11 =	vld [tilespmem:s28+$0x0]  }
0x13f: {  	v9 =	vbroadcast v7, $0x8;
	_ =	sdelay $0x1  }
0x140: {  	v10 =	vmul.f32 v10, v9;
	_ =	sdelay $0x1  }
0x141: {  	s30 =	simm.s32 $0x10;
	s29 =	simm.s32 $0x80;
	v10 =	vadd.f32 v10, v11  }
0x142: {  	s31 =	simm.s32 $0x20;
	s0 =	sand.u32 $0x70, s30;
	s4 =	sand.u32 $0xC00, s29  }
.LBB2_25:
0x143: {  	p1 =	sne.s32 s31, $0x1F0;
	s30 =	sand.u32 $0x180, s30;
	s4 =	sor.u32 s0, s4;
	[tilespmem:s28+$0x0] =	vst v10  }
0x144: {  	s28 =	sadd.s32 s30, s26;
	v10 =	vld [tilespmem:s4+$0x1C980];
	s30 =	smov.u32 s31  }
0x145: {  	s28 =	sadd.s32 s0, s28  }
0x146: {  	v11 =	vld [tilespmem:s28+$0x0];
	_ =	sdelay $0x1  }
.Ltmp17:
0x147: {  	(pc) =	sbr.rel @p1 .LBB2_25-.Ltmp17, $3  }
0x148: {  	v10 =	vmul.f32 v10, v9;
	_ =	sdelay $0x1  }
0x149: {  	s29 =	sadd.s32 $0x80, s29;
	v10 =	vadd.f32 v10, v11  }
0x14a: {  	s4 =	sand.u32 $0xC00, s29;
	s31 =	sadd.s32 $0x10, s31;
	s0 =	sand.u32 $0x70, s30  }
0x14b: {  	(v2sf) =	vpush v8, $0x9;
	_ =	sdelay $0x6  }
0x14c: {  	s29 =	sand.u32 $0x180, s30;
	s4 =	sor.u32 s0, s4;
	[tilespmem:s28+$0x0] =	vst v10  }
0x14d: {  	s26 =	sadd.s32 s29, s26;
	v10 =	vld [tilespmem:s4+$0x1C980]  }
0x14e: {  	s0 =	sadd.s32 s0, s26  }
0x14f: {  	v11 =	vld [tilespmem:s0+$0x0];
	_ =	sdelay $0x2  }
0x150: {  	v9 =	vmul.f32 v10, v9;
	_ =	sdelay $0x1  }
0x151: {  	s28 =	simm.s32 $0x0;
	v9 =	vadd.f32 v9, v11;
	s26 =	spop (v2sf)  }
0x152: {  	s29 =	sand.u32 $0x70, s28;
	s30 =	sand.u32 $0xC00, s28;
	s4 =	sshll.u32 s26, $0xB  }
0x153: {  	[tilespmem:s0+$0x0] =	vst v9;
	s0 =	sand.u32 $0x180, s28;
	s26 =	sshra.s32 s4, $0x2;
	s4 =	sor.u32 s29, s30  }
0x154: {  	s0 =	sadd.s32 s0, s26;
	v10 =	vld [tilespmem:s4+$0x1CA00]  }
0x155: {  	s28 =	sadd.s32 s29, s0  }
0x156: {  	v11 =	vld [tilespmem:s28+$0x0]  }
0x157: {  	v9 =	vbroadcast v7, $0x9;
	_ =	sdelay $0x1  }
0x158: {  	v10 =	vmul.f32 v10, v9;
	_ =	sdelay $0x1  }
0x159: {  	s30 =	simm.s32 $0x10;
	s29 =	simm.s32 $0x80;
	v10 =	vadd.f32 v10, v11  }
0x15a: {  	s31 =	simm.s32 $0x20;
	s0 =	sand.u32 $0x70, s30;
	s4 =	sand.u32 $0xC00, s29  }
.LBB2_27:
0x15b: {  	p1 =	sne.s32 s31, $0x1F0;
	s30 =	sand.u32 $0x180, s30;
	s4 =	sor.u32 s0, s4;
	[tilespmem:s28+$0x0] =	vst v10  }
0x15c: {  	s28 =	sadd.s32 s30, s26;
	v10 =	vld [tilespmem:s4+$0x1CA00];
	s30 =	smov.u32 s31  }
0x15d: {  	s28 =	sadd.s32 s0, s28  }
0x15e: {  	v11 =	vld [tilespmem:s28+$0x0];
	_ =	sdelay $0x1  }
.Ltmp18:
0x15f: {  	(pc) =	sbr.rel @p1 .LBB2_27-.Ltmp18, $3  }
0x160: {  	v10 =	vmul.f32 v10, v9;
	_ =	sdelay $0x1  }
0x161: {  	s29 =	sadd.s32 $0x80, s29;
	v10 =	vadd.f32 v10, v11  }
0x162: {  	s4 =	sand.u32 $0xC00, s29;
	s31 =	sadd.s32 $0x10, s31;
	s0 =	sand.u32 $0x70, s30  }
0x163: {  	(v2sf) =	vpush v8, $0xA;
	_ =	sdelay $0x6  }
0x164: {  	s29 =	sand.u32 $0x180, s30;
	s4 =	sor.u32 s0, s4;
	[tilespmem:s28+$0x0] =	vst v10  }
0x165: {  	s26 =	sadd.s32 s29, s26;
	v10 =	vld [tilespmem:s4+$0x1CA00]  }
0x166: {  	s0 =	sadd.s32 s0, s26  }
0x167: {  	v11 =	vld [tilespmem:s0+$0x0];
	_ =	sdelay $0x2  }
0x168: {  	v9 =	vmul.f32 v10, v9;
	_ =	sdelay $0x1  }
0x169: {  	s28 =	simm.s32 $0x0;
	v9 =	vadd.f32 v9, v11;
	s26 =	spop (v2sf)  }
0x16a: {  	s29 =	sand.u32 $0x70, s28;
	s30 =	sand.u32 $0xC00, s28;
	s4 =	sshll.u32 s26, $0xB  }
0x16b: {  	[tilespmem:s0+$0x0] =	vst v9;
	s0 =	sand.u32 $0x180, s28;
	s26 =	sshra.s32 s4, $0x2;
	s4 =	sor.u32 s29, s30  }
0x16c: {  	s0 =	sadd.s32 s0, s26;
	v10 =	vld [tilespmem:s4+$0x1CA80]  }
0x16d: {  	s28 =	sadd.s32 s29, s0  }
0x16e: {  	v11 =	vld [tilespmem:s28+$0x0]  }
0x16f: {  	v9 =	vbroadcast v7, $0xA;
	_ =	sdelay $0x1  }
0x170: {  	v10 =	vmul.f32 v10, v9;
	_ =	sdelay $0x1  }
0x171: {  	s30 =	simm.s32 $0x10;
	s29 =	simm.s32 $0x80;
	v10 =	vadd.f32 v10, v11  }
0x172: {  	s31 =	simm.s32 $0x20;
	s0 =	sand.u32 $0x70, s30;
	s4 =	sand.u32 $0xC00, s29  }
.LBB2_29:
0x173: {  	p1 =	sne.s32 s31, $0x1F0;
	s30 =	sand.u32 $0x180, s30;
	s4 =	sor.u32 s0, s4;
	[tilespmem:s28+$0x0] =	vst v10  }
0x174: {  	s28 =	sadd.s32 s30, s26;
	v10 =	vld [tilespmem:s4+$0x1CA80];
	s30 =	smov.u32 s31  }
0x175: {  	s28 =	sadd.s32 s0, s28  }
0x176: {  	v11 =	vld [tilespmem:s28+$0x0];
	_ =	sdelay $0x1  }
.Ltmp19:
0x177: {  	(pc) =	sbr.rel @p1 .LBB2_29-.Ltmp19, $3  }
0x178: {  	v10 =	vmul.f32 v10, v9;
	_ =	sdelay $0x1  }
0x179: {  	s29 =	sadd.s32 $0x80, s29;
	v10 =	vadd.f32 v10, v11  }
0x17a: {  	s4 =	sand.u32 $0xC00, s29;
	s31 =	sadd.s32 $0x10, s31;
	s0 =	sand.u32 $0x70, s30  }
0x17b: {  	(v2sf) =	vpush v8, $0xB;
	_ =	sdelay $0x6  }
0x17c: {  	s29 =	sand.u32 $0x180, s30;
	s4 =	sor.u32 s0, s4;
	[tilespmem:s28+$0x0] =	vst v10  }
0x17d: {  	s26 =	sadd.s32 s29, s26;
	v10 =	vld [tilespmem:s4+$0x1CA80]  }
0x17e: {  	s0 =	sadd.s32 s0, s26  }
0x17f: {  	v11 =	vld [tilespmem:s0+$0x0];
	_ =	sdelay $0x2  }
0x180: {  	v9 =	vmul.f32 v10, v9;
	_ =	sdelay $0x1  }
0x181: {  	s28 =	simm.s32 $0x0;
	v9 =	vadd.f32 v9, v11;
	s26 =	spop (v2sf)  }
0x182: {  	s29 =	sand.u32 $0x70, s28;
	s30 =	sand.u32 $0xC00, s28;
	s4 =	sshll.u32 s26, $0xB  }
0x183: {  	[tilespmem:s0+$0x0] =	vst v9;
	s0 =	sand.u32 $0x180, s28;
	s26 =	sshra.s32 s4, $0x2;
	s4 =	sor.u32 s29, s30  }
0x184: {  	s0 =	sadd.s32 s0, s26;
	v10 =	vld [tilespmem:s4+$0x1CB00]  }
0x185: {  	s28 =	sadd.s32 s29, s0  }
0x186: {  	v11 =	vld [tilespmem:s28+$0x0]  }
0x187: {  	v9 =	vbroadcast v7, $0xB;
	_ =	sdelay $0x1  }
0x188: {  	v10 =	vmul.f32 v10, v9;
	_ =	sdelay $0x1  }
0x189: {  	s30 =	simm.s32 $0x10;
	s29 =	simm.s32 $0x80;
	v10 =	vadd.f32 v10, v11  }
0x18a: {  	s31 =	simm.s32 $0x20;
	s0 =	sand.u32 $0x70, s30;
	s4 =	sand.u32 $0xC00, s29  }
.LBB2_31:
0x18b: {  	p1 =	sne.s32 s31, $0x1F0;
	s30 =	sand.u32 $0x180, s30;
	s4 =	sor.u32 s0, s4;
	[tilespmem:s28+$0x0] =	vst v10  }
0x18c: {  	s28 =	sadd.s32 s30, s26;
	v10 =	vld [tilespmem:s4+$0x1CB00];
	s30 =	smov.u32 s31  }
0x18d: {  	s28 =	sadd.s32 s0, s28  }
0x18e: {  	v11 =	vld [tilespmem:s28+$0x0];
	_ =	sdelay $0x1  }
.Ltmp20:
0x18f: {  	(pc) =	sbr.rel @p1 .LBB2_31-.Ltmp20, $3  }
0x190: {  	v10 =	vmul.f32 v10, v9;
	_ =	sdelay $0x1  }
0x191: {  	s29 =	sadd.s32 $0x80, s29;
	v10 =	vadd.f32 v10, v11  }
0x192: {  	s4 =	sand.u32 $0xC00, s29;
	s31 =	sadd.s32 $0x10, s31;
	s0 =	sand.u32 $0x70, s30  }
0x193: {  	(v2sf) =	vpush v8, $0xC;
	_ =	sdelay $0x6  }
0x194: {  	s29 =	sand.u32 $0x180, s30;
	s4 =	sor.u32 s0, s4;
	[tilespmem:s28+$0x0] =	vst v10  }
0x195: {  	s26 =	sadd.s32 s29, s26;
	v10 =	vld [tilespmem:s4+$0x1CB00]  }
0x196: {  	s0 =	sadd.s32 s0, s26  }
0x197: {  	v11 =	vld [tilespmem:s0+$0x0];
	_ =	sdelay $0x2  }
0x198: {  	v9 =	vmul.f32 v10, v9;
	_ =	sdelay $0x1  }
0x199: {  	s28 =	simm.s32 $0x0;
	v9 =	vadd.f32 v9, v11;
	s26 =	spop (v2sf)  }
0x19a: {  	s29 =	sand.u32 $0x70, s28;
	s30 =	sand.u32 $0xC00, s28;
	s4 =	sshll.u32 s26, $0xB  }
0x19b: {  	[tilespmem:s0+$0x0] =	vst v9;
	s0 =	sand.u32 $0x180, s28;
	s26 =	sshra.s32 s4, $0x2;
	s4 =	sor.u32 s29, s30  }
0x19c: {  	s0 =	sadd.s32 s0, s26;
	v10 =	vld [tilespmem:s4+$0x1CB80]  }
0x19d: {  	s28 =	sadd.s32 s29, s0  }
0x19e: {  	v11 =	vld [tilespmem:s28+$0x0]  }
0x19f: {  	v9 =	vbroadcast v7, $0xC;
	_ =	sdelay $0x1  }
0x1a0: {  	v10 =	vmul.f32 v10, v9;
	_ =	sdelay $0x1  }
0x1a1: {  	s30 =	simm.s32 $0x10;
	s29 =	simm.s32 $0x80;
	v10 =	vadd.f32 v10, v11  }
0x1a2: {  	s31 =	simm.s32 $0x20;
	s0 =	sand.u32 $0x70, s30;
	s4 =	sand.u32 $0xC00, s29  }
.LBB2_33:
0x1a3: {  	p1 =	sne.s32 s31, $0x1F0;
	s30 =	sand.u32 $0x180, s30;
	s4 =	sor.u32 s0, s4;
	[tilespmem:s28+$0x0] =	vst v10  }
0x1a4: {  	s28 =	sadd.s32 s30, s26;
	v10 =	vld [tilespmem:s4+$0x1CB80];
	s30 =	smov.u32 s31  }
0x1a5: {  	s28 =	sadd.s32 s0, s28  }
0x1a6: {  	v11 =	vld [tilespmem:s28+$0x0];
	_ =	sdelay $0x1  }
.Ltmp21:
0x1a7: {  	(pc) =	sbr.rel @p1 .LBB2_33-.Ltmp21, $3  }
0x1a8: {  	v10 =	vmul.f32 v10, v9;
	_ =	sdelay $0x1  }
0x1a9: {  	s29 =	sadd.s32 $0x80, s29;
	v10 =	vadd.f32 v10, v11  }
0x1aa: {  	s4 =	sand.u32 $0xC00, s29;
	s31 =	sadd.s32 $0x10, s31;
	s0 =	sand.u32 $0x70, s30  }
0x1ab: {  	(v2sf) =	vpush v8, $0xD;
	_ =	sdelay $0x6  }
0x1ac: {  	s29 =	sand.u32 $0x180, s30;
	s4 =	sor.u32 s0, s4;
	[tilespmem:s28+$0x0] =	vst v10  }
0x1ad: {  	s26 =	sadd.s32 s29, s26;
	v10 =	vld [tilespmem:s4+$0x1CB80]  }
0x1ae: {  	s0 =	sadd.s32 s0, s26  }
0x1af: {  	v11 =	vld [tilespmem:s0+$0x0];
	_ =	sdelay $0x2  }
0x1b0: {  	v9 =	vmul.f32 v10, v9;
	_ =	sdelay $0x1  }
0x1b1: {  	s28 =	simm.s32 $0x0;
	v9 =	vadd.f32 v9, v11;
	s26 =	spop (v2sf)  }
0x1b2: {  	s29 =	sand.u32 $0x70, s28;
	s30 =	sand.u32 $0xC00, s28;
	s4 =	sshll.u32 s26, $0xB  }
0x1b3: {  	[tilespmem:s0+$0x0] =	vst v9;
	s0 =	sand.u32 $0x180, s28;
	s26 =	sshra.s32 s4, $0x2;
	s4 =	sor.u32 s29, s30  }
0x1b4: {  	s0 =	sadd.s32 s0, s26;
	v10 =	vld [tilespmem:s4+$0x1CC00]  }
0x1b5: {  	s28 =	sadd.s32 s29, s0  }
0x1b6: {  	v11 =	vld [tilespmem:s28+$0x0]  }
0x1b7: {  	v9 =	vbroadcast v7, $0xD;
	_ =	sdelay $0x1  }
0x1b8: {  	v10 =	vmul.f32 v10, v9;
	_ =	sdelay $0x1  }
0x1b9: {  	s30 =	simm.s32 $0x10;
	s29 =	simm.s32 $0x80;
	v10 =	vadd.f32 v10, v11  }
0x1ba: {  	s31 =	simm.s32 $0x20;
	s0 =	sand.u32 $0x70, s30;
	s4 =	sand.u32 $0xC00, s29  }
.LBB2_35:
0x1bb: {  	p1 =	sne.s32 s31, $0x1F0;
	s30 =	sand.u32 $0x180, s30;
	s4 =	sor.u32 s0, s4;
	[tilespmem:s28+$0x0] =	vst v10  }
0x1bc: {  	s28 =	sadd.s32 s30, s26;
	v10 =	vld [tilespmem:s4+$0x1CC00];
	s30 =	smov.u32 s31  }
0x1bd: {  	s28 =	sadd.s32 s0, s28  }
0x1be: {  	v11 =	vld [tilespmem:s28+$0x0];
	_ =	sdelay $0x1  }
.Ltmp22:
0x1bf: {  	(pc) =	sbr.rel @p1 .LBB2_35-.Ltmp22, $3  }
0x1c0: {  	v10 =	vmul.f32 v10, v9;
	_ =	sdelay $0x1  }
0x1c1: {  	s29 =	sadd.s32 $0x80, s29;
	v10 =	vadd.f32 v10, v11  }
0x1c2: {  	s4 =	sand.u32 $0xC00, s29;
	s31 =	sadd.s32 $0x10, s31;
	s0 =	sand.u32 $0x70, s30  }
0x1c3: {  	(v2sf) =	vpush v8, $0xE;
	_ =	sdelay $0x6  }
0x1c4: {  	s29 =	sand.u32 $0x180, s30;
	s4 =	sor.u32 s0, s4;
	[tilespmem:s28+$0x0] =	vst v10  }
0x1c5: {  	s26 =	sadd.s32 s29, s26;
	v10 =	vld [tilespmem:s4+$0x1CC00]  }
0x1c6: {  	s0 =	sadd.s32 s0, s26  }
0x1c7: {  	v11 =	vld [tilespmem:s0+$0x0];
	_ =	sdelay $0x2  }
0x1c8: {  	v9 =	vmul.f32 v10, v9;
	_ =	sdelay $0x1  }
0x1c9: {  	s28 =	simm.s32 $0x0;
	v9 =	vadd.f32 v9, v11;
	s26 =	spop (v2sf)  }
0x1ca: {  	s29 =	sand.u32 $0x70, s28;
	s30 =	sand.u32 $0xC00, s28;
	s4 =	sshll.u32 s26, $0xB  }
0x1cb: {  	[tilespmem:s0+$0x0] =	vst v9;
	s0 =	sand.u32 $0x180, s28;
	s26 =	sshra.s32 s4, $0x2;
	s4 =	sor.u32 s29, s30  }
0x1cc: {  	s0 =	sadd.s32 s0, s26;
	v10 =	vld [tilespmem:s4+$0x1CC80]  }
0x1cd: {  	s28 =	sadd.s32 s29, s0  }
0x1ce: {  	v11 =	vld [tilespmem:s28+$0x0]  }
0x1cf: {  	v9 =	vbroadcast v7, $0xE;
	_ =	sdelay $0x1  }
0x1d0: {  	v10 =	vmul.f32 v10, v9;
	_ =	sdelay $0x1  }
0x1d1: {  	s30 =	simm.s32 $0x10;
	s29 =	simm.s32 $0x80;
	v10 =	vadd.f32 v10, v11  }
0x1d2: {  	s31 =	simm.s32 $0x20;
	s0 =	sand.u32 $0x70, s30;
	s4 =	sand.u32 $0xC00, s29  }
.LBB2_37:
0x1d3: {  	p1 =	sne.s32 s31, $0x1F0;
	s30 =	sand.u32 $0x180, s30;
	s4 =	sor.u32 s0, s4;
	[tilespmem:s28+$0x0] =	vst v10  }
0x1d4: {  	s28 =	sadd.s32 s30, s26;
	v10 =	vld [tilespmem:s4+$0x1CC80];
	s30 =	smov.u32 s31  }
0x1d5: {  	s28 =	sadd.s32 s0, s28  }
0x1d6: {  	v11 =	vld [tilespmem:s28+$0x0];
	_ =	sdelay $0x1  }
.Ltmp23:
0x1d7: {  	(pc) =	sbr.rel @p1 .LBB2_37-.Ltmp23, $3  }
0x1d8: {  	v10 =	vmul.f32 v10, v9;
	_ =	sdelay $0x1  }
0x1d9: {  	s29 =	sadd.s32 $0x80, s29;
	v10 =	vadd.f32 v10, v11  }
0x1da: {  	s4 =	sand.u32 $0xC00, s29;
	s31 =	sadd.s32 $0x10, s31;
	s0 =	sand.u32 $0x70, s30  }
0x1db: {  	(v2sf) =	vpush v8, $0xF;
	_ =	sdelay $0x6  }
0x1dc: {  	s29 =	sand.u32 $0x180, s30;
	s4 =	sor.u32 s0, s4;
	[tilespmem:s28+$0x0] =	vst v10  }
0x1dd: {  	s26 =	sadd.s32 s29, s26;
	v8 =	vld [tilespmem:s4+$0x1CC80]  }
0x1de: {  	s0 =	sadd.s32 s0, s26  }
0x1df: {  	v10 =	vld [tilespmem:s0+$0x0];
	_ =	sdelay $0x2  }
0x1e0: {  	v8 =	vmul.f32 v8, v9;
	_ =	sdelay $0x1  }
0x1e1: {  	s28 =	simm.s32 $0x0;
	v8 =	vadd.f32 v8, v10;
	s26 =	spop (v2sf)  }
0x1e2: {  	s29 =	sand.u32 $0x70, s28;
	s30 =	sand.u32 $0xC00, s28;
	s4 =	sshll.u32 s26, $0xB  }
0x1e3: {  	[tilespmem:s0+$0x0] =	vst v8;
	s0 =	sand.u32 $0x180, s28;
	s26 =	sshra.s32 s4, $0x2;
	s4 =	sor.u32 s29, s30  }
0x1e4: {  	s0 =	sadd.s32 s0, s26;
	v8 =	vld [tilespmem:s4+$0x1CD00]  }
0x1e5: {  	s28 =	sadd.s32 s29, s0  }
0x1e6: {  	v9 =	vld [tilespmem:s28+$0x0]  }
0x1e7: {  	v7 =	vbroadcast v7, $0xF;
	_ =	sdelay $0x1  }
0x1e8: {  	v8 =	vmul.f32 v8, v7;
	_ =	sdelay $0x1  }
0x1e9: {  	s30 =	simm.s32 $0x10;
	s29 =	simm.s32 $0x80;
	v8 =	vadd.f32 v8, v9  }
0x1ea: {  	s31 =	simm.s32 $0x20;
	s0 =	sand.u32 $0x70, s30;
	s4 =	sand.u32 $0xC00, s29  }
.LBB2_39:
0x1eb: {  	p1 =	sne.s32 s31, $0x1F0;
	s30 =	sand.u32 $0x180, s30;
	s4 =	sor.u32 s0, s4;
	[tilespmem:s28+$0x0] =	vst v8  }
0x1ec: {  	s28 =	sadd.s32 s30, s26;
	v8 =	vld [tilespmem:s4+$0x1CD00];
	s30 =	smov.u32 s31  }
0x1ed: {  	s28 =	sadd.s32 s0, s28  }
0x1ee: {  	v9 =	vld [tilespmem:s28+$0x0];
	_ =	sdelay $0x1  }
.Ltmp24:
0x1ef: {  	(pc) =	sbr.rel @p1 .LBB2_39-.Ltmp24, $3  }
0x1f0: {  	v8 =	vmul.f32 v8, v7;
	_ =	sdelay $0x1  }
0x1f1: {  	s29 =	sadd.s32 $0x80, s29;
	v8 =	vadd.f32 v8, v9  }
0x1f2: {  	s4 =	sand.u32 $0xC00, s29;
	s31 =	sadd.s32 $0x10, s31;
	s0 =	sand.u32 $0x70, s30  }
0x1f3: {  	s29 =	sand.u32 $0x180, s30;
	s4 =	sor.u32 s0, s4;
	[tilespmem:s28+$0x0] =	vst v8  }
0x1f4: {  	s26 =	sadd.s32 s29, s26;
	v8 =	vld [tilespmem:s4+$0x1CD00]  }
0x1f5: {  	s31 =	sadd.s32 s0, s26  }
0x1f6: {  	v9 =	vld [tilespmem:s31+$0x0]  }
0x1f7: {  	s25 =	sadd.s32 $0x1, s25  }
0x1f8: {  	p1 =	sne.s32 s25, s23  }
.Ltmp25:
0x1f9: {  	v7 =	vmul.f32 v8, v7;
	(pc) =	sbr.rel @p1 .LBB2_8-.Ltmp25, $4  }
.Ltmp26:
0x1fa: {  	_ = 	snop;
	(pc) =	sbr.rel @!p1 .LBB2_41-.Ltmp26, $4  }
0x1fb: {  	v7 =	vadd.f32 v7, v9  }
0x1fc: {  	_ = 	snop  }
0x1fd: {  	[tilespmem:s31+$0x0] =	vst v7  }
0x1fe: {  	_ = 	snop  }
.LBB2_44:
0x1ff: {  	_ =	sfence.sel $0x180000  }
0x200: {  	[bflag:$0x0] =	sbarrier.arrive $0xFFFF  }
0x201: {  	_ =	strace $0x90000050  }
0x202: {  	s0 =	stileid.u32;
	[bflag:$0x2] =	sbarrier.arrive $0xFFFF  }
0x203: {  	p0 =	sne.s32 s0, $0x0;
	s0 =	rddreg [dreg:$0x2]  }
0x204: {  	s0 =	sadd.s32 @!p0 $0x100000, s0  }
0x205: {  	[sflag:s0] =	ssyncadd.tile.s32 @!p0 $0x1;
	_ =	shalt  }
.Lfunc_end2:
_tile_overlayer_lowered:
.L_overlay_start_2:
0x206: {  	(tag) =	ssettag $0x2  }
0x207: {  	s0 =	rddreg [dreg:$0x0];
	s2 =	stileid.u32  }
0x208: {  	s1 =	rddreg [dreg:$0x1];
	p0 =	sne.s32 s2, $0x0  }
0x209: {  	s3 =	rddreg [dreg:$0x2];
	[bflag:$0x3] =	sbarrier.arrive $0xFFFF;
	s2 =	simm.s32 @!p0 $0x1C01  }
0x20a: {  	[timem:s3], [sflag:s2] =	dma.local @!p0 [hbm:s0], s1  }
0x20b: {  	s0 =	simm.s32 @!p0 $0x1  }
0x20c: {  	_ =	swait.ge @!p0 [sflag:s0], s1  }
0x20d: {  	s1 =	ssub.s32 @!p0 $0x0, s1;
	[sflag:s0] =	ssyncset.done @!p0 $0x0  }
0x20e: {  	[sflag:s0] =	ssyncadd.s32 @!p0 s1  }
0x20f: {  	[bflag:$0x3] =	sbarrier.arrive $0xFFFF  }
0x210: {  	_ =	shalt  }

// kernel: kernel.9.cloned.1.call-start
scs
__scs_entry_jumppad:
0x0: {  	(pc) =	sbr.rel $0x88, $3  }
0x1: {  	(tag) =	ssettag $0x0;
	lr =	simm.s32 $0x1  }
0x2: {  	[smem:$0x3F95] =	sst lr;
	_ =	strace $0xD0000000  }
0x3: {  	_ = 	snop  }
0x4: {  	_ = 	snop  }
0x5: {  	_ = 	snop  }
0x6: {  	_ = 	snop  }
0x7: {  	_ = 	snop  }
__scs_overlays_trampoline_lowered:
0x8: {  	[smem:$0x3FA4] =	sst s0  }
0x9: {  	[smem:$0x3FA5] =	sst s1  }
0xa: {  	[smem:$0x3FA6] =	sst s2  }
0xb: {  	[smem:$0x3FA7] =	sst s3  }
0xc: {  	[smem:$0x3FA8] =	sst s4  }
0xd: {  	[smem:$0x3FA9] =	sst s5  }
0xe: {  	[smem:$0x3FAA] =	sst s6  }
0xf: {  	[smem:$0x3FAB] =	sst s7  }
0x10: {  	[smem:$0x3FAC] =	sst s8  }
0x11: {  	[smem:$0x3FAD] =	sst s9;
	s0 =	simm.s32 @!p0 $0x0  }
0x12: {  	s1 =	sld [smem:$0x3F93];
	s0 =	simm.s32 @p0 $0x1  }
0x13: {  	[smem:$0x3FAE] =	sst s0;
	s0 =	simm.s32 @!p1 $0x0  }
0x14: {  	s2 =	sld [smem:$0x3F92];
	s0 =	simm.s32 @p1 $0x1  }
0x15: {  	[smem:$0x3FAF] =	sst s0;
	s0 =	simm.s32 @!p2 $0x0  }
0x16: {  	s3 =	sld [smem:$0x3FDB];
	s0 =	simm.s32 @p2 $0x1  }
0x17: {  	s4 =	simm.s32 $0x1BF5;
	[smem:$0x3FB1] =	sst s0  }
0x18: {  	s0 =	sld [smem:$0x3F94];
	_ =	swait.ge [sflag:s4], $0x0  }
0x19: {  	s7 =	sld [smem:$0x3F95]  }
0x1a: {  	s8 =	sadd.s32 $0xFFFFE003, lr  }
0x1b: {  	s9 =	sadd.s32 $0xFFFFFEF7, lr;
	s5 =	simm.s32 $0xFFFFFFFF;
	p2 =	slt.u32 s8, $0xFFFFF086  }
0x1c: {  	p1 =	slt.u32 s9, $0xF7A;
	s5 =	simm.s32 @!p2 $0x0  }
0x1d: {  	s5 =	simm.s32 @p1 $0x1;
	p0 =	seq.s32 s7, s2  }
0x1e: {  	s7 =	smul.u32 @!p0 $0xF7A, s2;
	p2 =	seq.s32 @!p0 s5, $0x0  }
0x1f: {  	s9 =	smul.u32 $0xF7A, s1;
	s8 =	simm.s32 @!p0 $0x1BF5;
	p2 =	por !p2, p0  }
0x20: {  	[sflag:s8] =	ssyncset.s32 @!p0 $0xFFFFF086;
	s6 =	sadd.s32 @!p0 s3, s7;
	s7 =	simm.s32 @!p0 $0x108  }
0x21: {  	s3 =	sadd.s32 s3, s9;
	s6 =	sadd.s32 @!p0 $0x88, s6;
	s7 =	simm.s32 @p2 $0x1082  }
0x22: {  	[simem:s7], [sflag:s8] =	dma.local @!p0 [hbm:s6], $0xF7A  }
0x23: {  	s9 =	sor.u32 $0xD0000000, s2;
	s6 =	simm.s32 $0x108;
	_ =	swait.ge @!p0 [sflag:s8], $0x0  }
0x24: {  	s3 =	sadd.s32 $0x88, s3;
	s6 =	simm.s32 @!p1 $0x1082;
	[sflag:s4] =	ssyncset.s32 $0xFFFFF086  }
0x25: {  	[simem:s6], [sflag:s4] =	dma.local [hbm:s3], $0xF7A  }
0x26: {  	[smem:$0x3F95] =	sst s1;
	(tag) =	ssettag s2;
	_ =	strace s9  }
0x27: {  	s1 =	sld [smem:$0x3FA5]  }
0x28: {  	s2 =	sld [smem:$0x3FA6]  }
0x29: {  	s4 =	sld [smem:$0x3FA8]  }
0x2a: {  	p0 =	seq.s32 s5, $0x0;
	s5 =	sld [smem:$0x3FA9]  }
0x2b: {  	s6 =	sld [smem:$0x3FAA]  }
0x2c: {  	s7 =	sld [smem:$0x3FAB]  }
0x2d: {  	s3 =	simm.s32 $0x108;
	s8 =	sld [smem:$0x3FAC]  }
0x2e: {  	s3 =	simm.s32 @!p0 $0x1082;
	s9 =	sld [smem:$0x3FAD]  }
0x2f: {  	lr =	sadd.s32 s0, s3;
	s0 =	sld [smem:$0x3FA4]  }
0x30: {  	s3 =	sld [smem:$0x3FA7]  }
0x31: {  	[smem:$0x3FB0] =	sst s10  }
0x32: {  	s10 =	sld [smem:$0x3FAE];
	_ =	sdelay $0x3  }
0x33: {  	p0 =	seq.s32 s10, $0x1;
	s10 =	sld [smem:$0x3FB0];
	_ =	sdelay $0x3  }
0x34: {  	[smem:$0x3FB0] =	sst s10  }
0x35: {  	s10 =	sld [smem:$0x3FAF];
	_ =	sdelay $0x3  }
0x36: {  	p1 =	seq.s32 s10, $0x1;
	s10 =	sld [smem:$0x3FB0];
	_ =	sdelay $0x3  }
0x37: {  	[smem:$0x3FB0] =	sst s10  }
0x38: {  	s10 =	sld [smem:$0x3FB1]  }
0x39: {  	_ = 	snop;
	(pc) =	sbr.ind lr, $3  }
0x3a: {  	_ = 	snop  }
0x3b: {  	_ = 	snop  }
0x3c: {  	p2 =	seq.s32 s10, $0x1;
	s10 =	sld [smem:$0x3FB0]  }
0x3d: {  	_ =	shalt  }
0x3e: {  	_ =	shalt  }
0x3f: {  	_ =	shalt  }
0x40: {  	_ =	shalt  }
0x41: {  	_ =	shalt  }
0x42: {  	_ =	shalt  }
0x43: {  	_ =	shalt  }
0x44: {  	_ =	shalt  }
0x45: {  	_ =	shalt  }
0x46: {  	_ =	shalt  }
0x47: {  	_ =	shalt  }
0x48: {  	_ =	shalt  }
0x49: {  	_ =	shalt  }
0x4a: {  	_ =	shalt  }
0x4b: {  	_ =	shalt  }
0x4c: {  	_ =	shalt  }
0x4d: {  	_ =	shalt  }
0x4e: {  	_ =	shalt  }
0x4f: {  	_ =	shalt  }
0x50: {  	_ =	shalt  }
0x51: {  	_ =	shalt  }
0x52: {  	_ =	shalt  }
0x53: {  	_ =	shalt  }
0x54: {  	_ =	shalt  }
0x55: {  	_ =	shalt  }
0x56: {  	_ =	shalt  }
0x57: {  	_ =	shalt  }
0x58: {  	_ =	shalt  }
0x59: {  	_ =	shalt  }
0x5a: {  	_ =	shalt  }
0x5b: {  	_ =	shalt  }
0x5c: {  	_ =	shalt  }
0x5d: {  	_ =	shalt  }
0x5e: {  	_ =	shalt  }
0x5f: {  	_ =	shalt  }
0x60: {  	_ =	shalt  }
0x61: {  	_ =	shalt  }
0x62: {  	_ =	shalt  }
0x63: {  	_ =	shalt  }
0x64: {  	_ =	shalt  }
0x65: {  	_ =	shalt  }
0x66: {  	_ =	shalt  }
0x67: {  	_ =	shalt  }
0x68: {  	_ =	shalt  }
0x69: {  	_ =	shalt  }
0x6a: {  	_ =	shalt  }
0x6b: {  	_ =	shalt  }
0x6c: {  	_ =	shalt  }
0x6d: {  	_ =	shalt  }
0x6e: {  	_ =	shalt  }
0x6f: {  	_ =	shalt  }
0x70: {  	_ =	shalt  }
0x71: {  	_ =	shalt  }
0x72: {  	_ =	shalt  }
0x73: {  	_ =	shalt  }
0x74: {  	_ =	shalt  }
0x75: {  	_ =	shalt  }
0x76: {  	_ =	shalt  }
0x77: {  	_ =	shalt  }
0x78: {  	_ =	shalt  }
0x79: {  	_ =	shalt  }
0x7a: {  	_ =	shalt  }
0x7b: {  	_ =	shalt  }
0x7c: {  	_ =	shalt  }
0x7d: {  	_ =	shalt  }
0x7e: {  	_ =	shalt  }
0x7f: {  	_ =	shalt  }
0x80: {  	_ =	shalt  }
0x81: {  	_ =	shalt  }
0x82: {  	_ =	shalt  }
0x83: {  	_ =	shalt  }
0x84: {  	_ =	shalt  }
0x85: {  	_ =	shalt  }
0x86: {  	_ =	shalt  }
0x87: {  	_ =	shalt  }
.Lfunc_end0:
.L_simem_size_0:
called_computation.1_lowered:
.L_overlay_start_0:
0x88: {  	s2 =	sld [smem:$0x3FD9]  }
0x89: {  	s3 =	sld [smem:$0x3FFE];
	_ =	sdelay $0x1  }
0x8a: {  	s1 =	srdreg.scid  }
0x8b: {  	s0 =	sand.u32 $0x1, s1  }
0x8c: {  	s17 =	sshll.u32 s0, $0xA;
	s2 =	sadd.s32 s3, s2  }
0x8d: {  	s2 =	sadd.s32 s2, s17  }
0x8e: {  	[smem:$0x3FBC] =	sst s2  }
0x8f: {  	_ = 	snop  }
0x90: {  	s2 =	sld [smem:$0x3FD0];
	(tm) =	ssettm $0x1  }
0x91: {  	s18 =	sld [smem:$0x3FFB];
	_ =	sdelay $0x3  }
0x92: {  	_ =	strace s18  }
0x93: {  	s3 =	sld [smem:$0x3FFC];
	_ =	sdelay $0x3  }
0x94: {  	_ =	strace s3  }
0x95: {  	s3 =	sld [smem:$0x3FFD];
	_ =	sdelay $0x3  }
0x96: {  	_ =	strace s3  }
0x97: {  	_ =	strace $0x8FFFFFFF  }
0x98: {  	s19 =	sld [smem:$0x3FDB];
	_ =	sdelay $0x1  }
0x99: {  	s4 =	simm.s32 $_scs_section_size  }
0x9a: {  	s5 =	simm.s32 $_size__tile_overlayer_lowered;
	s6 =	simm.s32 $_tile_overlayer_lowered  }
0x9b: {  	s22 =	simm.s32 $0x1BFF;
	s21 =	sshll.u32 s6, $0x1;
	s3 =	sadd.s32 s4, s19  }
0x9c: {  	s7 =	simm.s32 $0x0;
	s20 =	sshll.u32 s5, $0x1;
	s5 =	sadd.s32 s21, s3  }
0x9d: {  	[timem:s7], [sflag:s22] =	dma.local [hbm:s5], s20  }
0x9e: {  	_ =	swait.ge [sflag:s22], s20  }
0x9f: {  	s4 =	ssub.s32 $0x0, s20;
	[sflag:s22] =	ssyncset.done $0x0  }
0xa0: {  	[sflag:s22] =	ssyncadd.s32 s4;
	_ =	sdelay $0x1  }
0xa1: {  	s23 =	simm.s32 $0x1B8B  }
0xa2: {  	_ =	swait.ge [sflag:s23], $0x1  }
0xa3: {  	[sflag:s23] =	ssyncset.done $0x0  }
0xa4: {  	s25 =	simm.s32 $0x1B8E;
	s24 =	sld [smem:$0x3FFE];
	[sflag:s23] =	ssyncadd.s32 $0xFFFFFFFF  }
0xa5: {  	s26 =	simm.s32 $execute0_lowered;
	[smem:$0x3FD2] =	sst s25  }
0xa6: {  	s5 =	sshll.u32 s26, $0x1;
	_ =	strace $0x80000046;
	[dreg:$0x1] =	wrdreg $0xFFFFFFFF  }
0xa7: {  	s28 =	simm.s32 $_size_execute0_lowered;
	s3 =	sadd.s32 s3, s5;
	[dreg:$0x0] =	wrdreg $0x0  }
0xa8: {  	s5 =	sshll.u32 s28, $0x1;
	[dreg:$0x2] =	wrdreg s3  }
0xa9: {  	[dreg:$0x3] =	wrdreg s5  }
0xaa: {  	[dreg:$0x4] =	wrdreg $0xC0  }
0xab: {  	_ =	task [dreg:s7], $0x5FFFF  }
0xac: {  	[dreg:$0x1] =	wrdreg $0xFFFFFFFF  }
0xad: {  	[dreg:$0x0] =	wrdreg $0x60  }
0xae: {  	[dreg:$0x2] =	wrdreg s24  }
0xaf: {  	[dreg:$0x3] =	wrdreg s2  }
0xb0: {  	[dreg:$0x4] =	wrdreg $0x9  }
0xb1: {  	_ =	task.clear_ibuf [dreg:s7], $0x5FFFF;
	_ =	strace $0x90000046  }
0xb2: {  	s29 =	simm.s32 $0x9;
	_ =	strace $0x80000048  }
0xb3: {  	_ =	swait.ge [sflag:s29], $0x1  }
0xb4: {  	[sflag:s29] =	ssyncadd.s32 $0xFFFFFFFF  }
0xb5: {  	_ =	strace $0x90000048  }
0xb6: {  	_ =	sfence  }
0xb7: {  	s30 =	sld [smem:$0x0];
	_ =	sdelay $0x2  }
0xb8: {  	s31 =	sshll.u32 s1, $0xD;
	s1 =	sshrl.u32 s1, $0x2  }
0xb9: {  	s3 =	sand.u32 $0x4000, s31;
	s1 =	sadd.s32 s1, s30  }
0xba: {  	s0 =	sor.u32 s3, s0;
	s1 =	sshll.u32 s1, $0x11  }
0xbb: {  	s0 =	sor.u32 s1, s0  }
0xbc: {  	s0 =	sadd.s32 $0x8F2B, s0  }
0xbd: {  	[sflag:s0] =	ssyncadd.remote.s32 $0x1  }
0xbe: {  	_ =	sfence.sel $0xFFFF  }
0xbf: {  	[dreg:$0x0] =	wrdreg $0xFFFFFFFF;
	(pc) =	sbr.abs _section_cstart, $3  }
0xc0: {  	[dreg:$0x1] =	wrdreg $0xFFFFFFFF  }
0xc1: {  	_ =	task.clear_ibuf [dreg:s7], $0x2FFFF;
	_ =	strace $0x9FFFFFFF  }
0xc2: {  	(tm) =	ssettm $0x7FFFFFFF  }
0xc3: {  	_ =	shalt  }
tec
execute0_lowered:
.L_overlay_start_1:
0x0: {  	(tag) =	ssettag $0x1  }
0x1: {  	s0 =	srdreg.scid;
	s3 =	rddreg [dreg:$0x0]  }
0x2: {  	s5 =	rddreg [dreg:$0x1];
	s4 =	sand.u32 $0x1, s0  }
0x3: {  	s1 =	stileid.u32;
	s2 =	simm.s32 $0x0;
	s6 =	sshll.u32 s4, $0x4  }
0x4: {  	s9 =	simm.s32 $0x3C00;
	s10 =	simm.s32 $0x0;
	s6 =	sor.u32 s1, s6  }
0x5: {  	s0 =	rddreg [dreg:$0x2];
	s4 =	ssub.s32 $0x2, s4;
	s7 =	smul.u32 $0x280, s6  }
0x6: {  	[smem:$0x7FF] =	sst s2;
	s31 =	sshrl.u32 s4, $0x1;
	s6 =	smul.u32 $0x500, s6  }
0x7: {  	_ =	strace $0x80000047;
	s8 =	ssub.s32 s4, s31;
	s7 =	sadd.s32 s7, s3  }
0x8: {  	s5 =	sadd.s32 s5, s6;
	s6 =	smax.u32 s8, $0x1;
	s8 =	simm.s32 $0x1  }
0x9: {  	v0 =	vimm.f32 $0.0e+00;
	s3 =	sadd.s32 $0x8200, s7;
	s4 =	sadd.s32 $0x3200, s7;
	s7 =	simm.s32 $0x2800  }
.LBB2_1:
0xa: {  	s11 =	simm.s32 $0x40;
	s12 =	simm.s32 $0x0  }
.LBB2_2:
0xb: {  	p0 =	sne.s32 s11, $0x9FC0;
	[tilespmem:s12+$0x0] =	vst v0;
	s12 =	smov.u32 s11;
	s11 =	sadd.s32 $0x40, s11  }
.Ltmp0:
0xc: {  	(pc) =	sbr.rel @p0 .LBB2_2-.Ltmp0, $2  }
0xd: {  	_ =	sdelay $0x2  }
0xe: {  	s12 =	sshra.s32 s12, $0x2  }
0xf: {  	[tilespmem:s12+$0x0] =	vst v0;
	s11 =	simm.s32 $0x0  }
0x10: {  	[tilespmem:s7], [sflag:$0x1] =	stream.linear.gather [hbm4b:s3+s11], $0x1400, $0x38;
	[tilespmem:$0x5000] =	vst v63  }
0x11: {  	_ =	swait.ge [sflag:s8], $0x1400  }
0x12: {  	[sflag:s8] =	ssyncset.done $0x0  }
0x13: {  	[sflag:s8] =	ssyncadd.s32 $0xFFFFEC00  }
0x14: {  	[tilespmem:s9], [sflag:$0x1] =	stream.linear.gather [hbm4b:s4+s11], $0x1400, $0x38;
	[tilespmem:$0x5000] =	vst v63  }
0x15: {  	_ =	swait.ge [sflag:s8], $0x1400  }
0x16: {  	[sflag:s8] =	ssyncset.done $0x0  }
0x17: {  	s12 =	simm.s32 $0x0;
	s11 =	simm.s32 $0x40;
	[sflag:s8] =	ssyncadd.s32 $0xFFFFEC00  }
.LBB2_4:
0x18: {  	p0 =	sne.s32 s11, $0x4FC0;
	v1 =	vld [tilespmem:s12+$0x2800];
	_ =	sdelay $0x2  }
0x19: {  	v2 =	vld [tilespmem:s12+$0x3C00]  }
.Ltmp1:
0x1a: {  	(pc) =	sbr.rel @p0 .LBB2_4-.Ltmp1, $2  }
0x1b: {  	_ =	sdelay $0x2  }
0x1c: {  	s12 =	sshra.s32 s11, $0x2;
	s11 =	sadd.s32 $0x40, s11;
	[tilespmem:v1+s2+$0x0] =	vst.idx.add.f32.msk $0xffff, v2  }
0x1d: {  	v1 =	vld [tilespmem:s12+$0x2800];
	_ =	sdelay $0x2  }
0x1e: {  	v2 =	vld [tilespmem:s12+$0x3C00];
	_ =	sdelay $0x2  }
0x1f: {  	s10 =	sadd.s32 $0x1, s10  }
0x20: {  	p0 =	sne.s32 s10, s6  }
.Ltmp2:
0x21: {  	[tilespmem:v1+s2+$0x0] =	vst.idx.add.f32.msk $0xffff, v2;
	(pc) =	sbr.rel @p0 .LBB2_1-.Ltmp2, $4  }
0x22: {  	[hbm4b:s5+s2] =	stream.linear.scatter [tilespmem:s2], [sflag:$0x1], $0x2800, $0x38;
	[tilespmem:$0x5000] =	vst v63  }
0x23: {  	_ =	swait.ge [sflag:s8], $0x2800  }
0x24: {  	[sflag:s8] =	ssyncset.done $0x0  }
0x25: {  	[sflag:s8] =	ssyncadd.s32 $0xFFFFD800  }
0x26: {  	_ =	sfence.sel $0x180000  }
0x27: {  	[bflag:$0x0] =	sbarrier.arrive $0xFFFF  }
0x28: {  	p0 =	sne.s32 s1, $0x0;
	_ =	strace $0x90000047  }
0x29: {  	s0 =	sadd.s32 @!p0 $0x100000, s0;
	[bflag:$0x2] =	sbarrier.arrive $0xFFFF  }
0x2a: {  	[sflag:s0] =	ssyncadd.tile.s32 @!p0 $0x1;
	_ =	shalt  }
.Lfunc_end2:
_tile_overlayer_lowered:
.L_overlay_start_2:
0x2b: {  	(tag) =	ssettag $0x2  }
0x2c: {  	s0 =	rddreg [dreg:$0x0];
	s2 =	stileid.u32  }
0x2d: {  	s1 =	rddreg [dreg:$0x1];
	p0 =	sne.s32 s2, $0x0  }
0x2e: {  	s3 =	rddreg [dreg:$0x2];
	[bflag:$0x3] =	sbarrier.arrive $0xFFFF;
	s2 =	simm.s32 @!p0 $0x1C01  }
0x2f: {  	[timem:s3], [sflag:s2] =	dma.local @!p0 [hbm:s0], s1  }
0x30: {  	s0 =	simm.s32 @!p0 $0x1  }
0x31: {  	_ =	swait.ge @!p0 [sflag:s0], s1  }
0x32: {  	s1 =	ssub.s32 @!p0 $0x0, s1;
	[sflag:s0] =	ssyncset.done @!p0 $0x0  }
0x33: {  	[sflag:s0] =	ssyncadd.s32 @!p0 s1  }
0x34: {  	[bflag:$0x3] =	sbarrier.arrive $0xFFFF  }
0x35: {  	_ =	shalt  }

// kernel: sparse-core-data-format-call.cloned.1.call-start
scs
called_computation_lowered:
.L_overlay_start_0:
0x0: {  	s2 =	sld [smem:$0x3FD9]  }
0x1: {  	s3 =	sld [smem:$0x3FFE];
	_ =	sdelay $0x1  }
0x2: {  	s1 =	srdreg.scid  }
0x3: {  	s0 =	sand.u32 $0x1, s1  }
0x4: {  	s18 =	sshll.u32 s0, $0xA;
	s2 =	sadd.s32 s3, s2  }
0x5: {  	s2 =	sadd.s32 s2, s18  }
0x6: {  	[smem:$0x3FBC] =	sst s2  }
0x7: {  	_ = 	snop  }
0x8: {  	s2 =	sld [smem:$0x3FD0];
	(tm) =	ssettm $0x1  }
0x9: {  	s19 =	sld [smem:$0x3FFB];
	_ =	sdelay $0x3  }
0xa: {  	_ =	strace s19  }
0xb: {  	s3 =	sld [smem:$0x3FFC];
	_ =	sdelay $0x3  }
0xc: {  	_ =	strace s3  }
0xd: {  	s3 =	sld [smem:$0x3FFD];
	_ =	sdelay $0x3  }
0xe: {  	_ =	strace s3  }
0xf: {  	_ =	strace $0x8FFFFFFF  }
0x10: {  	s20 =	sld [smem:$0x3FDB];
	_ =	sdelay $0x1  }
0x11: {  	s4 =	simm.s32 $_scs_section_size  }
0x12: {  	s5 =	simm.s32 $_size__tile_overlayer_lowered;
	s6 =	simm.s32 $_tile_overlayer_lowered  }
0x13: {  	s23 =	simm.s32 $0x1BFF;
	s22 =	sshll.u32 s6, $0x1;
	s3 =	sadd.s32 s4, s20  }
0x14: {  	s7 =	simm.s32 $0x0;
	s21 =	sshll.u32 s5, $0x1;
	s5 =	sadd.s32 s22, s3  }
0x15: {  	[timem:s7], [sflag:s23] =	dma.local [hbm:s5], s21  }
0x16: {  	_ =	swait.ge [sflag:s23], s21  }
0x17: {  	s4 =	ssub.s32 $0x0, s21;
	[sflag:s23] =	ssyncset.done $0x0  }
0x18: {  	[sflag:s23] =	ssyncadd.s32 s4;
	_ =	sdelay $0x1  }
0x19: {  	s24 =	simm.s32 $0x1B8B  }
0x1a: {  	_ =	swait.ge [sflag:s24], $0x1  }
0x1b: {  	[sflag:s24] =	ssyncset.done $0x0  }
0x1c: {  	s26 =	simm.s32 $0x1B8E;
	s25 =	sld [smem:$0x3FFE];
	[sflag:s24] =	ssyncadd.s32 $0xFFFFFFFF  }
0x1d: {  	s27 =	simm.s32 $execute0_lowered;
	[smem:$0x3FD2] =	sst s26  }
0x1e: {  	s5 =	sshll.u32 s27, $0x1;
	_ =	strace $0x80000052;
	[dreg:$0x1] =	wrdreg $0xFFFFFFFF  }
0x1f: {  	s28 =	simm.s32 $_size_execute0_lowered;
	s3 =	sadd.s32 s3, s5;
	[dreg:$0x0] =	wrdreg $0x0  }
0x20: {  	s5 =	sshll.u32 s28, $0x1;
	[dreg:$0x2] =	wrdreg s3  }
0x21: {  	[dreg:$0x3] =	wrdreg s5  }
0x22: {  	[dreg:$0x4] =	wrdreg $0xC0  }
0x23: {  	_ =	task [dreg:s7], $0x5FFFF  }
0x24: {  	[dreg:$0x1] =	wrdreg $0xFFFFFFFF  }
0x25: {  	[dreg:$0x0] =	wrdreg $0x60  }
0x26: {  	[dreg:$0x2] =	wrdreg s25  }
0x27: {  	[dreg:$0x3] =	wrdreg s2  }
0x28: {  	[dreg:$0x4] =	wrdreg $0x9  }
0x29: {  	_ =	task.clear_ibuf [dreg:s7], $0x5FFFF;
	_ =	strace $0x90000052  }
0x2a: {  	s29 =	simm.s32 $0x9;
	_ =	strace $0x80000054  }
0x2b: {  	_ =	swait.ge [sflag:s29], $0x1  }
0x2c: {  	[sflag:s29] =	ssyncadd.s32 $0xFFFFFFFF  }
0x2d: {  	_ =	strace $0x90000054  }
0x2e: {  	_ =	sfence  }
0x2f: {  	s30 =	sld [smem:$0x0];
	_ =	sdelay $0x2  }
0x30: {  	s31 =	sshll.u32 s1, $0xD;
	s1 =	sshrl.u32 s1, $0x2  }
0x31: {  	s3 =	sand.u32 $0x4000, s31;
	s1 =	sadd.s32 s1, s30  }
0x32: {  	s0 =	sor.u32 s3, s0;
	s1 =	sshll.u32 s1, $0x11  }
0x33: {  	s0 =	sor.u32 s1, s0  }
0x34: {  	s0 =	sadd.s32 $0x8F2B, s0  }
0x35: {  	[sflag:s0] =	ssyncadd.remote.s32 $0x1  }
0x36: {  	_ =	sfence.sel $0xFFFF  }
0x37: {  	[dreg:$0x0] =	wrdreg $0xFFFFFFFF;
	(pc) =	sbr.abs _section_cstart, $3  }
0x38: {  	[dreg:$0x1] =	wrdreg $0xFFFFFFFF  }
0x39: {  	_ =	task.clear_ibuf [dreg:s7], $0x2FFFF;
	_ =	strace $0x9FFFFFFF  }
0x3a: {  	(tm) =	ssettm $0x7FFFFFFF  }
0x3b: {  	_ =	shalt  }
tec
execute0_lowered:
.L_overlay_start_1:
0x0: {  	(tag) =	ssettag $0x1  }
0x1: {  	s0 =	stileid.u32  }
0x2: {  	s2 =	srdreg.scid;
	s7 =	rddreg [dreg:$0x0]  }
0x3: {  	s6 =	simm.s32 $0x1;
	s31 =	simm.s32 $0x2;
	s16 =	simm.s32 $0x0  }
0x4: {  	s9 =	simm.s32 $0x2000;
	s15 =	simm.s32 $0x0;
	s10 =	simm.s32 $0x0  }
0x5: {  	s11 =	simm.s32 $0x0;
	s14 =	simm.s32 $0x0;
	s1 =	sshll.u32 s0, $0x7  }
0x6: {  	s3 =	sshll.u32 s0, $0x4;
	s2 =	sshll.u32 s2, $0x8;
	s1 =	sand.u32 $0x380, s1  }
0x7: {  	s7 =	sadd.s32 $0x123200, s7;
	s2 =	sor.u32 s3, s2;
	s5 =	ssub.s32 $0x400, s1  }
0x8: {  	s3 =	rddreg [dreg:$0x1];
	s4 =	sand.u32 $0x180, s2;
	s29 =	sand.u32 $0x380, s5  }
0x9: {  	s30 =	ssub.s32 $0x2300, s4;
	s5 =	sshrl.u32 s5, $0xA;
	p0 =	sne.s32 s29, $0x0  }
.Ltmp0:
0xa: {  	s8 =	sshrl.u32 s30, $0x9;
	s6 =	simm.s32 @!p0 $0x0;
	(pc) =	sbr.rel .LBB1_1-.Ltmp0, $4  }
0xb: {  	s2 =	rddreg [dreg:$0x2];
	s8 =	sadd.s32 $0x1, s8;
	s6 =	sadd.s32 s6, s5  }
0xc: {  	_ =	strace $0x80000053;
	s5 =	simm.s32 $0x1;
	s6 =	smul.u32 s6, s8  }
0xd: {  	s13 =	smov.u32 s1;
	s12 =	smov.u32 s4;
	[sflag:s5] =	ssyncpa.u1 $0x0  }
0xe: {  	p0 =	por $0x0, $0x0;
	[sflag:s31] =	ssyncpa.u1 $0x0;
	s8 =	sadd.s32 $0x1, s6  }
.LBB1_4:
0xf: {  	s21 =	sshra.s32 s21, $0x2;
	s27 =	sshll.u32 s10, $0xA;
	s22 =	sshll.u32 s11, $0x3  }
0x10: {  	s23 =	sshll.u32 s10, $0x7;
	s24 =	sand.u32 $0x78, s11;
	p1 =	sgt.s32 s10, $0x22A8  }
0x11: {  	s25 =	sshra.s32 s10, $0x1F;
	s26 =	sshra.s32 s11, $0x1F;
	s20 =	sadd.s32 s21, s20  }
0x12: {  	v5 =	vld [tilespmem:s18+$0xFFFFFFD0];
	[tilespmem:s19+$0x2040 ss:$0x81] =	vst.msk $0xffff, v4;
	s21 =	sand.u32 $0xFFFFE000, s27;
	s22 =	sand.u32 $0xFFFFFC00, s22;
	s28 =	sand.u32 $0x380, s23  }
0x13: {  	v58 =	vld [tilespmem:s18+$0xFFFFFFE0];
	[tilespmem:s19+$0x2850 ss:$0x81] =	vst.msk $0xffff, v3;
	s23 =	smov.u32 s10;
	s30 =	sand.u32 s25, s10;
	s25 =	smov.u32 s11  }
0x14: {  	v59 =	vld [tilespmem:s18+$0xFFFFFFF0];
	[tilespmem:s19+$0x3060 ss:$0x81] =	vst.msk $0xffff, v2;
	s31 =	sand.u32 s26, s11;
	s21 =	sadd.s32 s22, s21;
	s22 =	sor.u32 s24, s28  }
0x15: {  	v60 =	vld [tilespmem:s18+$0x0];
	[tilespmem:s19+$0x0 ss:$0x81] =	vst.msk $0xffff, v1;
	s23 =	simm.s32 @!p1 $0x22A8;
	p1 =	sgt.s32 s11, $0x380;
	s21 =	sshrl.u32 s21, $0xA  }
0x16: {  	v61 =	vld [tilespmem:s18+$0x10];
	[tilespmem:s20+$0x3870 ss:$0x81] =	vst.msk $0xffff, v0;
	s19 =	ssub.s32 s23, s30;
	s25 =	simm.s32 @!p1 $0x380;
	s29 =	smulhi.u32 $0x3A4115, s21  }
0x17: {  	v62 =	vld [tilespmem:s18+$0x20];
	s23 =	ssub.s32 s25, s31;
	s26 =	sadd.s32 $0xFFFFDD58, s19;
	s19 =	ssub.s32 $0x2328, s19;
	[tilespmem:s20+$0x810 ss:$0x81] =	vst.msk $0xffff, v5  }
0x18: {  	v63 =	vld [tilespmem:s18+$0xFFFFFFC0];
	[tilespmem:s20+$0x1020 ss:$0x81] =	vst.msk $0xffff, v58;
	p1 =	sgt.s32 s26, $0x7F;
	s28 =	sadd.s32 $0xFFFFFC80, s23;
	s24 =	sshrl.u32 s29, $0x3  }
0x19: {  	[tilespmem:s20+$0x1830 ss:$0x81] =	vst.msk $0xffff, v59;
	s23 =	ssub.s32 $0x400, s23;
	p2 =	sgt.s32 s28, $0x7F;
	s27 =	smul.u32 $0x2328, s24  }
0x1a: {  	s30 =	sand.u32 $0x7, s11;
	[tilespmem:s20+$0x2040 ss:$0x81] =	vst.msk $0xffff, v60;
	s19 =	simm.s32 @p1 $0x0;
	s23 =	simm.s32 @p2 $0x0  }
0x1b: {  	[tilespmem:s20+$0x2850 ss:$0x81] =	vst.msk $0xffff, v61;
	s29 =	sshrl.u32 s22, $0x3;
	s19 =	smul.u32 s23, s19;
	s18 =	ssub.s32 s21, s27  }
0x1c: {  	[tilespmem:s20+$0x3060 ss:$0x81] =	vst.msk $0xffff, v62;
	s22 =	sshll.u32 s30, $0x12;
	s21 =	sadd.s32 s3, s29;
	s18 =	sshll.u32 s18, $0x7  }
0x1d: {  	[tilespmem:s20+$0x0 ss:$0x81] =	vst.msk $0xffff, v63;
	s31 =	sor.u32 $0x400, s22;
	s19 =	sand.u32 $0x3FFFFFFF, s19;
	s18 =	sadd.s32 s18, s21  }
0x1e: {  	[hbm4b:s18+s31] =	stream.strided.scatter [tilespmem:s17], [sflag:$0x2], s19, s9, s31, $0x20;
	[tilespmem:$0x10100] =	vst v63  }
.LBB1_5:
0x1f: {  	p1 =	slt.u32 s14, $0x2  }
0x20: {  	s18 =	smov.u32 s16;
	p2 =	sgt.s32 @!p1 s16, $0x22A8;
	s17 =	sshra.s32 @!p1 s16, $0x1F  }
0x21: {  	p3 =	sgt.s32 @!p1 s15, $0x380;
	s19 =	sshra.s32 @!p1 s15, $0x1F;
	p2 =	por !p2, p1  }
0x22: {  	s16 =	sand.u32 @!p1 s17, s16;
	p3 =	por !p3, p1;
	s17 =	smov.u32 s15  }
0x23: {  	s15 =	sand.u32 @!p1 s19, s15;
	s18 =	simm.s32 @p2 $0x22A8;
	s17 =	simm.s32 @p3 $0x380  }
0x24: {  	s16 =	ssub.s32 @!p1 s18, s16;
	s15 =	ssub.s32 @!p1 s17, s15  }
0x25: {  	s19 =	smov.u32 s13;
	s17 =	sadd.s32 @!p1 $0xFFFFDD58, s16;
	s18 =	sadd.s32 @!p1 $0xFFFFFC80, s15  }
0x26: {  	s16 =	ssub.s32 @!p1 $0x2328, s16;
	p2 =	sgt.s32 @!p1 s17, $0x7F;
	p3 =	sgt.s32 @!p1 s18, $0x7F  }
0x27: {  	s15 =	ssub.s32 @!p1 $0x400, s15;
	p2 =	por !p2, p1;
	p3 =	por !p3, p1  }
0x28: {  	s17 =	sadd.s32 $0x200, s12;
	s16 =	simm.s32 @!p2 $0x0;
	s15 =	simm.s32 @!p3 $0x0  }
0x29: {  	p2 =	sgt.s32 s17, $0x2327;
	s15 =	smul.u32 @!p1 s15, s16;
	s16 =	sadd.s32 $0x400, s13  }
0x2a: {  	s19 =	smov.u32 @p2 s16  }
0x2b: {  	s17 =	smov.u32 @p2 s4;
	p2 =	sgt.s32 s19, $0x3FF  }
0x2c: {  	s19 =	smov.u32 @p2 s1;
	p2 =	sne.s32 s14, s8  }
.Ltmp1:
0x2d: {  	p0 =	por !p0, !p0;
	s18 =	simm.s32 @!p1 $0x2;
	(pc) =	sbr.rel @!p2 .LBB1_6-.Ltmp1, $4  }
0x2e: {  	s16 =	smov.u32 s10;
	s10 =	smov.u32 s12;
	s15 =	sand.u32 @!p1 $0x3FFFFFFF, s15  }
0x2f: {  	s12 =	smov.u32 s17;
	_ =	swait.ge @!p1 [sflag:s18], s15;
	s20 =	ssub.s32 @!p1 $0x0, s15  }
0x30: {  	s15 =	smov.u32 s11;
	s14 =	sadd.s32 $0x1, s14;
	[sflag:s18] =	ssyncset.done @!p1 $0x0  }
0x31: {  	s11 =	smov.u32 s13;
	s13 =	smov.u32 s19;
	[sflag:s18] =	ssyncadd.s32 @!p1 s20  }
.LBB1_1:
0x32: {  	p1 =	sge.u32 s14, s6  }
0x33: {  	s17 =	sshrl.u32 @!p1 s13, $0x3  }
0x34: {  	s18 =	sshll.u32 @!p1 s12, $0x3;
	s17 =	smul.u32 @!p1 $0x11C00, s17  }
0x35: {  	s19 =	sshll.u32 @!p1 s13, $0x7;
	s18 =	sand.u32 @!p1 $0xFFFFFC00, s18  }
0x36: {  	s17 =	sadd.s32 @!p1 s17, s18;
	s18 =	sand.u32 @!p1 $0x380, s19  }
0x37: {  	s19 =	sand.u32 @!p1 $0x7F, s12;
	s17 =	sor.u32 @!p1 s18, s17  }
0x38: {  	s18 =	sor.u32 @!p1 s19, s17  }
0x39: {  	s19 =	smulhi.u32 @!p1 $0xE6C2B449, s18;
	_ =	sdelay $0x1  }
0x3a: {  	s17 =	smulhi.u32 @!p1 $0xE6C2B449, s17;
	s19 =	sshrl.u32 @!p1 s19, $0xD  }
0x3b: {  	s19 =	smul.u32 @!p1 $0x2380, s19  }
0x3c: {  	s31 =	sadd.s32 $0xFFFFFFFF, s14;
	s20 =	sxor.u32 @!p1 $0xFFFFFFFF, s14;
	s17 =	sshrl.u32 @!p1 s17, $0xD  }
0x3d: {  	s20 =	sshll.u32 @!p1 s20, $0xE;
	s17 =	sand.u32 @!p1 $0x3FF, s17;
	s18 =	ssub.s32 @!p1 s18, s19  }
0x3e: {  	s17 =	smul.u32 @!p1 $0x470, s17;
	s19 =	sshrl.u32 @!p1 s18, $0x3;
	s18 =	sand.u32 @!p1 $0x7, s18  }
0x3f: {  	s20 =	sand.u32 @!p1 $0x4000, s20;
	s19 =	sadd.s32 @!p1 s7, s19;
	s18 =	sshll.u32 @!p1 s18, $0x12  }
0x40: {  	s17 =	sadd.s32 @!p1 s17, s19;
	s18 =	sor.u32 @!p1 $0x400, s18;
	s19 =	simm.s32 @!p1 $0x11C00  }
0x41: {  	[tilespmem:s20], [sflag:$0x1] =	stream.strided.gather @!p1 [hbm4b:s17+s18], $0x4000, s19, s18, $0x38;
	[tilespmem:$0x10100] =	vst v63  }
0x42: {  	p1 =	sge.u32 s31, s6  }
.Ltmp2:
0x43: {  	_ = 	snop;
	(pc) =	sbr.rel @p1 .LBB1_5-.Ltmp2, $1  }
0x44: {  	_ =	sdelay $0x3  }
0x45: {  	s17 =	simm.s32 $0x1  }
0x46: {  	_ =	swait.ge [sflag:s5], $0x4000;
	s17 =	simm.s32 @!p0 $0x0  }
0x47: {  	[sflag:s5] =	ssyncset.done $0x0;
	s18 =	sshll.u32 s17, $0xE  }
0x48: {  	[sflag:s5] =	ssyncadd.s32 $0xFFFFC000;
	s18 =	sor.u32 $0x40, s18  }
0x49: {  	s17 =	smul.u32 $0x10200, s17;
	v0 =	vld [tilespmem:s18+$0x30]  }
0x4a: {  	v1 =	vld [tilespmem:s18+$0xFFFFFFD0]  }
0x4b: {  	s17 =	sshrl.u32 s17, $0x2;
	v5 =	vld [tilespmem:s18+$0xFFFFFFE0]  }
0x4c: {  	v6 =	vld [tilespmem:s18+$0xFFFFFFF0];
	s20 =	sor.u32 $0x8000, s17  }
0x4d: {  	s31 =	sand.u32 $0x1, s14;
	v4 =	vld [tilespmem:s18+$0x0];
	s19 =	sadd.s32 $0x0, s20  }
0x4e: {  	v3 =	vld [tilespmem:s18+$0x10];
	s17 =	smul.u32 $0x10200, s31;
	[tilespmem:s19+$0x3870 ss:$0x81] =	vst.msk $0xffff, v0  }
0x4f: {  	v2 =	vld [tilespmem:s18+$0x20];
	[tilespmem:s19+$0x810 ss:$0x81] =	vst.msk $0xffff, v1  }
0x50: {  	s17 =	sshrl.u32 s17, $0x2;
	v1 =	vld [tilespmem:s18+$0xFFFFFFC0];
	[tilespmem:s19+$0x1020 ss:$0x81] =	vst.msk $0xffff, v5;
	s18 =	sadd.s32 $0x80, s18  }
0x51: {  	s21 =	simm.s32 $0x4;
	s22 =	simm.s32 $0x8;
	s17 =	sor.u32 $0x8000, s17;
	[tilespmem:s19+$0x1830 ss:$0x81] =	vst.msk $0xffff, v6;
	v0 =	vld [tilespmem:s18+$0x30]  }
.LBB1_3:
0x52: {  	p1 =	sne.s32 s22, $0x1FC;
	v5 =	vld [tilespmem:s18+$0xFFFFFFD0];
	[tilespmem:s19+$0x2040 ss:$0x81] =	vst.msk $0xffff, v4  }
0x53: {  	v6 =	vld [tilespmem:s18+$0xFFFFFFE0];
	[tilespmem:s19+$0x2850 ss:$0x81] =	vst.msk $0xffff, v3  }
0x54: {  	s23 =	sshra.s32 s21, $0x2;
	s21 =	smov.u32 s22;
	v7 =	vld [tilespmem:s18+$0xFFFFFFF0];
	[tilespmem:s19+$0x3060 ss:$0x81] =	vst.msk $0xffff, v2  }
.Ltmp3:
0x55: {  	v4 =	vld [tilespmem:s18+$0x0];
	[tilespmem:s19+$0x0 ss:$0x81] =	vst.msk $0xffff, v1;
	s19 =	sadd.s32 s23, s20;
	(pc) =	sbr.rel @p1 .LBB1_3-.Ltmp3, $4  }
0x56: {  	v3 =	vld [tilespmem:s18+$0x10];
	[tilespmem:s19+$0x3870 ss:$0x81] =	vst.msk $0xffff, v0  }
0x57: {  	[tilespmem:s19+$0x810 ss:$0x81] =	vst.msk $0xffff, v5;
	v2 =	vld [tilespmem:s18+$0x20]  }
0x58: {  	v1 =	vld [tilespmem:s18+$0xFFFFFFC0];
	[tilespmem:s19+$0x1020 ss:$0x81] =	vst.msk $0xffff, v6;
	s18 =	sadd.s32 $0x80, s18  }
0x59: {  	s22 =	sadd.s32 $0x4, s22;
	v0 =	vld [tilespmem:s18+$0x30];
	[tilespmem:s19+$0x1830 ss:$0x81] =	vst.msk $0xffff, v7  }
.Ltmp4:
0x5a: {  	_ = 	snop;
	(pc) =	sbr.rel .LBB1_4-.Ltmp4, $1  }
0x5b: {  	_ =	sdelay $0x3  }
.LBB1_6:
0x5c: {  	_ =	sfence.sel $0x180000  }
0x5d: {  	s1 =	simm.s32 $0x1;
	[bflag:$0x0] =	sbarrier.arrive $0xFFFF  }
0x5e: {  	s31 =	simm.s32 $0x2;
	[sflag:s1] =	ssyncpa.u1 $0x1  }
0x5f: {  	[sflag:s31] =	ssyncpa.u1 $0x1  }
0x60: {  	p0 =	sne.s32 s0, $0x0;
	_ =	strace $0x90000053  }
0x61: {  	s0 =	sadd.s32 @!p0 $0x100000, s2;
	[bflag:$0x2] =	sbarrier.arrive $0xFFFF  }
0x62: {  	[sflag:s0] =	ssyncadd.tile.s32 @!p0 $0x1;
	_ =	shalt  }
.Lfunc_end1:
_tile_overlayer_lowered:
.L_overlay_start_2:
0x63: {  	(tag) =	ssettag $0x2  }
0x64: {  	s0 =	rddreg [dreg:$0x0];
	s2 =	stileid.u32  }
0x65: {  	s1 =	rddreg [dreg:$0x1];
	p0 =	sne.s32 s2, $0x0  }
0x66: {  	s3 =	rddreg [dreg:$0x2];
	[bflag:$0x3] =	sbarrier.arrive $0xFFFF;
	s2 =	simm.s32 @!p0 $0x1C01  }
0x67: {  	[timem:s3], [sflag:s2] =	dma.local @!p0 [hbm:s0], s1  }
0x68: {  	s0 =	simm.s32 @!p0 $0x1  }
0x69: {  	_ =	swait.ge @!p0 [sflag:s0], s1  }
0x6a: {  	s1 =	ssub.s32 @!p0 $0x0, s1;
	[sflag:s0] =	ssyncset.done @!p0 $0x0  }
0x6b: {  	[sflag:s0] =	ssyncadd.s32 @!p0 s1  }
0x6c: {  	[bflag:$0x3] =	sbarrier.arrive $0xFFFF  }
0x6d: {  	_ =	shalt  }

</sc_bundles>
